<compile_context>
chip_gen: v7x
topology: tpu7x:2x2x1
jax: 0.10.2.dev20260603
libtpu: 0.0.44.dev20260713+nightly
codegen_flags: <defaults>
</compile_context>

<pallas_src>
import functools

import jax
import jax.numpy as jnp
from jax import lax
from jax.experimental import pallas as pl
from jax.experimental.pallas import tpu as pltpu
from jax.experimental.pallas import tpu_sc as plsc

NNODES = 100000
NEDGES = 1600000
NPAD = 100352
NP8 = NPAD // 8
NTILES = 32
SLICE = NPAD // 16
CHUNK_E = 768
NOUT = 66
PAIRS = (NOUT - 2) // 2
EPAD = NTILES * CHUNK_E * NOUT
AGG_NOUT0 = 96
AGG_NOUT1 = 36

_MESH = plsc.VectorSubcoreMesh(
    core_axis_name="c", subcore_axis_name="s", num_cores=2, num_subcores=16)

_SC_PARAMS = pltpu.CompilerParams(use_tc_tiling_on_sc=False)


@functools.partial(
    pl.kernel,
    out_type=jax.ShapeDtypeStruct((2 * NPAD, 16), jnp.float32),
    mesh=_MESH,
    scratch_types=[
        pltpu.VMEM((CHUNK_E,), jnp.int32),
        pltpu.VMEM((CHUNK_E,), jnp.int32),
        pltpu.VMEM((CHUNK_E, 16), jnp.float32),
        pltpu.VMEM_SHARED((NPAD, 16), jnp.float32),
        pltpu.SemaphoreType.DMA,
        pltpu.SemaphoreType.DMA,
    ],
    compiler_params=_SC_PARAMS,
)
def _sc_deg(dst_hbm, ones_hbm, zeros_hbm, out_hbm, db0, db1, obuf, acc,
            ssem, isem):
    c = lax.axis_index("c")
    s = lax.axis_index("s")
    wid = s * 2 + c
    r0 = s * SLICE
    pltpu.sync_copy(zeros_hbm.at[pl.ds(r0, SLICE)], acc.at[pl.ds(r0, SLICE)])
    pltpu.sync_copy(ones_hbm, obuf)
    plsc.subcore_barrier()
    base = wid * (CHUNK_E * NOUT)

    def load_idx(i, db):
        pltpu.async_copy(dst_hbm.at[pl.ds(base + i * CHUNK_E, CHUNK_E)],
                         db, isem)

    def wait_idx():
        pltpu.make_async_copy(dst_hbm.at[pl.ds(0, CHUNK_E)], db0, isem).wait()

    def fire_scatters(db):
        pltpu.async_copy(obuf, acc.at[db], ssem, add=True)

    def wait_scatters():
        pltpu.make_async_copy(ones_hbm, obuf, ssem).wait()

    load_idx(0, db0)
    wait_idx()
    load_idx(1, db1)
    fire_scatters(db0)

    @pl.loop(0, PAIRS)
    def _pair(k):
        i1 = 2 * k + 1
        wait_idx()
        wait_scatters()
        load_idx(i1 + 1, db0)
        fire_scatters(db1)
        wait_idx()
        wait_scatters()
        load_idx(i1 + 2, db1)
        fire_scatters(db0)

    wait_idx()
    wait_scatters()
    fire_scatters(db1)
    wait_scatters()

    plsc.subcore_barrier()
    pltpu.sync_copy(acc.at[pl.ds(r0, SLICE)],
                    out_hbm.at[pl.ds(c * NPAD + r0, SLICE)])


@functools.partial(
    pl.kernel,
    out_type=jax.ShapeDtypeStruct((2 * NPAD, 16), jnp.float32),
    mesh=_MESH,
    scratch_types=[
        pltpu.VMEM((CHUNK_E,), jnp.int32),
        pltpu.VMEM((CHUNK_E,), jnp.int32),
        pltpu.VMEM((CHUNK_E,), jnp.int32),
        pltpu.VMEM((CHUNK_E,), jnp.int32),
        pltpu.VMEM((CHUNK_E, 16), jnp.float32),
        pltpu.VMEM((CHUNK_E, 16), jnp.float32),
        pltpu.VMEM_SHARED((NPAD, 16), jnp.float32),
        pltpu.SemaphoreType.DMA,
        pltpu.SemaphoreType.DMA,
        pltpu.SemaphoreType.DMA,
    ],
    compiler_params=_SC_PARAMS,
)
def _sc_agg(src_hbm, dst_hbm, g_hbm, out_hbm, sb0, db0, sb1, db1, rb0, rb1,
            acc, gsem, ssem, isem):
    c = lax.axis_index("c")
    s = lax.axis_index("s")
    wid = s * 2 + c
    r0 = s * SLICE
    pltpu.sync_copy(g_hbm.at[pl.ds(r0, SLICE)], acc.at[pl.ds(r0, SLICE)])
    plsc.subcore_barrier()
    base = jnp.where(c == 0, s * AGG_NOUT0,
                     16 * AGG_NOUT0 + s * AGG_NOUT1) * CHUNK_E
    pairs = jnp.where(c == 0, (AGG_NOUT0 - 2) // 2, (AGG_NOUT1 - 2) // 2)

    def load_idx(i, sb, db):
        pltpu.async_copy(src_hbm.at[pl.ds(base + i * CHUNK_E, CHUNK_E)],
                         sb, isem)
        pltpu.async_copy(dst_hbm.at[pl.ds(base + i * CHUNK_E, CHUNK_E)],
                         db, isem)

    def wait_idx():
        for _ in range(2):
            pltpu.make_async_copy(src_hbm.at[pl.ds(0, CHUNK_E)], sb0,
                                  isem).wait()

    def fire_gathers(sb, rb):
        pltpu.async_copy(g_hbm.at[sb], rb, gsem)

    def wait_gathers(rb):
        pltpu.make_async_copy(g_hbm.at[pl.ds(0, CHUNK_E)], rb, gsem).wait()

    def fire_scatters(db, rb):
        pltpu.async_copy(rb, acc.at[db], ssem, add=True)

    def wait_scatters(rb):
        pltpu.make_async_copy(g_hbm.at[pl.ds(0, CHUNK_E)], rb, ssem).wait()

    load_idx(0, sb0, db0)
    wait_idx()
    fire_gathers(sb0, rb0)
    load_idx(1, sb1, db1)
    wait_gathers(rb0)
    fire_scatters(db0, rb0)

    @pl.loop(0, pairs)
    def _pair(k):
        i1 = 2 * k + 1
        wait_idx()
        fire_gathers(sb1, rb1)
        wait_scatters(rb0)
        load_idx(i1 + 1, sb0, db0)
        wait_gathers(rb1)
        fire_scatters(db1, rb1)
        wait_idx()
        fire_gathers(sb0, rb0)
        wait_scatters(rb1)
        load_idx(i1 + 2, sb1, db1)
        wait_gathers(rb0)
        fire_scatters(db0, rb0)

    wait_idx()
    fire_gathers(sb1, rb1)
    wait_scatters(rb0)
    wait_gathers(rb1)
    fire_scatters(db1, rb1)
    wait_scatters(rb1)

    plsc.subcore_barrier()
    pltpu.sync_copy(acc.at[pl.ds(r0, SLICE)],
                    out_hbm.at[pl.ds(c * NPAD + r0, SLICE)])


_BR = 1568


def _tc_prep_body(d0, d1, xp, dinv_out, g1_out):
    dinv = 1.0 / jnp.sqrt(d0[...] + d1[...] + 1.0)
    dinv_out[...] = dinv
    g1_out[...] = dinv * xp[...]


def _tc_layer_body(wblk, brep, y0, y1, g, dinv, gnext_out):
    z = dinv[...] * (y0[...] + y1[...] - g[...])
    h = jnp.tanh(
        jnp.dot(z, wblk[...], preferred_element_type=jnp.float32) + brep[...])
    gnext_out[...] = dinv[...] * h


_BR2 = 3584


def _tc_final_body(w3, b3, wc, bc2, y0, y1, g, dinv, h_out, o_out):
    z = dinv[...] * (y0[...] + y1[...] - g[...])
    h = jnp.tanh(
        jnp.dot(z, w3[...], preferred_element_type=jnp.float32) + b3[...])
    h_out[...] = h
    o_out[...] = (
        jnp.dot(h, wc[...], preferred_element_type=jnp.float32) + bc2[...])


def _row_spec(br, ncols, offset_blocks=0):
    return pl.BlockSpec((br, ncols), lambda i, o=offset_blocks: (i + o, 0))


def _fixed_spec(shape):
    return pl.BlockSpec(shape, lambda i: (0, 0))


def kernel(x, edge_index, W1, b1, Wh0, bh0, Wh1, bh1, W3, b3, Wc, bc):
    f32 = jnp.float32
    src = edge_index[0]
    dst = edge_index[1]
    pad = EPAD - NEDGES
    padv = jnp.full((pad,), NNODES, jnp.int32)
    src1d = jnp.concatenate([src, padv])
    dst1d = jnp.concatenate([dst, padv])
    xpad = jnp.zeros((NPAD, 16), f32).at[:NNODES, :3].set(x)
    zeros16 = jnp.zeros((NPAD, 16), f32)
    ones_payload = jnp.ones((CHUNK_E, 16), f32)

    def pad16(w, b):
        wp = jnp.zeros((16, 16), f32).at[:w.shape[0], :w.shape[1]].set(w)
        bp = jnp.zeros((16,), f32).at[:b.shape[0]].set(b)
        return (jnp.kron(jnp.eye(8, dtype=f32), wp),
                jnp.tile(bp, 8).reshape(1, 128))

    wblk1, brep1 = pad16(W1, b1)
    wblkh0, breph0 = pad16(Wh0, bh0)
    wblkh1, breph1 = pad16(Wh1, bh1)
    w3p = jnp.zeros((16, 128), f32).at[:15, :120].set(W3)
    b3p = jnp.zeros((1, 128), f32).at[0, :120].set(b3)
    wcp = jnp.zeros((128, 8), f32).at[:120, :2].set(Wc)
    bcp = jnp.zeros((1, 8), f32).at[0, :2].set(bc)

    degp = _sc_deg(dst1d, ones_payload, zeros16)
    degp128 = degp.reshape(2 * NP8, 128)

    nblk = NP8 // _BR
    dinv128, g128 = pl.pallas_call(
        _tc_prep_body,
        grid=(nblk,),
        in_specs=[_row_spec(_BR, 128), _row_spec(_BR, 128, nblk),
                  _row_spec(_BR, 128)],
        out_specs=[_row_spec(_BR, 128), _row_spec(_BR, 128)],
        out_shape=[jax.ShapeDtypeStruct((NP8, 128), f32),
                   jax.ShapeDtypeStruct((NP8, 128), f32)],
    )(degp128, degp128, xpad.reshape(NP8, 128))

    for wblk, brep in ((wblk1, brep1), (wblkh0, breph0), (wblkh1, breph1)):
        y = _sc_agg(src1d, dst1d, g128.reshape(NPAD, 16))
        y128 = y.reshape(2 * NP8, 128)
        g128 = pl.pallas_call(
            _tc_layer_body,
            grid=(nblk,),
            in_specs=[_fixed_spec((128, 128)), _fixed_spec((1, 128)),
                      _row_spec(_BR, 128), _row_spec(_BR, 128, nblk),
                      _row_spec(_BR, 128), _row_spec(_BR, 128)],
            out_specs=_row_spec(_BR, 128),
            out_shape=jax.ShapeDtypeStruct((NP8, 128), f32),
        )(wblk, brep, y128, y128, g128, dinv128)

    y = _sc_agg(src1d, dst1d, g128.reshape(NPAD, 16))
    nblk2 = NPAD // _BR2
    hfull, ofull = pl.pallas_call(
        _tc_final_body,
        grid=(nblk2,),
        in_specs=[_fixed_spec((16, 128)), _fixed_spec((1, 128)),
                  _fixed_spec((128, 8)), _fixed_spec((1, 8)),
                  _row_spec(_BR2, 16), _row_spec(_BR2, 16, nblk2),
                  _row_spec(_BR2, 16), _row_spec(_BR2, 16)],
        out_specs=[_row_spec(_BR2, 128), _row_spec(_BR2, 8)],
        out_shape=[jax.ShapeDtypeStruct((NPAD, 128), f32),
                   jax.ShapeDtypeStruct((NPAD, 8), f32)],
    )(w3p, b3p, wcp, bcp, y, y, g128.reshape(NPAD, 16),
      dinv128.reshape(NPAD, 16))

    return (ofull[:NNODES, :2], hfull[:NNODES, :120])

# --- scband reference (transcript-rebuilt; emitter-appended) ---
"""Pipeline reference for scband-gcn-62311385530722 (READ-ONLY COPY).

The authoritative reference and input builder live on the scoring server;
editing this copy changes nothing except your own understanding.
"""

import jax, jax.numpy as jnp
import numpy as np

N = 100000
E = 1600000
IN_DIM = 3
HID = 15
WHATEVER = 120
NUM_CLASSES = 2


def setup_inputs(seed: int = 0) -> dict:
    key = jax.random.key(seed)
    ks = jax.random.split(key, 14)
    x = jax.random.normal(ks[0], (N, IN_DIM), dtype=jnp.float32)
    edge_index = jax.random.randint(ks[1], (2, E), 0, N, dtype=jnp.int32)

    def lin(k, fan_in, fan_out):
        return jax.random.normal(k, (fan_in, fan_out), dtype=jnp.float32) * (1.0 / np.sqrt(fan_in))

    W1 = lin(ks[2], IN_DIM, HID)
    b1 = jnp.zeros((HID,), dtype=jnp.float32)
    Wh0 = lin(ks[3], HID, HID)
    bh0 = jnp.zeros((HID,), dtype=jnp.float32)
    Wh1 = lin(ks[4], HID, HID)
    bh1 = jnp.zeros((HID,), dtype=jnp.float32)
    W3 = lin(ks[5], HID, WHATEVER)
    b3 = jnp.zeros((WHATEVER,), dtype=jnp.float32)
    Wc = lin(ks[6], WHATEVER, NUM_CLASSES)
    bc = jnp.zeros((NUM_CLASSES,), dtype=jnp.float32)
    return {"x": x, "edge_index": edge_index, "W1": W1, "b1": b1, "Wh0": Wh0, "bh0": bh0, "Wh1": Wh1, "bh1": bh1, "W3": W3, "b3": b3, "Wc": Wc, "bc": bc}


def _gcn_conv(x, src, dst, norm, W, b):
    # GCNConv: D^-1/2 (A+I) D^-1/2 X W + b
    h = x @ W
    msg = h[src] * norm[:, None]
    agg = jax.ops.segment_sum(msg, dst, num_segments=N)
    return agg + b


def reference(x, edge_index, W1, b1, Wh0, bh0, Wh1, bh1, W3, b3, Wc, bc):
    src = edge_index[0]
    dst = edge_index[1]
    # add self loops (PyG GCNConv default)
    loop = jnp.arange(N, dtype=src.dtype)
    src = jnp.concatenate([src, loop])
    dst = jnp.concatenate([dst, loop])
    # symmetric normalization
    deg = jax.ops.segment_sum(jnp.ones_like(dst, dtype=jnp.float32), dst, num_segments=N)
    dinv = jnp.where(deg > 0, 1.0 / jnp.sqrt(deg), 0.0)
    norm = dinv[src] * dinv[dst]

    h = jnp.tanh(_gcn_conv(x, src, dst, norm, W1, b1))
    h = jnp.tanh(_gcn_conv(h, src, dst, norm, Wh0, bh0))
    h = jnp.tanh(_gcn_conv(h, src, dst, norm, Wh1, bh1))
    h = jnp.tanh(_gcn_conv(h, src, dst, norm, W3, b3))
    out = h @ Wc + bc
    return (out, h)

if __name__ == "__main__":
    import jax
    _d = setup_inputs()
    print(jax.jit(kernel)(*tuple(_d.values())))

</pallas_src>

<mosaic_0001>
#map = affine_map<(d0, d1) -> (0)>
#map1 = affine_map<(d0, d1) -> (0, 0)>
module attributes {stable_mosaic.version = 14 : i64} {
  func.func @_sc_agg(%arg0: i32, %arg1: i32, %arg2: memref<1622016xi32, #tpu.memory_space<hbm>>, %arg3: memref<1622016xi32, #tpu.memory_space<hbm>>, %arg4: memref<100352x16xf32, #tpu.memory_space<hbm>>, %arg5: memref<200704x16xf32, #tpu.memory_space<hbm>>, %arg6: memref<768xi32, #tpu.memory_space<vmem>>, %arg7: memref<768xi32, #tpu.memory_space<vmem>>, %arg8: memref<768xi32, #tpu.memory_space<vmem>>, %arg9: memref<768xi32, #tpu.memory_space<vmem>>, %arg10: memref<768x16xf32, #tpu.memory_space<vmem>>, %arg11: memref<768x16xf32, #tpu.memory_space<vmem>>, %arg12: memref<100352x16xf32, #tpu.memory_space<vmem_shared>>, %arg13: memref<!tpu.dma_semaphore, #tpu.memory_space<semaphore_mem>>, %arg14: memref<!tpu.dma_semaphore, #tpu.memory_space<semaphore_mem>>, %arg15: memref<!tpu.dma_semaphore, #tpu.memory_space<semaphore_mem>>) attributes {dimension_semantics = [#tpu.dimension_semantics<core_parallel>, #tpu.dimension_semantics<subcore_parallel>], iteration_bounds = array<i64: 2, 16>, scalar_prefetch = 0 : i64, scratch_operands = 10 : i64, tpu.core_type = #tpu.core_type<sc_vector_subcore>, window_params = [{transform_indices = #map}, {transform_indices = #map}, {transform_indices = #map1}, {transform_indices = #map1}]} {
    %mul3A = arith.constant 2 : i32
    %mul3A_0 = arith.muli %arg1, %mul3A : i32
    %add3A = arith.addi %mul3A_0, %arg0 : i32
    %mul3A_1 = arith.constant 6272 : i32
    %mul3A_2 = arith.muli %arg1, %mul3A_1 : i32
    "tpu.region"() ({
      %run_scoped3A = tpu.sem_alloc : memref<!tpu.dma_semaphore, #tpu.memory_space<semaphore_mem>>
      %dma_start3A_102 = arith.constant 0 : i32
      %dma_start3A_103 = tpu.memref_slice %arg12[%mul3A_2, %dma_start3A_102] : memref<100352x16xf32, #tpu.memory_space<vmem_shared>> -> memref<6272x16xf32, #tpu.memory_space<vmem_shared>>
      %dma_start3A_104 = arith.constant 0 : i32
      %dma_start3A_105 = tpu.memref_slice %arg4[%mul3A_2, %dma_start3A_104] : memref<100352x16xf32, #tpu.memory_space<hbm>> -> memref<6272x16xf32, #tpu.memory_space<hbm>>
      tpu.enqueue_dma source(%dma_start3A_105 : memref<6272x16xf32, #tpu.memory_space<hbm>>) target(%dma_start3A_103 : memref<6272x16xf32, #tpu.memory_space<vmem_shared>>) target_semaphore(%run_scoped3A : memref<!tpu.dma_semaphore, #tpu.memory_space<semaphore_mem>>)
      %dma_wait3A_106 = arith.constant 0 : i32
      %dma_wait3A_107 = tpu.memref_slice %arg12[%mul3A_2, %dma_wait3A_106] : memref<100352x16xf32, #tpu.memory_space<vmem_shared>> -> memref<6272x16xf32, #tpu.memory_space<vmem_shared>>
      %dma_wait3A_108 = arith.constant 0 : i32
      %dma_wait3A_109 = tpu.memref_slice %arg4[%mul3A_2, %dma_wait3A_108] : memref<100352x16xf32, #tpu.memory_space<hbm>> -> memref<6272x16xf32, #tpu.memory_space<hbm>>
      tpu.wait_dma2 semaphore(%run_scoped3A : memref<!tpu.dma_semaphore, #tpu.memory_space<semaphore_mem>>) src(%dma_wait3A_109 : memref<6272x16xf32, #tpu.memory_space<hbm>>) dst(%dma_wait3A_107 : memref<6272x16xf32, #tpu.memory_space<vmem_shared>>)
      tpu.yield
    }) : () -> ()
    %barrier3A = arith.constant 0 : index
    tpu.barrier barrier_id(%barrier3A)
    %eq3A = arith.constant 0 : i32
    %eq3A_3 = arith.cmpi eq, %arg0, %eq3A : i32
    %mul3A_4 = arith.constant 96 : i32
    %mul3A_5 = arith.muli %arg1, %mul3A_4 : i32
    %mul3A_6 = arith.constant 36 : i32
    %mul3A_7 = arith.muli %arg1, %mul3A_6 : i32
    %add3A_8 = arith.constant 1536 : i32
    %add3A_9 = arith.addi %add3A_8, %mul3A_7 : i32
    %select_n3A = arith.select %eq3A_3, %mul3A_5, %add3A_9 : i32
    %mul3A_10 = arith.constant 768 : i32
    %mul3A_11 = arith.muli %select_n3A, %mul3A_10 : i32
    %eq3A_12 = arith.constant 0 : i32
    %eq3A_13 = arith.cmpi eq, %arg0, %eq3A_12 : i32
    %jit3A = arith.constant 47 : i32
    %jit3A_14 = arith.constant 17 : i32
    %select_n3A_15 = arith.select %eq3A_13, %jit3A, %jit3A_14 : i32
    %add3A_16 = arith.constant 0 : i32
    %add3A_17 = arith.addi %mul3A_11, %add3A_16 : i32
    %dma_start3A = tpu.memref_slice %arg2[%add3A_17] : memref<1622016xi32, #tpu.memory_space<hbm>> -> memref<768xi32, #tpu.memory_space<hbm>>
    %dma_start3A_18 = tpu.memref_slice %arg2[%add3A_17] : memref<1622016xi32, #tpu.memory_space<hbm>> -> memref<768xi32, #tpu.memory_space<hbm>>
    tpu.enqueue_dma source(%dma_start3A_18 : memref<768xi32, #tpu.memory_space<hbm>>) target(%arg6 : memref<768xi32, #tpu.memory_space<vmem>>) target_semaphore(%arg15 : memref<!tpu.dma_semaphore, #tpu.memory_space<semaphore_mem>>)
    %add3A_19 = arith.constant 0 : i32
    %add3A_20 = arith.addi %mul3A_11, %add3A_19 : i32
    %dma_start3A_21 = tpu.memref_slice %arg3[%add3A_20] : memref<1622016xi32, #tpu.memory_space<hbm>> -> memref<768xi32, #tpu.memory_space<hbm>>
    %dma_start3A_22 = tpu.memref_slice %arg3[%add3A_20] : memref<1622016xi32, #tpu.memory_space<hbm>> -> memref<768xi32, #tpu.memory_space<hbm>>
    tpu.enqueue_dma source(%dma_start3A_22 : memref<768xi32, #tpu.memory_space<hbm>>) target(%arg7 : memref<768xi32, #tpu.memory_space<vmem>>) target_semaphore(%arg15 : memref<!tpu.dma_semaphore, #tpu.memory_space<semaphore_mem>>)
    %dma_wait3A = arith.constant 0 : i32
    %dma_wait3A_23 = tpu.memref_slice %arg2[%dma_wait3A] : memref<1622016xi32, #tpu.memory_space<hbm>> -> memref<768xi32, #tpu.memory_space<hbm>>
    %dma_wait3A_24 = arith.constant 0 : i32
    %dma_wait3A_25 = tpu.memref_slice %arg2[%dma_wait3A_24] : memref<1622016xi32, #tpu.memory_space<hbm>> -> memref<768xi32, #tpu.memory_space<hbm>>
    tpu.wait_dma2 semaphore(%arg15 : memref<!tpu.dma_semaphore, #tpu.memory_space<semaphore_mem>>) src(%dma_wait3A_25 : memref<768xi32, #tpu.memory_space<hbm>>) dst(%arg6 : memref<768xi32, #tpu.memory_space<vmem>>)
    %dma_wait3A_26 = arith.constant 0 : i32
    %dma_wait3A_27 = tpu.memref_slice %arg2[%dma_wait3A_26] : memref<1622016xi32, #tpu.memory_space<hbm>> -> memref<768xi32, #tpu.memory_space<hbm>>
    %dma_wait3A_28 = arith.constant 0 : i32
    %dma_wait3A_29 = tpu.memref_slice %arg2[%dma_wait3A_28] : memref<1622016xi32, #tpu.memory_space<hbm>> -> memref<768xi32, #tpu.memory_space<hbm>>
    tpu.wait_dma2 semaphore(%arg15 : memref<!tpu.dma_semaphore, #tpu.memory_space<semaphore_mem>>) src(%dma_wait3A_29 : memref<768xi32, #tpu.memory_space<hbm>>) dst(%arg6 : memref<768xi32, #tpu.memory_space<vmem>>)
    %dma_start3A_30 = arith.constant 0 : i32
    %dma_start3A_31 = arith.constant 0 : i32
    %dma_start3A_32 = tpu.memref_slice %arg4[%dma_start3A_30, %dma_start3A_31] : memref<100352x16xf32, #tpu.memory_space<hbm>> -> memref<100352x16xf32, #tpu.memory_space<hbm>>
    tpu.enqueue_indirect_dma source(%dma_start3A_32 : memref<100352x16xf32, #tpu.memory_space<hbm>>) target(%arg10 : memref<768x16xf32, #tpu.memory_space<vmem>>) offsets(%arg6 : memref<768xi32, #tpu.memory_space<vmem>>) semaphore(%arg13 : memref<!tpu.dma_semaphore, #tpu.memory_space<semaphore_mem>>)
    %add3A_33 = arith.constant 768 : i32
    %add3A_34 = arith.addi %mul3A_11, %add3A_33 : i32
    %dma_start3A_35 = tpu.memref_slice %arg2[%add3A_34] : memref<1622016xi32, #tpu.memory_space<hbm>> -> memref<768xi32, #tpu.memory_space<hbm>>
    %dma_start3A_36 = tpu.memref_slice %arg2[%add3A_34] : memref<1622016xi32, #tpu.memory_space<hbm>> -> memref<768xi32, #tpu.memory_space<hbm>>
    tpu.enqueue_dma source(%dma_start3A_36 : memref<768xi32, #tpu.memory_space<hbm>>) target(%arg8 : memref<768xi32, #tpu.memory_space<vmem>>) target_semaphore(%arg15 : memref<!tpu.dma_semaphore, #tpu.memory_space<semaphore_mem>>)
    %add3A_37 = arith.constant 768 : i32
    %add3A_38 = arith.addi %mul3A_11, %add3A_37 : i32
    %dma_start3A_39 = tpu.memref_slice %arg3[%add3A_38] : memref<1622016xi32, #tpu.memory_space<hbm>> -> memref<768xi32, #tpu.memory_space<hbm>>
    %dma_start3A_40 = tpu.memref_slice %arg3[%add3A_38] : memref<1622016xi32, #tpu.memory_space<hbm>> -> memref<768xi32, #tpu.memory_space<hbm>>
    tpu.enqueue_dma source(%dma_start3A_40 : memref<768xi32, #tpu.memory_space<hbm>>) target(%arg9 : memref<768xi32, #tpu.memory_space<vmem>>) target_semaphore(%arg15 : memref<!tpu.dma_semaphore, #tpu.memory_space<semaphore_mem>>)
    %dma_wait3A_41 = arith.constant 0 : i32
    %dma_wait3A_42 = arith.constant 0 : i32
    %dma_wait3A_43 = tpu.memref_slice %arg4[%dma_wait3A_41, %dma_wait3A_42] : memref<100352x16xf32, #tpu.memory_space<hbm>> -> memref<768x16xf32, #tpu.memory_space<hbm>>
    %dma_wait3A_44 = arith.constant 0 : i32
    %dma_wait3A_45 = arith.constant 0 : i32
    %dma_wait3A_46 = tpu.memref_slice %arg4[%dma_wait3A_44, %dma_wait3A_45] : memref<100352x16xf32, #tpu.memory_space<hbm>> -> memref<768x16xf32, #tpu.memory_space<hbm>>
    tpu.wait_dma2 semaphore(%arg13 : memref<!tpu.dma_semaphore, #tpu.memory_space<semaphore_mem>>) src(%dma_wait3A_46 : memref<768x16xf32, #tpu.memory_space<hbm>>) dst(%arg10 : memref<768x16xf32, #tpu.memory_space<vmem>>)
    %dma_start3A_47 = arith.constant 0 : i32
    %dma_start3A_48 = arith.constant 0 : i32
    %dma_start3A_49 = tpu.memref_slice %arg12[%dma_start3A_47, %dma_start3A_48] : memref<100352x16xf32, #tpu.memory_space<vmem_shared>> -> memref<100352x16xf32, #tpu.memory_space<vmem_shared>>
    tpu.enqueue_indirect_dma source(%arg10 : memref<768x16xf32, #tpu.memory_space<vmem>>) target(%dma_start3A_49 : memref<100352x16xf32, #tpu.memory_space<vmem_shared>>) offsets(%arg7 : memref<768xi32, #tpu.memory_space<vmem>>) semaphore(%arg14 : memref<!tpu.dma_semaphore, #tpu.memory_space<semaphore_mem>>) {add = true}
    %sub3A = arith.constant 0 : i32
    %sub3A_50 = arith.subi %select_n3A_15, %sub3A : i32
    %sub3A_51 = arith.constant 1 : i32
    %sub3A_52 = arith.constant 1 : i32
    %sub3A_53 = arith.subi %sub3A_51, %sub3A_52 : i32
    %add3A_54 = arith.addi %sub3A_50, %sub3A_53 : i32
    %div3A = arith.constant 1 : i32
    %div3A_55 = arith.divsi %add3A_54, %div3A : i32
    %while3A = arith.constant 1 : i32
    %while3A_56 = arith.constant 0 : i32
    %while3A_57 = arith.constant 0 : i32
    %while3A_58 = arith.subi %div3A_55, %while3A_57 : i32
    %while3A_59 = arith.addi %while3A_57, %while3A_58 : i32
    %while3A_60 = arith.constant 1 : i32
    %while3A_61 = arith.divsi %while3A_58, %while3A_60 : i32
    %while3A_62 = arith.muli %while3A_61, %while3A_60 : i32
    %while3A_63 = arith.addi %while3A_57, %while3A_62 : i32
    %while3A_64 = arith.constant 1 : i32
    scf.for %while3A_102 = %while3A_57 to %while3A_63 step %while3A_64  : i32 {
      %mul3A_103 = arith.muli %while3A_102, %while3A : i32
      %add3A_104 = arith.addi %while3A_56, %mul3A_103 : i32
      %mul3A_105 = arith.constant 2 : i32
      %mul3A_106 = arith.muli %mul3A_105, %add3A_104 : i32
      %add3A_107 = arith.constant 1 : i32
      %add3A_108 = arith.addi %mul3A_106, %add3A_107 : i32
      %dma_wait3A_109 = arith.constant 0 : i32
      %dma_wait3A_110 = tpu.memref_slice %arg2[%dma_wait3A_109] : memref<1622016xi32, #tpu.memory_space<hbm>> -> memref<768xi32, #tpu.memory_space<hbm>>
      %dma_wait3A_111 = arith.constant 0 : i32
      %dma_wait3A_112 = tpu.memref_slice %arg2[%dma_wait3A_111] : memref<1622016xi32, #tpu.memory_space<hbm>> -> memref<768xi32, #tpu.memory_space<hbm>>
      tpu.wait_dma2 semaphore(%arg15 : memref<!tpu.dma_semaphore, #tpu.memory_space<semaphore_mem>>) src(%dma_wait3A_112 : memref<768xi32, #tpu.memory_space<hbm>>) dst(%arg6 : memref<768xi32, #tpu.memory_space<vmem>>)
      %dma_wait3A_113 = arith.constant 0 : i32
      %dma_wait3A_114 = tpu.memref_slice %arg2[%dma_wait3A_113] : memref<1622016xi32, #tpu.memory_space<hbm>> -> memref<768xi32, #tpu.memory_space<hbm>>
      %dma_wait3A_115 = arith.constant 0 : i32
      %dma_wait3A_116 = tpu.memref_slice %arg2[%dma_wait3A_115] : memref<1622016xi32, #tpu.memory_space<hbm>> -> memref<768xi32, #tpu.memory_space<hbm>>
      tpu.wait_dma2 semaphore(%arg15 : memref<!tpu.dma_semaphore, #tpu.memory_space<semaphore_mem>>) src(%dma_wait3A_116 : memref<768xi32, #tpu.memory_space<hbm>>) dst(%arg6 : memref<768xi32, #tpu.memory_space<vmem>>)
      %dma_start3A_117 = arith.constant 0 : i32
      %dma_start3A_118 = arith.constant 0 : i32
      %dma_start3A_119 = tpu.memref_slice %arg4[%dma_start3A_117, %dma_start3A_118] : memref<100352x16xf32, #tpu.memory_space<hbm>> -> memref<100352x16xf32, #tpu.memory_space<hbm>>
      tpu.enqueue_indirect_dma source(%dma_start3A_119 : memref<100352x16xf32, #tpu.memory_space<hbm>>) target(%arg11 : memref<768x16xf32, #tpu.memory_space<vmem>>) offsets(%arg8 : memref<768xi32, #tpu.memory_space<vmem>>) semaphore(%arg13 : memref<!tpu.dma_semaphore, #tpu.memory_space<semaphore_mem>>)
      %dma_wait3A_120 = arith.constant 0 : i32
      %dma_wait3A_121 = arith.constant 0 : i32
      %dma_wait3A_122 = tpu.memref_slice %arg4[%dma_wait3A_120, %dma_wait3A_121] : memref<100352x16xf32, #tpu.memory_space<hbm>> -> memref<768x16xf32, #tpu.memory_space<hbm>>
      %dma_wait3A_123 = arith.constant 0 : i32
      %dma_wait3A_124 = arith.constant 0 : i32
      %dma_wait3A_125 = tpu.memref_slice %arg4[%dma_wait3A_123, %dma_wait3A_124] : memref<100352x16xf32, #tpu.memory_space<hbm>> -> memref<768x16xf32, #tpu.memory_space<hbm>>
      tpu.wait_dma2 semaphore(%arg14 : memref<!tpu.dma_semaphore, #tpu.memory_space<semaphore_mem>>) src(%dma_wait3A_125 : memref<768x16xf32, #tpu.memory_space<hbm>>) dst(%arg10 : memref<768x16xf32, #tpu.memory_space<vmem>>)
      %add3A_126 = arith.constant 1 : i32
      %add3A_127 = arith.addi %add3A_108, %add3A_126 : i32
      %mul3A_128 = arith.constant 768 : i32
      %mul3A_129 = arith.muli %add3A_127, %mul3A_128 : i32
      %add3A_130 = arith.addi %mul3A_11, %mul3A_129 : i32
      %dma_start3A_131 = tpu.memref_slice %arg2[%add3A_130] : memref<1622016xi32, #tpu.memory_space<hbm>> -> memref<768xi32, #tpu.memory_space<hbm>>
      %dma_start3A_132 = tpu.memref_slice %arg2[%add3A_130] : memref<1622016xi32, #tpu.memory_space<hbm>> -> memref<768xi32, #tpu.memory_space<hbm>>
      tpu.enqueue_dma source(%dma_start3A_132 : memref<768xi32, #tpu.memory_space<hbm>>) target(%arg6 : memref<768xi32, #tpu.memory_space<vmem>>) target_semaphore(%arg15 : memref<!tpu.dma_semaphore, #tpu.memory_space<semaphore_mem>>)
      %mul3A_133 = arith.constant 768 : i32
      %mul3A_134 = arith.muli %add3A_127, %mul3A_133 : i32
      %add3A_135 = arith.addi %mul3A_11, %mul3A_134 : i32
      %dma_start3A_136 = tpu.memref_slice %arg3[%add3A_135] : memref<1622016xi32, #tpu.memory_space<hbm>> -> memref<768xi32, #tpu.memory_space<hbm>>
      %dma_start3A_137 = tpu.memref_slice %arg3[%add3A_135] : memref<1622016xi32, #tpu.memory_space<hbm>> -> memref<768xi32, #tpu.memory_space<hbm>>
      tpu.enqueue_dma source(%dma_start3A_137 : memref<768xi32, #tpu.memory_space<hbm>>) target(%arg7 : memref<768xi32, #tpu.memory_space<vmem>>) target_semaphore(%arg15 : memref<!tpu.dma_semaphore, #tpu.memory_space<semaphore_mem>>)
      %dma_wait3A_138 = arith.constant 0 : i32
      %dma_wait3A_139 = arith.constant 0 : i32
      %dma_wait3A_140 = tpu.memref_slice %arg4[%dma_wait3A_138, %dma_wait3A_139] : memref<100352x16xf32, #tpu.memory_space<hbm>> -> memref<768x16xf32, #tpu.memory_space<hbm>>
      %dma_wait3A_141 = arith.constant 0 : i32
      %dma_wait3A_142 = arith.constant 0 : i32
      %dma_wait3A_143 = tpu.memref_slice %arg4[%dma_wait3A_141, %dma_wait3A_142] : memref<100352x16xf32, #tpu.memory_space<hbm>> -> memref<768x16xf32, #tpu.memory_space<hbm>>
      tpu.wait_dma2 semaphore(%arg13 : memref<!tpu.dma_semaphore, #tpu.memory_space<semaphore_mem>>) src(%dma_wait3A_143 : memref<768x16xf32, #tpu.memory_space<hbm>>) dst(%arg11 : memref<768x16xf32, #tpu.memory_space<vmem>>)
      %dma_start3A_144 = arith.constant 0 : i32
      %dma_start3A_145 = arith.constant 0 : i32
      %dma_start3A_146 = tpu.memref_slice %arg12[%dma_start3A_144, %dma_start3A_145] : memref<100352x16xf32, #tpu.memory_space<vmem_shared>> -> memref<100352x16xf32, #tpu.memory_space<vmem_shared>>
      tpu.enqueue_indirect_dma source(%arg11 : memref<768x16xf32, #tpu.memory_space<vmem>>) target(%dma_start3A_146 : memref<100352x16xf32, #tpu.memory_space<vmem_shared>>) offsets(%arg9 : memref<768xi32, #tpu.memory_space<vmem>>) semaphore(%arg14 : memref<!tpu.dma_semaphore, #tpu.memory_space<semaphore_mem>>) {add = true}
      %dma_wait3A_147 = arith.constant 0 : i32
      %dma_wait3A_148 = tpu.memref_slice %arg2[%dma_wait3A_147] : memref<1622016xi32, #tpu.memory_space<hbm>> -> memref<768xi32, #tpu.memory_space<hbm>>
      %dma_wait3A_149 = arith.constant 0 : i32
      %dma_wait3A_150 = tpu.memref_slice %arg2[%dma_wait3A_149] : memref<1622016xi32, #tpu.memory_space<hbm>> -> memref<768xi32, #tpu.memory_space<hbm>>
      tpu.wait_dma2 semaphore(%arg15 : memref<!tpu.dma_semaphore, #tpu.memory_space<semaphore_mem>>) src(%dma_wait3A_150 : memref<768xi32, #tpu.memory_space<hbm>>) dst(%arg6 : memref<768xi32, #tpu.memory_space<vmem>>)
      %dma_wait3A_151 = arith.constant 0 : i32
      %dma_wait3A_152 = tpu.memref_slice %arg2[%dma_wait3A_151] : memref<1622016xi32, #tpu.memory_space<hbm>> -> memref<768xi32, #tpu.memory_space<hbm>>
      %dma_wait3A_153 = arith.constant 0 : i32
      %dma_wait3A_154 = tpu.memref_slice %arg2[%dma_wait3A_153] : memref<1622016xi32, #tpu.memory_space<hbm>> -> memref<768xi32, #tpu.memory_space<hbm>>
      tpu.wait_dma2 semaphore(%arg15 : memref<!tpu.dma_semaphore, #tpu.memory_space<semaphore_mem>>) src(%dma_wait3A_154 : memref<768xi32, #tpu.memory_space<hbm>>) dst(%arg6 : memref<768xi32, #tpu.memory_space<vmem>>)
      %dma_start3A_155 = arith.constant 0 : i32
      %dma_start3A_156 = arith.constant 0 : i32
      %dma_start3A_157 = tpu.memref_slice %arg4[%dma_start3A_155, %dma_start3A_156] : memref<100352x16xf32, #tpu.memory_space<hbm>> -> memref<100352x16xf32, #tpu.memory_space<hbm>>
      tpu.enqueue_indirect_dma source(%dma_start3A_157 : memref<100352x16xf32, #tpu.memory_space<hbm>>) target(%arg10 : memref<768x16xf32, #tpu.memory_space<vmem>>) offsets(%arg6 : memref<768xi32, #tpu.memory_space<vmem>>) semaphore(%arg13 : memref<!tpu.dma_semaphore, #tpu.memory_space<semaphore_mem>>)
      %dma_wait3A_158 = arith.constant 0 : i32
      %dma_wait3A_159 = arith.constant 0 : i32
      %dma_wait3A_160 = tpu.memref_slice %arg4[%dma_wait3A_158, %dma_wait3A_159] : memref<100352x16xf32, #tpu.memory_space<hbm>> -> memref<768x16xf32, #tpu.memory_space<hbm>>
      %dma_wait3A_161 = arith.constant 0 : i32
      %dma_wait3A_162 = arith.constant 0 : i32
      %dma_wait3A_163 = tpu.memref_slice %arg4[%dma_wait3A_161, %dma_wait3A_162] : memref<100352x16xf32, #tpu.memory_space<hbm>> -> memref<768x16xf32, #tpu.memory_space<hbm>>
      tpu.wait_dma2 semaphore(%arg14 : memref<!tpu.dma_semaphore, #tpu.memory_space<semaphore_mem>>) src(%dma_wait3A_163 : memref<768x16xf32, #tpu.memory_space<hbm>>) dst(%arg11 : memref<768x16xf32, #tpu.memory_space<vmem>>)
      %add3A_164 = arith.constant 2 : i32
      %add3A_165 = arith.addi %add3A_108, %add3A_164 : i32
      %mul3A_166 = arith.constant 768 : i32
      %mul3A_167 = arith.muli %add3A_165, %mul3A_166 : i32
      %add3A_168 = arith.addi %mul3A_11, %mul3A_167 : i32
      %dma_start3A_169 = tpu.memref_slice %arg2[%add3A_168] : memref<1622016xi32, #tpu.memory_space<hbm>> -> memref<768xi32, #tpu.memory_space<hbm>>
      %dma_start3A_170 = tpu.memref_slice %arg2[%add3A_168] : memref<1622016xi32, #tpu.memory_space<hbm>> -> memref<768xi32, #tpu.memory_space<hbm>>
      tpu.enqueue_dma source(%dma_start3A_170 : memref<768xi32, #tpu.memory_space<hbm>>) target(%arg8 : memref<768xi32, #tpu.memory_space<vmem>>) target_semaphore(%arg15 : memref<!tpu.dma_semaphore, #tpu.memory_space<semaphore_mem>>)
      %mul3A_171 = arith.constant 768 : i32
      %mul3A_172 = arith.muli %add3A_165, %mul3A_171 : i32
      %add3A_173 = arith.addi %mul3A_11, %mul3A_172 : i32
      %dma_start3A_174 = tpu.memref_slice %arg3[%add3A_173] : memref<1622016xi32, #tpu.memory_space<hbm>> -> memref<768xi32, #tpu.memory_space<hbm>>
      %dma_start3A_175 = tpu.memref_slice %arg3[%add3A_173] : memref<1622016xi32, #tpu.memory_space<hbm>> -> memref<768xi32, #tpu.memory_space<hbm>>
      tpu.enqueue_dma source(%dma_start3A_175 : memref<768xi32, #tpu.memory_space<hbm>>) target(%arg9 : memref<768xi32, #tpu.memory_space<vmem>>) target_semaphore(%arg15 : memref<!tpu.dma_semaphore, #tpu.memory_space<semaphore_mem>>)
      %dma_wait3A_176 = arith.constant 0 : i32
      %dma_wait3A_177 = arith.constant 0 : i32
      %dma_wait3A_178 = tpu.memref_slice %arg4[%dma_wait3A_176, %dma_wait3A_177] : memref<100352x16xf32, #tpu.memory_space<hbm>> -> memref<768x16xf32, #tpu.memory_space<hbm>>
      %dma_wait3A_179 = arith.constant 0 : i32
      %dma_wait3A_180 = arith.constant 0 : i32
      %dma_wait3A_181 = tpu.memref_slice %arg4[%dma_wait3A_179, %dma_wait3A_180] : memref<100352x16xf32, #tpu.memory_space<hbm>> -> memref<768x16xf32, #tpu.memory_space<hbm>>
      tpu.wait_dma2 semaphore(%arg13 : memref<!tpu.dma_semaphore, #tpu.memory_space<semaphore_mem>>) src(%dma_wait3A_181 : memref<768x16xf32, #tpu.memory_space<hbm>>) dst(%arg10 : memref<768x16xf32, #tpu.memory_space<vmem>>)
      %dma_start3A_182 = arith.constant 0 : i32
      %dma_start3A_183 = arith.constant 0 : i32
      %dma_start3A_184 = tpu.memref_slice %arg12[%dma_start3A_182, %dma_start3A_183] : memref<100352x16xf32, #tpu.memory_space<vmem_shared>> -> memref<100352x16xf32, #tpu.memory_space<vmem_shared>>
      tpu.enqueue_indirect_dma source(%arg10 : memref<768x16xf32, #tpu.memory_space<vmem>>) target(%dma_start3A_184 : memref<100352x16xf32, #tpu.memory_space<vmem_shared>>) offsets(%arg7 : memref<768xi32, #tpu.memory_space<vmem>>) semaphore(%arg14 : memref<!tpu.dma_semaphore, #tpu.memory_space<semaphore_mem>>) {add = true}
    }
    %while3A_65 = arith.constant 1 : i32
    scf.for %while3A_102 = %while3A_63 to %while3A_59 step %while3A_65  : i32 {
      %mul3A_103 = arith.muli %while3A_102, %while3A : i32
      %add3A_104 = arith.addi %while3A_56, %mul3A_103 : i32
      %mul3A_105 = arith.constant 2 : i32
      %mul3A_106 = arith.muli %mul3A_105, %add3A_104 : i32
      %add3A_107 = arith.constant 1 : i32
      %add3A_108 = arith.addi %mul3A_106, %add3A_107 : i32
      %dma_wait3A_109 = arith.constant 0 : i32
      %dma_wait3A_110 = tpu.memref_slice %arg2[%dma_wait3A_109] : memref<1622016xi32, #tpu.memory_space<hbm>> -> memref<768xi32, #tpu.memory_space<hbm>>
      %dma_wait3A_111 = arith.constant 0 : i32
      %dma_wait3A_112 = tpu.memref_slice %arg2[%dma_wait3A_111] : memref<1622016xi32, #tpu.memory_space<hbm>> -> memref<768xi32, #tpu.memory_space<hbm>>
      tpu.wait_dma2 semaphore(%arg15 : memref<!tpu.dma_semaphore, #tpu.memory_space<semaphore_mem>>) src(%dma_wait3A_112 : memref<768xi32, #tpu.memory_space<hbm>>) dst(%arg6 : memref<768xi32, #tpu.memory_space<vmem>>)
      %dma_wait3A_113 = arith.constant 0 : i32
      %dma_wait3A_114 = tpu.memref_slice %arg2[%dma_wait3A_113] : memref<1622016xi32, #tpu.memory_space<hbm>> -> memref<768xi32, #tpu.memory_space<hbm>>
      %dma_wait3A_115 = arith.constant 0 : i32
      %dma_wait3A_116 = tpu.memref_slice %arg2[%dma_wait3A_115] : memref<1622016xi32, #tpu.memory_space<hbm>> -> memref<768xi32, #tpu.memory_space<hbm>>
      tpu.wait_dma2 semaphore(%arg15 : memref<!tpu.dma_semaphore, #tpu.memory_space<semaphore_mem>>) src(%dma_wait3A_116 : memref<768xi32, #tpu.memory_space<hbm>>) dst(%arg6 : memref<768xi32, #tpu.memory_space<vmem>>)
      %dma_start3A_117 = arith.constant 0 : i32
      %dma_start3A_118 = arith.constant 0 : i32
      %dma_start3A_119 = tpu.memref_slice %arg4[%dma_start3A_117, %dma_start3A_118] : memref<100352x16xf32, #tpu.memory_space<hbm>> -> memref<100352x16xf32, #tpu.memory_space<hbm>>
      tpu.enqueue_indirect_dma source(%dma_start3A_119 : memref<100352x16xf32, #tpu.memory_space<hbm>>) target(%arg11 : memref<768x16xf32, #tpu.memory_space<vmem>>) offsets(%arg8 : memref<768xi32, #tpu.memory_space<vmem>>) semaphore(%arg13 : memref<!tpu.dma_semaphore, #tpu.memory_space<semaphore_mem>>)
      %dma_wait3A_120 = arith.constant 0 : i32
      %dma_wait3A_121 = arith.constant 0 : i32
      %dma_wait3A_122 = tpu.memref_slice %arg4[%dma_wait3A_120, %dma_wait3A_121] : memref<100352x16xf32, #tpu.memory_space<hbm>> -> memref<768x16xf32, #tpu.memory_space<hbm>>
      %dma_wait3A_123 = arith.constant 0 : i32
      %dma_wait3A_124 = arith.constant 0 : i32
      %dma_wait3A_125 = tpu.memref_slice %arg4[%dma_wait3A_123, %dma_wait3A_124] : memref<100352x16xf32, #tpu.memory_space<hbm>> -> memref<768x16xf32, #tpu.memory_space<hbm>>
      tpu.wait_dma2 semaphore(%arg14 : memref<!tpu.dma_semaphore, #tpu.memory_space<semaphore_mem>>) src(%dma_wait3A_125 : memref<768x16xf32, #tpu.memory_space<hbm>>) dst(%arg10 : memref<768x16xf32, #tpu.memory_space<vmem>>)
      %add3A_126 = arith.constant 1 : i32
      %add3A_127 = arith.addi %add3A_108, %add3A_126 : i32
      %mul3A_128 = arith.constant 768 : i32
      %mul3A_129 = arith.muli %add3A_127, %mul3A_128 : i32
      %add3A_130 = arith.addi %mul3A_11, %mul3A_129 : i32
      %dma_start3A_131 = tpu.memref_slice %arg2[%add3A_130] : memref<1622016xi32, #tpu.memory_space<hbm>> -> memref<768xi32, #tpu.memory_space<hbm>>
      %dma_start3A_132 = tpu.memref_slice %arg2[%add3A_130] : memref<1622016xi32, #tpu.memory_space<hbm>> -> memref<768xi32, #tpu.memory_space<hbm>>
      tpu.enqueue_dma source(%dma_start3A_132 : memref<768xi32, #tpu.memory_space<hbm>>) target(%arg6 : memref<768xi32, #tpu.memory_space<vmem>>) target_semaphore(%arg15 : memref<!tpu.dma_semaphore, #tpu.memory_space<semaphore_mem>>)
      %mul3A_133 = arith.constant 768 : i32
      %mul3A_134 = arith.muli %add3A_127, %mul3A_133 : i32
      %add3A_135 = arith.addi %mul3A_11, %mul3A_134 : i32
      %dma_start3A_136 = tpu.memref_slice %arg3[%add3A_135] : memref<1622016xi32, #tpu.memory_space<hbm>> -> memref<768xi32, #tpu.memory_space<hbm>>
      %dma_start3A_137 = tpu.memref_slice %arg3[%add3A_135] : memref<1622016xi32, #tpu.memory_space<hbm>> -> memref<768xi32, #tpu.memory_space<hbm>>
      tpu.enqueue_dma source(%dma_start3A_137 : memref<768xi32, #tpu.memory_space<hbm>>) target(%arg7 : memref<768xi32, #tpu.memory_space<vmem>>) target_semaphore(%arg15 : memref<!tpu.dma_semaphore, #tpu.memory_space<semaphore_mem>>)
      %dma_wait3A_138 = arith.constant 0 : i32
      %dma_wait3A_139 = arith.constant 0 : i32
      %dma_wait3A_140 = tpu.memref_slice %arg4[%dma_wait3A_138, %dma_wait3A_139] : memref<100352x16xf32, #tpu.memory_space<hbm>> -> memref<768x16xf32, #tpu.memory_space<hbm>>
      %dma_wait3A_141 = arith.constant 0 : i32
      %dma_wait3A_142 = arith.constant 0 : i32
      %dma_wait3A_143 = tpu.memref_slice %arg4[%dma_wait3A_141, %dma_wait3A_142] : memref<100352x16xf32, #tpu.memory_space<hbm>> -> memref<768x16xf32, #tpu.memory_space<hbm>>
      tpu.wait_dma2 semaphore(%arg13 : memref<!tpu.dma_semaphore, #tpu.memory_space<semaphore_mem>>) src(%dma_wait3A_143 : memref<768x16xf32, #tpu.memory_space<hbm>>) dst(%arg11 : memref<768x16xf32, #tpu.memory_space<vmem>>)
      %dma_start3A_144 = arith.constant 0 : i32
      %dma_start3A_145 = arith.constant 0 : i32
      %dma_start3A_146 = tpu.memref_slice %arg12[%dma_start3A_144, %dma_start3A_145] : memref<100352x16xf32, #tpu.memory_space<vmem_shared>> -> memref<100352x16xf32, #tpu.memory_space<vmem_shared>>
      tpu.enqueue_indirect_dma source(%arg11 : memref<768x16xf32, #tpu.memory_space<vmem>>) target(%dma_start3A_146 : memref<100352x16xf32, #tpu.memory_space<vmem_shared>>) offsets(%arg9 : memref<768xi32, #tpu.memory_space<vmem>>) semaphore(%arg14 : memref<!tpu.dma_semaphore, #tpu.memory_space<semaphore_mem>>) {add = true}
      %dma_wait3A_147 = arith.constant 0 : i32
      %dma_wait3A_148 = tpu.memref_slice %arg2[%dma_wait3A_147] : memref<1622016xi32, #tpu.memory_space<hbm>> -> memref<768xi32, #tpu.memory_space<hbm>>
      %dma_wait3A_149 = arith.constant 0 : i32
      %dma_wait3A_150 = tpu.memref_slice %arg2[%dma_wait3A_149] : memref<1622016xi32, #tpu.memory_space<hbm>> -> memref<768xi32, #tpu.memory_space<hbm>>
      tpu.wait_dma2 semaphore(%arg15 : memref<!tpu.dma_semaphore, #tpu.memory_space<semaphore_mem>>) src(%dma_wait3A_150 : memref<768xi32, #tpu.memory_space<hbm>>) dst(%arg6 : memref<768xi32, #tpu.memory_space<vmem>>)
      %dma_wait3A_151 = arith.constant 0 : i32
      %dma_wait3A_152 = tpu.memref_slice %arg2[%dma_wait3A_151] : memref<1622016xi32, #tpu.memory_space<hbm>> -> memref<768xi32, #tpu.memory_space<hbm>>
      %dma_wait3A_153 = arith.constant 0 : i32
      %dma_wait3A_154 = tpu.memref_slice %arg2[%dma_wait3A_153] : memref<1622016xi32, #tpu.memory_space<hbm>> -> memref<768xi32, #tpu.memory_space<hbm>>
      tpu.wait_dma2 semaphore(%arg15 : memref<!tpu.dma_semaphore, #tpu.memory_space<semaphore_mem>>) src(%dma_wait3A_154 : memref<768xi32, #tpu.memory_space<hbm>>) dst(%arg6 : memref<768xi32, #tpu.memory_space<vmem>>)
      %dma_start3A_155 = arith.constant 0 : i32
      %dma_start3A_156 = arith.constant 0 : i32
      %dma_start3A_157 = tpu.memref_slice %arg4[%dma_start3A_155, %dma_start3A_156] : memref<100352x16xf32, #tpu.memory_space<hbm>> -> memref<100352x16xf32, #tpu.memory_space<hbm>>
      tpu.enqueue_indirect_dma source(%dma_start3A_157 : memref<100352x16xf32, #tpu.memory_space<hbm>>) target(%arg10 : memref<768x16xf32, #tpu.memory_space<vmem>>) offsets(%arg6 : memref<768xi32, #tpu.memory_space<vmem>>) semaphore(%arg13 : memref<!tpu.dma_semaphore, #tpu.memory_space<semaphore_mem>>)
      %dma_wait3A_158 = arith.constant 0 : i32
      %dma_wait3A_159 = arith.constant 0 : i32
      %dma_wait3A_160 = tpu.memref_slice %arg4[%dma_wait3A_158, %dma_wait3A_159] : memref<100352x16xf32, #tpu.memory_space<hbm>> -> memref<768x16xf32, #tpu.memory_space<hbm>>
      %dma_wait3A_161 = arith.constant 0 : i32
      %dma_wait3A_162 = arith.constant 0 : i32
      %dma_wait3A_163 = tpu.memref_slice %arg4[%dma_wait3A_161, %dma_wait3A_162] : memref<100352x16xf32, #tpu.memory_space<hbm>> -> memref<768x16xf32, #tpu.memory_space<hbm>>
      tpu.wait_dma2 semaphore(%arg14 : memref<!tpu.dma_semaphore, #tpu.memory_space<semaphore_mem>>) src(%dma_wait3A_163 : memref<768x16xf32, #tpu.memory_space<hbm>>) dst(%arg11 : memref<768x16xf32, #tpu.memory_space<vmem>>)
      %add3A_164 = arith.constant 2 : i32
      %add3A_165 = arith.addi %add3A_108, %add3A_164 : i32
      %mul3A_166 = arith.constant 768 : i32
      %mul3A_167 = arith.muli %add3A_165, %mul3A_166 : i32
      %add3A_168 = arith.addi %mul3A_11, %mul3A_167 : i32
      %dma_start3A_169 = tpu.memref_slice %arg2[%add3A_168] : memref<1622016xi32, #tpu.memory_space<hbm>> -> memref<768xi32, #tpu.memory_space<hbm>>
      %dma_start3A_170 = tpu.memref_slice %arg2[%add3A_168] : memref<1622016xi32, #tpu.memory_space<hbm>> -> memref<768xi32, #tpu.memory_space<hbm>>
      tpu.enqueue_dma source(%dma_start3A_170 : memref<768xi32, #tpu.memory_space<hbm>>) target(%arg8 : memref<768xi32, #tpu.memory_space<vmem>>) target_semaphore(%arg15 : memref<!tpu.dma_semaphore, #tpu.memory_space<semaphore_mem>>)
      %mul3A_171 = arith.constant 768 : i32
      %mul3A_172 = arith.muli %add3A_165, %mul3A_171 : i32
      %add3A_173 = arith.addi %mul3A_11, %mul3A_172 : i32
      %dma_start3A_174 = tpu.memref_slice %arg3[%add3A_173] : memref<1622016xi32, #tpu.memory_space<hbm>> -> memref<768xi32, #tpu.memory_space<hbm>>
      %dma_start3A_175 = tpu.memref_slice %arg3[%add3A_173] : memref<1622016xi32, #tpu.memory_space<hbm>> -> memref<768xi32, #tpu.memory_space<hbm>>
      tpu.enqueue_dma source(%dma_start3A_175 : memref<768xi32, #tpu.memory_space<hbm>>) target(%arg9 : memref<768xi32, #tpu.memory_space<vmem>>) target_semaphore(%arg15 : memref<!tpu.dma_semaphore, #tpu.memory_space<semaphore_mem>>)
      %dma_wait3A_176 = arith.constant 0 : i32
      %dma_wait3A_177 = arith.constant 0 : i32
      %dma_wait3A_178 = tpu.memref_slice %arg4[%dma_wait3A_176, %dma_wait3A_177] : memref<100352x16xf32, #tpu.memory_space<hbm>> -> memref<768x16xf32, #tpu.memory_space<hbm>>
      %dma_wait3A_179 = arith.constant 0 : i32
      %dma_wait3A_180 = arith.constant 0 : i32
      %dma_wait3A_181 = tpu.memref_slice %arg4[%dma_wait3A_179, %dma_wait3A_180] : memref<100352x16xf32, #tpu.memory_space<hbm>> -> memref<768x16xf32, #tpu.memory_space<hbm>>
      tpu.wait_dma2 semaphore(%arg13 : memref<!tpu.dma_semaphore, #tpu.memory_space<semaphore_mem>>) src(%dma_wait3A_181 : memref<768x16xf32, #tpu.memory_space<hbm>>) dst(%arg10 : memref<768x16xf32, #tpu.memory_space<vmem>>)
      %dma_start3A_182 = arith.constant 0 : i32
      %dma_start3A_183 = arith.constant 0 : i32
      %dma_start3A_184 = tpu.memref_slice %arg12[%dma_start3A_182, %dma_start3A_183] : memref<100352x16xf32, #tpu.memory_space<vmem_shared>> -> memref<100352x16xf32, #tpu.memory_space<vmem_shared>>
      tpu.enqueue_indirect_dma source(%arg10 : memref<768x16xf32, #tpu.memory_space<vmem>>) target(%dma_start3A_184 : memref<100352x16xf32, #tpu.memory_space<vmem_shared>>) offsets(%arg7 : memref<768xi32, #tpu.memory_space<vmem>>) semaphore(%arg14 : memref<!tpu.dma_semaphore, #tpu.memory_space<semaphore_mem>>) {add = true}
    }
    %dma_wait3A_66 = arith.constant 0 : i32
    %dma_wait3A_67 = tpu.memref_slice %arg2[%dma_wait3A_66] : memref<1622016xi32, #tpu.memory_space<hbm>> -> memref<768xi32, #tpu.memory_space<hbm>>
    %dma_wait3A_68 = arith.constant 0 : i32
    %dma_wait3A_69 = tpu.memref_slice %arg2[%dma_wait3A_68] : memref<1622016xi32, #tpu.memory_space<hbm>> -> memref<768xi32, #tpu.memory_space<hbm>>
    tpu.wait_dma2 semaphore(%arg15 : memref<!tpu.dma_semaphore, #tpu.memory_space<semaphore_mem>>) src(%dma_wait3A_69 : memref<768xi32, #tpu.memory_space<hbm>>) dst(%arg6 : memref<768xi32, #tpu.memory_space<vmem>>)
    %dma_wait3A_70 = arith.constant 0 : i32
    %dma_wait3A_71 = tpu.memref_slice %arg2[%dma_wait3A_70] : memref<1622016xi32, #tpu.memory_space<hbm>> -> memref<768xi32, #tpu.memory_space<hbm>>
    %dma_wait3A_72 = arith.constant 0 : i32
    %dma_wait3A_73 = tpu.memref_slice %arg2[%dma_wait3A_72] : memref<1622016xi32, #tpu.memory_space<hbm>> -> memref<768xi32, #tpu.memory_space<hbm>>
    tpu.wait_dma2 semaphore(%arg15 : memref<!tpu.dma_semaphore, #tpu.memory_space<semaphore_mem>>) src(%dma_wait3A_73 : memref<768xi32, #tpu.memory_space<hbm>>) dst(%arg6 : memref<768xi32, #tpu.memory_space<vmem>>)
    %dma_start3A_74 = arith.constant 0 : i32
    %dma_start3A_75 = arith.constant 0 : i32
    %dma_start3A_76 = tpu.memref_slice %arg4[%dma_start3A_74, %dma_start3A_75] : memref<100352x16xf32, #tpu.memory_space<hbm>> -> memref<100352x16xf32, #tpu.memory_space<hbm>>
    tpu.enqueue_indirect_dma source(%dma_start3A_76 : memref<100352x16xf32, #tpu.memory_space<hbm>>) target(%arg11 : memref<768x16xf32, #tpu.memory_space<vmem>>) offsets(%arg8 : memref<768xi32, #tpu.memory_space<vmem>>) semaphore(%arg13 : memref<!tpu.dma_semaphore, #tpu.memory_space<semaphore_mem>>)
    %dma_wait3A_77 = arith.constant 0 : i32
    %dma_wait3A_78 = arith.constant 0 : i32
    %dma_wait3A_79 = tpu.memref_slice %arg4[%dma_wait3A_77, %dma_wait3A_78] : memref<100352x16xf32, #tpu.memory_space<hbm>> -> memref<768x16xf32, #tpu.memory_space<hbm>>
    %dma_wait3A_80 = arith.constant 0 : i32
    %dma_wait3A_81 = arith.constant 0 : i32
    %dma_wait3A_82 = tpu.memref_slice %arg4[%dma_wait3A_80, %dma_wait3A_81] : memref<100352x16xf32, #tpu.memory_space<hbm>> -> memref<768x16xf32, #tpu.memory_space<hbm>>
    tpu.wait_dma2 semaphore(%arg14 : memref<!tpu.dma_semaphore, #tpu.memory_space<semaphore_mem>>) src(%dma_wait3A_82 : memref<768x16xf32, #tpu.memory_space<hbm>>) dst(%arg10 : memref<768x16xf32, #tpu.memory_space<vmem>>)
    %dma_wait3A_83 = arith.constant 0 : i32
    %dma_wait3A_84 = arith.constant 0 : i32
    %dma_wait3A_85 = tpu.memref_slice %arg4[%dma_wait3A_83, %dma_wait3A_84] : memref<100352x16xf32, #tpu.memory_space<hbm>> -> memref<768x16xf32, #tpu.memory_space<hbm>>
    %dma_wait3A_86 = arith.constant 0 : i32
    %dma_wait3A_87 = arith.constant 0 : i32
    %dma_wait3A_88 = tpu.memref_slice %arg4[%dma_wait3A_86, %dma_wait3A_87] : memref<100352x16xf32, #tpu.memory_space<hbm>> -> memref<768x16xf32, #tpu.memory_space<hbm>>
    tpu.wait_dma2 semaphore(%arg13 : memref<!tpu.dma_semaphore, #tpu.memory_space<semaphore_mem>>) src(%dma_wait3A_88 : memref<768x16xf32, #tpu.memory_space<hbm>>) dst(%arg11 : memref<768x16xf32, #tpu.memory_space<vmem>>)
    %dma_start3A_89 = arith.constant 0 : i32
    %dma_start3A_90 = arith.constant 0 : i32
    %dma_start3A_91 = tpu.memref_slice %arg12[%dma_start3A_89, %dma_start3A_90] : memref<100352x16xf32, #tpu.memory_space<vmem_shared>> -> memref<100352x16xf32, #tpu.memory_space<vmem_shared>>
    tpu.enqueue_indirect_dma source(%arg11 : memref<768x16xf32, #tpu.memory_space<vmem>>) target(%dma_start3A_91 : memref<100352x16xf32, #tpu.memory_space<vmem_shared>>) offsets(%arg9 : memref<768xi32, #tpu.memory_space<vmem>>) semaphore(%arg14 : memref<!tpu.dma_semaphore, #tpu.memory_space<semaphore_mem>>) {add = true}
    %dma_wait3A_92 = arith.constant 0 : i32
    %dma_wait3A_93 = arith.constant 0 : i32
    %dma_wait3A_94 = tpu.memref_slice %arg4[%dma_wait3A_92, %dma_wait3A_93] : memref<100352x16xf32, #tpu.memory_space<hbm>> -> memref<768x16xf32, #tpu.memory_space<hbm>>
    %dma_wait3A_95 = arith.constant 0 : i32
    %dma_wait3A_96 = arith.constant 0 : i32
    %dma_wait3A_97 = tpu.memref_slice %arg4[%dma_wait3A_95, %dma_wait3A_96] : memref<100352x16xf32, #tpu.memory_space<hbm>> -> memref<768x16xf32, #tpu.memory_space<hbm>>
    tpu.wait_dma2 semaphore(%arg14 : memref<!tpu.dma_semaphore, #tpu.memory_space<semaphore_mem>>) src(%dma_wait3A_97 : memref<768x16xf32, #tpu.memory_space<hbm>>) dst(%arg11 : memref<768x16xf32, #tpu.memory_space<vmem>>)
    %barrier3A_98 = arith.constant 0 : index
    tpu.barrier barrier_id(%barrier3A_98)
    %mul3A_99 = arith.constant 100352 : i32
    %mul3A_100 = arith.muli %arg0, %mul3A_99 : i32
    %add3A_101 = arith.addi %mul3A_100, %mul3A_2 : i32
    "tpu.region"() ({
      %run_scoped3A = tpu.sem_alloc : memref<!tpu.dma_semaphore, #tpu.memory_space<semaphore_mem>>
      %dma_start3A_102 = arith.constant 0 : i32
      %dma_start3A_103 = tpu.memref_slice %arg5[%add3A_101, %dma_start3A_102] : memref<200704x16xf32, #tpu.memory_space<hbm>> -> memref<6272x16xf32, #tpu.memory_space<hbm>>
      %dma_start3A_104 = arith.constant 0 : i32
      %dma_start3A_105 = tpu.memref_slice %arg12[%mul3A_2, %dma_start3A_104] : memref<100352x16xf32, #tpu.memory_space<vmem_shared>> -> memref<6272x16xf32, #tpu.memory_space<vmem_shared>>
      tpu.enqueue_dma source(%dma_start3A_105 : memref<6272x16xf32, #tpu.memory_space<vmem_shared>>) target(%dma_start3A_103 : memref<6272x16xf32, #tpu.memory_space<hbm>>) target_semaphore(%run_scoped3A : memref<!tpu.dma_semaphore, #tpu.memory_space<semaphore_mem>>)
      %dma_wait3A_106 = arith.constant 0 : i32
      %dma_wait3A_107 = tpu.memref_slice %arg5[%add3A_101, %dma_wait3A_106] : memref<200704x16xf32, #tpu.memory_space<hbm>> -> memref<6272x16xf32, #tpu.memory_space<hbm>>
      %dma_wait3A_108 = arith.constant 0 : i32
      %dma_wait3A_109 = tpu.memref_slice %arg12[%mul3A_2, %dma_wait3A_108] : memref<100352x16xf32, #tpu.memory_space<vmem_shared>> -> memref<6272x16xf32, #tpu.memory_space<vmem_shared>>
      tpu.wait_dma2 semaphore(%run_scoped3A : memref<!tpu.dma_semaphore, #tpu.memory_space<semaphore_mem>>) src(%dma_wait3A_109 : memref<6272x16xf32, #tpu.memory_space<vmem_shared>>) dst(%dma_wait3A_107 : memref<6272x16xf32, #tpu.memory_space<hbm>>)
      tpu.yield
    }) : () -> ()
    return
  }
}

#map = affine_map<(d0, d1) -> (0)>
#map1 = affine_map<(d0, d1) -> (0, 0)>
module attributes {stable_mosaic.version = 14 : i64} {
  func.func @_sc_agg(%arg0: i32, %arg1: i32, %arg2: memref<1622016xi32, #tpu.memory_space<hbm>>, %arg3: memref<1622016xi32, #tpu.memory_space<hbm>>, %arg4: memref<100352x16xf32, #tpu.memory_space<hbm>>, %arg5: memref<200704x16xf32, #tpu.memory_space<hbm>>, %arg6: memref<768xi32, #tpu.memory_space<vmem>>, %arg7: memref<768xi32, #tpu.memory_space<vmem>>, %arg8: memref<768xi32, #tpu.memory_space<vmem>>, %arg9: memref<768xi32, #tpu.memory_space<vmem>>, %arg10: memref<768x16xf32, #tpu.memory_space<vmem>>, %arg11: memref<768x16xf32, #tpu.memory_space<vmem>>, %arg12: memref<100352x16xf32, #tpu.memory_space<vmem_shared>>, %arg13: memref<!tpu.dma_semaphore, #tpu.memory_space<semaphore_mem>>, %arg14: memref<!tpu.dma_semaphore, #tpu.memory_space<semaphore_mem>>, %arg15: memref<!tpu.dma_semaphore, #tpu.memory_space<semaphore_mem>>) attributes {dimension_semantics = [#tpu.dimension_semantics<core_parallel>, #tpu.dimension_semantics<subcore_parallel>], iteration_bounds = array<i64: 2, 16>, scalar_prefetch = 0 : i64, scratch_operands = 10 : i64, tpu.core_type = #tpu.core_type<sc_vector_subcore>, window_params = [{transform_indices = #map}, {transform_indices = #map}, {transform_indices = #map1}, {transform_indices = #map1}]} {
    %mul3A = arith.constant 2 : i32
    %mul3A_0 = arith.muli %arg1, %mul3A : i32
    %add3A = arith.addi %mul3A_0, %arg0 : i32
    %mul3A_1 = arith.constant 6272 : i32
    %mul3A_2 = arith.muli %arg1, %mul3A_1 : i32
    "tpu.region"() ({
      %run_scoped3A = tpu.sem_alloc : memref<!tpu.dma_semaphore, #tpu.memory_space<semaphore_mem>>
      %dma_start3A_102 = arith.constant 0 : i32
      %dma_start3A_103 = tpu.memref_slice %arg12[%mul3A_2, %dma_start3A_102] : memref<100352x16xf32, #tpu.memory_space<vmem_shared>> -> memref<6272x16xf32, #tpu.memory_space<vmem_shared>>
      %dma_start3A_104 = arith.constant 0 : i32
      %dma_start3A_105 = tpu.memref_slice %arg4[%mul3A_2, %dma_start3A_104] : memref<100352x16xf32, #tpu.memory_space<hbm>> -> memref<6272x16xf32, #tpu.memory_space<hbm>>
      tpu.enqueue_dma source(%dma_start3A_105 : memref<6272x16xf32, #tpu.memory_space<hbm>>) target(%dma_start3A_103 : memref<6272x16xf32, #tpu.memory_space<vmem_shared>>) target_semaphore(%run_scoped3A : memref<!tpu.dma_semaphore, #tpu.memory_space<semaphore_mem>>)
      %dma_wait3A_106 = arith.constant 0 : i32
      %dma_wait3A_107 = tpu.memref_slice %arg12[%mul3A_2, %dma_wait3A_106] : memref<100352x16xf32, #tpu.memory_space<vmem_shared>> -> memref<6272x16xf32, #tpu.memory_space<vmem_shared>>
      %dma_wait3A_108 = arith.constant 0 : i32
      %dma_wait3A_109 = tpu.memref_slice %arg4[%mul3A_2, %dma_wait3A_108] : memref<100352x16xf32, #tpu.memory_space<hbm>> -> memref<6272x16xf32, #tpu.memory_space<hbm>>
      tpu.wait_dma2 semaphore(%run_scoped3A : memref<!tpu.dma_semaphore, #tpu.memory_space<semaphore_mem>>) src(%dma_wait3A_109 : memref<6272x16xf32, #tpu.memory_space<hbm>>) dst(%dma_wait3A_107 : memref<6272x16xf32, #tpu.memory_space<vmem_shared>>)
      tpu.yield
    }) : () -> ()
    %barrier3A = arith.constant 0 : index
    tpu.barrier barrier_id(%barrier3A)
    %eq3A = arith.constant 0 : i32
    %eq3A_3 = arith.cmpi eq, %arg0, %eq3A : i32
    %mul3A_4 = arith.constant 96 : i32
    %mul3A_5 = arith.muli %arg1, %mul3A_4 : i32
    %mul3A_6 = arith.constant 36 : i32
    %mul3A_7 = arith.muli %arg1, %mul3A_6 : i32
    %add3A_8 = arith.constant 1536 : i32
    %add3A_9 = arith.addi %add3A_8, %mul3A_7 : i32
    %select_n3A = arith.select %eq3A_3, %mul3A_5, %add3A_9 : i32
    %mul3A_10 = arith.constant 768 : i32
    %mul3A_11 = arith.muli %select_n3A, %mul3A_10 : i32
    %eq3A_12 = arith.constant 0 : i32
    %eq3A_13 = arith.cmpi eq, %arg0, %eq3A_12 : i32
    %jit3A = arith.constant 47 : i32
    %jit3A_14 = arith.constant 17 : i32
    %select_n3A_15 = arith.select %eq3A_13, %jit3A, %jit3A_14 : i32
    %add3A_16 = arith.constant 0 : i32
    %add3A_17 = arith.addi %mul3A_11, %add3A_16 : i32
    %dma_start3A = tpu.memref_slice %arg2[%add3A_17] : memref<1622016xi32, #tpu.memory_space<hbm>> -> memref<768xi32, #tpu.memory_space<hbm>>
    %dma_start3A_18 = tpu.memref_slice %arg2[%add3A_17] : memref<1622016xi32, #tpu.memory_space<hbm>> -> memref<768xi32, #tpu.memory_space<hbm>>
    tpu.enqueue_dma source(%dma_start3A_18 : memref<768xi32, #tpu.memory_space<hbm>>) target(%arg6 : memref<768xi32, #tpu.memory_space<vmem>>) target_semaphore(%arg15 : memref<!tpu.dma_semaphore, #tpu.memory_space<semaphore_mem>>)
    %add3A_19 = arith.constant 0 : i32
    %add3A_20 = arith.addi %mul3A_11, %add3A_19 : i32
    %dma_start3A_21 = tpu.memref_slice %arg3[%add3A_20] : memref<1622016xi32, #tpu.memory_space<hbm>> -> memref<768xi32, #tpu.memory_space<hbm>>
    %dma_start3A_22 = tpu.memref_slice %arg3[%add3A_20] : memref<1622016xi32, #tpu.memory_space<hbm>> -> memref<768xi32, #tpu.memory_space<hbm>>
    tpu.enqueue_dma source(%dma_start3A_22 : memref<768xi32, #tpu.memory_space<hbm>>) target(%arg7 : memref<768xi32, #tpu.memory_space<vmem>>) target_semaphore(%arg15 : memref<!tpu.dma_semaphore, #tpu.memory_space<semaphore_mem>>)
    %dma_wait3A = arith.constant 0 : i32
    %dma_wait3A_23 = tpu.memref_slice %arg2[%dma_wait3A] : memref<1622016xi32, #tpu.memory_space<hbm>> -> memref<768xi32, #tpu.memory_space<hbm>>
    %dma_wait3A_24 = arith.constant 0 : i32
    %dma_wait3A_25 = tpu.memref_slice %arg2[%dma_wait3A_24] : memref<1622016xi32, #tpu.memory_space<hbm>> -> memref<768xi32, #tpu.memory_space<hbm>>
    tpu.wait_dma2 semaphore(%arg15 : memref<!tpu.dma_semaphore, #tpu.memory_space<semaphore_mem>>) src(%dma_wait3A_25 : memref<768xi32, #tpu.memory_space<hbm>>) dst(%arg6 : memref<768xi32, #tpu.memory_space<vmem>>)
    %dma_wait3A_26 = arith.constant 0 : i32
    %dma_wait3A_27 = tpu.memref_slice %arg2[%dma_wait3A_26] : memref<1622016xi32, #tpu.memory_space<hbm>> -> memref<768xi32, #tpu.memory_space<hbm>>
    %dma_wait3A_28 = arith.constant 0 : i32
    %dma_wait3A_29 = tpu.memref_slice %arg2[%dma_wait3A_28] : memref<1622016xi32, #tpu.memory_space<hbm>> -> memref<768xi32, #tpu.memory_space<hbm>>
    tpu.wait_dma2 semaphore(%arg15 : memref<!tpu.dma_semaphore, #tpu.memory_space<semaphore_mem>>) src(%dma_wait3A_29 : memref<768xi32, #tpu.memory_space<hbm>>) dst(%arg6 : memref<768xi32, #tpu.memory_space<vmem>>)
    %dma_start3A_30 = arith.constant 0 : i32
    %dma_start3A_31 = arith.constant 0 : i32
    %dma_start3A_32 = tpu.memref_slice %arg4[%dma_start3A_30, %dma_start3A_31] : memref<100352x16xf32, #tpu.memory_space<hbm>> -> memref<100352x16xf32, #tpu.memory_space<hbm>>
    tpu.enqueue_indirect_dma source(%dma_start3A_32 : memref<100352x16xf32, #tpu.memory_space<hbm>>) target(%arg10 : memref<768x16xf32, #tpu.memory_space<vmem>>) offsets(%arg6 : memref<768xi32, #tpu.memory_space<vmem>>) semaphore(%arg13 : memref<!tpu.dma_semaphore, #tpu.memory_space<semaphore_mem>>)
    %add3A_33 = arith.constant 768 : i32
    %add3A_34 = arith.addi %mul3A_11, %add3A_33 : i32
    %dma_start3A_35 = tpu.memref_slice %arg2[%add3A_34] : memref<1622016xi32, #tpu.memory_space<hbm>> -> memref<768xi32, #tpu.memory_space<hbm>>
    %dma_start3A_36 = tpu.memref_slice %arg2[%add3A_34] : memref<1622016xi32, #tpu.memory_space<hbm>> -> memref<768xi32, #tpu.memory_space<hbm>>
    tpu.enqueue_dma source(%dma_start3A_36 : memref<768xi32, #tpu.memory_space<hbm>>) target(%arg8 : memref<768xi32, #tpu.memory_space<vmem>>) target_semaphore(%arg15 : memref<!tpu.dma_semaphore, #tpu.memory_space<semaphore_mem>>)
    %add3A_37 = arith.constant 768 : i32
    %add3A_38 = arith.addi %mul3A_11, %add3A_37 : i32
    %dma_start3A_39 = tpu.memref_slice %arg3[%add3A_38] : memref<1622016xi32, #tpu.memory_space<hbm>> -> memref<768xi32, #tpu.memory_space<hbm>>
    %dma_start3A_40 = tpu.memref_slice %arg3[%add3A_38] : memref<1622016xi32, #tpu.memory_space<hbm>> -> memref<768xi32, #tpu.memory_space<hbm>>
    tpu.enqueue_dma source(%dma_start3A_40 : memref<768xi32, #tpu.memory_space<hbm>>) target(%arg9 : memref<768xi32, #tpu.memory_space<vmem>>) target_semaphore(%arg15 : memref<!tpu.dma_semaphore, #tpu.memory_space<semaphore_mem>>)
    %dma_wait3A_41 = arith.constant 0 : i32
    %dma_wait3A_42 = arith.constant 0 : i32
    %dma_wait3A_43 = tpu.memref_slice %arg4[%dma_wait3A_41, %dma_wait3A_42] : memref<100352x16xf32, #tpu.memory_space<hbm>> -> memref<768x16xf32, #tpu.memory_space<hbm>>
    %dma_wait3A_44 = arith.constant 0 : i32
    %dma_wait3A_45 = arith.constant 0 : i32
    %dma_wait3A_46 = tpu.memref_slice %arg4[%dma_wait3A_44, %dma_wait3A_45] : memref<100352x16xf32, #tpu.memory_space<hbm>> -> memref<768x16xf32, #tpu.memory_space<hbm>>
    tpu.wait_dma2 semaphore(%arg13 : memref<!tpu.dma_semaphore, #tpu.memory_space<semaphore_mem>>) src(%dma_wait3A_46 : memref<768x16xf32, #tpu.memory_space<hbm>>) dst(%arg10 : memref<768x16xf32, #tpu.memory_space<vmem>>)
    %dma_start3A_47 = arith.constant 0 : i32
    %dma_start3A_48 = arith.constant 0 : i32
    %dma_start3A_49 = tpu.memref_slice %arg12[%dma_start3A_47, %dma_start3A_48] : memref<100352x16xf32, #tpu.memory_space<vmem_shared>> -> memref<100352x16xf32, #tpu.memory_space<vmem_shared>>
    tpu.enqueue_indirect_dma source(%arg10 : memref<768x16xf32, #tpu.memory_space<vmem>>) target(%dma_start3A_49 : memref<100352x16xf32, #tpu.memory_space<vmem_shared>>) offsets(%arg7 : memref<768xi32, #tpu.memory_space<vmem>>) semaphore(%arg14 : memref<!tpu.dma_semaphore, #tpu.memory_space<semaphore_mem>>) {add = true}
    %sub3A = arith.constant 0 : i32
    %sub3A_50 = arith.subi %select_n3A_15, %sub3A : i32
    %sub3A_51 = arith.constant 1 : i32
    %sub3A_52 = arith.constant 1 : i32
    %sub3A_53 = arith.subi %sub3A_51, %sub3A_52 : i32
    %add3A_54 = arith.addi %sub3A_50, %sub3A_53 : i32
    %div3A = arith.constant 1 : i32
    %div3A_55 = arith.divsi %add3A_54, %div3A : i32
    %while3A = arith.constant 1 : i32
    %while3A_56 = arith.constant 0 : i32
    %while3A_57 = arith.constant 0 : i32
    %while3A_58 = arith.subi %div3A_55, %while3A_57 : i32
    %while3A_59 = arith.addi %while3A_57, %while3A_58 : i32
    %while3A_60 = arith.constant 1 : i32
    %while3A_61 = arith.divsi %while3A_58, %while3A_60 : i32
    %while3A_62 = arith.muli %while3A_61, %while3A_60 : i32
    %while3A_63 = arith.addi %while3A_57, %while3A_62 : i32
    %while3A_64 = arith.constant 1 : i32
    scf.for %while3A_102 = %while3A_57 to %while3A_63 step %while3A_64  : i32 {
      %mul3A_103 = arith.muli %while3A_102, %while3A : i32
      %add3A_104 = arith.addi %while3A_56, %mul3A_103 : i32
      %mul3A_105 = arith.constant 2 : i32
      %mul3A_106 = arith.muli %mul3A_105, %add3A_104 : i32
      %add3A_107 = arith.constant 1 : i32
      %add3A_108 = arith.addi %mul3A_106, %add3A_107 : i32
      %dma_wait3A_109 = arith.constant 0 : i32
      %dma_wait3A_110 = tpu.memref_slice %arg2[%dma_wait3A_109] : memref<1622016xi32, #tpu.memory_space<hbm>> -> memref<768xi32, #tpu.memory_space<hbm>>
      %dma_wait3A_111 = arith.constant 0 : i32
      %dma_wait3A_112 = tpu.memref_slice %arg2[%dma_wait3A_111] : memref<1622016xi32, #tpu.memory_space<hbm>> -> memref<768xi32, #tpu.memory_space<hbm>>
      tpu.wait_dma2 semaphore(%arg15 : memref<!tpu.dma_semaphore, #tpu.memory_space<semaphore_mem>>) src(%dma_wait3A_112 : memref<768xi32, #tpu.memory_space<hbm>>) dst(%arg6 : memref<768xi32, #tpu.memory_space<vmem>>)
      %dma_wait3A_113 = arith.constant 0 : i32
      %dma_wait3A_114 = tpu.memref_slice %arg2[%dma_wait3A_113] : memref<1622016xi32, #tpu.memory_space<hbm>> -> memref<768xi32, #tpu.memory_space<hbm>>
      %dma_wait3A_115 = arith.constant 0 : i32
      %dma_wait3A_116 = tpu.memref_slice %arg2[%dma_wait3A_115] : memref<1622016xi32, #tpu.memory_space<hbm>> -> memref<768xi32, #tpu.memory_space<hbm>>
      tpu.wait_dma2 semaphore(%arg15 : memref<!tpu.dma_semaphore, #tpu.memory_space<semaphore_mem>>) src(%dma_wait3A_116 : memref<768xi32, #tpu.memory_space<hbm>>) dst(%arg6 : memref<768xi32, #tpu.memory_space<vmem>>)
      %dma_start3A_117 = arith.constant 0 : i32
      %dma_start3A_118 = arith.constant 0 : i32
      %dma_start3A_119 = tpu.memref_slice %arg4[%dma_start3A_117, %dma_start3A_118] : memref<100352x16xf32, #tpu.memory_space<hbm>> -> memref<100352x16xf32, #tpu.memory_space<hbm>>
      tpu.enqueue_indirect_dma source(%dma_start3A_119 : memref<100352x16xf32, #tpu.memory_space<hbm>>) target(%arg11 : memref<768x16xf32, #tpu.memory_space<vmem>>) offsets(%arg8 : memref<768xi32, #tpu.memory_space<vmem>>) semaphore(%arg13 : memref<!tpu.dma_semaphore, #tpu.memory_space<semaphore_mem>>)
      %dma_wait3A_120 = arith.constant 0 : i32
      %dma_wait3A_121 = arith.constant 0 : i32
      %dma_wait3A_122 = tpu.memref_slice %arg4[%dma_wait3A_120, %dma_wait3A_121] : memref<100352x16xf32, #tpu.memory_space<hbm>> -> memref<768x16xf32, #tpu.memory_space<hbm>>
      %dma_wait3A_123 = arith.constant 0 : i32
      %dma_wait3A_124 = arith.constant 0 : i32
      %dma_wait3A_125 = tpu.memref_slice %arg4[%dma_wait3A_123, %dma_wait3A_124] : memref<100352x16xf32, #tpu.memory_space<hbm>> -> memref<768x16xf32, #tpu.memory_space<hbm>>
      tpu.wait_dma2 semaphore(%arg14 : memref<!tpu.dma_semaphore, #tpu.memory_space<semaphore_mem>>) src(%dma_wait3A_125 : memref<768x16xf32, #tpu.memory_space<hbm>>) dst(%arg10 : memref<768x16xf32, #tpu.memory_space<vmem>>)
      %add3A_126 = arith.constant 1 : i32
      %add3A_127 = arith.addi %add3A_108, %add3A_126 : i32
      %mul3A_128 = arith.constant 768 : i32
      %mul3A_129 = arith.muli %add3A_127, %mul3A_128 : i32
      %add3A_130 = arith.addi %mul3A_11, %mul3A_129 : i32
      %dma_start3A_131 = tpu.memref_slice %arg2[%add3A_130] : memref<1622016xi32, #tpu.memory_space<hbm>> -> memref<768xi32, #tpu.memory_space<hbm>>
      %dma_start3A_132 = tpu.memref_slice %arg2[%add3A_130] : memref<1622016xi32, #tpu.memory_space<hbm>> -> memref<768xi32, #tpu.memory_space<hbm>>
      tpu.enqueue_dma source(%dma_start3A_132 : memref<768xi32, #tpu.memory_space<hbm>>) target(%arg6 : memref<768xi32, #tpu.memory_space<vmem>>) target_semaphore(%arg15 : memref<!tpu.dma_semaphore, #tpu.memory_space<semaphore_mem>>)
      %mul3A_133 = arith.constant 768 : i32
      %mul3A_134 = arith.muli %add3A_127, %mul3A_133 : i32
      %add3A_135 = arith.addi %mul3A_11, %mul3A_134 : i32
      %dma_start3A_136 = tpu.memref_slice %arg3[%add3A_135] : memref<1622016xi32, #tpu.memory_space<hbm>> -> memref<768xi32, #tpu.memory_space<hbm>>
      %dma_start3A_137 = tpu.memref_slice %arg3[%add3A_135] : memref<1622016xi32, #tpu.memory_space<hbm>> -> memref<768xi32, #tpu.memory_space<hbm>>
      tpu.enqueue_dma source(%dma_start3A_137 : memref<768xi32, #tpu.memory_space<hbm>>) target(%arg7 : memref<768xi32, #tpu.memory_space<vmem>>) target_semaphore(%arg15 : memref<!tpu.dma_semaphore, #tpu.memory_space<semaphore_mem>>)
      %dma_wait3A_138 = arith.constant 0 : i32
      %dma_wait3A_139 = arith.constant 0 : i32
      %dma_wait3A_140 = tpu.memref_slice %arg4[%dma_wait3A_138, %dma_wait3A_139] : memref<100352x16xf32, #tpu.memory_space<hbm>> -> memref<768x16xf32, #tpu.memory_space<hbm>>
      %dma_wait3A_141 = arith.constant 0 : i32
      %dma_wait3A_142 = arith.constant 0 : i32
      %dma_wait3A_143 = tpu.memref_slice %arg4[%dma_wait3A_141, %dma_wait3A_142] : memref<100352x16xf32, #tpu.memory_space<hbm>> -> memref<768x16xf32, #tpu.memory_space<hbm>>
      tpu.wait_dma2 semaphore(%arg13 : memref<!tpu.dma_semaphore, #tpu.memory_space<semaphore_mem>>) src(%dma_wait3A_143 : memref<768x16xf32, #tpu.memory_space<hbm>>) dst(%arg11 : memref<768x16xf32, #tpu.memory_space<vmem>>)
      %dma_start3A_144 = arith.constant 0 : i32
      %dma_start3A_145 = arith.constant 0 : i32
      %dma_start3A_146 = tpu.memref_slice %arg12[%dma_start3A_144, %dma_start3A_145] : memref<100352x16xf32, #tpu.memory_space<vmem_shared>> -> memref<100352x16xf32, #tpu.memory_space<vmem_shared>>
      tpu.enqueue_indirect_dma source(%arg11 : memref<768x16xf32, #tpu.memory_space<vmem>>) target(%dma_start3A_146 : memref<100352x16xf32, #tpu.memory_space<vmem_shared>>) offsets(%arg9 : memref<768xi32, #tpu.memory_space<vmem>>) semaphore(%arg14 : memref<!tpu.dma_semaphore, #tpu.memory_space<semaphore_mem>>) {add = true}
      %dma_wait3A_147 = arith.constant 0 : i32
      %dma_wait3A_148 = tpu.memref_slice %arg2[%dma_wait3A_147] : memref<1622016xi32, #tpu.memory_space<hbm>> -> memref<768xi32, #tpu.memory_space<hbm>>
      %dma_wait3A_149 = arith.constant 0 : i32
      %dma_wait3A_150 = tpu.memref_slice %arg2[%dma_wait3A_149] : memref<1622016xi32, #tpu.memory_space<hbm>> -> memref<768xi32, #tpu.memory_space<hbm>>
      tpu.wait_dma2 semaphore(%arg15 : memref<!tpu.dma_semaphore, #tpu.memory_space<semaphore_mem>>) src(%dma_wait3A_150 : memref<768xi32, #tpu.memory_space<hbm>>) dst(%arg6 : memref<768xi32, #tpu.memory_space<vmem>>)
      %dma_wait3A_151 = arith.constant 0 : i32
      %dma_wait3A_152 = tpu.memref_slice %arg2[%dma_wait3A_151] : memref<1622016xi32, #tpu.memory_space<hbm>> -> memref<768xi32, #tpu.memory_space<hbm>>
      %dma_wait3A_153 = arith.constant 0 : i32
      %dma_wait3A_154 = tpu.memref_slice %arg2[%dma_wait3A_153] : memref<1622016xi32, #tpu.memory_space<hbm>> -> memref<768xi32, #tpu.memory_space<hbm>>
      tpu.wait_dma2 semaphore(%arg15 : memref<!tpu.dma_semaphore, #tpu.memory_space<semaphore_mem>>) src(%dma_wait3A_154 : memref<768xi32, #tpu.memory_space<hbm>>) dst(%arg6 : memref<768xi32, #tpu.memory_space<vmem>>)
      %dma_start3A_155 = arith.constant 0 : i32
      %dma_start3A_156 = arith.constant 0 : i32
      %dma_start3A_157 = tpu.memref_slice %arg4[%dma_start3A_155, %dma_start3A_156] : memref<100352x16xf32, #tpu.memory_space<hbm>> -> memref<100352x16xf32, #tpu.memory_space<hbm>>
      tpu.enqueue_indirect_dma source(%dma_start3A_157 : memref<100352x16xf32, #tpu.memory_space<hbm>>) target(%arg10 : memref<768x16xf32, #tpu.memory_space<vmem>>) offsets(%arg6 : memref<768xi32, #tpu.memory_space<vmem>>) semaphore(%arg13 : memref<!tpu.dma_semaphore, #tpu.memory_space<semaphore_mem>>)
      %dma_wait3A_158 = arith.constant 0 : i32
      %dma_wait3A_159 = arith.constant 0 : i32
      %dma_wait3A_160 = tpu.memref_slice %arg4[%dma_wait3A_158, %dma_wait3A_159] : memref<100352x16xf32, #tpu.memory_space<hbm>> -> memref<768x16xf32, #tpu.memory_space<hbm>>
      %dma_wait3A_161 = arith.constant 0 : i32
      %dma_wait3A_162 = arith.constant 0 : i32
      %dma_wait3A_163 = tpu.memref_slice %arg4[%dma_wait3A_161, %dma_wait3A_162] : memref<100352x16xf32, #tpu.memory_space<hbm>> -> memref<768x16xf32, #tpu.memory_space<hbm>>
      tpu.wait_dma2 semaphore(%arg14 : memref<!tpu.dma_semaphore, #tpu.memory_space<semaphore_mem>>) src(%dma_wait3A_163 : memref<768x16xf32, #tpu.memory_space<hbm>>) dst(%arg11 : memref<768x16xf32, #tpu.memory_space<vmem>>)
      %add3A_164 = arith.constant 2 : i32
      %add3A_165 = arith.addi %add3A_108, %add3A_164 : i32
      %mul3A_166 = arith.constant 768 : i32
      %mul3A_167 = arith.muli %add3A_165, %mul3A_166 : i32
      %add3A_168 = arith.addi %mul3A_11, %mul3A_167 : i32
      %dma_start3A_169 = tpu.memref_slice %arg2[%add3A_168] : memref<1622016xi32, #tpu.memory_space<hbm>> -> memref<768xi32, #tpu.memory_space<hbm>>
      %dma_start3A_170 = tpu.memref_slice %arg2[%add3A_168] : memref<1622016xi32, #tpu.memory_space<hbm>> -> memref<768xi32, #tpu.memory_space<hbm>>
      tpu.enqueue_dma source(%dma_start3A_170 : memref<768xi32, #tpu.memory_space<hbm>>) target(%arg8 : memref<768xi32, #tpu.memory_space<vmem>>) target_semaphore(%arg15 : memref<!tpu.dma_semaphore, #tpu.memory_space<semaphore_mem>>)
      %mul3A_171 = arith.constant 768 : i32
      %mul3A_172 = arith.muli %add3A_165, %mul3A_171 : i32
      %add3A_173 = arith.addi %mul3A_11, %mul3A_172 : i32
      %dma_start3A_174 = tpu.memref_slice %arg3[%add3A_173] : memref<1622016xi32, #tpu.memory_space<hbm>> -> memref<768xi32, #tpu.memory_space<hbm>>
      %dma_start3A_175 = tpu.memref_slice %arg3[%add3A_173] : memref<1622016xi32, #tpu.memory_space<hbm>> -> memref<768xi32, #tpu.memory_space<hbm>>
      tpu.enqueue_dma source(%dma_start3A_175 : memref<768xi32, #tpu.memory_space<hbm>>) target(%arg9 : memref<768xi32, #tpu.memory_space<vmem>>) target_semaphore(%arg15 : memref<!tpu.dma_semaphore, #tpu.memory_space<semaphore_mem>>)
      %dma_wait3A_176 = arith.constant 0 : i32
      %dma_wait3A_177 = arith.constant 0 : i32
      %dma_wait3A_178 = tpu.memref_slice %arg4[%dma_wait3A_176, %dma_wait3A_177] : memref<100352x16xf32, #tpu.memory_space<hbm>> -> memref<768x16xf32, #tpu.memory_space<hbm>>
      %dma_wait3A_179 = arith.constant 0 : i32
      %dma_wait3A_180 = arith.constant 0 : i32
      %dma_wait3A_181 = tpu.memref_slice %arg4[%dma_wait3A_179, %dma_wait3A_180] : memref<100352x16xf32, #tpu.memory_space<hbm>> -> memref<768x16xf32, #tpu.memory_space<hbm>>
      tpu.wait_dma2 semaphore(%arg13 : memref<!tpu.dma_semaphore, #tpu.memory_space<semaphore_mem>>) src(%dma_wait3A_181 : memref<768x16xf32, #tpu.memory_space<hbm>>) dst(%arg10 : memref<768x16xf32, #tpu.memory_space<vmem>>)
      %dma_start3A_182 = arith.constant 0 : i32
      %dma_start3A_183 = arith.constant 0 : i32
      %dma_start3A_184 = tpu.memref_slice %arg12[%dma_start3A_182, %dma_start3A_183] : memref<100352x16xf32, #tpu.memory_space<vmem_shared>> -> memref<100352x16xf32, #tpu.memory_space<vmem_shared>>
      tpu.enqueue_indirect_dma source(%arg10 : memref<768x16xf32, #tpu.memory_space<vmem>>) target(%dma_start3A_184 : memref<100352x16xf32, #tpu.memory_space<vmem_shared>>) offsets(%arg7 : memref<768xi32, #tpu.memory_space<vmem>>) semaphore(%arg14 : memref<!tpu.dma_semaphore, #tpu.memory_space<semaphore_mem>>) {add = true}
    }
    %while3A_65 = arith.constant 1 : i32
    scf.for %while3A_102 = %while3A_63 to %while3A_59 step %while3A_65  : i32 {
      %mul3A_103 = arith.muli %while3A_102, %while3A : i32
      %add3A_104 = arith.addi %while3A_56, %mul3A_103 : i32
      %mul3A_105 = arith.constant 2 : i32
      %mul3A_106 = arith.muli %mul3A_105, %add3A_104 : i32
      %add3A_107 = arith.constant 1 : i32
      %add3A_108 = arith.addi %mul3A_106, %add3A_107 : i32
      %dma_wait3A_109 = arith.constant 0 : i32
      %dma_wait3A_110 = tpu.memref_slice %arg2[%dma_wait3A_109] : memref<1622016xi32, #tpu.memory_space<hbm>> -> memref<768xi32, #tpu.memory_space<hbm>>
      %dma_wait3A_111 = arith.constant 0 : i32
      %dma_wait3A_112 = tpu.memref_slice %arg2[%dma_wait3A_111] : memref<1622016xi32, #tpu.memory_space<hbm>> -> memref<768xi32, #tpu.memory_space<hbm>>
      tpu.wait_dma2 semaphore(%arg15 : memref<!tpu.dma_semaphore, #tpu.memory_space<semaphore_mem>>) src(%dma_wait3A_112 : memref<768xi32, #tpu.memory_space<hbm>>) dst(%arg6 : memref<768xi32, #tpu.memory_space<vmem>>)
      %dma_wait3A_113 = arith.constant 0 : i32
      %dma_wait3A_114 = tpu.memref_slice %arg2[%dma_wait3A_113] : memref<1622016xi32, #tpu.memory_space<hbm>> -> memref<768xi32, #tpu.memory_space<hbm>>
      %dma_wait3A_115 = arith.constant 0 : i32
      %dma_wait3A_116 = tpu.memref_slice %arg2[%dma_wait3A_115] : memref<1622016xi32, #tpu.memory_space<hbm>> -> memref<768xi32, #tpu.memory_space<hbm>>
      tpu.wait_dma2 semaphore(%arg15 : memref<!tpu.dma_semaphore, #tpu.memory_space<semaphore_mem>>) src(%dma_wait3A_116 : memref<768xi32, #tpu.memory_space<hbm>>) dst(%arg6 : memref<768xi32, #tpu.memory_space<vmem>>)
      %dma_start3A_117 = arith.constant 0 : i32
      %dma_start3A_118 = arith.constant 0 : i32
      %dma_start3A_119 = tpu.memref_slice %arg4[%dma_start3A_117, %dma_start3A_118] : memref<100352x16xf32, #tpu.memory_space<hbm>> -> memref<100352x16xf32, #tpu.memory_space<hbm>>
      tpu.enqueue_indirect_dma source(%dma_start3A_119 : memref<100352x16xf32, #tpu.memory_space<hbm>>) target(%arg11 : memref<768x16xf32, #tpu.memory_space<vmem>>) offsets(%arg8 : memref<768xi32, #tpu.memory_space<vmem>>) semaphore(%arg13 : memref<!tpu.dma_semaphore, #tpu.memory_space<semaphore_mem>>)
      %dma_wait3A_120 = arith.constant 0 : i32
      %dma_wait3A_121 = arith.constant 0 : i32
      %dma_wait3A_122 = tpu.memref_slice %arg4[%dma_wait3A_120, %dma_wait3A_121] : memref<100352x16xf32, #tpu.memory_space<hbm>> -> memref<768x16xf32, #tpu.memory_space<hbm>>
      %dma_wait3A_123 = arith.constant 0 : i32
      %dma_wait3A_124 = arith.constant 0 : i32
      %dma_wait3A_125 = tpu.memref_slice %arg4[%dma_wait3A_123, %dma_wait3A_124] : memref<100352x16xf32, #tpu.memory_space<hbm>> -> memref<768x16xf32, #tpu.memory_space<hbm>>
      tpu.wait_dma2 semaphore(%arg14 : memref<!tpu.dma_semaphore, #tpu.memory_space<semaphore_mem>>) src(%dma_wait3A_125 : memref<768x16xf32, #tpu.memory_space<hbm>>) dst(%arg10 : memref<768x16xf32, #tpu.memory_space<vmem>>)
      %add3A_126 = arith.constant 1 : i32
      %add3A_127 = arith.addi %add3A_108, %add3A_126 : i32
      %mul3A_128 = arith.constant 768 : i32
      %mul3A_129 = arith.muli %add3A_127, %mul3A_128 : i32
      %add3A_130 = arith.addi %mul3A_11, %mul3A_129 : i32
      %dma_start3A_131 = tpu.memref_slice %arg2[%add3A_130] : memref<1622016xi32, #tpu.memory_space<hbm>> -> memref<768xi32, #tpu.memory_space<hbm>>
      %dma_start3A_132 = tpu.memref_slice %arg2[%add3A_130] : memref<1622016xi32, #tpu.memory_space<hbm>> -> memref<768xi32, #tpu.memory_space<hbm>>
      tpu.enqueue_dma source(%dma_start3A_132 : memref<768xi32, #tpu.memory_space<hbm>>) target(%arg6 : memref<768xi32, #tpu.memory_space<vmem>>) target_semaphore(%arg15 : memref<!tpu.dma_semaphore, #tpu.memory_space<semaphore_mem>>)
      %mul3A_133 = arith.constant 768 : i32
      %mul3A_134 = arith.muli %add3A_127, %mul3A_133 : i32
      %add3A_135 = arith.addi %mul3A_11, %mul3A_134 : i32
      %dma_start3A_136 = tpu.memref_slice %arg3[%add3A_135] : memref<1622016xi32, #tpu.memory_space<hbm>> -> memref<768xi32, #tpu.memory_space<hbm>>
      %dma_start3A_137 = tpu.memref_slice %arg3[%add3A_135] : memref<1622016xi32, #tpu.memory_space<hbm>> -> memref<768xi32, #tpu.memory_space<hbm>>
      tpu.enqueue_dma source(%dma_start3A_137 : memref<768xi32, #tpu.memory_space<hbm>>) target(%arg7 : memref<768xi32, #tpu.memory_space<vmem>>) target_semaphore(%arg15 : memref<!tpu.dma_semaphore, #tpu.memory_space<semaphore_mem>>)
      %dma_wait3A_138 = arith.constant 0 : i32
      %dma_wait3A_139 = arith.constant 0 : i32
      %dma_wait3A_140 = tpu.memref_slice %arg4[%dma_wait3A_138, %dma_wait3A_139] : memref<100352x16xf32, #tpu.memory_space<hbm>> -> memref<768x16xf32, #tpu.memory_space<hbm>>
      %dma_wait3A_141 = arith.constant 0 : i32
      %dma_wait3A_142 = arith.constant 0 : i32
      %dma_wait3A_143 = tpu.memref_slice %arg4[%dma_wait3A_141, %dma_wait3A_142] : memref<100352x16xf32, #tpu.memory_space<hbm>> -> memref<768x16xf32, #tpu.memory_space<hbm>>
      tpu.wait_dma2 semaphore(%arg13 : memref<!tpu.dma_semaphore, #tpu.memory_space<semaphore_mem>>) src(%dma_wait3A_143 : memref<768x16xf32, #tpu.memory_space<hbm>>) dst(%arg11 : memref<768x16xf32, #tpu.memory_space<vmem>>)
      %dma_start3A_144 = arith.constant 0 : i32
      %dma_start3A_145 = arith.constant 0 : i32
      %dma_start3A_146 = tpu.memref_slice %arg12[%dma_start3A_144, %dma_start3A_145] : memref<100352x16xf32, #tpu.memory_space<vmem_shared>> -> memref<100352x16xf32, #tpu.memory_space<vmem_shared>>
      tpu.enqueue_indirect_dma source(%arg11 : memref<768x16xf32, #tpu.memory_space<vmem>>) target(%dma_start3A_146 : memref<100352x16xf32, #tpu.memory_space<vmem_shared>>) offsets(%arg9 : memref<768xi32, #tpu.memory_space<vmem>>) semaphore(%arg14 : memref<!tpu.dma_semaphore, #tpu.memory_space<semaphore_mem>>) {add = true}
      %dma_wait3A_147 = arith.constant 0 : i32
      %dma_wait3A_148 = tpu.memref_slice %arg2[%dma_wait3A_147] : memref<1622016xi32, #tpu.memory_space<hbm>> -> memref<768xi32, #tpu.memory_space<hbm>>
      %dma_wait3A_149 = arith.constant 0 : i32
      %dma_wait3A_150 = tpu.memref_slice %arg2[%dma_wait3A_149] : memref<1622016xi32, #tpu.memory_space<hbm>> -> memref<768xi32, #tpu.memory_space<hbm>>
      tpu.wait_dma2 semaphore(%arg15 : memref<!tpu.dma_semaphore, #tpu.memory_space<semaphore_mem>>) src(%dma_wait3A_150 : memref<768xi32, #tpu.memory_space<hbm>>) dst(%arg6 : memref<768xi32, #tpu.memory_space<vmem>>)
      %dma_wait3A_151 = arith.constant 0 : i32
      %dma_wait3A_152 = tpu.memref_slice %arg2[%dma_wait3A_151] : memref<1622016xi32, #tpu.memory_space<hbm>> -> memref<768xi32, #tpu.memory_space<hbm>>
      %dma_wait3A_153 = arith.constant 0 : i32
      %dma_wait3A_154 = tpu.memref_slice %arg2[%dma_wait3A_153] : memref<1622016xi32, #tpu.memory_space<hbm>> -> memref<768xi32, #tpu.memory_space<hbm>>
      tpu.wait_dma2 semaphore(%arg15 : memref<!tpu.dma_semaphore, #tpu.memory_space<semaphore_mem>>) src(%dma_wait3A_154 : memref<768xi32, #tpu.memory_space<hbm>>) dst(%arg6 : memref<768xi32, #tpu.memory_space<vmem>>)
      %dma_start3A_155 = arith.constant 0 : i32
      %dma_start3A_156 = arith.constant 0 : i32
      %dma_start3A_157 = tpu.memref_slice %arg4[%dma_start3A_155, %dma_start3A_156] : memref<100352x16xf32, #tpu.memory_space<hbm>> -> memref<100352x16xf32, #tpu.memory_space<hbm>>
      tpu.enqueue_indirect_dma source(%dma_start3A_157 : memref<100352x16xf32, #tpu.memory_space<hbm>>) target(%arg10 : memref<768x16xf32, #tpu.memory_space<vmem>>) offsets(%arg6 : memref<768xi32, #tpu.memory_space<vmem>>) semaphore(%arg13 : memref<!tpu.dma_semaphore, #tpu.memory_space<semaphore_mem>>)
      %dma_wait3A_158 = arith.constant 0 : i32
      %dma_wait3A_159 = arith.constant 0 : i32
      %dma_wait3A_160 = tpu.memref_slice %arg4[%dma_wait3A_158, %dma_wait3A_159] : memref<100352x16xf32, #tpu.memory_space<hbm>> -> memref<768x16xf32, #tpu.memory_space<hbm>>
      %dma_wait3A_161 = arith.constant 0 : i32
      %dma_wait3A_162 = arith.constant 0 : i32
      %dma_wait3A_163 = tpu.memref_slice %arg4[%dma_wait3A_161, %dma_wait3A_162] : memref<100352x16xf32, #tpu.memory_space<hbm>> -> memref<768x16xf32, #tpu.memory_space<hbm>>
      tpu.wait_dma2 semaphore(%arg14 : memref<!tpu.dma_semaphore, #tpu.memory_space<semaphore_mem>>) src(%dma_wait3A_163 : memref<768x16xf32, #tpu.memory_space<hbm>>) dst(%arg11 : memref<768x16xf32, #tpu.memory_space<vmem>>)
      %add3A_164 = arith.constant 2 : i32
      %add3A_165 = arith.addi %add3A_108, %add3A_164 : i32
      %mul3A_166 = arith.constant 768 : i32
      %mul3A_167 = arith.muli %add3A_165, %mul3A_166 : i32
      %add3A_168 = arith.addi %mul3A_11, %mul3A_167 : i32
      %dma_start3A_169 = tpu.memref_slice %arg2[%add3A_168] : memref<1622016xi32, #tpu.memory_space<hbm>> -> memref<768xi32, #tpu.memory_space<hbm>>
      %dma_start3A_170 = tpu.memref_slice %arg2[%add3A_168] : memref<1622016xi32, #tpu.memory_space<hbm>> -> memref<768xi32, #tpu.memory_space<hbm>>
      tpu.enqueue_dma source(%dma_start3A_170 : memref<768xi32, #tpu.memory_space<hbm>>) target(%arg8 : memref<768xi32, #tpu.memory_space<vmem>>) target_semaphore(%arg15 : memref<!tpu.dma_semaphore, #tpu.memory_space<semaphore_mem>>)
      %mul3A_171 = arith.constant 768 : i32
      %mul3A_172 = arith.muli %add3A_165, %mul3A_171 : i32
      %add3A_173 = arith.addi %mul3A_11, %mul3A_172 : i32
      %dma_start3A_174 = tpu.memref_slice %arg3[%add3A_173] : memref<1622016xi32, #tpu.memory_space<hbm>> -> memref<768xi32, #tpu.memory_space<hbm>>
      %dma_start3A_175 = tpu.memref_slice %arg3[%add3A_173] : memref<1622016xi32, #tpu.memory_space<hbm>> -> memref<768xi32, #tpu.memory_space<hbm>>
      tpu.enqueue_dma source(%dma_start3A_175 : memref<768xi32, #tpu.memory_space<hbm>>) target(%arg9 : memref<768xi32, #tpu.memory_space<vmem>>) target_semaphore(%arg15 : memref<!tpu.dma_semaphore, #tpu.memory_space<semaphore_mem>>)
      %dma_wait3A_176 = arith.constant 0 : i32
      %dma_wait3A_177 = arith.constant 0 : i32
      %dma_wait3A_178 = tpu.memref_slice %arg4[%dma_wait3A_176, %dma_wait3A_177] : memref<100352x16xf32, #tpu.memory_space<hbm>> -> memref<768x16xf32, #tpu.memory_space<hbm>>
      %dma_wait3A_179 = arith.constant 0 : i32
      %dma_wait3A_180 = arith.constant 0 : i32
      %dma_wait3A_181 = tpu.memref_slice %arg4[%dma_wait3A_179, %dma_wait3A_180] : memref<100352x16xf32, #tpu.memory_space<hbm>> -> memref<768x16xf32, #tpu.memory_space<hbm>>
      tpu.wait_dma2 semaphore(%arg13 : memref<!tpu.dma_semaphore, #tpu.memory_space<semaphore_mem>>) src(%dma_wait3A_181 : memref<768x16xf32, #tpu.memory_space<hbm>>) dst(%arg10 : memref<768x16xf32, #tpu.memory_space<vmem>>)
      %dma_start3A_182 = arith.constant 0 : i32
      %dma_start3A_183 = arith.constant 0 : i32
      %dma_start3A_184 = tpu.memref_slice %arg12[%dma_start3A_182, %dma_start3A_183] : memref<100352x16xf32, #tpu.memory_space<vmem_shared>> -> memref<100352x16xf32, #tpu.memory_space<vmem_shared>>
      tpu.enqueue_indirect_dma source(%arg10 : memref<768x16xf32, #tpu.memory_space<vmem>>) target(%dma_start3A_184 : memref<100352x16xf32, #tpu.memory_space<vmem_shared>>) offsets(%arg7 : memref<768xi32, #tpu.memory_space<vmem>>) semaphore(%arg14 : memref<!tpu.dma_semaphore, #tpu.memory_space<semaphore_mem>>) {add = true}
    }
    %dma_wait3A_66 = arith.constant 0 : i32
    %dma_wait3A_67 = tpu.memref_slice %arg2[%dma_wait3A_66] : memref<1622016xi32, #tpu.memory_space<hbm>> -> memref<768xi32, #tpu.memory_space<hbm>>
    %dma_wait3A_68 = arith.constant 0 : i32
    %dma_wait3A_69 = tpu.memref_slice %arg2[%dma_wait3A_68] : memref<1622016xi32, #tpu.memory_space<hbm>> -> memref<768xi32, #tpu.memory_space<hbm>>
    tpu.wait_dma2 semaphore(%arg15 : memref<!tpu.dma_semaphore, #tpu.memory_space<semaphore_mem>>) src(%dma_wait3A_69 : memref<768xi32, #tpu.memory_space<hbm>>) dst(%arg6 : memref<768xi32, #tpu.memory_space<vmem>>)
    %dma_wait3A_70 = arith.constant 0 : i32
    %dma_wait3A_71 = tpu.memref_slice %arg2[%dma_wait3A_70] : memref<1622016xi32, #tpu.memory_space<hbm>> -> memref<768xi32, #tpu.memory_space<hbm>>
    %dma_wait3A_72 = arith.constant 0 : i32
    %dma_wait3A_73 = tpu.memref_slice %arg2[%dma_wait3A_72] : memref<1622016xi32, #tpu.memory_space<hbm>> -> memref<768xi32, #tpu.memory_space<hbm>>
    tpu.wait_dma2 semaphore(%arg15 : memref<!tpu.dma_semaphore, #tpu.memory_space<semaphore_mem>>) src(%dma_wait3A_73 : memref<768xi32, #tpu.memory_space<hbm>>) dst(%arg6 : memref<768xi32, #tpu.memory_space<vmem>>)
    %dma_start3A_74 = arith.constant 0 : i32
    %dma_start3A_75 = arith.constant 0 : i32
    %dma_start3A_76 = tpu.memref_slice %arg4[%dma_start3A_74, %dma_start3A_75] : memref<100352x16xf32, #tpu.memory_space<hbm>> -> memref<100352x16xf32, #tpu.memory_space<hbm>>
    tpu.enqueue_indirect_dma source(%dma_start3A_76 : memref<100352x16xf32, #tpu.memory_space<hbm>>) target(%arg11 : memref<768x16xf32, #tpu.memory_space<vmem>>) offsets(%arg8 : memref<768xi32, #tpu.memory_space<vmem>>) semaphore(%arg13 : memref<!tpu.dma_semaphore, #tpu.memory_space<semaphore_mem>>)
    %dma_wait3A_77 = arith.constant 0 : i32
    %dma_wait3A_78 = arith.constant 0 : i32
    %dma_wait3A_79 = tpu.memref_slice %arg4[%dma_wait3A_77, %dma_wait3A_78] : memref<100352x16xf32, #tpu.memory_space<hbm>> -> memref<768x16xf32, #tpu.memory_space<hbm>>
    %dma_wait3A_80 = arith.constant 0 : i32
    %dma_wait3A_81 = arith.constant 0 : i32
    %dma_wait3A_82 = tpu.memref_slice %arg4[%dma_wait3A_80, %dma_wait3A_81] : memref<100352x16xf32, #tpu.memory_space<hbm>> -> memref<768x16xf32, #tpu.memory_space<hbm>>
    tpu.wait_dma2 semaphore(%arg14 : memref<!tpu.dma_semaphore, #tpu.memory_space<semaphore_mem>>) src(%dma_wait3A_82 : memref<768x16xf32, #tpu.memory_space<hbm>>) dst(%arg10 : memref<768x16xf32, #tpu.memory_space<vmem>>)
    %dma_wait3A_83 = arith.constant 0 : i32
    %dma_wait3A_84 = arith.constant 0 : i32
    %dma_wait3A_85 = tpu.memref_slice %arg4[%dma_wait3A_83, %dma_wait3A_84] : memref<100352x16xf32, #tpu.memory_space<hbm>> -> memref<768x16xf32, #tpu.memory_space<hbm>>
    %dma_wait3A_86 = arith.constant 0 : i32
    %dma_wait3A_87 = arith.constant 0 : i32
    %dma_wait3A_88 = tpu.memref_slice %arg4[%dma_wait3A_86, %dma_wait3A_87] : memref<100352x16xf32, #tpu.memory_space<hbm>> -> memref<768x16xf32, #tpu.memory_space<hbm>>
    tpu.wait_dma2 semaphore(%arg13 : memref<!tpu.dma_semaphore, #tpu.memory_space<semaphore_mem>>) src(%dma_wait3A_88 : memref<768x16xf32, #tpu.memory_space<hbm>>) dst(%arg11 : memref<768x16xf32, #tpu.memory_space<vmem>>)
    %dma_start3A_89 = arith.constant 0 : i32
    %dma_start3A_90 = arith.constant 0 : i32
    %dma_start3A_91 = tpu.memref_slice %arg12[%dma_start3A_89, %dma_start3A_90] : memref<100352x16xf32, #tpu.memory_space<vmem_shared>> -> memref<100352x16xf32, #tpu.memory_space<vmem_shared>>
    tpu.enqueue_indirect_dma source(%arg11 : memref<768x16xf32, #tpu.memory_space<vmem>>) target(%dma_start3A_91 : memref<100352x16xf32, #tpu.memory_space<vmem_shared>>) offsets(%arg9 : memref<768xi32, #tpu.memory_space<vmem>>) semaphore(%arg14 : memref<!tpu.dma_semaphore, #tpu.memory_space<semaphore_mem>>) {add = true}
    %dma_wait3A_92 = arith.constant 0 : i32
    %dma_wait3A_93 = arith.constant 0 : i32
    %dma_wait3A_94 = tpu.memref_slice %arg4[%dma_wait3A_92, %dma_wait3A_93] : memref<100352x16xf32, #tpu.memory_space<hbm>> -> memref<768x16xf32, #tpu.memory_space<hbm>>
    %dma_wait3A_95 = arith.constant 0 : i32
    %dma_wait3A_96 = arith.constant 0 : i32
    %dma_wait3A_97 = tpu.memref_slice %arg4[%dma_wait3A_95, %dma_wait3A_96] : memref<100352x16xf32, #tpu.memory_space<hbm>> -> memref<768x16xf32, #tpu.memory_space<hbm>>
    tpu.wait_dma2 semaphore(%arg14 : memref<!tpu.dma_semaphore, #tpu.memory_space<semaphore_mem>>) src(%dma_wait3A_97 : memref<768x16xf32, #tpu.memory_space<hbm>>) dst(%arg11 : memref<768x16xf32, #tpu.memory_space<vmem>>)
    %barrier3A_98 = arith.constant 0 : index
    tpu.barrier barrier_id(%barrier3A_98)
    %mul3A_99 = arith.constant 100352 : i32
    %mul3A_100 = arith.muli %arg0, %mul3A_99 : i32
    %add3A_101 = arith.addi %mul3A_100, %mul3A_2 : i32
    "tpu.region"() ({
      %run_scoped3A = tpu.sem_alloc : memref<!tpu.dma_semaphore, #tpu.memory_space<semaphore_mem>>
      %dma_start3A_102 = arith.constant 0 : i32
      %dma_start3A_103 = tpu.memref_slice %arg5[%add3A_101, %dma_start3A_102] : memref<200704x16xf32, #tpu.memory_space<hbm>> -> memref<6272x16xf32, #tpu.memory_space<hbm>>
      %dma_start3A_104 = arith.constant 0 : i32
      %dma_start3A_105 = tpu.memref_slice %arg12[%mul3A_2, %dma_start3A_104] : memref<100352x16xf32, #tpu.memory_space<vmem_shared>> -> memref<6272x16xf32, #tpu.memory_space<vmem_shared>>
      tpu.enqueue_dma source(%dma_start3A_105 : memref<6272x16xf32, #tpu.memory_space<vmem_shared>>) target(%dma_start3A_103 : memref<6272x16xf32, #tpu.memory_space<hbm>>) target_semaphore(%run_scoped3A : memref<!tpu.dma_semaphore, #tpu.memory_space<semaphore_mem>>)
      %dma_wait3A_106 = arith.constant 0 : i32
      %dma_wait3A_107 = tpu.memref_slice %arg5[%add3A_101, %dma_wait3A_106] : memref<200704x16xf32, #tpu.memory_space<hbm>> -> memref<6272x16xf32, #tpu.memory_space<hbm>>
      %dma_wait3A_108 = arith.constant 0 : i32
      %dma_wait3A_109 = tpu.memref_slice %arg12[%mul3A_2, %dma_wait3A_108] : memref<100352x16xf32, #tpu.memory_space<vmem_shared>> -> memref<6272x16xf32, #tpu.memory_space<vmem_shared>>
      tpu.wait_dma2 semaphore(%run_scoped3A : memref<!tpu.dma_semaphore, #tpu.memory_space<semaphore_mem>>) src(%dma_wait3A_109 : memref<6272x16xf32, #tpu.memory_space<vmem_shared>>) dst(%dma_wait3A_107 : memref<6272x16xf32, #tpu.memory_space<hbm>>)
      tpu.yield
    }) : () -> ()
    return
  }
}

#map = affine_map<(d0, d1) -> (0)>
#map1 = affine_map<(d0, d1) -> (0, 0)>
module attributes {stable_mosaic.version = 14 : i64} {
  func.func @_sc_agg(%arg0: i32, %arg1: i32, %arg2: memref<1622016xi32, #tpu.memory_space<hbm>>, %arg3: memref<1622016xi32, #tpu.memory_space<hbm>>, %arg4: memref<100352x16xf32, #tpu.memory_space<hbm>>, %arg5: memref<200704x16xf32, #tpu.memory_space<hbm>>, %arg6: memref<768xi32, #tpu.memory_space<vmem>>, %arg7: memref<768xi32, #tpu.memory_space<vmem>>, %arg8: memref<768xi32, #tpu.memory_space<vmem>>, %arg9: memref<768xi32, #tpu.memory_space<vmem>>, %arg10: memref<768x16xf32, #tpu.memory_space<vmem>>, %arg11: memref<768x16xf32, #tpu.memory_space<vmem>>, %arg12: memref<100352x16xf32, #tpu.memory_space<vmem_shared>>, %arg13: memref<!tpu.dma_semaphore, #tpu.memory_space<semaphore_mem>>, %arg14: memref<!tpu.dma_semaphore, #tpu.memory_space<semaphore_mem>>, %arg15: memref<!tpu.dma_semaphore, #tpu.memory_space<semaphore_mem>>) attributes {dimension_semantics = [#tpu.dimension_semantics<core_parallel>, #tpu.dimension_semantics<subcore_parallel>], iteration_bounds = array<i64: 2, 16>, scalar_prefetch = 0 : i64, scratch_operands = 10 : i64, tpu.core_type = #tpu.core_type<sc_vector_subcore>, window_params = [{transform_indices = #map}, {transform_indices = #map}, {transform_indices = #map1}, {transform_indices = #map1}]} {
    %mul3A = arith.constant 2 : i32
    %mul3A_0 = arith.muli %arg1, %mul3A : i32
    %add3A = arith.addi %mul3A_0, %arg0 : i32
    %mul3A_1 = arith.constant 6272 : i32
    %mul3A_2 = arith.muli %arg1, %mul3A_1 : i32
    "tpu.region"() ({
      %run_scoped3A = tpu.sem_alloc : memref<!tpu.dma_semaphore, #tpu.memory_space<semaphore_mem>>
      %dma_start3A_102 = arith.constant 0 : i32
      %dma_start3A_103 = tpu.memref_slice %arg12[%mul3A_2, %dma_start3A_102] : memref<100352x16xf32, #tpu.memory_space<vmem_shared>> -> memref<6272x16xf32, #tpu.memory_space<vmem_shared>>
      %dma_start3A_104 = arith.constant 0 : i32
      %dma_start3A_105 = tpu.memref_slice %arg4[%mul3A_2, %dma_start3A_104] : memref<100352x16xf32, #tpu.memory_space<hbm>> -> memref<6272x16xf32, #tpu.memory_space<hbm>>
      tpu.enqueue_dma source(%dma_start3A_105 : memref<6272x16xf32, #tpu.memory_space<hbm>>) target(%dma_start3A_103 : memref<6272x16xf32, #tpu.memory_space<vmem_shared>>) target_semaphore(%run_scoped3A : memref<!tpu.dma_semaphore, #tpu.memory_space<semaphore_mem>>)
      %dma_wait3A_106 = arith.constant 0 : i32
      %dma_wait3A_107 = tpu.memref_slice %arg12[%mul3A_2, %dma_wait3A_106] : memref<100352x16xf32, #tpu.memory_space<vmem_shared>> -> memref<6272x16xf32, #tpu.memory_space<vmem_shared>>
      %dma_wait3A_108 = arith.constant 0 : i32
      %dma_wait3A_109 = tpu.memref_slice %arg4[%mul3A_2, %dma_wait3A_108] : memref<100352x16xf32, #tpu.memory_space<hbm>> -> memref<6272x16xf32, #tpu.memory_space<hbm>>
      tpu.wait_dma2 semaphore(%run_scoped3A : memref<!tpu.dma_semaphore, #tpu.memory_space<semaphore_mem>>) src(%dma_wait3A_109 : memref<6272x16xf32, #tpu.memory_space<hbm>>) dst(%dma_wait3A_107 : memref<6272x16xf32, #tpu.memory_space<vmem_shared>>)
      tpu.yield
    }) : () -> ()
    %barrier3A = arith.constant 0 : index
    tpu.barrier barrier_id(%barrier3A)
    %eq3A = arith.constant 0 : i32
    %eq3A_3 = arith.cmpi eq, %arg0, %eq3A : i32
    %mul3A_4 = arith.constant 96 : i32
    %mul3A_5 = arith.muli %arg1, %mul3A_4 : i32
    %mul3A_6 = arith.constant 36 : i32
    %mul3A_7 = arith.muli %arg1, %mul3A_6 : i32
    %add3A_8 = arith.constant 1536 : i32
    %add3A_9 = arith.addi %add3A_8, %mul3A_7 : i32
    %select_n3A = arith.select %eq3A_3, %mul3A_5, %add3A_9 : i32
    %mul3A_10 = arith.constant 768 : i32
    %mul3A_11 = arith.muli %select_n3A, %mul3A_10 : i32
    %eq3A_12 = arith.constant 0 : i32
    %eq3A_13 = arith.cmpi eq, %arg0, %eq3A_12 : i32
    %jit3A = arith.constant 47 : i32
    %jit3A_14 = arith.constant 17 : i32
    %select_n3A_15 = arith.select %eq3A_13, %jit3A, %jit3A_14 : i32
    %add3A_16 = arith.constant 0 : i32
    %add3A_17 = arith.addi %mul3A_11, %add3A_16 : i32
    %dma_start3A = tpu.memref_slice %arg2[%add3A_17] : memref<1622016xi32, #tpu.memory_space<hbm>> -> memref<768xi32, #tpu.memory_space<hbm>>
    %dma_start3A_18 = tpu.memref_slice %arg2[%add3A_17] : memref<1622016xi32, #tpu.memory_space<hbm>> -> memref<768xi32, #tpu.memory_space<hbm>>
    tpu.enqueue_dma source(%dma_start3A_18 : memref<768xi32, #tpu.memory_space<hbm>>) target(%arg6 : memref<768xi32, #tpu.memory_space<vmem>>) target_semaphore(%arg15 : memref<!tpu.dma_semaphore, #tpu.memory_space<semaphore_mem>>)
    %add3A_19 = arith.constant 0 : i32
    %add3A_20 = arith.addi %mul3A_11, %add3A_19 : i32
    %dma_start3A_21 = tpu.memref_slice %arg3[%add3A_20] : memref<1622016xi32, #tpu.memory_space<hbm>> -> memref<768xi32, #tpu.memory_space<hbm>>
    %dma_start3A_22 = tpu.memref_slice %arg3[%add3A_20] : memref<1622016xi32, #tpu.memory_space<hbm>> -> memref<768xi32, #tpu.memory_space<hbm>>
    tpu.enqueue_dma source(%dma_start3A_22 : memref<768xi32, #tpu.memory_space<hbm>>) target(%arg7 : memref<768xi32, #tpu.memory_space<vmem>>) target_semaphore(%arg15 : memref<!tpu.dma_semaphore, #tpu.memory_space<semaphore_mem>>)
    %dma_wait3A = arith.constant 0 : i32
    %dma_wait3A_23 = tpu.memref_slice %arg2[%dma_wait3A] : memref<1622016xi32, #tpu.memory_space<hbm>> -> memref<768xi32, #tpu.memory_space<hbm>>
    %dma_wait3A_24 = arith.constant 0 : i32
    %dma_wait3A_25 = tpu.memref_slice %arg2[%dma_wait3A_24] : memref<1622016xi32, #tpu.memory_space<hbm>> -> memref<768xi32, #tpu.memory_space<hbm>>
    tpu.wait_dma2 semaphore(%arg15 : memref<!tpu.dma_semaphore, #tpu.memory_space<semaphore_mem>>) src(%dma_wait3A_25 : memref<768xi32, #tpu.memory_space<hbm>>) dst(%arg6 : memref<768xi32, #tpu.memory_space<vmem>>)
    %dma_wait3A_26 = arith.constant 0 : i32
    %dma_wait3A_27 = tpu.memref_slice %arg2[%dma_wait3A_26] : memref<1622016xi32, #tpu.memory_space<hbm>> -> memref<768xi32, #tpu.memory_space<hbm>>
    %dma_wait3A_28 = arith.constant 0 : i32
    %dma_wait3A_29 = tpu.memref_slice %arg2[%dma_wait3A_28] : memref<1622016xi32, #tpu.memory_space<hbm>> -> memref<768xi32, #tpu.memory_space<hbm>>
    tpu.wait_dma2 semaphore(%arg15 : memref<!tpu.dma_semaphore, #tpu.memory_space<semaphore_mem>>) src(%dma_wait3A_29 : memref<768xi32, #tpu.memory_space<hbm>>) dst(%arg6 : memref<768xi32, #tpu.memory_space<vmem>>)
    %dma_start3A_30 = arith.constant 0 : i32
    %dma_start3A_31 = arith.constant 0 : i32
    %dma_start3A_32 = tpu.memref_slice %arg4[%dma_start3A_30, %dma_start3A_31] : memref<100352x16xf32, #tpu.memory_space<hbm>> -> memref<100352x16xf32, #tpu.memory_space<hbm>>
    tpu.enqueue_indirect_dma source(%dma_start3A_32 : memref<100352x16xf32, #tpu.memory_space<hbm>>) target(%arg10 : memref<768x16xf32, #tpu.memory_space<vmem>>) offsets(%arg6 : memref<768xi32, #tpu.memory_space<vmem>>) semaphore(%arg13 : memref<!tpu.dma_semaphore, #tpu.memory_space<semaphore_mem>>)
    %add3A_33 = arith.constant 768 : i32
    %add3A_34 = arith.addi %mul3A_11, %add3A_33 : i32
    %dma_start3A_35 = tpu.memref_slice %arg2[%add3A_34] : memref<1622016xi32, #tpu.memory_space<hbm>> -> memref<768xi32, #tpu.memory_space<hbm>>
    %dma_start3A_36 = tpu.memref_slice %arg2[%add3A_34] : memref<1622016xi32, #tpu.memory_space<hbm>> -> memref<768xi32, #tpu.memory_space<hbm>>
    tpu.enqueue_dma source(%dma_start3A_36 : memref<768xi32, #tpu.memory_space<hbm>>) target(%arg8 : memref<768xi32, #tpu.memory_space<vmem>>) target_semaphore(%arg15 : memref<!tpu.dma_semaphore, #tpu.memory_space<semaphore_mem>>)
    %add3A_37 = arith.constant 768 : i32
    %add3A_38 = arith.addi %mul3A_11, %add3A_37 : i32
    %dma_start3A_39 = tpu.memref_slice %arg3[%add3A_38] : memref<1622016xi32, #tpu.memory_space<hbm>> -> memref<768xi32, #tpu.memory_space<hbm>>
    %dma_start3A_40 = tpu.memref_slice %arg3[%add3A_38] : memref<1622016xi32, #tpu.memory_space<hbm>> -> memref<768xi32, #tpu.memory_space<hbm>>
    tpu.enqueue_dma source(%dma_start3A_40 : memref<768xi32, #tpu.memory_space<hbm>>) target(%arg9 : memref<768xi32, #tpu.memory_space<vmem>>) target_semaphore(%arg15 : memref<!tpu.dma_semaphore, #tpu.memory_space<semaphore_mem>>)
    %dma_wait3A_41 = arith.constant 0 : i32
    %dma_wait3A_42 = arith.constant 0 : i32
    %dma_wait3A_43 = tpu.memref_slice %arg4[%dma_wait3A_41, %dma_wait3A_42] : memref<100352x16xf32, #tpu.memory_space<hbm>> -> memref<768x16xf32, #tpu.memory_space<hbm>>
    %dma_wait3A_44 = arith.constant 0 : i32
    %dma_wait3A_45 = arith.constant 0 : i32
    %dma_wait3A_46 = tpu.memref_slice %arg4[%dma_wait3A_44, %dma_wait3A_45] : memref<100352x16xf32, #tpu.memory_space<hbm>> -> memref<768x16xf32, #tpu.memory_space<hbm>>
    tpu.wait_dma2 semaphore(%arg13 : memref<!tpu.dma_semaphore, #tpu.memory_space<semaphore_mem>>) src(%dma_wait3A_46 : memref<768x16xf32, #tpu.memory_space<hbm>>) dst(%arg10 : memref<768x16xf32, #tpu.memory_space<vmem>>)
    %dma_start3A_47 = arith.constant 0 : i32
    %dma_start3A_48 = arith.constant 0 : i32
    %dma_start3A_49 = tpu.memref_slice %arg12[%dma_start3A_47, %dma_start3A_48] : memref<100352x16xf32, #tpu.memory_space<vmem_shared>> -> memref<100352x16xf32, #tpu.memory_space<vmem_shared>>
    tpu.enqueue_indirect_dma source(%arg10 : memref<768x16xf32, #tpu.memory_space<vmem>>) target(%dma_start3A_49 : memref<100352x16xf32, #tpu.memory_space<vmem_shared>>) offsets(%arg7 : memref<768xi32, #tpu.memory_space<vmem>>) semaphore(%arg14 : memref<!tpu.dma_semaphore, #tpu.memory_space<semaphore_mem>>) {add = true}
    %sub3A = arith.constant 0 : i32
    %sub3A_50 = arith.subi %select_n3A_15, %sub3A : i32
    %sub3A_51 = arith.constant 1 : i32
    %sub3A_52 = arith.constant 1 : i32
    %sub3A_53 = arith.subi %sub3A_51, %sub3A_52 : i32
    %add3A_54 = arith.addi %sub3A_50, %sub3A_53 : i32
    %div3A = arith.constant 1 : i32
    %div3A_55 = arith.divsi %add3A_54, %div3A : i32
    %while3A = arith.constant 1 : i32
    %while3A_56 = arith.constant 0 : i32
    %while3A_57 = arith.constant 0 : i32
    %while3A_58 = arith.subi %div3A_55, %while3A_57 : i32
    %while3A_59 = arith.addi %while3A_57, %while3A_58 : i32
    %while3A_60 = arith.constant 1 : i32
    %while3A_61 = arith.divsi %while3A_58, %while3A_60 : i32
    %while3A_62 = arith.muli %while3A_61, %while3A_60 : i32
    %while3A_63 = arith.addi %while3A_57, %while3A_62 : i32
    %while3A_64 = arith.constant 1 : i32
    scf.for %while3A_102 = %while3A_57 to %while3A_63 step %while3A_64  : i32 {
      %mul3A_103 = arith.muli %while3A_102, %while3A : i32
      %add3A_104 = arith.addi %while3A_56, %mul3A_103 : i32
      %mul3A_105 = arith.constant 2 : i32
      %mul3A_106 = arith.muli %mul3A_105, %add3A_104 : i32
      %add3A_107 = arith.constant 1 : i32
      %add3A_108 = arith.addi %mul3A_106, %add3A_107 : i32
      %dma_wait3A_109 = arith.constant 0 : i32
      %dma_wait3A_110 = tpu.memref_slice %arg2[%dma_wait3A_109] : memref<1622016xi32, #tpu.memory_space<hbm>> -> memref<768xi32, #tpu.memory_space<hbm>>
      %dma_wait3A_111 = arith.constant 0 : i32
      %dma_wait3A_112 = tpu.memref_slice %arg2[%dma_wait3A_111] : memref<1622016xi32, #tpu.memory_space<hbm>> -> memref<768xi32, #tpu.memory_space<hbm>>
      tpu.wait_dma2 semaphore(%arg15 : memref<!tpu.dma_semaphore, #tpu.memory_space<semaphore_mem>>) src(%dma_wait3A_112 : memref<768xi32, #tpu.memory_space<hbm>>) dst(%arg6 : memref<768xi32, #tpu.memory_space<vmem>>)
      %dma_wait3A_113 = arith.constant 0 : i32
      %dma_wait3A_114 = tpu.memref_slice %arg2[%dma_wait3A_113] : memref<1622016xi32, #tpu.memory_space<hbm>> -> memref<768xi32, #tpu.memory_space<hbm>>
      %dma_wait3A_115 = arith.constant 0 : i32
      %dma_wait3A_116 = tpu.memref_slice %arg2[%dma_wait3A_115] : memref<1622016xi32, #tpu.memory_space<hbm>> -> memref<768xi32, #tpu.memory_space<hbm>>
      tpu.wait_dma2 semaphore(%arg15 : memref<!tpu.dma_semaphore, #tpu.memory_space<semaphore_mem>>) src(%dma_wait3A_116 : memref<768xi32, #tpu.memory_space<hbm>>) dst(%arg6 : memref<768xi32, #tpu.memory_space<vmem>>)
      %dma_start3A_117 = arith.constant 0 : i32
      %dma_start3A_118 = arith.constant 0 : i32
      %dma_start3A_119 = tpu.memref_slice %arg4[%dma_start3A_117, %dma_start3A_118] : memref<100352x16xf32, #tpu.memory_space<hbm>> -> memref<100352x16xf32, #tpu.memory_space<hbm>>
      tpu.enqueue_indirect_dma source(%dma_start3A_119 : memref<100352x16xf32, #tpu.memory_space<hbm>>) target(%arg11 : memref<768x16xf32, #tpu.memory_space<vmem>>) offsets(%arg8 : memref<768xi32, #tpu.memory_space<vmem>>) semaphore(%arg13 : memref<!tpu.dma_semaphore, #tpu.memory_space<semaphore_mem>>)
      %dma_wait3A_120 = arith.constant 0 : i32
      %dma_wait3A_121 = arith.constant 0 : i32
      %dma_wait3A_122 = tpu.memref_slice %arg4[%dma_wait3A_120, %dma_wait3A_121] : memref<100352x16xf32, #tpu.memory_space<hbm>> -> memref<768x16xf32, #tpu.memory_space<hbm>>
      %dma_wait3A_123 = arith.constant 0 : i32
      %dma_wait3A_124 = arith.constant 0 : i32
      %dma_wait3A_125 = tpu.memref_slice %arg4[%dma_wait3A_123, %dma_wait3A_124] : memref<100352x16xf32, #tpu.memory_space<hbm>> -> memref<768x16xf32, #tpu.memory_space<hbm>>
      tpu.wait_dma2 semaphore(%arg14 : memref<!tpu.dma_semaphore, #tpu.memory_space<semaphore_mem>>) src(%dma_wait3A_125 : memref<768x16xf32, #tpu.memory_space<hbm>>) dst(%arg10 : memref<768x16xf32, #tpu.memory_space<vmem>>)
      %add3A_126 = arith.constant 1 : i32
      %add3A_127 = arith.addi %add3A_108, %add3A_126 : i32
      %mul3A_128 = arith.constant 768 : i32
      %mul3A_129 = arith.muli %add3A_127, %mul3A_128 : i32
      %add3A_130 = arith.addi %mul3A_11, %mul3A_129 : i32
      %dma_start3A_131 = tpu.memref_slice %arg2[%add3A_130] : memref<1622016xi32, #tpu.memory_space<hbm>> -> memref<768xi32, #tpu.memory_space<hbm>>
      %dma_start3A_132 = tpu.memref_slice %arg2[%add3A_130] : memref<1622016xi32, #tpu.memory_space<hbm>> -> memref<768xi32, #tpu.memory_space<hbm>>
      tpu.enqueue_dma source(%dma_start3A_132 : memref<768xi32, #tpu.memory_space<hbm>>) target(%arg6 : memref<768xi32, #tpu.memory_space<vmem>>) target_semaphore(%arg15 : memref<!tpu.dma_semaphore, #tpu.memory_space<semaphore_mem>>)
      %mul3A_133 = arith.constant 768 : i32
      %mul3A_134 = arith.muli %add3A_127, %mul3A_133 : i32
      %add3A_135 = arith.addi %mul3A_11, %mul3A_134 : i32
      %dma_start3A_136 = tpu.memref_slice %arg3[%add3A_135] : memref<1622016xi32, #tpu.memory_space<hbm>> -> memref<768xi32, #tpu.memory_space<hbm>>
      %dma_start3A_137 = tpu.memref_slice %arg3[%add3A_135] : memref<1622016xi32, #tpu.memory_space<hbm>> -> memref<768xi32, #tpu.memory_space<hbm>>
      tpu.enqueue_dma source(%dma_start3A_137 : memref<768xi32, #tpu.memory_space<hbm>>) target(%arg7 : memref<768xi32, #tpu.memory_space<vmem>>) target_semaphore(%arg15 : memref<!tpu.dma_semaphore, #tpu.memory_space<semaphore_mem>>)
      %dma_wait3A_138 = arith.constant 0 : i32
      %dma_wait3A_139 = arith.constant 0 : i32
      %dma_wait3A_140 = tpu.memref_slice %arg4[%dma_wait3A_138, %dma_wait3A_139] : memref<100352x16xf32, #tpu.memory_space<hbm>> -> memref<768x16xf32, #tpu.memory_space<hbm>>
      %dma_wait3A_141 = arith.constant 0 : i32
      %dma_wait3A_142 = arith.constant 0 : i32
      %dma_wait3A_143 = tpu.memref_slice %arg4[%dma_wait3A_141, %dma_wait3A_142] : memref<100352x16xf32, #tpu.memory_space<hbm>> -> memref<768x16xf32, #tpu.memory_space<hbm>>
      tpu.wait_dma2 semaphore(%arg13 : memref<!tpu.dma_semaphore, #tpu.memory_space<semaphore_mem>>) src(%dma_wait3A_143 : memref<768x16xf32, #tpu.memory_space<hbm>>) dst(%arg11 : memref<768x16xf32, #tpu.memory_space<vmem>>)
      %dma_start3A_144 = arith.constant 0 : i32
      %dma_start3A_145 = arith.constant 0 : i32
      %dma_start3A_146 = tpu.memref_slice %arg12[%dma_start3A_144, %dma_start3A_145] : memref<100352x16xf32, #tpu.memory_space<vmem_shared>> -> memref<100352x16xf32, #tpu.memory_space<vmem_shared>>
      tpu.enqueue_indirect_dma source(%arg11 : memref<768x16xf32, #tpu.memory_space<vmem>>) target(%dma_start3A_146 : memref<100352x16xf32, #tpu.memory_space<vmem_shared>>) offsets(%arg9 : memref<768xi32, #tpu.memory_space<vmem>>) semaphore(%arg14 : memref<!tpu.dma_semaphore, #tpu.memory_space<semaphore_mem>>) {add = true}
      %dma_wait3A_147 = arith.constant 0 : i32
      %dma_wait3A_148 = tpu.memref_slice %arg2[%dma_wait3A_147] : memref<1622016xi32, #tpu.memory_space<hbm>> -> memref<768xi32, #tpu.memory_space<hbm>>
      %dma_wait3A_149 = arith.constant 0 : i32
      %dma_wait3A_150 = tpu.memref_slice %arg2[%dma_wait3A_149] : memref<1622016xi32, #tpu.memory_space<hbm>> -> memref<768xi32, #tpu.memory_space<hbm>>
      tpu.wait_dma2 semaphore(%arg15 : memref<!tpu.dma_semaphore, #tpu.memory_space<semaphore_mem>>) src(%dma_wait3A_150 : memref<768xi32, #tpu.memory_space<hbm>>) dst(%arg6 : memref<768xi32, #tpu.memory_space<vmem>>)
      %dma_wait3A_151 = arith.constant 0 : i32
      %dma_wait3A_152 = tpu.memref_slice %arg2[%dma_wait3A_151] : memref<1622016xi32, #tpu.memory_space<hbm>> -> memref<768xi32, #tpu.memory_space<hbm>>
      %dma_wait3A_153 = arith.constant 0 : i32
      %dma_wait3A_154 = tpu.memref_slice %arg2[%dma_wait3A_153] : memref<1622016xi32, #tpu.memory_space<hbm>> -> memref<768xi32, #tpu.memory_space<hbm>>
      tpu.wait_dma2 semaphore(%arg15 : memref<!tpu.dma_semaphore, #tpu.memory_space<semaphore_mem>>) src(%dma_wait3A_154 : memref<768xi32, #tpu.memory_space<hbm>>) dst(%arg6 : memref<768xi32, #tpu.memory_space<vmem>>)
      %dma_start3A_155 = arith.constant 0 : i32
      %dma_start3A_156 = arith.constant 0 : i32
      %dma_start3A_157 = tpu.memref_slice %arg4[%dma_start3A_155, %dma_start3A_156] : memref<100352x16xf32, #tpu.memory_space<hbm>> -> memref<100352x16xf32, #tpu.memory_space<hbm>>
      tpu.enqueue_indirect_dma source(%dma_start3A_157 : memref<100352x16xf32, #tpu.memory_space<hbm>>) target(%arg10 : memref<768x16xf32, #tpu.memory_space<vmem>>) offsets(%arg6 : memref<768xi32, #tpu.memory_space<vmem>>) semaphore(%arg13 : memref<!tpu.dma_semaphore, #tpu.memory_space<semaphore_mem>>)
      %dma_wait3A_158 = arith.constant 0 : i32
      %dma_wait3A_159 = arith.constant 0 : i32
      %dma_wait3A_160 = tpu.memref_slice %arg4[%dma_wait3A_158, %dma_wait3A_159] : memref<100352x16xf32, #tpu.memory_space<hbm>> -> memref<768x16xf32, #tpu.memory_space<hbm>>
      %dma_wait3A_161 = arith.constant 0 : i32
      %dma_wait3A_162 = arith.constant 0 : i32
      %dma_wait3A_163 = tpu.memref_slice %arg4[%dma_wait3A_161, %dma_wait3A_162] : memref<100352x16xf32, #tpu.memory_space<hbm>> -> memref<768x16xf32, #tpu.memory_space<hbm>>
      tpu.wait_dma2 semaphore(%arg14 : memref<!tpu.dma_semaphore, #tpu.memory_space<semaphore_mem>>) src(%dma_wait3A_163 : memref<768x16xf32, #tpu.memory_space<hbm>>) dst(%arg11 : memref<768x16xf32, #tpu.memory_space<vmem>>)
      %add3A_164 = arith.constant 2 : i32
      %add3A_165 = arith.addi %add3A_108, %add3A_164 : i32
      %mul3A_166 = arith.constant 768 : i32
      %mul3A_167 = arith.muli %add3A_165, %mul3A_166 : i32
      %add3A_168 = arith.addi %mul3A_11, %mul3A_167 : i32
      %dma_start3A_169 = tpu.memref_slice %arg2[%add3A_168] : memref<1622016xi32, #tpu.memory_space<hbm>> -> memref<768xi32, #tpu.memory_space<hbm>>
      %dma_start3A_170 = tpu.memref_slice %arg2[%add3A_168] : memref<1622016xi32, #tpu.memory_space<hbm>> -> memref<768xi32, #tpu.memory_space<hbm>>
      tpu.enqueue_dma source(%dma_start3A_170 : memref<768xi32, #tpu.memory_space<hbm>>) target(%arg8 : memref<768xi32, #tpu.memory_space<vmem>>) target_semaphore(%arg15 : memref<!tpu.dma_semaphore, #tpu.memory_space<semaphore_mem>>)
      %mul3A_171 = arith.constant 768 : i32
      %mul3A_172 = arith.muli %add3A_165, %mul3A_171 : i32
      %add3A_173 = arith.addi %mul3A_11, %mul3A_172 : i32
      %dma_start3A_174 = tpu.memref_slice %arg3[%add3A_173] : memref<1622016xi32, #tpu.memory_space<hbm>> -> memref<768xi32, #tpu.memory_space<hbm>>
      %dma_start3A_175 = tpu.memref_slice %arg3[%add3A_173] : memref<1622016xi32, #tpu.memory_space<hbm>> -> memref<768xi32, #tpu.memory_space<hbm>>
      tpu.enqueue_dma source(%dma_start3A_175 : memref<768xi32, #tpu.memory_space<hbm>>) target(%arg9 : memref<768xi32, #tpu.memory_space<vmem>>) target_semaphore(%arg15 : memref<!tpu.dma_semaphore, #tpu.memory_space<semaphore_mem>>)
      %dma_wait3A_176 = arith.constant 0 : i32
      %dma_wait3A_177 = arith.constant 0 : i32
      %dma_wait3A_178 = tpu.memref_slice %arg4[%dma_wait3A_176, %dma_wait3A_177] : memref<100352x16xf32, #tpu.memory_space<hbm>> -> memref<768x16xf32, #tpu.memory_space<hbm>>
      %dma_wait3A_179 = arith.constant 0 : i32
      %dma_wait3A_180 = arith.constant 0 : i32
      %dma_wait3A_181 = tpu.memref_slice %arg4[%dma_wait3A_179, %dma_wait3A_180] : memref<100352x16xf32, #tpu.memory_space<hbm>> -> memref<768x16xf32, #tpu.memory_space<hbm>>
      tpu.wait_dma2 semaphore(%arg13 : memref<!tpu.dma_semaphore, #tpu.memory_space<semaphore_mem>>) src(%dma_wait3A_181 : memref<768x16xf32, #tpu.memory_space<hbm>>) dst(%arg10 : memref<768x16xf32, #tpu.memory_space<vmem>>)
      %dma_start3A_182 = arith.constant 0 : i32
      %dma_start3A_183 = arith.constant 0 : i32
      %dma_start3A_184 = tpu.memref_slice %arg12[%dma_start3A_182, %dma_start3A_183] : memref<100352x16xf32, #tpu.memory_space<vmem_shared>> -> memref<100352x16xf32, #tpu.memory_space<vmem_shared>>
      tpu.enqueue_indirect_dma source(%arg10 : memref<768x16xf32, #tpu.memory_space<vmem>>) target(%dma_start3A_184 : memref<100352x16xf32, #tpu.memory_space<vmem_shared>>) offsets(%arg7 : memref<768xi32, #tpu.memory_space<vmem>>) semaphore(%arg14 : memref<!tpu.dma_semaphore, #tpu.memory_space<semaphore_mem>>) {add = true}
    }
    %while3A_65 = arith.constant 1 : i32
    scf.for %while3A_102 = %while3A_63 to %while3A_59 step %while3A_65  : i32 {
      %mul3A_103 = arith.muli %while3A_102, %while3A : i32
      %add3A_104 = arith.addi %while3A_56, %mul3A_103 : i32
      %mul3A_105 = arith.constant 2 : i32
      %mul3A_106 = arith.muli %mul3A_105, %add3A_104 : i32
      %add3A_107 = arith.constant 1 : i32
      %add3A_108 = arith.addi %mul3A_106, %add3A_107 : i32
      %dma_wait3A_109 = arith.constant 0 : i32
      %dma_wait3A_110 = tpu.memref_slice %arg2[%dma_wait3A_109] : memref<1622016xi32, #tpu.memory_space<hbm>> -> memref<768xi32, #tpu.memory_space<hbm>>
      %dma_wait3A_111 = arith.constant 0 : i32
      %dma_wait3A_112 = tpu.memref_slice %arg2[%dma_wait3A_111] : memref<1622016xi32, #tpu.memory_space<hbm>> -> memref<768xi32, #tpu.memory_space<hbm>>
      tpu.wait_dma2 semaphore(%arg15 : memref<!tpu.dma_semaphore, #tpu.memory_space<semaphore_mem>>) src(%dma_wait3A_112 : memref<768xi32, #tpu.memory_space<hbm>>) dst(%arg6 : memref<768xi32, #tpu.memory_space<vmem>>)
      %dma_wait3A_113 = arith.constant 0 : i32
      %dma_wait3A_114 = tpu.memref_slice %arg2[%dma_wait3A_113] : memref<1622016xi32, #tpu.memory_space<hbm>> -> memref<768xi32, #tpu.memory_space<hbm>>
      %dma_wait3A_115 = arith.constant 0 : i32
      %dma_wait3A_116 = tpu.memref_slice %arg2[%dma_wait3A_115] : memref<1622016xi32, #tpu.memory_space<hbm>> -> memref<768xi32, #tpu.memory_space<hbm>>
      tpu.wait_dma2 semaphore(%arg15 : memref<!tpu.dma_semaphore, #tpu.memory_space<semaphore_mem>>) src(%dma_wait3A_116 : memref<768xi32, #tpu.memory_space<hbm>>) dst(%arg6 : memref<768xi32, #tpu.memory_space<vmem>>)
      %dma_start3A_117 = arith.constant 0 : i32
      %dma_start3A_118 = arith.constant 0 : i32
      %dma_start3A_119 = tpu.memref_slice %arg4[%dma_start3A_117, %dma_start3A_118] : memref<100352x16xf32, #tpu.memory_space<hbm>> -> memref<100352x16xf32, #tpu.memory_space<hbm>>
      tpu.enqueue_indirect_dma source(%dma_start3A_119 : memref<100352x16xf32, #tpu.memory_space<hbm>>) target(%arg11 : memref<768x16xf32, #tpu.memory_space<vmem>>) offsets(%arg8 : memref<768xi32, #tpu.memory_space<vmem>>) semaphore(%arg13 : memref<!tpu.dma_semaphore, #tpu.memory_space<semaphore_mem>>)
      %dma_wait3A_120 = arith.constant 0 : i32
      %dma_wait3A_121 = arith.constant 0 : i32
      %dma_wait3A_122 = tpu.memref_slice %arg4[%dma_wait3A_120, %dma_wait3A_121] : memref<100352x16xf32, #tpu.memory_space<hbm>> -> memref<768x16xf32, #tpu.memory_space<hbm>>
      %dma_wait3A_123 = arith.constant 0 : i32
      %dma_wait3A_124 = arith.constant 0 : i32
      %dma_wait3A_125 = tpu.memref_slice %arg4[%dma_wait3A_123, %dma_wait3A_124] : memref<100352x16xf32, #tpu.memory_space<hbm>> -> memref<768x16xf32, #tpu.memory_space<hbm>>
      tpu.wait_dma2 semaphore(%arg14 : memref<!tpu.dma_semaphore, #tpu.memory_space<semaphore_mem>>) src(%dma_wait3A_125 : memref<768x16xf32, #tpu.memory_space<hbm>>) dst(%arg10 : memref<768x16xf32, #tpu.memory_space<vmem>>)
      %add3A_126 = arith.constant 1 : i32
      %add3A_127 = arith.addi %add3A_108, %add3A_126 : i32
      %mul3A_128 = arith.constant 768 : i32
      %mul3A_129 = arith.muli %add3A_127, %mul3A_128 : i32
      %add3A_130 = arith.addi %mul3A_11, %mul3A_129 : i32
      %dma_start3A_131 = tpu.memref_slice %arg2[%add3A_130] : memref<1622016xi32, #tpu.memory_space<hbm>> -> memref<768xi32, #tpu.memory_space<hbm>>
      %dma_start3A_132 = tpu.memref_slice %arg2[%add3A_130] : memref<1622016xi32, #tpu.memory_space<hbm>> -> memref<768xi32, #tpu.memory_space<hbm>>
      tpu.enqueue_dma source(%dma_start3A_132 : memref<768xi32, #tpu.memory_space<hbm>>) target(%arg6 : memref<768xi32, #tpu.memory_space<vmem>>) target_semaphore(%arg15 : memref<!tpu.dma_semaphore, #tpu.memory_space<semaphore_mem>>)
      %mul3A_133 = arith.constant 768 : i32
      %mul3A_134 = arith.muli %add3A_127, %mul3A_133 : i32
      %add3A_135 = arith.addi %mul3A_11, %mul3A_134 : i32
      %dma_start3A_136 = tpu.memref_slice %arg3[%add3A_135] : memref<1622016xi32, #tpu.memory_space<hbm>> -> memref<768xi32, #tpu.memory_space<hbm>>
      %dma_start3A_137 = tpu.memref_slice %arg3[%add3A_135] : memref<1622016xi32, #tpu.memory_space<hbm>> -> memref<768xi32, #tpu.memory_space<hbm>>
      tpu.enqueue_dma source(%dma_start3A_137 : memref<768xi32, #tpu.memory_space<hbm>>) target(%arg7 : memref<768xi32, #tpu.memory_space<vmem>>) target_semaphore(%arg15 : memref<!tpu.dma_semaphore, #tpu.memory_space<semaphore_mem>>)
      %dma_wait3A_138 = arith.constant 0 : i32
      %dma_wait3A_139 = arith.constant 0 : i32
      %dma_wait3A_140 = tpu.memref_slice %arg4[%dma_wait3A_138, %dma_wait3A_139] : memref<100352x16xf32, #tpu.memory_space<hbm>> -> memref<768x16xf32, #tpu.memory_space<hbm>>
      %dma_wait3A_141 = arith.constant 0 : i32
      %dma_wait3A_142 = arith.constant 0 : i32
      %dma_wait3A_143 = tpu.memref_slice %arg4[%dma_wait3A_141, %dma_wait3A_142] : memref<100352x16xf32, #tpu.memory_space<hbm>> -> memref<768x16xf32, #tpu.memory_space<hbm>>
      tpu.wait_dma2 semaphore(%arg13 : memref<!tpu.dma_semaphore, #tpu.memory_space<semaphore_mem>>) src(%dma_wait3A_143 : memref<768x16xf32, #tpu.memory_space<hbm>>) dst(%arg11 : memref<768x16xf32, #tpu.memory_space<vmem>>)
      %dma_start3A_144 = arith.constant 0 : i32
      %dma_start3A_145 = arith.constant 0 : i32
      %dma_start3A_146 = tpu.memref_slice %arg12[%dma_start3A_144, %dma_start3A_145] : memref<100352x16xf32, #tpu.memory_space<vmem_shared>> -> memref<100352x16xf32, #tpu.memory_space<vmem_shared>>
      tpu.enqueue_indirect_dma source(%arg11 : memref<768x16xf32, #tpu.memory_space<vmem>>) target(%dma_start3A_146 : memref<100352x16xf32, #tpu.memory_space<vmem_shared>>) offsets(%arg9 : memref<768xi32, #tpu.memory_space<vmem>>) semaphore(%arg14 : memref<!tpu.dma_semaphore, #tpu.memory_space<semaphore_mem>>) {add = true}
      %dma_wait3A_147 = arith.constant 0 : i32
      %dma_wait3A_148 = tpu.memref_slice %arg2[%dma_wait3A_147] : memref<1622016xi32, #tpu.memory_space<hbm>> -> memref<768xi32, #tpu.memory_space<hbm>>
      %dma_wait3A_149 = arith.constant 0 : i32
      %dma_wait3A_150 = tpu.memref_slice %arg2[%dma_wait3A_149] : memref<1622016xi32, #tpu.memory_space<hbm>> -> memref<768xi32, #tpu.memory_space<hbm>>
      tpu.wait_dma2 semaphore(%arg15 : memref<!tpu.dma_semaphore, #tpu.memory_space<semaphore_mem>>) src(%dma_wait3A_150 : memref<768xi32, #tpu.memory_space<hbm>>) dst(%arg6 : memref<768xi32, #tpu.memory_space<vmem>>)
      %dma_wait3A_151 = arith.constant 0 : i32
      %dma_wait3A_152 = tpu.memref_slice %arg2[%dma_wait3A_151] : memref<1622016xi32, #tpu.memory_space<hbm>> -> memref<768xi32, #tpu.memory_space<hbm>>
      %dma_wait3A_153 = arith.constant 0 : i32
      %dma_wait3A_154 = tpu.memref_slice %arg2[%dma_wait3A_153] : memref<1622016xi32, #tpu.memory_space<hbm>> -> memref<768xi32, #tpu.memory_space<hbm>>
      tpu.wait_dma2 semaphore(%arg15 : memref<!tpu.dma_semaphore, #tpu.memory_space<semaphore_mem>>) src(%dma_wait3A_154 : memref<768xi32, #tpu.memory_space<hbm>>) dst(%arg6 : memref<768xi32, #tpu.memory_space<vmem>>)
      %dma_start3A_155 = arith.constant 0 : i32
      %dma_start3A_156 = arith.constant 0 : i32
      %dma_start3A_157 = tpu.memref_slice %arg4[%dma_start3A_155, %dma_start3A_156] : memref<100352x16xf32, #tpu.memory_space<hbm>> -> memref<100352x16xf32, #tpu.memory_space<hbm>>
      tpu.enqueue_indirect_dma source(%dma_start3A_157 : memref<100352x16xf32, #tpu.memory_space<hbm>>) target(%arg10 : memref<768x16xf32, #tpu.memory_space<vmem>>) offsets(%arg6 : memref<768xi32, #tpu.memory_space<vmem>>) semaphore(%arg13 : memref<!tpu.dma_semaphore, #tpu.memory_space<semaphore_mem>>)
      %dma_wait3A_158 = arith.constant 0 : i32
      %dma_wait3A_159 = arith.constant 0 : i32
      %dma_wait3A_160 = tpu.memref_slice %arg4[%dma_wait3A_158, %dma_wait3A_159] : memref<100352x16xf32, #tpu.memory_space<hbm>> -> memref<768x16xf32, #tpu.memory_space<hbm>>
      %dma_wait3A_161 = arith.constant 0 : i32
      %dma_wait3A_162 = arith.constant 0 : i32
      %dma_wait3A_163 = tpu.memref_slice %arg4[%dma_wait3A_161, %dma_wait3A_162] : memref<100352x16xf32, #tpu.memory_space<hbm>> -> memref<768x16xf32, #tpu.memory_space<hbm>>
      tpu.wait_dma2 semaphore(%arg14 : memref<!tpu.dma_semaphore, #tpu.memory_space<semaphore_mem>>) src(%dma_wait3A_163 : memref<768x16xf32, #tpu.memory_space<hbm>>) dst(%arg11 : memref<768x16xf32, #tpu.memory_space<vmem>>)
      %add3A_164 = arith.constant 2 : i32
      %add3A_165 = arith.addi %add3A_108, %add3A_164 : i32
      %mul3A_166 = arith.constant 768 : i32
      %mul3A_167 = arith.muli %add3A_165, %mul3A_166 : i32
      %add3A_168 = arith.addi %mul3A_11, %mul3A_167 : i32
      %dma_start3A_169 = tpu.memref_slice %arg2[%add3A_168] : memref<1622016xi32, #tpu.memory_space<hbm>> -> memref<768xi32, #tpu.memory_space<hbm>>
      %dma_start3A_170 = tpu.memref_slice %arg2[%add3A_168] : memref<1622016xi32, #tpu.memory_space<hbm>> -> memref<768xi32, #tpu.memory_space<hbm>>
      tpu.enqueue_dma source(%dma_start3A_170 : memref<768xi32, #tpu.memory_space<hbm>>) target(%arg8 : memref<768xi32, #tpu.memory_space<vmem>>) target_semaphore(%arg15 : memref<!tpu.dma_semaphore, #tpu.memory_space<semaphore_mem>>)
      %mul3A_171 = arith.constant 768 : i32
      %mul3A_172 = arith.muli %add3A_165, %mul3A_171 : i32
      %add3A_173 = arith.addi %mul3A_11, %mul3A_172 : i32
      %dma_start3A_174 = tpu.memref_slice %arg3[%add3A_173] : memref<1622016xi32, #tpu.memory_space<hbm>> -> memref<768xi32, #tpu.memory_space<hbm>>
      %dma_start3A_175 = tpu.memref_slice %arg3[%add3A_173] : memref<1622016xi32, #tpu.memory_space<hbm>> -> memref<768xi32, #tpu.memory_space<hbm>>
      tpu.enqueue_dma source(%dma_start3A_175 : memref<768xi32, #tpu.memory_space<hbm>>) target(%arg9 : memref<768xi32, #tpu.memory_space<vmem>>) target_semaphore(%arg15 : memref<!tpu.dma_semaphore, #tpu.memory_space<semaphore_mem>>)
      %dma_wait3A_176 = arith.constant 0 : i32
      %dma_wait3A_177 = arith.constant 0 : i32
      %dma_wait3A_178 = tpu.memref_slice %arg4[%dma_wait3A_176, %dma_wait3A_177] : memref<100352x16xf32, #tpu.memory_space<hbm>> -> memref<768x16xf32, #tpu.memory_space<hbm>>
      %dma_wait3A_179 = arith.constant 0 : i32
      %dma_wait3A_180 = arith.constant 0 : i32
      %dma_wait3A_181 = tpu.memref_slice %arg4[%dma_wait3A_179, %dma_wait3A_180] : memref<100352x16xf32, #tpu.memory_space<hbm>> -> memref<768x16xf32, #tpu.memory_space<hbm>>
      tpu.wait_dma2 semaphore(%arg13 : memref<!tpu.dma_semaphore, #tpu.memory_space<semaphore_mem>>) src(%dma_wait3A_181 : memref<768x16xf32, #tpu.memory_space<hbm>>) dst(%arg10 : memref<768x16xf32, #tpu.memory_space<vmem>>)
      %dma_start3A_182 = arith.constant 0 : i32
      %dma_start3A_183 = arith.constant 0 : i32
      %dma_start3A_184 = tpu.memref_slice %arg12[%dma_start3A_182, %dma_start3A_183] : memref<100352x16xf32, #tpu.memory_space<vmem_shared>> -> memref<100352x16xf32, #tpu.memory_space<vmem_shared>>
      tpu.enqueue_indirect_dma source(%arg10 : memref<768x16xf32, #tpu.memory_space<vmem>>) target(%dma_start3A_184 : memref<100352x16xf32, #tpu.memory_space<vmem_shared>>) offsets(%arg7 : memref<768xi32, #tpu.memory_space<vmem>>) semaphore(%arg14 : memref<!tpu.dma_semaphore, #tpu.memory_space<semaphore_mem>>) {add = true}
    }
    %dma_wait3A_66 = arith.constant 0 : i32
    %dma_wait3A_67 = tpu.memref_slice %arg2[%dma_wait3A_66] : memref<1622016xi32, #tpu.memory_space<hbm>> -> memref<768xi32, #tpu.memory_space<hbm>>
    %dma_wait3A_68 = arith.constant 0 : i32
    %dma_wait3A_69 = tpu.memref_slice %arg2[%dma_wait3A_68] : memref<1622016xi32, #tpu.memory_space<hbm>> -> memref<768xi32, #tpu.memory_space<hbm>>
    tpu.wait_dma2 semaphore(%arg15 : memref<!tpu.dma_semaphore, #tpu.memory_space<semaphore_mem>>) src(%dma_wait3A_69 : memref<768xi32, #tpu.memory_space<hbm>>) dst(%arg6 : memref<768xi32, #tpu.memory_space<vmem>>)
    %dma_wait3A_70 = arith.constant 0 : i32
    %dma_wait3A_71 = tpu.memref_slice %arg2[%dma_wait3A_70] : memref<1622016xi32, #tpu.memory_space<hbm>> -> memref<768xi32, #tpu.memory_space<hbm>>
    %dma_wait3A_72 = arith.constant 0 : i32
    %dma_wait3A_73 = tpu.memref_slice %arg2[%dma_wait3A_72] : memref<1622016xi32, #tpu.memory_space<hbm>> -> memref<768xi32, #tpu.memory_space<hbm>>
    tpu.wait_dma2 semaphore(%arg15 : memref<!tpu.dma_semaphore, #tpu.memory_space<semaphore_mem>>) src(%dma_wait3A_73 : memref<768xi32, #tpu.memory_space<hbm>>) dst(%arg6 : memref<768xi32, #tpu.memory_space<vmem>>)
    %dma_start3A_74 = arith.constant 0 : i32
    %dma_start3A_75 = arith.constant 0 : i32
    %dma_start3A_76 = tpu.memref_slice %arg4[%dma_start3A_74, %dma_start3A_75] : memref<100352x16xf32, #tpu.memory_space<hbm>> -> memref<100352x16xf32, #tpu.memory_space<hbm>>
    tpu.enqueue_indirect_dma source(%dma_start3A_76 : memref<100352x16xf32, #tpu.memory_space<hbm>>) target(%arg11 : memref<768x16xf32, #tpu.memory_space<vmem>>) offsets(%arg8 : memref<768xi32, #tpu.memory_space<vmem>>) semaphore(%arg13 : memref<!tpu.dma_semaphore, #tpu.memory_space<semaphore_mem>>)
    %dma_wait3A_77 = arith.constant 0 : i32
    %dma_wait3A_78 = arith.constant 0 : i32
    %dma_wait3A_79 = tpu.memref_slice %arg4[%dma_wait3A_77, %dma_wait3A_78] : memref<100352x16xf32, #tpu.memory_space<hbm>> -> memref<768x16xf32, #tpu.memory_space<hbm>>
    %dma_wait3A_80 = arith.constant 0 : i32
    %dma_wait3A_81 = arith.constant 0 : i32
    %dma_wait3A_82 = tpu.memref_slice %arg4[%dma_wait3A_80, %dma_wait3A_81] : memref<100352x16xf32, #tpu.memory_space<hbm>> -> memref<768x16xf32, #tpu.memory_space<hbm>>
    tpu.wait_dma2 semaphore(%arg14 : memref<!tpu.dma_semaphore, #tpu.memory_space<semaphore_mem>>) src(%dma_wait3A_82 : memref<768x16xf32, #tpu.memory_space<hbm>>) dst(%arg10 : memref<768x16xf32, #tpu.memory_space<vmem>>)
    %dma_wait3A_83 = arith.constant 0 : i32
    %dma_wait3A_84 = arith.constant 0 : i32
    %dma_wait3A_85 = tpu.memref_slice %arg4[%dma_wait3A_83, %dma_wait3A_84] : memref<100352x16xf32, #tpu.memory_space<hbm>> -> memref<768x16xf32, #tpu.memory_space<hbm>>
    %dma_wait3A_86 = arith.constant 0 : i32
    %dma_wait3A_87 = arith.constant 0 : i32
    %dma_wait3A_88 = tpu.memref_slice %arg4[%dma_wait3A_86, %dma_wait3A_87] : memref<100352x16xf32, #tpu.memory_space<hbm>> -> memref<768x16xf32, #tpu.memory_space<hbm>>
    tpu.wait_dma2 semaphore(%arg13 : memref<!tpu.dma_semaphore, #tpu.memory_space<semaphore_mem>>) src(%dma_wait3A_88 : memref<768x16xf32, #tpu.memory_space<hbm>>) dst(%arg11 : memref<768x16xf32, #tpu.memory_space<vmem>>)
    %dma_start3A_89 = arith.constant 0 : i32
    %dma_start3A_90 = arith.constant 0 : i32
    %dma_start3A_91 = tpu.memref_slice %arg12[%dma_start3A_89, %dma_start3A_90] : memref<100352x16xf32, #tpu.memory_space<vmem_shared>> -> memref<100352x16xf32, #tpu.memory_space<vmem_shared>>
    tpu.enqueue_indirect_dma source(%arg11 : memref<768x16xf32, #tpu.memory_space<vmem>>) target(%dma_start3A_91 : memref<100352x16xf32, #tpu.memory_space<vmem_shared>>) offsets(%arg9 : memref<768xi32, #tpu.memory_space<vmem>>) semaphore(%arg14 : memref<!tpu.dma_semaphore, #tpu.memory_space<semaphore_mem>>) {add = true}
    %dma_wait3A_92 = arith.constant 0 : i32
    %dma_wait3A_93 = arith.constant 0 : i32
    %dma_wait3A_94 = tpu.memref_slice %arg4[%dma_wait3A_92, %dma_wait3A_93] : memref<100352x16xf32, #tpu.memory_space<hbm>> -> memref<768x16xf32, #tpu.memory_space<hbm>>
    %dma_wait3A_95 = arith.constant 0 : i32
    %dma_wait3A_96 = arith.constant 0 : i32
    %dma_wait3A_97 = tpu.memref_slice %arg4[%dma_wait3A_95, %dma_wait3A_96] : memref<100352x16xf32, #tpu.memory_space<hbm>> -> memref<768x16xf32, #tpu.memory_space<hbm>>
    tpu.wait_dma2 semaphore(%arg14 : memref<!tpu.dma_semaphore, #tpu.memory_space<semaphore_mem>>) src(%dma_wait3A_97 : memref<768x16xf32, #tpu.memory_space<hbm>>) dst(%arg11 : memref<768x16xf32, #tpu.memory_space<vmem>>)
    %barrier3A_98 = arith.constant 0 : index
    tpu.barrier barrier_id(%barrier3A_98)
    %mul3A_99 = arith.constant 100352 : i32
    %mul3A_100 = arith.muli %arg0, %mul3A_99 : i32
    %add3A_101 = arith.addi %mul3A_100, %mul3A_2 : i32
    "tpu.region"() ({
      %run_scoped3A = tpu.sem_alloc : memref<!tpu.dma_semaphore, #tpu.memory_space<semaphore_mem>>
      %dma_start3A_102 = arith.constant 0 : i32
      %dma_start3A_103 = tpu.memref_slice %arg5[%add3A_101, %dma_start3A_102] : memref<200704x16xf32, #tpu.memory_space<hbm>> -> memref<6272x16xf32, #tpu.memory_space<hbm>>
      %dma_start3A_104 = arith.constant 0 : i32
      %dma_start3A_105 = tpu.memref_slice %arg12[%mul3A_2, %dma_start3A_104] : memref<100352x16xf32, #tpu.memory_space<vmem_shared>> -> memref<6272x16xf32, #tpu.memory_space<vmem_shared>>
      tpu.enqueue_dma source(%dma_start3A_105 : memref<6272x16xf32, #tpu.memory_space<vmem_shared>>) target(%dma_start3A_103 : memref<6272x16xf32, #tpu.memory_space<hbm>>) target_semaphore(%run_scoped3A : memref<!tpu.dma_semaphore, #tpu.memory_space<semaphore_mem>>)
      %dma_wait3A_106 = arith.constant 0 : i32
      %dma_wait3A_107 = tpu.memref_slice %arg5[%add3A_101, %dma_wait3A_106] : memref<200704x16xf32, #tpu.memory_space<hbm>> -> memref<6272x16xf32, #tpu.memory_space<hbm>>
      %dma_wait3A_108 = arith.constant 0 : i32
      %dma_wait3A_109 = tpu.memref_slice %arg12[%mul3A_2, %dma_wait3A_108] : memref<100352x16xf32, #tpu.memory_space<vmem_shared>> -> memref<6272x16xf32, #tpu.memory_space<vmem_shared>>
      tpu.wait_dma2 semaphore(%run_scoped3A : memref<!tpu.dma_semaphore, #tpu.memory_space<semaphore_mem>>) src(%dma_wait3A_109 : memref<6272x16xf32, #tpu.memory_space<vmem_shared>>) dst(%dma_wait3A_107 : memref<6272x16xf32, #tpu.memory_space<hbm>>)
      tpu.yield
    }) : () -> ()
    return
  }
}

#map = affine_map<(d0, d1) -> (0)>
#map1 = affine_map<(d0, d1) -> (0, 0)>
module attributes {stable_mosaic.version = 14 : i64} {
  func.func @_sc_deg(%arg0: i32, %arg1: i32, %arg2: memref<1622016xi32, #tpu.memory_space<hbm>>, %arg3: memref<768x16xf32, #tpu.memory_space<hbm>>, %arg4: memref<100352x16xf32, #tpu.memory_space<hbm>>, %arg5: memref<200704x16xf32, #tpu.memory_space<hbm>>, %arg6: memref<768xi32, #tpu.memory_space<vmem>>, %arg7: memref<768xi32, #tpu.memory_space<vmem>>, %arg8: memref<768x16xf32, #tpu.memory_space<vmem>>, %arg9: memref<100352x16xf32, #tpu.memory_space<vmem_shared>>, %arg10: memref<!tpu.dma_semaphore, #tpu.memory_space<semaphore_mem>>, %arg11: memref<!tpu.dma_semaphore, #tpu.memory_space<semaphore_mem>>) attributes {dimension_semantics = [#tpu.dimension_semantics<core_parallel>, #tpu.dimension_semantics<subcore_parallel>], iteration_bounds = array<i64: 2, 16>, scalar_prefetch = 0 : i64, scratch_operands = 6 : i64, tpu.core_type = #tpu.core_type<sc_vector_subcore>, window_params = [{transform_indices = #map}, {transform_indices = #map1}, {transform_indices = #map1}, {transform_indices = #map1}]} {
    %mul3A = arith.constant 2 : i32
    %mul3A_0 = arith.muli %arg1, %mul3A : i32
    %add3A = arith.addi %mul3A_0, %arg0 : i32
    %mul3A_1 = arith.constant 6272 : i32
    %mul3A_2 = arith.muli %arg1, %mul3A_1 : i32
    "tpu.region"() ({
      %run_scoped3A = tpu.sem_alloc : memref<!tpu.dma_semaphore, #tpu.memory_space<semaphore_mem>>
      %dma_start3A_33 = arith.constant 0 : i32
      %dma_start3A_34 = tpu.memref_slice %arg9[%mul3A_2, %dma_start3A_33] : memref<100352x16xf32, #tpu.memory_space<vmem_shared>> -> memref<6272x16xf32, #tpu.memory_space<vmem_shared>>
      %dma_start3A_35 = arith.constant 0 : i32
      %dma_start3A_36 = tpu.memref_slice %arg4[%mul3A_2, %dma_start3A_35] : memref<100352x16xf32, #tpu.memory_space<hbm>> -> memref<6272x16xf32, #tpu.memory_space<hbm>>
      tpu.enqueue_dma source(%dma_start3A_36 : memref<6272x16xf32, #tpu.memory_space<hbm>>) target(%dma_start3A_34 : memref<6272x16xf32, #tpu.memory_space<vmem_shared>>) target_semaphore(%run_scoped3A : memref<!tpu.dma_semaphore, #tpu.memory_space<semaphore_mem>>)
      %dma_wait3A_37 = arith.constant 0 : i32
      %dma_wait3A_38 = tpu.memref_slice %arg9[%mul3A_2, %dma_wait3A_37] : memref<100352x16xf32, #tpu.memory_space<vmem_shared>> -> memref<6272x16xf32, #tpu.memory_space<vmem_shared>>
      %dma_wait3A_39 = arith.constant 0 : i32
      %dma_wait3A_40 = tpu.memref_slice %arg4[%mul3A_2, %dma_wait3A_39] : memref<100352x16xf32, #tpu.memory_space<hbm>> -> memref<6272x16xf32, #tpu.memory_space<hbm>>
      tpu.wait_dma2 semaphore(%run_scoped3A : memref<!tpu.dma_semaphore, #tpu.memory_space<semaphore_mem>>) src(%dma_wait3A_40 : memref<6272x16xf32, #tpu.memory_space<hbm>>) dst(%dma_wait3A_38 : memref<6272x16xf32, #tpu.memory_space<vmem_shared>>)
      tpu.yield
    }) : () -> ()
    "tpu.region"() ({
      %run_scoped3A = tpu.sem_alloc : memref<!tpu.dma_semaphore, #tpu.memory_space<semaphore_mem>>
      tpu.enqueue_dma source(%arg3 : memref<768x16xf32, #tpu.memory_space<hbm>>) target(%arg8 : memref<768x16xf32, #tpu.memory_space<vmem>>) target_semaphore(%run_scoped3A : memref<!tpu.dma_semaphore, #tpu.memory_space<semaphore_mem>>)
      tpu.wait_dma2 semaphore(%run_scoped3A : memref<!tpu.dma_semaphore, #tpu.memory_space<semaphore_mem>>) src(%arg3 : memref<768x16xf32, #tpu.memory_space<hbm>>) dst(%arg8 : memref<768x16xf32, #tpu.memory_space<vmem>>)
      tpu.yield
    }) : () -> ()
    %barrier3A = arith.constant 0 : index
    tpu.barrier barrier_id(%barrier3A)
    %mul3A_3 = arith.constant 50688 : i32
    %mul3A_4 = arith.muli %add3A, %mul3A_3 : i32
    %add3A_5 = arith.constant 0 : i32
    %add3A_6 = arith.addi %mul3A_4, %add3A_5 : i32
    %dma_start3A = tpu.memref_slice %arg2[%add3A_6] : memref<1622016xi32, #tpu.memory_space<hbm>> -> memref<768xi32, #tpu.memory_space<hbm>>
    %dma_start3A_7 = tpu.memref_slice %arg2[%add3A_6] : memref<1622016xi32, #tpu.memory_space<hbm>> -> memref<768xi32, #tpu.memory_space<hbm>>
    tpu.enqueue_dma source(%dma_start3A_7 : memref<768xi32, #tpu.memory_space<hbm>>) target(%arg6 : memref<768xi32, #tpu.memory_space<vmem>>) target_semaphore(%arg11 : memref<!tpu.dma_semaphore, #tpu.memory_space<semaphore_mem>>)
    %dma_wait3A = arith.constant 0 : i32
    %dma_wait3A_8 = tpu.memref_slice %arg2[%dma_wait3A] : memref<1622016xi32, #tpu.memory_space<hbm>> -> memref<768xi32, #tpu.memory_space<hbm>>
    %dma_wait3A_9 = arith.constant 0 : i32
    %dma_wait3A_10 = tpu.memref_slice %arg2[%dma_wait3A_9] : memref<1622016xi32, #tpu.memory_space<hbm>> -> memref<768xi32, #tpu.memory_space<hbm>>
    tpu.wait_dma2 semaphore(%arg11 : memref<!tpu.dma_semaphore, #tpu.memory_space<semaphore_mem>>) src(%dma_wait3A_10 : memref<768xi32, #tpu.memory_space<hbm>>) dst(%arg6 : memref<768xi32, #tpu.memory_space<vmem>>)
    %add3A_11 = arith.constant 768 : i32
    %add3A_12 = arith.addi %mul3A_4, %add3A_11 : i32
    %dma_start3A_13 = tpu.memref_slice %arg2[%add3A_12] : memref<1622016xi32, #tpu.memory_space<hbm>> -> memref<768xi32, #tpu.memory_space<hbm>>
    %dma_start3A_14 = tpu.memref_slice %arg2[%add3A_12] : memref<1622016xi32, #tpu.memory_space<hbm>> -> memref<768xi32, #tpu.memory_space<hbm>>
    tpu.enqueue_dma source(%dma_start3A_14 : memref<768xi32, #tpu.memory_space<hbm>>) target(%arg7 : memref<768xi32, #tpu.memory_space<vmem>>) target_semaphore(%arg11 : memref<!tpu.dma_semaphore, #tpu.memory_space<semaphore_mem>>)
    %dma_start3A_15 = arith.constant 0 : i32
    %dma_start3A_16 = arith.constant 0 : i32
    %dma_start3A_17 = tpu.memref_slice %arg9[%dma_start3A_15, %dma_start3A_16] : memref<100352x16xf32, #tpu.memory_space<vmem_shared>> -> memref<100352x16xf32, #tpu.memory_space<vmem_shared>>
    tpu.enqueue_indirect_dma source(%arg8 : memref<768x16xf32, #tpu.memory_space<vmem>>) target(%dma_start3A_17 : memref<100352x16xf32, #tpu.memory_space<vmem_shared>>) offsets(%arg6 : memref<768xi32, #tpu.memory_space<vmem>>) semaphore(%arg10 : memref<!tpu.dma_semaphore, #tpu.memory_space<semaphore_mem>>) {add = true}
    %scan3A = arith.constant 0 : i32
    %scan3A_18 = arith.constant 32 : i32
    %scan3A_19 = arith.addi %scan3A, %scan3A_18 : i32
    %scan3A_20 = arith.constant 1 : i32
    scf.for %scan3A_33 = %scan3A to %scan3A_19 step %scan3A_20  : i32 {
      %mul3A_34 = arith.constant 1 : i32
      %mul3A_35 = arith.muli %scan3A_33, %mul3A_34 : i32
      %add3A_36 = arith.constant 0 : i32
      %add3A_37 = arith.addi %add3A_36, %mul3A_35 : i32
      %mul3A_38 = arith.constant 2 : i32
      %mul3A_39 = arith.muli %mul3A_38, %add3A_37 : i32
      %add3A_40 = arith.constant 1 : i32
      %add3A_41 = arith.addi %mul3A_39, %add3A_40 : i32
      %dma_wait3A_42 = arith.constant 0 : i32
      %dma_wait3A_43 = tpu.memref_slice %arg2[%dma_wait3A_42] : memref<1622016xi32, #tpu.memory_space<hbm>> -> memref<768xi32, #tpu.memory_space<hbm>>
      %dma_wait3A_44 = arith.constant 0 : i32
      %dma_wait3A_45 = tpu.memref_slice %arg2[%dma_wait3A_44] : memref<1622016xi32, #tpu.memory_space<hbm>> -> memref<768xi32, #tpu.memory_space<hbm>>
      tpu.wait_dma2 semaphore(%arg11 : memref<!tpu.dma_semaphore, #tpu.memory_space<semaphore_mem>>) src(%dma_wait3A_45 : memref<768xi32, #tpu.memory_space<hbm>>) dst(%arg6 : memref<768xi32, #tpu.memory_space<vmem>>)
      tpu.wait_dma2 semaphore(%arg10 : memref<!tpu.dma_semaphore, #tpu.memory_space<semaphore_mem>>) src(%arg3 : memref<768x16xf32, #tpu.memory_space<hbm>>) dst(%arg8 : memref<768x16xf32, #tpu.memory_space<vmem>>)
      %add3A_46 = arith.constant 1 : i32
      %add3A_47 = arith.addi %add3A_41, %add3A_46 : i32
      %mul3A_48 = arith.constant 768 : i32
      %mul3A_49 = arith.muli %add3A_47, %mul3A_48 : i32
      %add3A_50 = arith.addi %mul3A_4, %mul3A_49 : i32
      %dma_start3A_51 = tpu.memref_slice %arg2[%add3A_50] : memref<1622016xi32, #tpu.memory_space<hbm>> -> memref<768xi32, #tpu.memory_space<hbm>>
      %dma_start3A_52 = tpu.memref_slice %arg2[%add3A_50] : memref<1622016xi32, #tpu.memory_space<hbm>> -> memref<768xi32, #tpu.memory_space<hbm>>
      tpu.enqueue_dma source(%dma_start3A_52 : memref<768xi32, #tpu.memory_space<hbm>>) target(%arg6 : memref<768xi32, #tpu.memory_space<vmem>>) target_semaphore(%arg11 : memref<!tpu.dma_semaphore, #tpu.memory_space<semaphore_mem>>)
      %dma_start3A_53 = arith.constant 0 : i32
      %dma_start3A_54 = arith.constant 0 : i32
      %dma_start3A_55 = tpu.memref_slice %arg9[%dma_start3A_53, %dma_start3A_54] : memref<100352x16xf32, #tpu.memory_space<vmem_shared>> -> memref<100352x16xf32, #tpu.memory_space<vmem_shared>>
      tpu.enqueue_indirect_dma source(%arg8 : memref<768x16xf32, #tpu.memory_space<vmem>>) target(%dma_start3A_55 : memref<100352x16xf32, #tpu.memory_space<vmem_shared>>) offsets(%arg7 : memref<768xi32, #tpu.memory_space<vmem>>) semaphore(%arg10 : memref<!tpu.dma_semaphore, #tpu.memory_space<semaphore_mem>>) {add = true}
      %dma_wait3A_56 = arith.constant 0 : i32
      %dma_wait3A_57 = tpu.memref_slice %arg2[%dma_wait3A_56] : memref<1622016xi32, #tpu.memory_space<hbm>> -> memref<768xi32, #tpu.memory_space<hbm>>
      %dma_wait3A_58 = arith.constant 0 : i32
      %dma_wait3A_59 = tpu.memref_slice %arg2[%dma_wait3A_58] : memref<1622016xi32, #tpu.memory_space<hbm>> -> memref<768xi32, #tpu.memory_space<hbm>>
      tpu.wait_dma2 semaphore(%arg11 : memref<!tpu.dma_semaphore, #tpu.memory_space<semaphore_mem>>) src(%dma_wait3A_59 : memref<768xi32, #tpu.memory_space<hbm>>) dst(%arg6 : memref<768xi32, #tpu.memory_space<vmem>>)
      tpu.wait_dma2 semaphore(%arg10 : memref<!tpu.dma_semaphore, #tpu.memory_space<semaphore_mem>>) src(%arg3 : memref<768x16xf32, #tpu.memory_space<hbm>>) dst(%arg8 : memref<768x16xf32, #tpu.memory_space<vmem>>)
      %add3A_60 = arith.constant 2 : i32
      %add3A_61 = arith.addi %add3A_41, %add3A_60 : i32
      %mul3A_62 = arith.constant 768 : i32
      %mul3A_63 = arith.muli %add3A_61, %mul3A_62 : i32
      %add3A_64 = arith.addi %mul3A_4, %mul3A_63 : i32
      %dma_start3A_65 = tpu.memref_slice %arg2[%add3A_64] : memref<1622016xi32, #tpu.memory_space<hbm>> -> memref<768xi32, #tpu.memory_space<hbm>>
      %dma_start3A_66 = tpu.memref_slice %arg2[%add3A_64] : memref<1622016xi32, #tpu.memory_space<hbm>> -> memref<768xi32, #tpu.memory_space<hbm>>
      tpu.enqueue_dma source(%dma_start3A_66 : memref<768xi32, #tpu.memory_space<hbm>>) target(%arg7 : memref<768xi32, #tpu.memory_space<vmem>>) target_semaphore(%arg11 : memref<!tpu.dma_semaphore, #tpu.memory_space<semaphore_mem>>)
      %dma_start3A_67 = arith.constant 0 : i32
      %dma_start3A_68 = arith.constant 0 : i32
      %dma_start3A_69 = tpu.memref_slice %arg9[%dma_start3A_67, %dma_start3A_68] : memref<100352x16xf32, #tpu.memory_space<vmem_shared>> -> memref<100352x16xf32, #tpu.memory_space<vmem_shared>>
      tpu.enqueue_indirect_dma source(%arg8 : memref<768x16xf32, #tpu.memory_space<vmem>>) target(%dma_start3A_69 : memref<100352x16xf32, #tpu.memory_space<vmem_shared>>) offsets(%arg6 : memref<768xi32, #tpu.memory_space<vmem>>) semaphore(%arg10 : memref<!tpu.dma_semaphore, #tpu.memory_space<semaphore_mem>>) {add = true}
    }
    %scan3A_21 = arith.constant 32 : i32
    %dma_wait3A_22 = arith.constant 0 : i32
    %dma_wait3A_23 = tpu.memref_slice %arg2[%dma_wait3A_22] : memref<1622016xi32, #tpu.memory_space<hbm>> -> memref<768xi32, #tpu.memory_space<hbm>>
    %dma_wait3A_24 = arith.constant 0 : i32
    %dma_wait3A_25 = tpu.memref_slice %arg2[%dma_wait3A_24] : memref<1622016xi32, #tpu.memory_space<hbm>> -> memref<768xi32, #tpu.memory_space<hbm>>
    tpu.wait_dma2 semaphore(%arg11 : memref<!tpu.dma_semaphore, #tpu.memory_space<semaphore_mem>>) src(%dma_wait3A_25 : memref<768xi32, #tpu.memory_space<hbm>>) dst(%arg6 : memref<768xi32, #tpu.memory_space<vmem>>)
    tpu.wait_dma2 semaphore(%arg10 : memref<!tpu.dma_semaphore, #tpu.memory_space<semaphore_mem>>) src(%arg3 : memref<768x16xf32, #tpu.memory_space<hbm>>) dst(%arg8 : memref<768x16xf32, #tpu.memory_space<vmem>>)
    %dma_start3A_26 = arith.constant 0 : i32
    %dma_start3A_27 = arith.constant 0 : i32
    %dma_start3A_28 = tpu.memref_slice %arg9[%dma_start3A_26, %dma_start3A_27] : memref<100352x16xf32, #tpu.memory_space<vmem_shared>> -> memref<100352x16xf32, #tpu.memory_space<vmem_shared>>
    tpu.enqueue_indirect_dma source(%arg8 : memref<768x16xf32, #tpu.memory_space<vmem>>) target(%dma_start3A_28 : memref<100352x16xf32, #tpu.memory_space<vmem_shared>>) offsets(%arg7 : memref<768xi32, #tpu.memory_space<vmem>>) semaphore(%arg10 : memref<!tpu.dma_semaphore, #tpu.memory_space<semaphore_mem>>) {add = true}
    tpu.wait_dma2 semaphore(%arg10 : memref<!tpu.dma_semaphore, #tpu.memory_space<semaphore_mem>>) src(%arg3 : memref<768x16xf32, #tpu.memory_space<hbm>>) dst(%arg8 : memref<768x16xf32, #tpu.memory_space<vmem>>)
    %barrier3A_29 = arith.constant 0 : index
    tpu.barrier barrier_id(%barrier3A_29)
    %mul3A_30 = arith.constant 100352 : i32
    %mul3A_31 = arith.muli %arg0, %mul3A_30 : i32
    %add3A_32 = arith.addi %mul3A_31, %mul3A_2 : i32
    "tpu.region"() ({
      %run_scoped3A = tpu.sem_alloc : memref<!tpu.dma_semaphore, #tpu.memory_space<semaphore_mem>>
      %dma_start3A_33 = arith.constant 0 : i32
      %dma_start3A_34 = tpu.memref_slice %arg5[%add3A_32, %dma_start3A_33] : memref<200704x16xf32, #tpu.memory_space<hbm>> -> memref<6272x16xf32, #tpu.memory_space<hbm>>
      %dma_start3A_35 = arith.constant 0 : i32
      %dma_start3A_36 = tpu.memref_slice %arg9[%mul3A_2, %dma_start3A_35] : memref<100352x16xf32, #tpu.memory_space<vmem_shared>> -> memref<6272x16xf32, #tpu.memory_space<vmem_shared>>
      tpu.enqueue_dma source(%dma_start3A_36 : memref<6272x16xf32, #tpu.memory_space<vmem_shared>>) target(%dma_start3A_34 : memref<6272x16xf32, #tpu.memory_space<hbm>>) target_semaphore(%run_scoped3A : memref<!tpu.dma_semaphore, #tpu.memory_space<semaphore_mem>>)
      %dma_wait3A_37 = arith.constant 0 : i32
      %dma_wait3A_38 = tpu.memref_slice %arg5[%add3A_32, %dma_wait3A_37] : memref<200704x16xf32, #tpu.memory_space<hbm>> -> memref<6272x16xf32, #tpu.memory_space<hbm>>
      %dma_wait3A_39 = arith.constant 0 : i32
      %dma_wait3A_40 = tpu.memref_slice %arg9[%mul3A_2, %dma_wait3A_39] : memref<100352x16xf32, #tpu.memory_space<vmem_shared>> -> memref<6272x16xf32, #tpu.memory_space<vmem_shared>>
      tpu.wait_dma2 semaphore(%run_scoped3A : memref<!tpu.dma_semaphore, #tpu.memory_space<semaphore_mem>>) src(%dma_wait3A_40 : memref<6272x16xf32, #tpu.memory_space<vmem_shared>>) dst(%dma_wait3A_38 : memref<6272x16xf32, #tpu.memory_space<hbm>>)
      tpu.yield
    }) : () -> ()
    return
  }
}

#map = affine_map<(d0, d1) -> (0)>
#map1 = affine_map<(d0, d1) -> (0, 0)>
module attributes {stable_mosaic.version = 14 : i64} {
  func.func @_sc_agg(%arg0: i32, %arg1: i32, %arg2: memref<1622016xi32, #tpu.memory_space<hbm>>, %arg3: memref<1622016xi32, #tpu.memory_space<hbm>>, %arg4: memref<100352x16xf32, #tpu.memory_space<hbm>>, %arg5: memref<200704x16xf32, #tpu.memory_space<hbm>>, %arg6: memref<768xi32, #tpu.memory_space<vmem>>, %arg7: memref<768xi32, #tpu.memory_space<vmem>>, %arg8: memref<768xi32, #tpu.memory_space<vmem>>, %arg9: memref<768xi32, #tpu.memory_space<vmem>>, %arg10: memref<768x16xf32, #tpu.memory_space<vmem>>, %arg11: memref<768x16xf32, #tpu.memory_space<vmem>>, %arg12: memref<100352x16xf32, #tpu.memory_space<vmem_shared>>, %arg13: memref<!tpu.dma_semaphore, #tpu.memory_space<semaphore_mem>>, %arg14: memref<!tpu.dma_semaphore, #tpu.memory_space<semaphore_mem>>, %arg15: memref<!tpu.dma_semaphore, #tpu.memory_space<semaphore_mem>>) attributes {dimension_semantics = [#tpu.dimension_semantics<core_parallel>, #tpu.dimension_semantics<subcore_parallel>], iteration_bounds = array<i64: 2, 16>, scalar_prefetch = 0 : i64, scratch_operands = 10 : i64, tpu.core_type = #tpu.core_type<sc_vector_subcore>, window_params = [{transform_indices = #map}, {transform_indices = #map}, {transform_indices = #map1}, {transform_indices = #map1}]} {
    %mul3A = arith.constant 2 : i32
    %mul3A_0 = arith.muli %arg1, %mul3A : i32
    %add3A = arith.addi %mul3A_0, %arg0 : i32
    %mul3A_1 = arith.constant 6272 : i32
    %mul3A_2 = arith.muli %arg1, %mul3A_1 : i32
    "tpu.region"() ({
      %run_scoped3A = tpu.sem_alloc : memref<!tpu.dma_semaphore, #tpu.memory_space<semaphore_mem>>
      %dma_start3A_102 = arith.constant 0 : i32
      %dma_start3A_103 = tpu.memref_slice %arg12[%mul3A_2, %dma_start3A_102] : memref<100352x16xf32, #tpu.memory_space<vmem_shared>> -> memref<6272x16xf32, #tpu.memory_space<vmem_shared>>
      %dma_start3A_104 = arith.constant 0 : i32
      %dma_start3A_105 = tpu.memref_slice %arg4[%mul3A_2, %dma_start3A_104] : memref<100352x16xf32, #tpu.memory_space<hbm>> -> memref<6272x16xf32, #tpu.memory_space<hbm>>
      tpu.enqueue_dma source(%dma_start3A_105 : memref<6272x16xf32, #tpu.memory_space<hbm>>) target(%dma_start3A_103 : memref<6272x16xf32, #tpu.memory_space<vmem_shared>>) target_semaphore(%run_scoped3A : memref<!tpu.dma_semaphore, #tpu.memory_space<semaphore_mem>>)
      %dma_wait3A_106 = arith.constant 0 : i32
      %dma_wait3A_107 = tpu.memref_slice %arg12[%mul3A_2, %dma_wait3A_106] : memref<100352x16xf32, #tpu.memory_space<vmem_shared>> -> memref<6272x16xf32, #tpu.memory_space<vmem_shared>>
      %dma_wait3A_108 = arith.constant 0 : i32
      %dma_wait3A_109 = tpu.memref_slice %arg4[%mul3A_2, %dma_wait3A_108] : memref<100352x16xf32, #tpu.memory_space<hbm>> -> memref<6272x16xf32, #tpu.memory_space<hbm>>
      tpu.wait_dma2 semaphore(%run_scoped3A : memref<!tpu.dma_semaphore, #tpu.memory_space<semaphore_mem>>) src(%dma_wait3A_109 : memref<6272x16xf32, #tpu.memory_space<hbm>>) dst(%dma_wait3A_107 : memref<6272x16xf32, #tpu.memory_space<vmem_shared>>)
      tpu.yield
    }) : () -> ()
    %barrier3A = arith.constant 0 : index
    tpu.barrier barrier_id(%barrier3A)
    %eq3A = arith.constant 0 : i32
    %eq3A_3 = arith.cmpi eq, %arg0, %eq3A : i32
    %mul3A_4 = arith.constant 96 : i32
    %mul3A_5 = arith.muli %arg1, %mul3A_4 : i32
    %mul3A_6 = arith.constant 36 : i32
    %mul3A_7 = arith.muli %arg1, %mul3A_6 : i32
    %add3A_8 = arith.constant 1536 : i32
    %add3A_9 = arith.addi %add3A_8, %mul3A_7 : i32
    %select_n3A = arith.select %eq3A_3, %mul3A_5, %add3A_9 : i32
    %mul3A_10 = arith.constant 768 : i32
    %mul3A_11 = arith.muli %select_n3A, %mul3A_10 : i32
    %eq3A_12 = arith.constant 0 : i32
    %eq3A_13 = arith.cmpi eq, %arg0, %eq3A_12 : i32
    %jit3A = arith.constant 47 : i32
    %jit3A_14 = arith.constant 17 : i32
    %select_n3A_15 = arith.select %eq3A_13, %jit3A, %jit3A_14 : i32
    %add3A_16 = arith.constant 0 : i32
    %add3A_17 = arith.addi %mul3A_11, %add3A_16 : i32
    %dma_start3A = tpu.memref_slice %arg2[%add3A_17] : memref<1622016xi32, #tpu.memory_space<hbm>> -> memref<768xi32, #tpu.memory_space<hbm>>
    %dma_start3A_18 = tpu.memref_slice %arg2[%add3A_17] : memref<1622016xi32, #tpu.memory_space<hbm>> -> memref<768xi32, #tpu.memory_space<hbm>>
    tpu.enqueue_dma source(%dma_start3A_18 : memref<768xi32, #tpu.memory_space<hbm>>) target(%arg6 : memref<768xi32, #tpu.memory_space<vmem>>) target_semaphore(%arg15 : memref<!tpu.dma_semaphore, #tpu.memory_space<semaphore_mem>>)
    %add3A_19 = arith.constant 0 : i32
    %add3A_20 = arith.addi %mul3A_11, %add3A_19 : i32
    %dma_start3A_21 = tpu.memref_slice %arg3[%add3A_20] : memref<1622016xi32, #tpu.memory_space<hbm>> -> memref<768xi32, #tpu.memory_space<hbm>>
    %dma_start3A_22 = tpu.memref_slice %arg3[%add3A_20] : memref<1622016xi32, #tpu.memory_space<hbm>> -> memref<768xi32, #tpu.memory_space<hbm>>
    tpu.enqueue_dma source(%dma_start3A_22 : memref<768xi32, #tpu.memory_space<hbm>>) target(%arg7 : memref<768xi32, #tpu.memory_space<vmem>>) target_semaphore(%arg15 : memref<!tpu.dma_semaphore, #tpu.memory_space<semaphore_mem>>)
    %dma_wait3A = arith.constant 0 : i32
    %dma_wait3A_23 = tpu.memref_slice %arg2[%dma_wait3A] : memref<1622016xi32, #tpu.memory_space<hbm>> -> memref<768xi32, #tpu.memory_space<hbm>>
    %dma_wait3A_24 = arith.constant 0 : i32
    %dma_wait3A_25 = tpu.memref_slice %arg2[%dma_wait3A_24] : memref<1622016xi32, #tpu.memory_space<hbm>> -> memref<768xi32, #tpu.memory_space<hbm>>
    tpu.wait_dma2 semaphore(%arg15 : memref<!tpu.dma_semaphore, #tpu.memory_space<semaphore_mem>>) src(%dma_wait3A_25 : memref<768xi32, #tpu.memory_space<hbm>>) dst(%arg6 : memref<768xi32, #tpu.memory_space<vmem>>)
    %dma_wait3A_26 = arith.constant 0 : i32
    %dma_wait3A_27 = tpu.memref_slice %arg2[%dma_wait3A_26] : memref<1622016xi32, #tpu.memory_space<hbm>> -> memref<768xi32, #tpu.memory_space<hbm>>
    %dma_wait3A_28 = arith.constant 0 : i32
    %dma_wait3A_29 = tpu.memref_slice %arg2[%dma_wait3A_28] : memref<1622016xi32, #tpu.memory_space<hbm>> -> memref<768xi32, #tpu.memory_space<hbm>>
    tpu.wait_dma2 semaphore(%arg15 : memref<!tpu.dma_semaphore, #tpu.memory_space<semaphore_mem>>) src(%dma_wait3A_29 : memref<768xi32, #tpu.memory_space<hbm>>) dst(%arg6 : memref<768xi32, #tpu.memory_space<vmem>>)
    %dma_start3A_30 = arith.constant 0 : i32
    %dma_start3A_31 = arith.constant 0 : i32
    %dma_start3A_32 = tpu.memref_slice %arg4[%dma_start3A_30, %dma_start3A_31] : memref<100352x16xf32, #tpu.memory_space<hbm>> -> memref<100352x16xf32, #tpu.memory_space<hbm>>
    tpu.enqueue_indirect_dma source(%dma_start3A_32 : memref<100352x16xf32, #tpu.memory_space<hbm>>) target(%arg10 : memref<768x16xf32, #tpu.memory_space<vmem>>) offsets(%arg6 : memref<768xi32, #tpu.memory_space<vmem>>) semaphore(%arg13 : memref<!tpu.dma_semaphore, #tpu.memory_space<semaphore_mem>>)
    %add3A_33 = arith.constant 768 : i32
    %add3A_34 = arith.addi %mul3A_11, %add3A_33 : i32
    %dma_start3A_35 = tpu.memref_slice %arg2[%add3A_34] : memref<1622016xi32, #tpu.memory_space<hbm>> -> memref<768xi32, #tpu.memory_space<hbm>>
    %dma_start3A_36 = tpu.memref_slice %arg2[%add3A_34] : memref<1622016xi32, #tpu.memory_space<hbm>> -> memref<768xi32, #tpu.memory_space<hbm>>
    tpu.enqueue_dma source(%dma_start3A_36 : memref<768xi32, #tpu.memory_space<hbm>>) target(%arg8 : memref<768xi32, #tpu.memory_space<vmem>>) target_semaphore(%arg15 : memref<!tpu.dma_semaphore, #tpu.memory_space<semaphore_mem>>)
    %add3A_37 = arith.constant 768 : i32
    %add3A_38 = arith.addi %mul3A_11, %add3A_37 : i32
    %dma_start3A_39 = tpu.memref_slice %arg3[%add3A_38] : memref<1622016xi32, #tpu.memory_space<hbm>> -> memref<768xi32, #tpu.memory_space<hbm>>
    %dma_start3A_40 = tpu.memref_slice %arg3[%add3A_38] : memref<1622016xi32, #tpu.memory_space<hbm>> -> memref<768xi32, #tpu.memory_space<hbm>>
    tpu.enqueue_dma source(%dma_start3A_40 : memref<768xi32, #tpu.memory_space<hbm>>) target(%arg9 : memref<768xi32, #tpu.memory_space<vmem>>) target_semaphore(%arg15 : memref<!tpu.dma_semaphore, #tpu.memory_space<semaphore_mem>>)
    %dma_wait3A_41 = arith.constant 0 : i32
    %dma_wait3A_42 = arith.constant 0 : i32
    %dma_wait3A_43 = tpu.memref_slice %arg4[%dma_wait3A_41, %dma_wait3A_42] : memref<100352x16xf32, #tpu.memory_space<hbm>> -> memref<768x16xf32, #tpu.memory_space<hbm>>
    %dma_wait3A_44 = arith.constant 0 : i32
    %dma_wait3A_45 = arith.constant 0 : i32
    %dma_wait3A_46 = tpu.memref_slice %arg4[%dma_wait3A_44, %dma_wait3A_45] : memref<100352x16xf32, #tpu.memory_space<hbm>> -> memref<768x16xf32, #tpu.memory_space<hbm>>
    tpu.wait_dma2 semaphore(%arg13 : memref<!tpu.dma_semaphore, #tpu.memory_space<semaphore_mem>>) src(%dma_wait3A_46 : memref<768x16xf32, #tpu.memory_space<hbm>>) dst(%arg10 : memref<768x16xf32, #tpu.memory_space<vmem>>)
    %dma_start3A_47 = arith.constant 0 : i32
    %dma_start3A_48 = arith.constant 0 : i32
    %dma_start3A_49 = tpu.memref_slice %arg12[%dma_start3A_47, %dma_start3A_48] : memref<100352x16xf32, #tpu.memory_space<vmem_shared>> -> memref<100352x16xf32, #tpu.memory_space<vmem_shared>>
    tpu.enqueue_indirect_dma source(%arg10 : memref<768x16xf32, #tpu.memory_space<vmem>>) target(%dma_start3A_49 : memref<100352x16xf32, #tpu.memory_space<vmem_shared>>) offsets(%arg7 : memref<768xi32, #tpu.memory_space<vmem>>) semaphore(%arg14 : memref<!tpu.dma_semaphore, #tpu.memory_space<semaphore_mem>>) {add = true}
    %sub3A = arith.constant 0 : i32
    %sub3A_50 = arith.subi %select_n3A_15, %sub3A : i32
    %sub3A_51 = arith.constant 1 : i32
    %sub3A_52 = arith.constant 1 : i32
    %sub3A_53 = arith.subi %sub3A_51, %sub3A_52 : i32
    %add3A_54 = arith.addi %sub3A_50, %sub3A_53 : i32
    %div3A = arith.constant 1 : i32
    %div3A_55 = arith.divsi %add3A_54, %div3A : i32
    %while3A = arith.constant 1 : i32
    %while3A_56 = arith.constant 0 : i32
    %while3A_57 = arith.constant 0 : i32
    %while3A_58 = arith.subi %div3A_55, %while3A_57 : i32
    %while3A_59 = arith.addi %while3A_57, %while3A_58 : i32
    %while3A_60 = arith.constant 1 : i32
    %while3A_61 = arith.divsi %while3A_58, %while3A_60 : i32
    %while3A_62 = arith.muli %while3A_61, %while3A_60 : i32
    %while3A_63 = arith.addi %while3A_57, %while3A_62 : i32
    %while3A_64 = arith.constant 1 : i32
    scf.for %while3A_102 = %while3A_57 to %while3A_63 step %while3A_64  : i32 {
      %mul3A_103 = arith.muli %while3A_102, %while3A : i32
      %add3A_104 = arith.addi %while3A_56, %mul3A_103 : i32
      %mul3A_105 = arith.constant 2 : i32
      %mul3A_106 = arith.muli %mul3A_105, %add3A_104 : i32
      %add3A_107 = arith.constant 1 : i32
      %add3A_108 = arith.addi %mul3A_106, %add3A_107 : i32
      %dma_wait3A_109 = arith.constant 0 : i32
      %dma_wait3A_110 = tpu.memref_slice %arg2[%dma_wait3A_109] : memref<1622016xi32, #tpu.memory_space<hbm>> -> memref<768xi32, #tpu.memory_space<hbm>>
      %dma_wait3A_111 = arith.constant 0 : i32
      %dma_wait3A_112 = tpu.memref_slice %arg2[%dma_wait3A_111] : memref<1622016xi32, #tpu.memory_space<hbm>> -> memref<768xi32, #tpu.memory_space<hbm>>
      tpu.wait_dma2 semaphore(%arg15 : memref<!tpu.dma_semaphore, #tpu.memory_space<semaphore_mem>>) src(%dma_wait3A_112 : memref<768xi32, #tpu.memory_space<hbm>>) dst(%arg6 : memref<768xi32, #tpu.memory_space<vmem>>)
      %dma_wait3A_113 = arith.constant 0 : i32
      %dma_wait3A_114 = tpu.memref_slice %arg2[%dma_wait3A_113] : memref<1622016xi32, #tpu.memory_space<hbm>> -> memref<768xi32, #tpu.memory_space<hbm>>
      %dma_wait3A_115 = arith.constant 0 : i32
      %dma_wait3A_116 = tpu.memref_slice %arg2[%dma_wait3A_115] : memref<1622016xi32, #tpu.memory_space<hbm>> -> memref<768xi32, #tpu.memory_space<hbm>>
      tpu.wait_dma2 semaphore(%arg15 : memref<!tpu.dma_semaphore, #tpu.memory_space<semaphore_mem>>) src(%dma_wait3A_116 : memref<768xi32, #tpu.memory_space<hbm>>) dst(%arg6 : memref<768xi32, #tpu.memory_space<vmem>>)
      %dma_start3A_117 = arith.constant 0 : i32
      %dma_start3A_118 = arith.constant 0 : i32
      %dma_start3A_119 = tpu.memref_slice %arg4[%dma_start3A_117, %dma_start3A_118] : memref<100352x16xf32, #tpu.memory_space<hbm>> -> memref<100352x16xf32, #tpu.memory_space<hbm>>
      tpu.enqueue_indirect_dma source(%dma_start3A_119 : memref<100352x16xf32, #tpu.memory_space<hbm>>) target(%arg11 : memref<768x16xf32, #tpu.memory_space<vmem>>) offsets(%arg8 : memref<768xi32, #tpu.memory_space<vmem>>) semaphore(%arg13 : memref<!tpu.dma_semaphore, #tpu.memory_space<semaphore_mem>>)
      %dma_wait3A_120 = arith.constant 0 : i32
      %dma_wait3A_121 = arith.constant 0 : i32
      %dma_wait3A_122 = tpu.memref_slice %arg4[%dma_wait3A_120, %dma_wait3A_121] : memref<100352x16xf32, #tpu.memory_space<hbm>> -> memref<768x16xf32, #tpu.memory_space<hbm>>
      %dma_wait3A_123 = arith.constant 0 : i32
      %dma_wait3A_124 = arith.constant 0 : i32
      %dma_wait3A_125 = tpu.memref_slice %arg4[%dma_wait3A_123, %dma_wait3A_124] : memref<100352x16xf32, #tpu.memory_space<hbm>> -> memref<768x16xf32, #tpu.memory_space<hbm>>
      tpu.wait_dma2 semaphore(%arg14 : memref<!tpu.dma_semaphore, #tpu.memory_space<semaphore_mem>>) src(%dma_wait3A_125 : memref<768x16xf32, #tpu.memory_space<hbm>>) dst(%arg10 : memref<768x16xf32, #tpu.memory_space<vmem>>)
      %add3A_126 = arith.constant 1 : i32
      %add3A_127 = arith.addi %add3A_108, %add3A_126 : i32
      %mul3A_128 = arith.constant 768 : i32
      %mul3A_129 = arith.muli %add3A_127, %mul3A_128 : i32
      %add3A_130 = arith.addi %mul3A_11, %mul3A_129 : i32
      %dma_start3A_131 = tpu.memref_slice %arg2[%add3A_130] : memref<1622016xi32, #tpu.memory_space<hbm>> -> memref<768xi32, #tpu.memory_space<hbm>>
      %dma_start3A_132 = tpu.memref_slice %arg2[%add3A_130] : memref<1622016xi32, #tpu.memory_space<hbm>> -> memref<768xi32, #tpu.memory_space<hbm>>
      tpu.enqueue_dma source(%dma_start3A_132 : memref<768xi32, #tpu.memory_space<hbm>>) target(%arg6 : memref<768xi32, #tpu.memory_space<vmem>>) target_semaphore(%arg15 : memref<!tpu.dma_semaphore, #tpu.memory_space<semaphore_mem>>)
      %mul3A_133 = arith.constant 768 : i32
      %mul3A_134 = arith.muli %add3A_127, %mul3A_133 : i32
      %add3A_135 = arith.addi %mul3A_11, %mul3A_134 : i32
      %dma_start3A_136 = tpu.memref_slice %arg3[%add3A_135] : memref<1622016xi32, #tpu.memory_space<hbm>> -> memref<768xi32, #tpu.memory_space<hbm>>
      %dma_start3A_137 = tpu.memref_slice %arg3[%add3A_135] : memref<1622016xi32, #tpu.memory_space<hbm>> -> memref<768xi32, #tpu.memory_space<hbm>>
      tpu.enqueue_dma source(%dma_start3A_137 : memref<768xi32, #tpu.memory_space<hbm>>) target(%arg7 : memref<768xi32, #tpu.memory_space<vmem>>) target_semaphore(%arg15 : memref<!tpu.dma_semaphore, #tpu.memory_space<semaphore_mem>>)
      %dma_wait3A_138 = arith.constant 0 : i32
      %dma_wait3A_139 = arith.constant 0 : i32
      %dma_wait3A_140 = tpu.memref_slice %arg4[%dma_wait3A_138, %dma_wait3A_139] : memref<100352x16xf32, #tpu.memory_space<hbm>> -> memref<768x16xf32, #tpu.memory_space<hbm>>
      %dma_wait3A_141 = arith.constant 0 : i32
      %dma_wait3A_142 = arith.constant 0 : i32
      %dma_wait3A_143 = tpu.memref_slice %arg4[%dma_wait3A_141, %dma_wait3A_142] : memref<100352x16xf32, #tpu.memory_space<hbm>> -> memref<768x16xf32, #tpu.memory_space<hbm>>
      tpu.wait_dma2 semaphore(%arg13 : memref<!tpu.dma_semaphore, #tpu.memory_space<semaphore_mem>>) src(%dma_wait3A_143 : memref<768x16xf32, #tpu.memory_space<hbm>>) dst(%arg11 : memref<768x16xf32, #tpu.memory_space<vmem>>)
      %dma_start3A_144 = arith.constant 0 : i32
      %dma_start3A_145 = arith.constant 0 : i32
      %dma_start3A_146 = tpu.memref_slice %arg12[%dma_start3A_144, %dma_start3A_145] : memref<100352x16xf32, #tpu.memory_space<vmem_shared>> -> memref<100352x16xf32, #tpu.memory_space<vmem_shared>>
      tpu.enqueue_indirect_dma source(%arg11 : memref<768x16xf32, #tpu.memory_space<vmem>>) target(%dma_start3A_146 : memref<100352x16xf32, #tpu.memory_space<vmem_shared>>) offsets(%arg9 : memref<768xi32, #tpu.memory_space<vmem>>) semaphore(%arg14 : memref<!tpu.dma_semaphore, #tpu.memory_space<semaphore_mem>>) {add = true}
      %dma_wait3A_147 = arith.constant 0 : i32
      %dma_wait3A_148 = tpu.memref_slice %arg2[%dma_wait3A_147] : memref<1622016xi32, #tpu.memory_space<hbm>> -> memref<768xi32, #tpu.memory_space<hbm>>
      %dma_wait3A_149 = arith.constant 0 : i32
      %dma_wait3A_150 = tpu.memref_slice %arg2[%dma_wait3A_149] : memref<1622016xi32, #tpu.memory_space<hbm>> -> memref<768xi32, #tpu.memory_space<hbm>>
      tpu.wait_dma2 semaphore(%arg15 : memref<!tpu.dma_semaphore, #tpu.memory_space<semaphore_mem>>) src(%dma_wait3A_150 : memref<768xi32, #tpu.memory_space<hbm>>) dst(%arg6 : memref<768xi32, #tpu.memory_space<vmem>>)
      %dma_wait3A_151 = arith.constant 0 : i32
      %dma_wait3A_152 = tpu.memref_slice %arg2[%dma_wait3A_151] : memref<1622016xi32, #tpu.memory_space<hbm>> -> memref<768xi32, #tpu.memory_space<hbm>>
      %dma_wait3A_153 = arith.constant 0 : i32
      %dma_wait3A_154 = tpu.memref_slice %arg2[%dma_wait3A_153] : memref<1622016xi32, #tpu.memory_space<hbm>> -> memref<768xi32, #tpu.memory_space<hbm>>
      tpu.wait_dma2 semaphore(%arg15 : memref<!tpu.dma_semaphore, #tpu.memory_space<semaphore_mem>>) src(%dma_wait3A_154 : memref<768xi32, #tpu.memory_space<hbm>>) dst(%arg6 : memref<768xi32, #tpu.memory_space<vmem>>)
      %dma_start3A_155 = arith.constant 0 : i32
      %dma_start3A_156 = arith.constant 0 : i32
      %dma_start3A_157 = tpu.memref_slice %arg4[%dma_start3A_155, %dma_start3A_156] : memref<100352x16xf32, #tpu.memory_space<hbm>> -> memref<100352x16xf32, #tpu.memory_space<hbm>>
      tpu.enqueue_indirect_dma source(%dma_start3A_157 : memref<100352x16xf32, #tpu.memory_space<hbm>>) target(%arg10 : memref<768x16xf32, #tpu.memory_space<vmem>>) offsets(%arg6 : memref<768xi32, #tpu.memory_space<vmem>>) semaphore(%arg13 : memref<!tpu.dma_semaphore, #tpu.memory_space<semaphore_mem>>)
      %dma_wait3A_158 = arith.constant 0 : i32
      %dma_wait3A_159 = arith.constant 0 : i32
      %dma_wait3A_160 = tpu.memref_slice %arg4[%dma_wait3A_158, %dma_wait3A_159] : memref<100352x16xf32, #tpu.memory_space<hbm>> -> memref<768x16xf32, #tpu.memory_space<hbm>>
      %dma_wait3A_161 = arith.constant 0 : i32
      %dma_wait3A_162 = arith.constant 0 : i32
      %dma_wait3A_163 = tpu.memref_slice %arg4[%dma_wait3A_161, %dma_wait3A_162] : memref<100352x16xf32, #tpu.memory_space<hbm>> -> memref<768x16xf32, #tpu.memory_space<hbm>>
      tpu.wait_dma2 semaphore(%arg14 : memref<!tpu.dma_semaphore, #tpu.memory_space<semaphore_mem>>) src(%dma_wait3A_163 : memref<768x16xf32, #tpu.memory_space<hbm>>) dst(%arg11 : memref<768x16xf32, #tpu.memory_space<vmem>>)
      %add3A_164 = arith.constant 2 : i32
      %add3A_165 = arith.addi %add3A_108, %add3A_164 : i32
      %mul3A_166 = arith.constant 768 : i32
      %mul3A_167 = arith.muli %add3A_165, %mul3A_166 : i32
      %add3A_168 = arith.addi %mul3A_11, %mul3A_167 : i32
      %dma_start3A_169 = tpu.memref_slice %arg2[%add3A_168] : memref<1622016xi32, #tpu.memory_space<hbm>> -> memref<768xi32, #tpu.memory_space<hbm>>
      %dma_start3A_170 = tpu.memref_slice %arg2[%add3A_168] : memref<1622016xi32, #tpu.memory_space<hbm>> -> memref<768xi32, #tpu.memory_space<hbm>>
      tpu.enqueue_dma source(%dma_start3A_170 : memref<768xi32, #tpu.memory_space<hbm>>) target(%arg8 : memref<768xi32, #tpu.memory_space<vmem>>) target_semaphore(%arg15 : memref<!tpu.dma_semaphore, #tpu.memory_space<semaphore_mem>>)
      %mul3A_171 = arith.constant 768 : i32
      %mul3A_172 = arith.muli %add3A_165, %mul3A_171 : i32
      %add3A_173 = arith.addi %mul3A_11, %mul3A_172 : i32
      %dma_start3A_174 = tpu.memref_slice %arg3[%add3A_173] : memref<1622016xi32, #tpu.memory_space<hbm>> -> memref<768xi32, #tpu.memory_space<hbm>>
      %dma_start3A_175 = tpu.memref_slice %arg3[%add3A_173] : memref<1622016xi32, #tpu.memory_space<hbm>> -> memref<768xi32, #tpu.memory_space<hbm>>
      tpu.enqueue_dma source(%dma_start3A_175 : memref<768xi32, #tpu.memory_space<hbm>>) target(%arg9 : memref<768xi32, #tpu.memory_space<vmem>>) target_semaphore(%arg15 : memref<!tpu.dma_semaphore, #tpu.memory_space<semaphore_mem>>)
      %dma_wait3A_176 = arith.constant 0 : i32
      %dma_wait3A_177 = arith.constant 0 : i32
      %dma_wait3A_178 = tpu.memref_slice %arg4[%dma_wait3A_176, %dma_wait3A_177] : memref<100352x16xf32, #tpu.memory_space<hbm>> -> memref<768x16xf32, #tpu.memory_space<hbm>>
      %dma_wait3A_179 = arith.constant 0 : i32
      %dma_wait3A_180 = arith.constant 0 : i32
      %dma_wait3A_181 = tpu.memref_slice %arg4[%dma_wait3A_179, %dma_wait3A_180] : memref<100352x16xf32, #tpu.memory_space<hbm>> -> memref<768x16xf32, #tpu.memory_space<hbm>>
      tpu.wait_dma2 semaphore(%arg13 : memref<!tpu.dma_semaphore, #tpu.memory_space<semaphore_mem>>) src(%dma_wait3A_181 : memref<768x16xf32, #tpu.memory_space<hbm>>) dst(%arg10 : memref<768x16xf32, #tpu.memory_space<vmem>>)
      %dma_start3A_182 = arith.constant 0 : i32
      %dma_start3A_183 = arith.constant 0 : i32
      %dma_start3A_184 = tpu.memref_slice %arg12[%dma_start3A_182, %dma_start3A_183] : memref<100352x16xf32, #tpu.memory_space<vmem_shared>> -> memref<100352x16xf32, #tpu.memory_space<vmem_shared>>
      tpu.enqueue_indirect_dma source(%arg10 : memref<768x16xf32, #tpu.memory_space<vmem>>) target(%dma_start3A_184 : memref<100352x16xf32, #tpu.memory_space<vmem_shared>>) offsets(%arg7 : memref<768xi32, #tpu.memory_space<vmem>>) semaphore(%arg14 : memref<!tpu.dma_semaphore, #tpu.memory_space<semaphore_mem>>) {add = true}
    }
    %while3A_65 = arith.constant 1 : i32
    scf.for %while3A_102 = %while3A_63 to %while3A_59 step %while3A_65  : i32 {
      %mul3A_103 = arith.muli %while3A_102, %while3A : i32
      %add3A_104 = arith.addi %while3A_56, %mul3A_103 : i32
      %mul3A_105 = arith.constant 2 : i32
      %mul3A_106 = arith.muli %mul3A_105, %add3A_104 : i32
      %add3A_107 = arith.constant 1 : i32
      %add3A_108 = arith.addi %mul3A_106, %add3A_107 : i32
      %dma_wait3A_109 = arith.constant 0 : i32
      %dma_wait3A_110 = tpu.memref_slice %arg2[%dma_wait3A_109] : memref<1622016xi32, #tpu.memory_space<hbm>> -> memref<768xi32, #tpu.memory_space<hbm>>
      %dma_wait3A_111 = arith.constant 0 : i32
      %dma_wait3A_112 = tpu.memref_slice %arg2[%dma_wait3A_111] : memref<1622016xi32, #tpu.memory_space<hbm>> -> memref<768xi32, #tpu.memory_space<hbm>>
      tpu.wait_dma2 semaphore(%arg15 : memref<!tpu.dma_semaphore, #tpu.memory_space<semaphore_mem>>) src(%dma_wait3A_112 : memref<768xi32, #tpu.memory_space<hbm>>) dst(%arg6 : memref<768xi32, #tpu.memory_space<vmem>>)
      %dma_wait3A_113 = arith.constant 0 : i32
      %dma_wait3A_114 = tpu.memref_slice %arg2[%dma_wait3A_113] : memref<1622016xi32, #tpu.memory_space<hbm>> -> memref<768xi32, #tpu.memory_space<hbm>>
      %dma_wait3A_115 = arith.constant 0 : i32
      %dma_wait3A_116 = tpu.memref_slice %arg2[%dma_wait3A_115] : memref<1622016xi32, #tpu.memory_space<hbm>> -> memref<768xi32, #tpu.memory_space<hbm>>
      tpu.wait_dma2 semaphore(%arg15 : memref<!tpu.dma_semaphore, #tpu.memory_space<semaphore_mem>>) src(%dma_wait3A_116 : memref<768xi32, #tpu.memory_space<hbm>>) dst(%arg6 : memref<768xi32, #tpu.memory_space<vmem>>)
      %dma_start3A_117 = arith.constant 0 : i32
      %dma_start3A_118 = arith.constant 0 : i32
      %dma_start3A_119 = tpu.memref_slice %arg4[%dma_start3A_117, %dma_start3A_118] : memref<100352x16xf32, #tpu.memory_space<hbm>> -> memref<100352x16xf32, #tpu.memory_space<hbm>>
      tpu.enqueue_indirect_dma source(%dma_start3A_119 : memref<100352x16xf32, #tpu.memory_space<hbm>>) target(%arg11 : memref<768x16xf32, #tpu.memory_space<vmem>>) offsets(%arg8 : memref<768xi32, #tpu.memory_space<vmem>>) semaphore(%arg13 : memref<!tpu.dma_semaphore, #tpu.memory_space<semaphore_mem>>)
      %dma_wait3A_120 = arith.constant 0 : i32
      %dma_wait3A_121 = arith.constant 0 : i32
      %dma_wait3A_122 = tpu.memref_slice %arg4[%dma_wait3A_120, %dma_wait3A_121] : memref<100352x16xf32, #tpu.memory_space<hbm>> -> memref<768x16xf32, #tpu.memory_space<hbm>>
      %dma_wait3A_123 = arith.constant 0 : i32
      %dma_wait3A_124 = arith.constant 0 : i32
      %dma_wait3A_125 = tpu.memref_slice %arg4[%dma_wait3A_123, %dma_wait3A_124] : memref<100352x16xf32, #tpu.memory_space<hbm>> -> memref<768x16xf32, #tpu.memory_space<hbm>>
      tpu.wait_dma2 semaphore(%arg14 : memref<!tpu.dma_semaphore, #tpu.memory_space<semaphore_mem>>) src(%dma_wait3A_125 : memref<768x16xf32, #tpu.memory_space<hbm>>) dst(%arg10 : memref<768x16xf32, #tpu.memory_space<vmem>>)
      %add3A_126 = arith.constant 1 : i32
      %add3A_127 = arith.addi %add3A_108, %add3A_126 : i32
      %mul3A_128 = arith.constant 768 : i32
      %mul3A_129 = arith.muli %add3A_127, %mul3A_128 : i32
      %add3A_130 = arith.addi %mul3A_11, %mul3A_129 : i32
      %dma_start3A_131 = tpu.memref_slice %arg2[%add3A_130] : memref<1622016xi32, #tpu.memory_space<hbm>> -> memref<768xi32, #tpu.memory_space<hbm>>
      %dma_start3A_132 = tpu.memref_slice %arg2[%add3A_130] : memref<1622016xi32, #tpu.memory_space<hbm>> -> memref<768xi32, #tpu.memory_space<hbm>>
      tpu.enqueue_dma source(%dma_start3A_132 : memref<768xi32, #tpu.memory_space<hbm>>) target(%arg6 : memref<768xi32, #tpu.memory_space<vmem>>) target_semaphore(%arg15 : memref<!tpu.dma_semaphore, #tpu.memory_space<semaphore_mem>>)
      %mul3A_133 = arith.constant 768 : i32
      %mul3A_134 = arith.muli %add3A_127, %mul3A_133 : i32
      %add3A_135 = arith.addi %mul3A_11, %mul3A_134 : i32
      %dma_start3A_136 = tpu.memref_slice %arg3[%add3A_135] : memref<1622016xi32, #tpu.memory_space<hbm>> -> memref<768xi32, #tpu.memory_space<hbm>>
      %dma_start3A_137 = tpu.memref_slice %arg3[%add3A_135] : memref<1622016xi32, #tpu.memory_space<hbm>> -> memref<768xi32, #tpu.memory_space<hbm>>
      tpu.enqueue_dma source(%dma_start3A_137 : memref<768xi32, #tpu.memory_space<hbm>>) target(%arg7 : memref<768xi32, #tpu.memory_space<vmem>>) target_semaphore(%arg15 : memref<!tpu.dma_semaphore, #tpu.memory_space<semaphore_mem>>)
      %dma_wait3A_138 = arith.constant 0 : i32
      %dma_wait3A_139 = arith.constant 0 : i32
      %dma_wait3A_140 = tpu.memref_slice %arg4[%dma_wait3A_138, %dma_wait3A_139] : memref<100352x16xf32, #tpu.memory_space<hbm>> -> memref<768x16xf32, #tpu.memory_space<hbm>>
      %dma_wait3A_141 = arith.constant 0 : i32
      %dma_wait3A_142 = arith.constant 0 : i32
      %dma_wait3A_143 = tpu.memref_slice %arg4[%dma_wait3A_141, %dma_wait3A_142] : memref<100352x16xf32, #tpu.memory_space<hbm>> -> memref<768x16xf32, #tpu.memory_space<hbm>>
      tpu.wait_dma2 semaphore(%arg13 : memref<!tpu.dma_semaphore, #tpu.memory_space<semaphore_mem>>) src(%dma_wait3A_143 : memref<768x16xf32, #tpu.memory_space<hbm>>) dst(%arg11 : memref<768x16xf32, #tpu.memory_space<vmem>>)
      %dma_start3A_144 = arith.constant 0 : i32
      %dma_start3A_145 = arith.constant 0 : i32
      %dma_start3A_146 = tpu.memref_slice %arg12[%dma_start3A_144, %dma_start3A_145] : memref<100352x16xf32, #tpu.memory_space<vmem_shared>> -> memref<100352x16xf32, #tpu.memory_space<vmem_shared>>
      tpu.enqueue_indirect_dma source(%arg11 : memref<768x16xf32, #tpu.memory_space<vmem>>) target(%dma_start3A_146 : memref<100352x16xf32, #tpu.memory_space<vmem_shared>>) offsets(%arg9 : memref<768xi32, #tpu.memory_space<vmem>>) semaphore(%arg14 : memref<!tpu.dma_semaphore, #tpu.memory_space<semaphore_mem>>) {add = true}
      %dma_wait3A_147 = arith.constant 0 : i32
      %dma_wait3A_148 = tpu.memref_slice %arg2[%dma_wait3A_147] : memref<1622016xi32, #tpu.memory_space<hbm>> -> memref<768xi32, #tpu.memory_space<hbm>>
      %dma_wait3A_149 = arith.constant 0 : i32
      %dma_wait3A_150 = tpu.memref_slice %arg2[%dma_wait3A_149] : memref<1622016xi32, #tpu.memory_space<hbm>> -> memref<768xi32, #tpu.memory_space<hbm>>
      tpu.wait_dma2 semaphore(%arg15 : memref<!tpu.dma_semaphore, #tpu.memory_space<semaphore_mem>>) src(%dma_wait3A_150 : memref<768xi32, #tpu.memory_space<hbm>>) dst(%arg6 : memref<768xi32, #tpu.memory_space<vmem>>)
      %dma_wait3A_151 = arith.constant 0 : i32
      %dma_wait3A_152 = tpu.memref_slice %arg2[%dma_wait3A_151] : memref<1622016xi32, #tpu.memory_space<hbm>> -> memref<768xi32, #tpu.memory_space<hbm>>
      %dma_wait3A_153 = arith.constant 0 : i32
      %dma_wait3A_154 = tpu.memref_slice %arg2[%dma_wait3A_153] : memref<1622016xi32, #tpu.memory_space<hbm>> -> memref<768xi32, #tpu.memory_space<hbm>>
      tpu.wait_dma2 semaphore(%arg15 : memref<!tpu.dma_semaphore, #tpu.memory_space<semaphore_mem>>) src(%dma_wait3A_154 : memref<768xi32, #tpu.memory_space<hbm>>) dst(%arg6 : memref<768xi32, #tpu.memory_space<vmem>>)
      %dma_start3A_155 = arith.constant 0 : i32
      %dma_start3A_156 = arith.constant 0 : i32
      %dma_start3A_157 = tpu.memref_slice %arg4[%dma_start3A_155, %dma_start3A_156] : memref<100352x16xf32, #tpu.memory_space<hbm>> -> memref<100352x16xf32, #tpu.memory_space<hbm>>
      tpu.enqueue_indirect_dma source(%dma_start3A_157 : memref<100352x16xf32, #tpu.memory_space<hbm>>) target(%arg10 : memref<768x16xf32, #tpu.memory_space<vmem>>) offsets(%arg6 : memref<768xi32, #tpu.memory_space<vmem>>) semaphore(%arg13 : memref<!tpu.dma_semaphore, #tpu.memory_space<semaphore_mem>>)
      %dma_wait3A_158 = arith.constant 0 : i32
      %dma_wait3A_159 = arith.constant 0 : i32
      %dma_wait3A_160 = tpu.memref_slice %arg4[%dma_wait3A_158, %dma_wait3A_159] : memref<100352x16xf32, #tpu.memory_space<hbm>> -> memref<768x16xf32, #tpu.memory_space<hbm>>
      %dma_wait3A_161 = arith.constant 0 : i32
      %dma_wait3A_162 = arith.constant 0 : i32
      %dma_wait3A_163 = tpu.memref_slice %arg4[%dma_wait3A_161, %dma_wait3A_162] : memref<100352x16xf32, #tpu.memory_space<hbm>> -> memref<768x16xf32, #tpu.memory_space<hbm>>
      tpu.wait_dma2 semaphore(%arg14 : memref<!tpu.dma_semaphore, #tpu.memory_space<semaphore_mem>>) src(%dma_wait3A_163 : memref<768x16xf32, #tpu.memory_space<hbm>>) dst(%arg11 : memref<768x16xf32, #tpu.memory_space<vmem>>)
      %add3A_164 = arith.constant 2 : i32
      %add3A_165 = arith.addi %add3A_108, %add3A_164 : i32
      %mul3A_166 = arith.constant 768 : i32
      %mul3A_167 = arith.muli %add3A_165, %mul3A_166 : i32
      %add3A_168 = arith.addi %mul3A_11, %mul3A_167 : i32
      %dma_start3A_169 = tpu.memref_slice %arg2[%add3A_168] : memref<1622016xi32, #tpu.memory_space<hbm>> -> memref<768xi32, #tpu.memory_space<hbm>>
      %dma_start3A_170 = tpu.memref_slice %arg2[%add3A_168] : memref<1622016xi32, #tpu.memory_space<hbm>> -> memref<768xi32, #tpu.memory_space<hbm>>
      tpu.enqueue_dma source(%dma_start3A_170 : memref<768xi32, #tpu.memory_space<hbm>>) target(%arg8 : memref<768xi32, #tpu.memory_space<vmem>>) target_semaphore(%arg15 : memref<!tpu.dma_semaphore, #tpu.memory_space<semaphore_mem>>)
      %mul3A_171 = arith.constant 768 : i32
      %mul3A_172 = arith.muli %add3A_165, %mul3A_171 : i32
      %add3A_173 = arith.addi %mul3A_11, %mul3A_172 : i32
      %dma_start3A_174 = tpu.memref_slice %arg3[%add3A_173] : memref<1622016xi32, #tpu.memory_space<hbm>> -> memref<768xi32, #tpu.memory_space<hbm>>
      %dma_start3A_175 = tpu.memref_slice %arg3[%add3A_173] : memref<1622016xi32, #tpu.memory_space<hbm>> -> memref<768xi32, #tpu.memory_space<hbm>>
      tpu.enqueue_dma source(%dma_start3A_175 : memref<768xi32, #tpu.memory_space<hbm>>) target(%arg9 : memref<768xi32, #tpu.memory_space<vmem>>) target_semaphore(%arg15 : memref<!tpu.dma_semaphore, #tpu.memory_space<semaphore_mem>>)
      %dma_wait3A_176 = arith.constant 0 : i32
      %dma_wait3A_177 = arith.constant 0 : i32
      %dma_wait3A_178 = tpu.memref_slice %arg4[%dma_wait3A_176, %dma_wait3A_177] : memref<100352x16xf32, #tpu.memory_space<hbm>> -> memref<768x16xf32, #tpu.memory_space<hbm>>
      %dma_wait3A_179 = arith.constant 0 : i32
      %dma_wait3A_180 = arith.constant 0 : i32
      %dma_wait3A_181 = tpu.memref_slice %arg4[%dma_wait3A_179, %dma_wait3A_180] : memref<100352x16xf32, #tpu.memory_space<hbm>> -> memref<768x16xf32, #tpu.memory_space<hbm>>
      tpu.wait_dma2 semaphore(%arg13 : memref<!tpu.dma_semaphore, #tpu.memory_space<semaphore_mem>>) src(%dma_wait3A_181 : memref<768x16xf32, #tpu.memory_space<hbm>>) dst(%arg10 : memref<768x16xf32, #tpu.memory_space<vmem>>)
      %dma_start3A_182 = arith.constant 0 : i32
      %dma_start3A_183 = arith.constant 0 : i32
      %dma_start3A_184 = tpu.memref_slice %arg12[%dma_start3A_182, %dma_start3A_183] : memref<100352x16xf32, #tpu.memory_space<vmem_shared>> -> memref<100352x16xf32, #tpu.memory_space<vmem_shared>>
      tpu.enqueue_indirect_dma source(%arg10 : memref<768x16xf32, #tpu.memory_space<vmem>>) target(%dma_start3A_184 : memref<100352x16xf32, #tpu.memory_space<vmem_shared>>) offsets(%arg7 : memref<768xi32, #tpu.memory_space<vmem>>) semaphore(%arg14 : memref<!tpu.dma_semaphore, #tpu.memory_space<semaphore_mem>>) {add = true}
    }
    %dma_wait3A_66 = arith.constant 0 : i32
    %dma_wait3A_67 = tpu.memref_slice %arg2[%dma_wait3A_66] : memref<1622016xi32, #tpu.memory_space<hbm>> -> memref<768xi32, #tpu.memory_space<hbm>>
    %dma_wait3A_68 = arith.constant 0 : i32
    %dma_wait3A_69 = tpu.memref_slice %arg2[%dma_wait3A_68] : memref<1622016xi32, #tpu.memory_space<hbm>> -> memref<768xi32, #tpu.memory_space<hbm>>
    tpu.wait_dma2 semaphore(%arg15 : memref<!tpu.dma_semaphore, #tpu.memory_space<semaphore_mem>>) src(%dma_wait3A_69 : memref<768xi32, #tpu.memory_space<hbm>>) dst(%arg6 : memref<768xi32, #tpu.memory_space<vmem>>)
    %dma_wait3A_70 = arith.constant 0 : i32
    %dma_wait3A_71 = tpu.memref_slice %arg2[%dma_wait3A_70] : memref<1622016xi32, #tpu.memory_space<hbm>> -> memref<768xi32, #tpu.memory_space<hbm>>
    %dma_wait3A_72 = arith.constant 0 : i32
    %dma_wait3A_73 = tpu.memref_slice %arg2[%dma_wait3A_72] : memref<1622016xi32, #tpu.memory_space<hbm>> -> memref<768xi32, #tpu.memory_space<hbm>>
    tpu.wait_dma2 semaphore(%arg15 : memref<!tpu.dma_semaphore, #tpu.memory_space<semaphore_mem>>) src(%dma_wait3A_73 : memref<768xi32, #tpu.memory_space<hbm>>) dst(%arg6 : memref<768xi32, #tpu.memory_space<vmem>>)
    %dma_start3A_74 = arith.constant 0 : i32
    %dma_start3A_75 = arith.constant 0 : i32
    %dma_start3A_76 = tpu.memref_slice %arg4[%dma_start3A_74, %dma_start3A_75] : memref<100352x16xf32, #tpu.memory_space<hbm>> -> memref<100352x16xf32, #tpu.memory_space<hbm>>
    tpu.enqueue_indirect_dma source(%dma_start3A_76 : memref<100352x16xf32, #tpu.memory_space<hbm>>) target(%arg11 : memref<768x16xf32, #tpu.memory_space<vmem>>) offsets(%arg8 : memref<768xi32, #tpu.memory_space<vmem>>) semaphore(%arg13 : memref<!tpu.dma_semaphore, #tpu.memory_space<semaphore_mem>>)
    %dma_wait3A_77 = arith.constant 0 : i32
    %dma_wait3A_78 = arith.constant 0 : i32
    %dma_wait3A_79 = tpu.memref_slice %arg4[%dma_wait3A_77, %dma_wait3A_78] : memref<100352x16xf32, #tpu.memory_space<hbm>> -> memref<768x16xf32, #tpu.memory_space<hbm>>
    %dma_wait3A_80 = arith.constant 0 : i32
    %dma_wait3A_81 = arith.constant 0 : i32
    %dma_wait3A_82 = tpu.memref_slice %arg4[%dma_wait3A_80, %dma_wait3A_81] : memref<100352x16xf32, #tpu.memory_space<hbm>> -> memref<768x16xf32, #tpu.memory_space<hbm>>
    tpu.wait_dma2 semaphore(%arg14 : memref<!tpu.dma_semaphore, #tpu.memory_space<semaphore_mem>>) src(%dma_wait3A_82 : memref<768x16xf32, #tpu.memory_space<hbm>>) dst(%arg10 : memref<768x16xf32, #tpu.memory_space<vmem>>)
    %dma_wait3A_83 = arith.constant 0 : i32
    %dma_wait3A_84 = arith.constant 0 : i32
    %dma_wait3A_85 = tpu.memref_slice %arg4[%dma_wait3A_83, %dma_wait3A_84] : memref<100352x16xf32, #tpu.memory_space<hbm>> -> memref<768x16xf32, #tpu.memory_space<hbm>>
    %dma_wait3A_86 = arith.constant 0 : i32
    %dma_wait3A_87 = arith.constant 0 : i32
    %dma_wait3A_88 = tpu.memref_slice %arg4[%dma_wait3A_86, %dma_wait3A_87] : memref<100352x16xf32, #tpu.memory_space<hbm>> -> memref<768x16xf32, #tpu.memory_space<hbm>>
    tpu.wait_dma2 semaphore(%arg13 : memref<!tpu.dma_semaphore, #tpu.memory_space<semaphore_mem>>) src(%dma_wait3A_88 : memref<768x16xf32, #tpu.memory_space<hbm>>) dst(%arg11 : memref<768x16xf32, #tpu.memory_space<vmem>>)
    %dma_start3A_89 = arith.constant 0 : i32
    %dma_start3A_90 = arith.constant 0 : i32
    %dma_start3A_91 = tpu.memref_slice %arg12[%dma_start3A_89, %dma_start3A_90] : memref<100352x16xf32, #tpu.memory_space<vmem_shared>> -> memref<100352x16xf32, #tpu.memory_space<vmem_shared>>
    tpu.enqueue_indirect_dma source(%arg11 : memref<768x16xf32, #tpu.memory_space<vmem>>) target(%dma_start3A_91 : memref<100352x16xf32, #tpu.memory_space<vmem_shared>>) offsets(%arg9 : memref<768xi32, #tpu.memory_space<vmem>>) semaphore(%arg14 : memref<!tpu.dma_semaphore, #tpu.memory_space<semaphore_mem>>) {add = true}
    %dma_wait3A_92 = arith.constant 0 : i32
    %dma_wait3A_93 = arith.constant 0 : i32
    %dma_wait3A_94 = tpu.memref_slice %arg4[%dma_wait3A_92, %dma_wait3A_93] : memref<100352x16xf32, #tpu.memory_space<hbm>> -> memref<768x16xf32, #tpu.memory_space<hbm>>
    %dma_wait3A_95 = arith.constant 0 : i32
    %dma_wait3A_96 = arith.constant 0 : i32
    %dma_wait3A_97 = tpu.memref_slice %arg4[%dma_wait3A_95, %dma_wait3A_96] : memref<100352x16xf32, #tpu.memory_space<hbm>> -> memref<768x16xf32, #tpu.memory_space<hbm>>
    tpu.wait_dma2 semaphore(%arg14 : memref<!tpu.dma_semaphore, #tpu.memory_space<semaphore_mem>>) src(%dma_wait3A_97 : memref<768x16xf32, #tpu.memory_space<hbm>>) dst(%arg11 : memref<768x16xf32, #tpu.memory_space<vmem>>)
    %barrier3A_98 = arith.constant 0 : index
    tpu.barrier barrier_id(%barrier3A_98)
    %mul3A_99 = arith.constant 100352 : i32
    %mul3A_100 = arith.muli %arg0, %mul3A_99 : i32
    %add3A_101 = arith.addi %mul3A_100, %mul3A_2 : i32
    "tpu.region"() ({
      %run_scoped3A = tpu.sem_alloc : memref<!tpu.dma_semaphore, #tpu.memory_space<semaphore_mem>>
      %dma_start3A_102 = arith.constant 0 : i32
      %dma_start3A_103 = tpu.memref_slice %arg5[%add3A_101, %dma_start3A_102] : memref<200704x16xf32, #tpu.memory_space<hbm>> -> memref<6272x16xf32, #tpu.memory_space<hbm>>
      %dma_start3A_104 = arith.constant 0 : i32
      %dma_start3A_105 = tpu.memref_slice %arg12[%mul3A_2, %dma_start3A_104] : memref<100352x16xf32, #tpu.memory_space<vmem_shared>> -> memref<6272x16xf32, #tpu.memory_space<vmem_shared>>
      tpu.enqueue_dma source(%dma_start3A_105 : memref<6272x16xf32, #tpu.memory_space<vmem_shared>>) target(%dma_start3A_103 : memref<6272x16xf32, #tpu.memory_space<hbm>>) target_semaphore(%run_scoped3A : memref<!tpu.dma_semaphore, #tpu.memory_space<semaphore_mem>>)
      %dma_wait3A_106 = arith.constant 0 : i32
      %dma_wait3A_107 = tpu.memref_slice %arg5[%add3A_101, %dma_wait3A_106] : memref<200704x16xf32, #tpu.memory_space<hbm>> -> memref<6272x16xf32, #tpu.memory_space<hbm>>
      %dma_wait3A_108 = arith.constant 0 : i32
      %dma_wait3A_109 = tpu.memref_slice %arg12[%mul3A_2, %dma_wait3A_108] : memref<100352x16xf32, #tpu.memory_space<vmem_shared>> -> memref<6272x16xf32, #tpu.memory_space<vmem_shared>>
      tpu.wait_dma2 semaphore(%run_scoped3A : memref<!tpu.dma_semaphore, #tpu.memory_space<semaphore_mem>>) src(%dma_wait3A_109 : memref<6272x16xf32, #tpu.memory_space<vmem_shared>>) dst(%dma_wait3A_107 : memref<6272x16xf32, #tpu.memory_space<hbm>>)
      tpu.yield
    }) : () -> ()
    return
  }
}

module attributes {stable_mosaic.version = 14 : i64} {
  func.func @_tc_prep_body(%arg0: i32, %arg1: memref<1568x128xf32, #tpu.memory_space<vmem>>, %arg2: memref<1568x128xf32, #tpu.memory_space<vmem>>, %arg3: memref<1568x128xf32, #tpu.memory_space<vmem>>, %arg4: memref<1568x128xf32, #tpu.memory_space<vmem>>, %arg5: memref<1568x128xf32, #tpu.memory_space<vmem>>) attributes {dimension_semantics = [#tpu.dimension_semantics<arbitrary>], iteration_bounds = array<i64: 8>, scalar_prefetch = 0 : i64, scratch_operands = 0 : i64, tpu.core_type = #tpu.core_type<tc>, window_params = [{transform_indices = @transform_0, window_bounds = array<i64: 1568, 128>}, {transform_indices = @transform_1, window_bounds = array<i64: 1568, 128>}, {transform_indices = @transform_2, window_bounds = array<i64: 1568, 128>}, {transform_indices = @transform_3, window_bounds = array<i64: 1568, 128>}, {transform_indices = @transform_4, window_bounds = array<i64: 1568, 128>}]} {
    %get3A = arith.constant 0 : index
    %get3A_0 = arith.constant 0 : index
    %get3A_1 = vector.load %arg1[%get3A, %get3A_0] : memref<1568x128xf32, #tpu.memory_space<vmem>>, vector<1568x128xf32>
    %get3A_2 = arith.constant 0 : index
    %get3A_3 = arith.constant 0 : index
    %get3A_4 = vector.load %arg2[%get3A_2, %get3A_3] : memref<1568x128xf32, #tpu.memory_space<vmem>>, vector<1568x128xf32>
    %add3A = arith.addf %get3A_1, %get3A_4 : vector<1568x128xf32>
    %add3A_5 = arith.constant 1.000000e+00 : f32
    %add3A_6 = vector.broadcast %add3A_5 : f32 to vector<1568x128xf32>
    %add3A_7 = arith.addf %add3A, %add3A_6 : vector<1568x128xf32>
    %sqrt3A = math.sqrt %add3A_7 : vector<1568x128xf32>
    %div3A = arith.constant 1.000000e+00 : f32
    %div3A_8 = vector.broadcast %div3A : f32 to vector<1568x128xf32>
    %div3A_9 = arith.divf %div3A_8, %sqrt3A : vector<1568x128xf32>
    %swap3A = arith.constant 0 : index
    %swap3A_10 = arith.constant 0 : index
    %swap3A_11 = vector.load %arg4[%swap3A, %swap3A_10] : memref<1568x128xf32, #tpu.memory_space<vmem>>, vector<1568x128xf32>
    tpu.vector_store %arg4[%swap3A, %swap3A_10], %div3A_9 {strides = array<i32>} : memref<1568x128xf32, #tpu.memory_space<vmem>>, vector<1568x128xf32>,
    %get3A_12 = arith.constant 0 : index
    %get3A_13 = arith.constant 0 : index
    %get3A_14 = vector.load %arg3[%get3A_12, %get3A_13] : memref<1568x128xf32, #tpu.memory_space<vmem>>, vector<1568x128xf32>
    %mul3A = arith.mulf %div3A_9, %get3A_14 : vector<1568x128xf32>
    %swap3A_15 = arith.constant 0 : index
    %swap3A_16 = arith.constant 0 : index
    %swap3A_17 = vector.load %arg5[%swap3A_15, %swap3A_16] : memref<1568x128xf32, #tpu.memory_space<vmem>>, vector<1568x128xf32>
    tpu.vector_store %arg5[%swap3A_15, %swap3A_16], %mul3A {strides = array<i32>} : memref<1568x128xf32, #tpu.memory_space<vmem>>, vector<1568x128xf32>,
    return
  }
  func.func @transform_0(%arg0: i32) -> (i32, i32) {
    %add3A = arith.constant 0 : i32
    %add3A_0 = arith.addi %arg0, %add3A : i32
    %c0_i32 = arith.constant 0 : i32
    %c0_i32_1 = arith.constant 0 : i32
    return %add3A_0, %c0_i32 : i32, i32
  }
  func.func @transform_1(%arg0: i32) -> (i32, i32) {
    %add3A = arith.constant 8 : i32
    %add3A_0 = arith.addi %arg0, %add3A : i32
    %c0_i32 = arith.constant 0 : i32
    %c0_i32_1 = arith.constant 0 : i32
    return %add3A_0, %c0_i32 : i32, i32
  }
  func.func @transform_2(%arg0: i32) -> (i32, i32) {
    %add3A = arith.constant 0 : i32
    %add3A_0 = arith.addi %arg0, %add3A : i32
    %c0_i32 = arith.constant 0 : i32
    %c0_i32_1 = arith.constant 0 : i32
    return %add3A_0, %c0_i32 : i32, i32
  }
  func.func @transform_3(%arg0: i32) -> (i32, i32) {
    %add3A = arith.constant 0 : i32
    %add3A_0 = arith.addi %arg0, %add3A : i32
    %c0_i32 = arith.constant 0 : i32
    %c0_i32_1 = arith.constant 0 : i32
    return %add3A_0, %c0_i32 : i32, i32
  }
  func.func @transform_4(%arg0: i32) -> (i32, i32) {
    %add3A = arith.constant 0 : i32
    %add3A_0 = arith.addi %arg0, %add3A : i32
    %c0_i32 = arith.constant 0 : i32
    %c0_i32_1 = arith.constant 0 : i32
    return %add3A_0, %c0_i32 : i32, i32
  }
}

module attributes {stable_mosaic.version = 14 : i64} {
  func.func @_tc_layer_body(%arg0: i32, %arg1: memref<128x128xf32, #tpu.memory_space<vmem>>, %arg2: memref<1x128xf32, #tpu.memory_space<vmem>>, %arg3: memref<1568x128xf32, #tpu.memory_space<vmem>>, %arg4: memref<1568x128xf32, #tpu.memory_space<vmem>>, %arg5: memref<1568x128xf32, #tpu.memory_space<vmem>>, %arg6: memref<1568x128xf32, #tpu.memory_space<vmem>>, %arg7: memref<1568x128xf32, #tpu.memory_space<vmem>>) attributes {dimension_semantics = [#tpu.dimension_semantics<arbitrary>], iteration_bounds = array<i64: 8>, scalar_prefetch = 0 : i64, scratch_operands = 0 : i64, tpu.core_type = #tpu.core_type<tc>, window_params = [{pipeline_mode = #tpu.pipeline_mode<synchronous>, transform_indices = @transform_0, window_bounds = array<i64: 128, 128>}, {pipeline_mode = #tpu.pipeline_mode<synchronous>, transform_indices = @transform_1, window_bounds = array<i64: 1, 128>}, {transform_indices = @transform_2, window_bounds = array<i64: 1568, 128>}, {transform_indices = @transform_3, window_bounds = array<i64: 1568, 128>}, {transform_indices = @transform_4, window_bounds = array<i64: 1568, 128>}, {transform_indices = @transform_5, window_bounds = array<i64: 1568, 128>}, {transform_indices = @transform_6, window_bounds = array<i64: 1568, 128>}]} {
    %get3A = arith.constant 0 : index
    %get3A_0 = arith.constant 0 : index
    %get3A_1 = vector.load %arg6[%get3A, %get3A_0] : memref<1568x128xf32, #tpu.memory_space<vmem>>, vector<1568x128xf32>
    %get3A_2 = arith.constant 0 : index
    %get3A_3 = arith.constant 0 : index
    %get3A_4 = vector.load %arg3[%get3A_2, %get3A_3] : memref<1568x128xf32, #tpu.memory_space<vmem>>, vector<1568x128xf32>
    %get3A_5 = arith.constant 0 : index
    %get3A_6 = arith.constant 0 : index
    %get3A_7 = vector.load %arg4[%get3A_5, %get3A_6] : memref<1568x128xf32, #tpu.memory_space<vmem>>, vector<1568x128xf32>
    %add3A = arith.addf %get3A_4, %get3A_7 : vector<1568x128xf32>
    %get3A_8 = arith.constant 0 : index
    %get3A_9 = arith.constant 0 : index
    %get3A_10 = vector.load %arg5[%get3A_8, %get3A_9] : memref<1568x128xf32, #tpu.memory_space<vmem>>, vector<1568x128xf32>
    %sub3A = arith.subf %add3A, %get3A_10 : vector<1568x128xf32>
    %mul3A = arith.mulf %get3A_1, %sub3A : vector<1568x128xf32>
    %get3A_11 = arith.constant 0 : index
    %get3A_12 = arith.constant 0 : index
    %get3A_13 = vector.load %arg1[%get3A_11, %get3A_12] : memref<128x128xf32, #tpu.memory_space<vmem>>, vector<128x128xf32>
    %dot_general3A = arith.constant dense<0.000000e+00> : vector<1568x128xf32>
    %dot_general3A_14 = tpu.matmul %mul3A, %get3A_13, %dot_general3A {dimension_numbers = #tpu.dot_dimension_numbers<[1], [0], [0], [1], [0, 0, 1, 1], [], []>, transpose_lhs_hint = false} : vector<1568x128xf32>, vector<128x128xf32>, vector<1568x128xf32> -> vector<1568x128xf32>
    %get3A_15 = arith.constant 0 : index
    %get3A_16 = arith.constant 0 : index
    %get3A_17 = vector.load %arg2[%get3A_15, %get3A_16] : memref<1x128xf32, #tpu.memory_space<vmem>>, vector<1x128xf32>
    %add3A_18 = vector.broadcast %get3A_17 : vector<1x128xf32> to vector<1568x128xf32>
    %add3A_19 = arith.addf %dot_general3A_14, %add3A_18 : vector<1568x128xf32>
    %tanh3A = math.tanh %add3A_19 : vector<1568x128xf32>
    %get3A_20 = arith.constant 0 : index
    %get3A_21 = arith.constant 0 : index
    %get3A_22 = vector.load %arg6[%get3A_20, %get3A_21] : memref<1568x128xf32, #tpu.memory_space<vmem>>, vector<1568x128xf32>
    %mul3A_23 = arith.mulf %get3A_22, %tanh3A : vector<1568x128xf32>
    %swap3A = arith.constant 0 : index
    %swap3A_24 = arith.constant 0 : index
    %swap3A_25 = vector.load %arg7[%swap3A, %swap3A_24] : memref<1568x128xf32, #tpu.memory_space<vmem>>, vector<1568x128xf32>
    tpu.vector_store %arg7[%swap3A, %swap3A_24], %mul3A_23 {strides = array<i32>} : memref<1568x128xf32, #tpu.memory_space<vmem>>, vector<1568x128xf32>,
    return
  }
  func.func @transform_0(%arg0: i32) -> (i32, i32) {
    %c0_i32 = arith.constant 0 : i32
    %c0_i32_0 = arith.constant 0 : i32
    %c0_i32_1 = arith.constant 0 : i32
    return %c0_i32, %c0_i32_0 : i32, i32
  }
  func.func @transform_1(%arg0: i32) -> (i32, i32) {
    %c0_i32 = arith.constant 0 : i32
    %c0_i32_0 = arith.constant 0 : i32
    %c0_i32_1 = arith.constant 0 : i32
    return %c0_i32, %c0_i32_0 : i32, i32
  }
  func.func @transform_2(%arg0: i32) -> (i32, i32) {
    %add3A = arith.constant 0 : i32
    %add3A_0 = arith.addi %arg0, %add3A : i32
    %c0_i32 = arith.constant 0 : i32
    %c0_i32_1 = arith.constant 0 : i32
    return %add3A_0, %c0_i32 : i32, i32
  }
  func.func @transform_3(%arg0: i32) -> (i32, i32) {
    %add3A = arith.constant 8 : i32
    %add3A_0 = arith.addi %arg0, %add3A : i32
    %c0_i32 = arith.constant 0 : i32
    %c0_i32_1 = arith.constant 0 : i32
    return %add3A_0, %c0_i32 : i32, i32
  }
  func.func @transform_4(%arg0: i32) -> (i32, i32) {
    %add3A = arith.constant 0 : i32
    %add3A_0 = arith.addi %arg0, %add3A : i32
    %c0_i32 = arith.constant 0 : i32
    %c0_i32_1 = arith.constant 0 : i32
    return %add3A_0, %c0_i32 : i32, i32
  }
  func.func @transform_5(%arg0: i32) -> (i32, i32) {
    %add3A = arith.constant 0 : i32
    %add3A_0 = arith.addi %arg0, %add3A : i32
    %c0_i32 = arith.constant 0 : i32
    %c0_i32_1 = arith.constant 0 : i32
    return %add3A_0, %c0_i32 : i32, i32
  }
  func.func @transform_6(%arg0: i32) -> (i32, i32) {
    %add3A = arith.constant 0 : i32
    %add3A_0 = arith.addi %arg0, %add3A : i32
    %c0_i32 = arith.constant 0 : i32
    %c0_i32_1 = arith.constant 0 : i32
    return %add3A_0, %c0_i32 : i32, i32
  }
}

module attributes {stable_mosaic.version = 14 : i64} {
  func.func @_tc_final_body(%arg0: i32, %arg1: memref<16x128xf32, #tpu.memory_space<vmem>>, %arg2: memref<1x128xf32, #tpu.memory_space<vmem>>, %arg3: memref<128x8xf32, #tpu.memory_space<vmem>>, %arg4: memref<1x8xf32, #tpu.memory_space<vmem>>, %arg5: memref<3584x16xf32, #tpu.memory_space<vmem>>, %arg6: memref<3584x16xf32, #tpu.memory_space<vmem>>, %arg7: memref<3584x16xf32, #tpu.memory_space<vmem>>, %arg8: memref<3584x16xf32, #tpu.memory_space<vmem>>, %arg9: memref<3584x128xf32, #tpu.memory_space<vmem>>, %arg10: memref<3584x8xf32, #tpu.memory_space<vmem>>) attributes {dimension_semantics = [#tpu.dimension_semantics<arbitrary>], iteration_bounds = array<i64: 28>, scalar_prefetch = 0 : i64, scratch_operands = 0 : i64, tpu.core_type = #tpu.core_type<tc>, window_params = [{pipeline_mode = #tpu.pipeline_mode<synchronous>, transform_indices = @transform_0, window_bounds = array<i64: 16, 128>}, {pipeline_mode = #tpu.pipeline_mode<synchronous>, transform_indices = @transform_1, window_bounds = array<i64: 1, 128>}, {pipeline_mode = #tpu.pipeline_mode<synchronous>, transform_indices = @transform_2, window_bounds = array<i64: 128, 8>}, {pipeline_mode = #tpu.pipeline_mode<synchronous>, transform_indices = @transform_3, window_bounds = array<i64: 1, 8>}, {transform_indices = @transform_4, window_bounds = array<i64: 3584, 16>}, {transform_indices = @transform_5, window_bounds = array<i64: 3584, 16>}, {transform_indices = @transform_6, window_bounds = array<i64: 3584, 16>}, {transform_indices = @transform_7, window_bounds = array<i64: 3584, 16>}, {transform_indices = @transform_8, window_bounds = array<i64: 3584, 128>}, {transform_indices = @transform_9, window_bounds = array<i64: 3584, 8>}]} {
    %get3A = arith.constant 0 : index
    %get3A_0 = arith.constant 0 : index
    %get3A_1 = vector.load %arg8[%get3A, %get3A_0] : memref<3584x16xf32, #tpu.memory_space<vmem>>, vector<3584x16xf32>
    %get3A_2 = arith.constant 0 : index
    %get3A_3 = arith.constant 0 : index
    %get3A_4 = vector.load %arg5[%get3A_2, %get3A_3] : memref<3584x16xf32, #tpu.memory_space<vmem>>, vector<3584x16xf32>
    %get3A_5 = arith.constant 0 : index
    %get3A_6 = arith.constant 0 : index
    %get3A_7 = vector.load %arg6[%get3A_5, %get3A_6] : memref<3584x16xf32, #tpu.memory_space<vmem>>, vector<3584x16xf32>
    %add3A = arith.addf %get3A_4, %get3A_7 : vector<3584x16xf32>
    %get3A_8 = arith.constant 0 : index
    %get3A_9 = arith.constant 0 : index
    %get3A_10 = vector.load %arg7[%get3A_8, %get3A_9] : memref<3584x16xf32, #tpu.memory_space<vmem>>, vector<3584x16xf32>
    %sub3A = arith.subf %add3A, %get3A_10 : vector<3584x16xf32>
    %mul3A = arith.mulf %get3A_1, %sub3A : vector<3584x16xf32>
    %get3A_11 = arith.constant 0 : index
    %get3A_12 = arith.constant 0 : index
    %get3A_13 = vector.load %arg1[%get3A_11, %get3A_12] : memref<16x128xf32, #tpu.memory_space<vmem>>, vector<16x128xf32>
    %dot_general3A = arith.constant dense<0.000000e+00> : vector<3584x128xf32>
    %dot_general3A_14 = tpu.matmul %mul3A, %get3A_13, %dot_general3A {dimension_numbers = #tpu.dot_dimension_numbers<[1], [0], [0], [1], [0, 0, 1, 1], [], []>, transpose_lhs_hint = false} : vector<3584x16xf32>, vector<16x128xf32>, vector<3584x128xf32> -> vector<3584x128xf32>
    %get3A_15 = arith.constant 0 : index
    %get3A_16 = arith.constant 0 : index
    %get3A_17 = vector.load %arg2[%get3A_15, %get3A_16] : memref<1x128xf32, #tpu.memory_space<vmem>>, vector<1x128xf32>
    %add3A_18 = vector.broadcast %get3A_17 : vector<1x128xf32> to vector<3584x128xf32>
    %add3A_19 = arith.addf %dot_general3A_14, %add3A_18 : vector<3584x128xf32>
    %tanh3A = math.tanh %add3A_19 : vector<3584x128xf32>
    %swap3A = arith.constant 0 : index
    %swap3A_20 = arith.constant 0 : index
    %swap3A_21 = vector.load %arg9[%swap3A, %swap3A_20] : memref<3584x128xf32, #tpu.memory_space<vmem>>, vector<3584x128xf32>
    tpu.vector_store %arg9[%swap3A, %swap3A_20], %tanh3A {strides = array<i32>} : memref<3584x128xf32, #tpu.memory_space<vmem>>, vector<3584x128xf32>,
    %get3A_22 = arith.constant 0 : index
    %get3A_23 = arith.constant 0 : index
    %get3A_24 = vector.load %arg3[%get3A_22, %get3A_23] : memref<128x8xf32, #tpu.memory_space<vmem>>, vector<128x8xf32>
    %dot_general3A_25 = arith.constant dense<0.000000e+00> : vector<3584x8xf32>
    %dot_general3A_26 = tpu.matmul %tanh3A, %get3A_24, %dot_general3A_25 {dimension_numbers = #tpu.dot_dimension_numbers<[1], [0], [0], [1], [0, 0, 1, 1], [], []>, transpose_lhs_hint = false} : vector<3584x128xf32>, vector<128x8xf32>, vector<3584x8xf32> -> vector<3584x8xf32>
    %get3A_27 = arith.constant 0 : index
    %get3A_28 = arith.constant 0 : index
    %get3A_29 = vector.load %arg4[%get3A_27, %get3A_28] : memref<1x8xf32, #tpu.memory_space<vmem>>, vector<1x8xf32>
    %add3A_30 = vector.broadcast %get3A_29 : vector<1x8xf32> to vector<3584x8xf32>
    %add3A_31 = arith.addf %dot_general3A_26, %add3A_30 : vector<3584x8xf32>
    %swap3A_32 = arith.constant 0 : index
    %swap3A_33 = arith.constant 0 : index
    %swap3A_34 = vector.load %arg10[%swap3A_32, %swap3A_33] : memref<3584x8xf32, #tpu.memory_space<vmem>>, vector<3584x8xf32>
    tpu.vector_store %arg10[%swap3A_32, %swap3A_33], %add3A_31 {strides = array<i32>} : memref<3584x8xf32, #tpu.memory_space<vmem>>, vector<3584x8xf32>,
    return
  }
  func.func @transform_0(%arg0: i32) -> (i32, i32) {
    %c0_i32 = arith.constant 0 : i32
    %c0_i32_0 = arith.constant 0 : i32
    %c0_i32_1 = arith.constant 0 : i32
    return %c0_i32, %c0_i32_0 : i32, i32
  }
  func.func @transform_1(%arg0: i32) -> (i32, i32) {
    %c0_i32 = arith.constant 0 : i32
    %c0_i32_0 = arith.constant 0 : i32
    %c0_i32_1 = arith.constant 0 : i32
    return %c0_i32, %c0_i32_0 : i32, i32
  }
  func.func @transform_2(%arg0: i32) -> (i32, i32) {
    %c0_i32 = arith.constant 0 : i32
    %c0_i32_0 = arith.constant 0 : i32
    %c0_i32_1 = arith.constant 0 : i32
    return %c0_i32, %c0_i32_0 : i32, i32
  }
  func.func @transform_3(%arg0: i32) -> (i32, i32) {
    %c0_i32 = arith.constant 0 : i32
    %c0_i32_0 = arith.constant 0 : i32
    %c0_i32_1 = arith.constant 0 : i32
    return %c0_i32, %c0_i32_0 : i32, i32
  }
  func.func @transform_4(%arg0: i32) -> (i32, i32) {
    %add3A = arith.constant 0 : i32
    %add3A_0 = arith.addi %arg0, %add3A : i32
    %c0_i32 = arith.constant 0 : i32
    %c0_i32_1 = arith.constant 0 : i32
    return %add3A_0, %c0_i32 : i32, i32
  }
  func.func @transform_5(%arg0: i32) -> (i32, i32) {
    %add3A = arith.constant 28 : i32
    %add3A_0 = arith.addi %arg0, %add3A : i32
    %c0_i32 = arith.constant 0 : i32
    %c0_i32_1 = arith.constant 0 : i32
    return %add3A_0, %c0_i32 : i32, i32
  }
  func.func @transform_6(%arg0: i32) -> (i32, i32) {
    %add3A = arith.constant 0 : i32
    %add3A_0 = arith.addi %arg0, %add3A : i32
    %c0_i32 = arith.constant 0 : i32
    %c0_i32_1 = arith.constant 0 : i32
    return %add3A_0, %c0_i32 : i32, i32
  }
  func.func @transform_7(%arg0: i32) -> (i32, i32) {
    %add3A = arith.constant 0 : i32
    %add3A_0 = arith.addi %arg0, %add3A : i32
    %c0_i32 = arith.constant 0 : i32
    %c0_i32_1 = arith.constant 0 : i32
    return %add3A_0, %c0_i32 : i32, i32
  }
  func.func @transform_8(%arg0: i32) -> (i32, i32) {
    %add3A = arith.constant 0 : i32
    %add3A_0 = arith.addi %arg0, %add3A : i32
    %c0_i32 = arith.constant 0 : i32
    %c0_i32_1 = arith.constant 0 : i32
    return %add3A_0, %c0_i32 : i32, i32
  }
  func.func @transform_9(%arg0: i32) -> (i32, i32) {
    %add3A = arith.constant 0 : i32
    %add3A_0 = arith.addi %arg0, %add3A : i32
    %c0_i32 = arith.constant 0 : i32
    %c0_i32_1 = arith.constant 0 : i32
    return %add3A_0, %c0_i32 : i32, i32
  }
}

</mosaic_0001>

<sc_bundles>
// kernel: kernel.12.cloned.1.call-start
scs
__scs_entry_jumppad:
0x0: {  	(pc) =	sbr.rel $0x88, $3  }
0x1: {  	(tag) =	ssettag $0x0;
	lr =	simm.s32 $0x1  }
0x2: {  	[smem:$0x3F95] =	sst lr;
	_ =	strace $0xD0000000  }
0x3: {  	_ = 	snop  }
0x4: {  	_ = 	snop  }
0x5: {  	_ = 	snop  }
0x6: {  	_ = 	snop  }
0x7: {  	_ = 	snop  }
__scs_overlays_trampoline_lowered:
0x8: {  	[smem:$0x3FA4] =	sst s0  }
0x9: {  	[smem:$0x3FA5] =	sst s1  }
0xa: {  	[smem:$0x3FA6] =	sst s2  }
0xb: {  	[smem:$0x3FA7] =	sst s3  }
0xc: {  	[smem:$0x3FA8] =	sst s4  }
0xd: {  	[smem:$0x3FA9] =	sst s5  }
0xe: {  	[smem:$0x3FAA] =	sst s6  }
0xf: {  	[smem:$0x3FAB] =	sst s7  }
0x10: {  	[smem:$0x3FAC] =	sst s8  }
0x11: {  	[smem:$0x3FAD] =	sst s9;
	s0 =	simm.s32 @!p0 $0x0  }
0x12: {  	s1 =	sld [smem:$0x3F93];
	s0 =	simm.s32 @p0 $0x1  }
0x13: {  	[smem:$0x3FAE] =	sst s0;
	s0 =	simm.s32 @!p1 $0x0  }
0x14: {  	s2 =	sld [smem:$0x3F92];
	s0 =	simm.s32 @p1 $0x1  }
0x15: {  	[smem:$0x3FAF] =	sst s0;
	s0 =	simm.s32 @!p2 $0x0  }
0x16: {  	s3 =	sld [smem:$0x3FDB];
	s0 =	simm.s32 @p2 $0x1  }
0x17: {  	s4 =	simm.s32 $0x1BF5;
	[smem:$0x3FB1] =	sst s0  }
0x18: {  	s0 =	sld [smem:$0x3F94];
	_ =	swait.ge [sflag:s4], $0x0  }
0x19: {  	s7 =	sld [smem:$0x3F95]  }
0x1a: {  	s8 =	sadd.s32 $0xFFFFE003, lr  }
0x1b: {  	s9 =	sadd.s32 $0xFFFFFEF7, lr;
	s5 =	simm.s32 $0xFFFFFFFF;
	p2 =	slt.u32 s8, $0xFFFFF086  }
0x1c: {  	p1 =	slt.u32 s9, $0xF7A;
	s5 =	simm.s32 @!p2 $0x0  }
0x1d: {  	s5 =	simm.s32 @p1 $0x1;
	p0 =	seq.s32 s7, s2  }
0x1e: {  	s7 =	smul.u32 @!p0 $0xF7A, s2;
	p2 =	seq.s32 @!p0 s5, $0x0  }
0x1f: {  	s9 =	smul.u32 $0xF7A, s1;
	s8 =	simm.s32 @!p0 $0x1BF5;
	p2 =	por !p2, p0  }
0x20: {  	[sflag:s8] =	ssyncset.s32 @!p0 $0xFFFFF086;
	s6 =	sadd.s32 @!p0 s3, s7;
	s7 =	simm.s32 @!p0 $0x108  }
0x21: {  	s3 =	sadd.s32 s3, s9;
	s6 =	sadd.s32 @!p0 $0x88, s6;
	s7 =	simm.s32 @p2 $0x1082  }
0x22: {  	[simem:s7], [sflag:s8] =	dma.local @!p0 [hbm:s6], $0xF7A  }
0x23: {  	s9 =	sor.u32 $0xD0000000, s2;
	s6 =	simm.s32 $0x108;
	_ =	swait.ge @!p0 [sflag:s8], $0x0  }
0x24: {  	s3 =	sadd.s32 $0x88, s3;
	s6 =	simm.s32 @!p1 $0x1082;
	[sflag:s4] =	ssyncset.s32 $0xFFFFF086  }
0x25: {  	[simem:s6], [sflag:s4] =	dma.local [hbm:s3], $0xF7A  }
0x26: {  	[smem:$0x3F95] =	sst s1;
	(tag) =	ssettag s2;
	_ =	strace s9  }
0x27: {  	s1 =	sld [smem:$0x3FA5]  }
0x28: {  	s2 =	sld [smem:$0x3FA6]  }
0x29: {  	s4 =	sld [smem:$0x3FA8]  }
0x2a: {  	p0 =	seq.s32 s5, $0x0;
	s5 =	sld [smem:$0x3FA9]  }
0x2b: {  	s6 =	sld [smem:$0x3FAA]  }
0x2c: {  	s7 =	sld [smem:$0x3FAB]  }
0x2d: {  	s3 =	simm.s32 $0x108;
	s8 =	sld [smem:$0x3FAC]  }
0x2e: {  	s3 =	simm.s32 @!p0 $0x1082;
	s9 =	sld [smem:$0x3FAD]  }
0x2f: {  	lr =	sadd.s32 s0, s3;
	s0 =	sld [smem:$0x3FA4]  }
0x30: {  	s3 =	sld [smem:$0x3FA7]  }
0x31: {  	[smem:$0x3FB0] =	sst s10  }
0x32: {  	s10 =	sld [smem:$0x3FAE];
	_ =	sdelay $0x3  }
0x33: {  	p0 =	seq.s32 s10, $0x1;
	s10 =	sld [smem:$0x3FB0];
	_ =	sdelay $0x3  }
0x34: {  	[smem:$0x3FB0] =	sst s10  }
0x35: {  	s10 =	sld [smem:$0x3FAF];
	_ =	sdelay $0x3  }
0x36: {  	p1 =	seq.s32 s10, $0x1;
	s10 =	sld [smem:$0x3FB0];
	_ =	sdelay $0x3  }
0x37: {  	[smem:$0x3FB0] =	sst s10  }
0x38: {  	s10 =	sld [smem:$0x3FB1]  }
0x39: {  	_ = 	snop;
	(pc) =	sbr.ind lr, $3  }
0x3a: {  	_ = 	snop  }
0x3b: {  	_ = 	snop  }
0x3c: {  	p2 =	seq.s32 s10, $0x1;
	s10 =	sld [smem:$0x3FB0]  }
0x3d: {  	_ =	shalt  }
0x3e: {  	_ =	shalt  }
0x3f: {  	_ =	shalt  }
0x40: {  	_ =	shalt  }
0x41: {  	_ =	shalt  }
0x42: {  	_ =	shalt  }
0x43: {  	_ =	shalt  }
0x44: {  	_ =	shalt  }
0x45: {  	_ =	shalt  }
0x46: {  	_ =	shalt  }
0x47: {  	_ =	shalt  }
0x48: {  	_ =	shalt  }
0x49: {  	_ =	shalt  }
0x4a: {  	_ =	shalt  }
0x4b: {  	_ =	shalt  }
0x4c: {  	_ =	shalt  }
0x4d: {  	_ =	shalt  }
0x4e: {  	_ =	shalt  }
0x4f: {  	_ =	shalt  }
0x50: {  	_ =	shalt  }
0x51: {  	_ =	shalt  }
0x52: {  	_ =	shalt  }
0x53: {  	_ =	shalt  }
0x54: {  	_ =	shalt  }
0x55: {  	_ =	shalt  }
0x56: {  	_ =	shalt  }
0x57: {  	_ =	shalt  }
0x58: {  	_ =	shalt  }
0x59: {  	_ =	shalt  }
0x5a: {  	_ =	shalt  }
0x5b: {  	_ =	shalt  }
0x5c: {  	_ =	shalt  }
0x5d: {  	_ =	shalt  }
0x5e: {  	_ =	shalt  }
0x5f: {  	_ =	shalt  }
0x60: {  	_ =	shalt  }
0x61: {  	_ =	shalt  }
0x62: {  	_ =	shalt  }
0x63: {  	_ =	shalt  }
0x64: {  	_ =	shalt  }
0x65: {  	_ =	shalt  }
0x66: {  	_ =	shalt  }
0x67: {  	_ =	shalt  }
0x68: {  	_ =	shalt  }
0x69: {  	_ =	shalt  }
0x6a: {  	_ =	shalt  }
0x6b: {  	_ =	shalt  }
0x6c: {  	_ =	shalt  }
0x6d: {  	_ =	shalt  }
0x6e: {  	_ =	shalt  }
0x6f: {  	_ =	shalt  }
0x70: {  	_ =	shalt  }
0x71: {  	_ =	shalt  }
0x72: {  	_ =	shalt  }
0x73: {  	_ =	shalt  }
0x74: {  	_ =	shalt  }
0x75: {  	_ =	shalt  }
0x76: {  	_ =	shalt  }
0x77: {  	_ =	shalt  }
0x78: {  	_ =	shalt  }
0x79: {  	_ =	shalt  }
0x7a: {  	_ =	shalt  }
0x7b: {  	_ =	shalt  }
0x7c: {  	_ =	shalt  }
0x7d: {  	_ =	shalt  }
0x7e: {  	_ =	shalt  }
0x7f: {  	_ =	shalt  }
0x80: {  	_ =	shalt  }
0x81: {  	_ =	shalt  }
0x82: {  	_ =	shalt  }
0x83: {  	_ =	shalt  }
0x84: {  	_ =	shalt  }
0x85: {  	_ =	shalt  }
0x86: {  	_ =	shalt  }
0x87: {  	_ =	shalt  }
.Lfunc_end0:
.L_simem_size_0:
called_computation.1_lowered:
.L_overlay_start_0:
0x88: {  	s2 =	sld [smem:$0x3FD9]  }
0x89: {  	s3 =	sld [smem:$0x3FFE];
	_ =	sdelay $0x1  }
0x8a: {  	s1 =	srdreg.scid  }
0x8b: {  	s0 =	sand.u32 $0x1, s1  }
0x8c: {  	s14 =	sshll.u32 s0, $0xA;
	s2 =	sadd.s32 s3, s2  }
0x8d: {  	s2 =	sadd.s32 s2, s14  }
0x8e: {  	[smem:$0x3FBC] =	sst s2  }
0x8f: {  	_ = 	snop  }
0x90: {  	s2 =	sld [smem:$0x3FD0];
	_ =	sdelay $0x2  }
0x91: {  	s15 =	simm.s32 $0xA;
	s4 =	simm.s32 $0x10  }
0x92: {  	[smem:s4], [sflag:s15] =	dma.local [hbm:s2], $0x1  }
0x93: {  	_ =	swait.eq [sflag:s15], $0x1  }
0x94: {  	[sflag:s15] =	ssyncset.done $0x0  }
0x95: {  	s16 =	sld [smem:$0x10];
	[sflag:s15] =	ssyncadd.s32 $0xFFFFFFFF  }
0x96: {  	s17 =	sld [smem:$0x11];
	(tm) =	ssettm $0x1  }
0x97: {  	s18 =	sld [smem:$0x3FFB];
	_ =	sdelay $0x3  }
0x98: {  	_ =	strace s18  }
0x99: {  	s4 =	sld [smem:$0x3FFC];
	_ =	sdelay $0x3  }
0x9a: {  	_ =	strace s4  }
0x9b: {  	s4 =	sld [smem:$0x3FFD];
	_ =	sdelay $0x3  }
0x9c: {  	_ =	strace s4  }
0x9d: {  	_ =	strace $0x8FFFFFFF  }
0x9e: {  	s19 =	sld [smem:$0x3FDB];
	_ =	sdelay $0x1  }
0x9f: {  	s5 =	simm.s32 $_scs_section_size  }
0xa0: {  	s6 =	simm.s32 $_size__tile_overlayer_lowered;
	s7 =	simm.s32 $_tile_overlayer_lowered  }
0xa1: {  	s22 =	simm.s32 $0x1BFF;
	s21 =	sshll.u32 s7, $0x1;
	s4 =	sadd.s32 s5, s19  }
0xa2: {  	s8 =	simm.s32 $0x0;
	s20 =	sshll.u32 s6, $0x1;
	s6 =	sadd.s32 s21, s4  }
0xa3: {  	[timem:s8], [sflag:s22] =	dma.local [hbm:s6], s20  }
0xa4: {  	_ =	swait.ge [sflag:s22], s20  }
0xa5: {  	s5 =	ssub.s32 $0x0, s20;
	[sflag:s22] =	ssyncset.done $0x0  }
0xa6: {  	[sflag:s22] =	ssyncadd.s32 s5;
	_ =	sdelay $0x1  }
0xa7: {  	s23 =	simm.s32 $0x1B8B  }
0xa8: {  	_ =	swait.ge [sflag:s23], $0x1  }
0xa9: {  	[sflag:s23] =	ssyncset.done $0x0  }
0xaa: {  	s25 =	simm.s32 $0x1B8E;
	s24 =	sld [smem:$0x3FFE];
	[sflag:s23] =	ssyncadd.s32 $0xFFFFFFFF  }
0xab: {  	s26 =	simm.s32 $execute0_lowered;
	[smem:$0x3FD2] =	sst s25  }
0xac: {  	s6 =	sshll.u32 s26, $0x1;
	_ =	strace $0x80000046;
	[dreg:$0x1] =	wrdreg $0xFFFFFFFF  }
0xad: {  	s28 =	simm.s32 $_size_execute0_lowered;
	s4 =	sadd.s32 s4, s6;
	[dreg:$0x0] =	wrdreg $0x0  }
0xae: {  	s6 =	sshll.u32 s28, $0x1;
	[dreg:$0x2] =	wrdreg s4  }
0xaf: {  	[dreg:$0x3] =	wrdreg s6  }
0xb0: {  	[dreg:$0x4] =	wrdreg $0xC0  }
0xb1: {  	_ =	task [dreg:s8], $0x5FFFF  }
0xb2: {  	[dreg:$0x1] =	wrdreg $0xFFFFFFFF  }
0xb3: {  	[dreg:$0x0] =	wrdreg $0x60  }
0xb4: {  	[dreg:$0x2] =	wrdreg s24  }
0xb5: {  	[dreg:$0x3] =	wrdreg s16  }
0xb6: {  	[dreg:$0x4] =	wrdreg s17  }
0xb7: {  	[dreg:$0x5] =	wrdreg $0x36000  }
0xb8: {  	[dreg:$0x6] =	wrdreg $0x9  }
0xb9: {  	_ =	task.clear_ibuf [dreg:s8], $0x7FFFF;
	_ =	strace $0x90000046  }
0xba: {  	s29 =	simm.s32 $0x9;
	_ =	strace $0x80000048  }
0xbb: {  	_ =	swait.ge [sflag:s29], $0x1  }
0xbc: {  	[sflag:s29] =	ssyncadd.s32 $0xFFFFFFFF  }
0xbd: {  	_ =	strace $0x90000048  }
0xbe: {  	_ =	sfence  }
0xbf: {  	s30 =	sld [smem:$0x0];
	_ =	sdelay $0x2  }
0xc0: {  	s31 =	sshll.u32 s1, $0xD;
	s1 =	sshrl.u32 s1, $0x2  }
0xc1: {  	s3 =	sand.u32 $0x4000, s31;
	s1 =	sadd.s32 s1, s30  }
0xc2: {  	s0 =	sor.u32 s3, s0;
	s1 =	sshll.u32 s1, $0x11  }
0xc3: {  	s0 =	sor.u32 s1, s0  }
0xc4: {  	s0 =	sadd.s32 $0x8F2B, s0  }
0xc5: {  	[sflag:s0] =	ssyncadd.remote.s32 $0x1  }
0xc6: {  	_ =	sfence.sel $0xFFFF  }
0xc7: {  	[dreg:$0x0] =	wrdreg $0xFFFFFFFF;
	(pc) =	sbr.abs _section_cstart, $3  }
0xc8: {  	[dreg:$0x1] =	wrdreg $0xFFFFFFFF  }
0xc9: {  	_ =	task.clear_ibuf [dreg:s8], $0x2FFFF;
	_ =	strace $0x9FFFFFFF  }
0xca: {  	(tm) =	ssettm $0x7FFFFFFF  }
0xcb: {  	_ =	shalt  }
tec
execute0_lowered:
.L_overlay_start_1:
0x0: {  	(tag) =	ssettag $0x1  }
0x1: {  	s6 =	rddreg [dreg:$0x0]  }
0x2: {  	s1 =	rddreg [dreg:$0x1]  }
0x3: {  	s10 =	rddreg [dreg:$0x2]  }
0x4: {  	s2 =	rddreg [dreg:$0x3]  }
0x5: {  	s0 =	rddreg [dreg:$0x4]  }
0x6: {  	s4 =	simm.s32 $0x0;
	s3 =	stileid.u32;
	s7 =	srdreg.scid  }
0x7: {  	s17 =	simm.s32 $0x2;
	s18 =	simm.s32 $0x300;
	s19 =	simm.s32 $0x1  }
0x8: {  	s20 =	simm.s32 $0x0;
	[smem:$0x7FF] =	sst s4;
	s8 =	smul.u32 $0x18800, s3  }
0x9: {  	s5 =	sadd.s32 $0x3000, s6;
	s7 =	sand.u32 $0x1, s7;
	s12 =	smul.u32 $0x3100, s3  }
0xa: {  	s9 =	sshll.u32 s3, $0x1;
	s28 =	smul.u32 $0x18C00, s3;
	s30 =	sshll.u32 s3, $0x6  }
0xb: {  	_ =	strace $0x80000047;
	s11 =	ssub.s32 $0x2, s7;
	s15 =	smul.u32 $0xC600, s7  }
0xc: {  	s9 =	sor.u32 s7, s9;
	s16 =	smul.u32 $0x31000, s7;
	s7 =	sor.u32 $0x1C03, s30  }
0xd: {  	s13 =	sshrl.u32 s8, $0x3;
	s14 =	sshrl.u32 s11, $0x1;
	s9 =	smul.u32 $0xC600, s9  }
0xe: {  	s29 =	sadd.s32 s8, s2;
	s6 =	sadd.s32 s13, s6;
	s11 =	ssub.s32 s11, s14  }
0xf: {  	s13 =	sadd.s32 s15, s28;
	s12 =	sadd.s32 s12, s16;
	s14 =	sshrl.u32 s29, $0x3  }
0x10: {  	s16 =	simm.s32 $0x600;
	s6 =	sadd.s32 $0x34800, s6;
	s9 =	sshrl.u32 s9, $0x3  }
0x11: {  	s15 =	sadd.s32 $0x900, s13;
	s10 =	sadd.s32 s10, s12;
	s11 =	smax.u32 s11, $0x1  }
0x12: {  	s13 =	sadd.s32 $0x600, s13;
	s8 =	sadd.s32 s5, s9;
	s31 =	sshrl.u32 s15, $0x3  }
0x13: {  	s15 =	simm.s32 $0x3;
	s9 =	sadd.s32 $0x60, s8;
	s12 =	sadd.s32 s31, s5  }
.LBB2_1:
0x14: {  	[spmem:s14], [sflag:s7] =	dma.local [hbm:s6], $0x3100  }
0x15: {  	_ =	swait.ge [sflag:s15], $0x3100  }
0x16: {  	[sflag:s15] =	ssyncset.done $0x0  }
0x17: {  	[sflag:s15] =	ssyncadd.s32 $0xFFFFCF00  }
0x18: {  	[tilespmem:s16], [sflag:$0x3] =	stream.linear.gather [hbm4b:s1+s4], $0x3000, $0x38;
	[tilespmem:$0x1BE00] =	vst v63  }
0x19: {  	_ =	swait.ge [sflag:s15], $0x3000  }
0x1a: {  	[sflag:s15] =	ssyncset.done $0x0  }
0x1b: {  	[sflag:s15] =	ssyncadd.s32 $0xFFFFD000  }
0x1c: {  	[bflag:$0x0] =	sbarrier.arrive $0xFFFF  }
0x1d: {  	[tilespmem:s4], [sflag:$0x2] =	stream.linear.gather [hbm4b:s8+s4], $0x300, $0x38;
	[tilespmem:$0x1BE00] =	vst v63  }
0x1e: {  	_ =	swait.ge [sflag:s17], $0x300  }
0x1f: {  	[sflag:s17] =	ssyncset.done $0x0  }
0x20: {  	[sflag:s17] =	ssyncadd.s32 $0xFFFFFD00  }
0x21: {  	[tilespmem:s18], [sflag:$0x2] =	stream.linear.gather [hbm4b:s9+s4], $0x300, $0x38;
	[tilespmem:$0x1BE00] =	vst v63  }
0x22: {  	_ = 	snop  }
0x23: {  	[spmem:s2] =	stream.indirect.scatter.add.f32 [tilespmem:s16], [sflag:$0x1], $0x10, s4, s18, $0xb8;
	[tilespmem:$0x1BE00] =	vst v63  }
0x24: {  	_ =	swait.ge [sflag:s17], $0x300  }
0x25: {  	[sflag:s17] =	ssyncset.done $0x0  }
0x26: {  	[sflag:s17] =	ssyncadd.s32 $0xFFFFFD00  }
0x27: {  	_ =	swait.ge [sflag:s19], $0x3000  }
0x28: {  	s21 =	sshrl.u32 s13, $0x3;
	[sflag:s19] =	ssyncset.done $0x0  }
0x29: {  	s21 =	sadd.s32 s5, s21;
	[sflag:s19] =	ssyncadd.s32 $0xFFFFD000  }
0x2a: {  	[tilespmem:s4], [sflag:$0x2] =	stream.linear.gather [hbm4b:s21+s4], $0x300, $0x38;
	[tilespmem:$0x1BE00] =	vst v63  }
0x2b: {  	_ = 	snop  }
0x2c: {  	[spmem:s2] =	stream.indirect.scatter.add.f32 [tilespmem:s16], [sflag:$0x1], $0x10, s18, s18, $0xb8;
	[tilespmem:$0x1BE00] =	vst v63  }
0x2d: {  	_ =	swait.ge [sflag:s17], $0x300  }
0x2e: {  	[sflag:s17] =	ssyncset.done $0x0  }
0x2f: {  	[sflag:s17] =	ssyncadd.s32 $0xFFFFFD00  }
0x30: {  	_ =	swait.ge [sflag:s19], $0x3000  }
0x31: {  	s31 =	sadd.s32 $0x0, s12;
	[sflag:s19] =	ssyncset.done $0x0  }
0x32: {  	s22 =	sadd.s32 $0x600, s13;
	s21 =	simm.s32 $0xC0;
	[sflag:s19] =	ssyncadd.s32 $0xFFFFD000  }
0x33: {  	[tilespmem:s18], [sflag:$0x2] =	stream.linear.gather [hbm4b:s31+s4], $0x300, $0x38;
	[tilespmem:$0x1BE00] =	vst v63  }
.LBB2_2:
0x34: {  	[spmem:s2] =	stream.indirect.scatter.add.f32 [tilespmem:s16], [sflag:$0x1], $0x10, s4, s18, $0xb8;
	[tilespmem:$0x1BE00] =	vst v63  }
0x35: {  	s23 =	smov.u32 s21  }
0x36: {  	p0 =	sne.s32 s21, $0x1740;
	s21 =	sadd.s32 $0xC0, s21;
	_ =	swait.ge [sflag:s17], $0x300  }
0x37: {  	[sflag:s17] =	ssyncset.done $0x0  }
0x38: {  	[sflag:s17] =	ssyncadd.s32 $0xFFFFFD00  }
0x39: {  	_ =	swait.ge [sflag:s19], $0x3000  }
0x3a: {  	s24 =	sshrl.u32 s22, $0x3;
	[sflag:s19] =	ssyncset.done $0x0  }
0x3b: {  	s24 =	sadd.s32 s5, s24;
	[sflag:s19] =	ssyncadd.s32 $0xFFFFD000  }
0x3c: {  	[tilespmem:s4], [sflag:$0x2] =	stream.linear.gather [hbm4b:s24+s4], $0x300, $0x38;
	[tilespmem:$0x1BE00] =	vst v63  }
0x3d: {  	_ = 	snop  }
0x3e: {  	[spmem:s2] =	stream.indirect.scatter.add.f32 [tilespmem:s16], [sflag:$0x1], $0x10, s18, s18, $0xb8;
	[tilespmem:$0x1BE00] =	vst v63  }
0x3f: {  	_ =	swait.ge [sflag:s17], $0x300  }
0x40: {  	[sflag:s17] =	ssyncset.done $0x0  }
0x41: {  	[sflag:s17] =	ssyncadd.s32 $0xFFFFFD00  }
.Ltmp0:
0x42: {  	_ =	swait.ge [sflag:s19], $0x3000;
	(pc) =	sbr.rel @p0 .LBB2_2-.Ltmp0, $4  }
0x43: {  	[sflag:s19] =	ssyncset.done $0x0  }
0x44: {  	s23 =	sadd.s32 s23, s12;
	[sflag:s19] =	ssyncadd.s32 $0xFFFFD000  }
0x45: {  	[tilespmem:s18], [sflag:$0x2] =	stream.linear.gather [hbm4b:s23+s4], $0x300, $0x38;
	[tilespmem:$0x1BE00] =	vst v63  }
0x46: {  	s22 =	sadd.s32 $0x600, s22  }
0x47: {  	[spmem:s2] =	stream.indirect.scatter.add.f32 [tilespmem:s16], [sflag:$0x1], $0x10, s4, s18, $0xb8;
	[tilespmem:$0x1BE00] =	vst v63  }
0x48: {  	_ =	swait.ge [sflag:s17], $0x300  }
0x49: {  	[sflag:s17] =	ssyncset.done $0x0  }
0x4a: {  	[sflag:s17] =	ssyncadd.s32 $0xFFFFFD00  }
0x4b: {  	_ =	swait.ge [sflag:s19], $0x3000  }
0x4c: {  	[sflag:s19] =	ssyncset.done $0x0  }
0x4d: {  	[sflag:s19] =	ssyncadd.s32 $0xFFFFD000  }
0x4e: {  	[spmem:s2] =	stream.indirect.scatter.add.f32 [tilespmem:s16], [sflag:$0x1], $0x10, s18, s18, $0xb8;
	[tilespmem:$0x1BE00] =	vst v63  }
0x4f: {  	_ =	swait.ge [sflag:s19], $0x3000  }
0x50: {  	s20 =	sadd.s32 $0x1, s20;
	[sflag:s19] =	ssyncset.done $0x0  }
0x51: {  	p0 =	sne.s32 s20, s11;
	[sflag:s19] =	ssyncadd.s32 $0xFFFFD000  }
.Ltmp1:
0x52: {  	[bflag:$0x0] =	sbarrier.arrive $0xFFFF;
	(pc) =	sbr.rel @p0 .LBB2_1-.Ltmp1, $4  }
0x53: {  	[hbm:s10], [sflag:s7] =	dma.local [spmem:s14], $0x3100  }
0x54: {  	_ =	swait.ge [sflag:s15], $0x3100  }
0x55: {  	[sflag:s15] =	ssyncset.done $0x0  }
0x56: {  	[sflag:s15] =	ssyncadd.s32 $0xFFFFCF00  }
0x57: {  	_ =	sfence.sel $0x180000  }
0x58: {  	[bflag:$0x0] =	sbarrier.arrive $0xFFFF  }
0x59: {  	p0 =	sne.s32 s3, $0x0;
	_ =	strace $0x90000047  }
0x5a: {  	s0 =	sadd.s32 @!p0 $0x100000, s0;
	[bflag:$0x2] =	sbarrier.arrive $0xFFFF  }
0x5b: {  	[sflag:s0] =	ssyncadd.tile.s32 @!p0 $0x1;
	_ =	shalt  }
.Lfunc_end2:
_tile_overlayer_lowered:
.L_overlay_start_2:
0x5c: {  	(tag) =	ssettag $0x2  }
0x5d: {  	s0 =	rddreg [dreg:$0x0];
	s2 =	stileid.u32  }
0x5e: {  	s1 =	rddreg [dreg:$0x1];
	p0 =	sne.s32 s2, $0x0  }
0x5f: {  	s3 =	rddreg [dreg:$0x2];
	[bflag:$0x3] =	sbarrier.arrive $0xFFFF;
	s2 =	simm.s32 @!p0 $0x1C03  }
0x60: {  	[timem:s3], [sflag:s2] =	dma.local @!p0 [hbm:s0], s1  }
0x61: {  	s0 =	simm.s32 @!p0 $0x3  }
0x62: {  	_ =	swait.ge @!p0 [sflag:s0], s1  }
0x63: {  	s1 =	ssub.s32 @!p0 $0x0, s1;
	[sflag:s0] =	ssyncset.done @!p0 $0x0  }
0x64: {  	[sflag:s0] =	ssyncadd.s32 @!p0 s1  }
0x65: {  	[bflag:$0x3] =	sbarrier.arrive $0xFFFF  }
0x66: {  	_ =	shalt  }

// kernel: kernel.15.cloned.1.call-start
scs
__scs_entry_jumppad:
0x0: {  	(pc) =	sbr.rel $0x88, $3  }
0x1: {  	(tag) =	ssettag $0x0;
	lr =	simm.s32 $0x1  }
0x2: {  	[smem:$0x3F95] =	sst lr;
	_ =	strace $0xD0000000  }
0x3: {  	_ = 	snop  }
0x4: {  	_ = 	snop  }
0x5: {  	_ = 	snop  }
0x6: {  	_ = 	snop  }
0x7: {  	_ = 	snop  }
__scs_overlays_trampoline_lowered:
0x8: {  	[smem:$0x3FA4] =	sst s0  }
0x9: {  	[smem:$0x3FA5] =	sst s1  }
0xa: {  	[smem:$0x3FA6] =	sst s2  }
0xb: {  	[smem:$0x3FA7] =	sst s3  }
0xc: {  	[smem:$0x3FA8] =	sst s4  }
0xd: {  	[smem:$0x3FA9] =	sst s5  }
0xe: {  	[smem:$0x3FAA] =	sst s6  }
0xf: {  	[smem:$0x3FAB] =	sst s7  }
0x10: {  	[smem:$0x3FAC] =	sst s8  }
0x11: {  	[smem:$0x3FAD] =	sst s9;
	s0 =	simm.s32 @!p0 $0x0  }
0x12: {  	s1 =	sld [smem:$0x3F93];
	s0 =	simm.s32 @p0 $0x1  }
0x13: {  	[smem:$0x3FAE] =	sst s0;
	s0 =	simm.s32 @!p1 $0x0  }
0x14: {  	s2 =	sld [smem:$0x3F92];
	s0 =	simm.s32 @p1 $0x1  }
0x15: {  	[smem:$0x3FAF] =	sst s0;
	s0 =	simm.s32 @!p2 $0x0  }
0x16: {  	s3 =	sld [smem:$0x3FDB];
	s0 =	simm.s32 @p2 $0x1  }
0x17: {  	s4 =	simm.s32 $0x1BF5;
	[smem:$0x3FB1] =	sst s0  }
0x18: {  	s0 =	sld [smem:$0x3F94];
	_ =	swait.ge [sflag:s4], $0x0  }
0x19: {  	s7 =	sld [smem:$0x3F95]  }
0x1a: {  	s8 =	sadd.s32 $0xFFFFE003, lr  }
0x1b: {  	s9 =	sadd.s32 $0xFFFFFEF7, lr;
	s5 =	simm.s32 $0xFFFFFFFF;
	p2 =	slt.u32 s8, $0xFFFFF086  }
0x1c: {  	p1 =	slt.u32 s9, $0xF7A;
	s5 =	simm.s32 @!p2 $0x0  }
0x1d: {  	s5 =	simm.s32 @p1 $0x1;
	p0 =	seq.s32 s7, s2  }
0x1e: {  	s7 =	smul.u32 @!p0 $0xF7A, s2;
	p2 =	seq.s32 @!p0 s5, $0x0  }
0x1f: {  	s9 =	smul.u32 $0xF7A, s1;
	s8 =	simm.s32 @!p0 $0x1BF5;
	p2 =	por !p2, p0  }
0x20: {  	[sflag:s8] =	ssyncset.s32 @!p0 $0xFFFFF086;
	s6 =	sadd.s32 @!p0 s3, s7;
	s7 =	simm.s32 @!p0 $0x108  }
0x21: {  	s3 =	sadd.s32 s3, s9;
	s6 =	sadd.s32 @!p0 $0x88, s6;
	s7 =	simm.s32 @p2 $0x1082  }
0x22: {  	[simem:s7], [sflag:s8] =	dma.local @!p0 [hbm:s6], $0xF7A  }
0x23: {  	s9 =	sor.u32 $0xD0000000, s2;
	s6 =	simm.s32 $0x108;
	_ =	swait.ge @!p0 [sflag:s8], $0x0  }
0x24: {  	s3 =	sadd.s32 $0x88, s3;
	s6 =	simm.s32 @!p1 $0x1082;
	[sflag:s4] =	ssyncset.s32 $0xFFFFF086  }
0x25: {  	[simem:s6], [sflag:s4] =	dma.local [hbm:s3], $0xF7A  }
0x26: {  	[smem:$0x3F95] =	sst s1;
	(tag) =	ssettag s2;
	_ =	strace s9  }
0x27: {  	s1 =	sld [smem:$0x3FA5]  }
0x28: {  	s2 =	sld [smem:$0x3FA6]  }
0x29: {  	s4 =	sld [smem:$0x3FA8]  }
0x2a: {  	p0 =	seq.s32 s5, $0x0;
	s5 =	sld [smem:$0x3FA9]  }
0x2b: {  	s6 =	sld [smem:$0x3FAA]  }
0x2c: {  	s7 =	sld [smem:$0x3FAB]  }
0x2d: {  	s3 =	simm.s32 $0x108;
	s8 =	sld [smem:$0x3FAC]  }
0x2e: {  	s3 =	simm.s32 @!p0 $0x1082;
	s9 =	sld [smem:$0x3FAD]  }
0x2f: {  	lr =	sadd.s32 s0, s3;
	s0 =	sld [smem:$0x3FA4]  }
0x30: {  	s3 =	sld [smem:$0x3FA7]  }
0x31: {  	[smem:$0x3FB0] =	sst s10  }
0x32: {  	s10 =	sld [smem:$0x3FAE];
	_ =	sdelay $0x3  }
0x33: {  	p0 =	seq.s32 s10, $0x1;
	s10 =	sld [smem:$0x3FB0];
	_ =	sdelay $0x3  }
0x34: {  	[smem:$0x3FB0] =	sst s10  }
0x35: {  	s10 =	sld [smem:$0x3FAF];
	_ =	sdelay $0x3  }
0x36: {  	p1 =	seq.s32 s10, $0x1;
	s10 =	sld [smem:$0x3FB0];
	_ =	sdelay $0x3  }
0x37: {  	[smem:$0x3FB0] =	sst s10  }
0x38: {  	s10 =	sld [smem:$0x3FB1]  }
0x39: {  	_ = 	snop;
	(pc) =	sbr.ind lr, $3  }
0x3a: {  	_ = 	snop  }
0x3b: {  	_ = 	snop  }
0x3c: {  	p2 =	seq.s32 s10, $0x1;
	s10 =	sld [smem:$0x3FB0]  }
0x3d: {  	_ =	shalt  }
0x3e: {  	_ =	shalt  }
0x3f: {  	_ =	shalt  }
0x40: {  	_ =	shalt  }
0x41: {  	_ =	shalt  }
0x42: {  	_ =	shalt  }
0x43: {  	_ =	shalt  }
0x44: {  	_ =	shalt  }
0x45: {  	_ =	shalt  }
0x46: {  	_ =	shalt  }
0x47: {  	_ =	shalt  }
0x48: {  	_ =	shalt  }
0x49: {  	_ =	shalt  }
0x4a: {  	_ =	shalt  }
0x4b: {  	_ =	shalt  }
0x4c: {  	_ =	shalt  }
0x4d: {  	_ =	shalt  }
0x4e: {  	_ =	shalt  }
0x4f: {  	_ =	shalt  }
0x50: {  	_ =	shalt  }
0x51: {  	_ =	shalt  }
0x52: {  	_ =	shalt  }
0x53: {  	_ =	shalt  }
0x54: {  	_ =	shalt  }
0x55: {  	_ =	shalt  }
0x56: {  	_ =	shalt  }
0x57: {  	_ =	shalt  }
0x58: {  	_ =	shalt  }
0x59: {  	_ =	shalt  }
0x5a: {  	_ =	shalt  }
0x5b: {  	_ =	shalt  }
0x5c: {  	_ =	shalt  }
0x5d: {  	_ =	shalt  }
0x5e: {  	_ =	shalt  }
0x5f: {  	_ =	shalt  }
0x60: {  	_ =	shalt  }
0x61: {  	_ =	shalt  }
0x62: {  	_ =	shalt  }
0x63: {  	_ =	shalt  }
0x64: {  	_ =	shalt  }
0x65: {  	_ =	shalt  }
0x66: {  	_ =	shalt  }
0x67: {  	_ =	shalt  }
0x68: {  	_ =	shalt  }
0x69: {  	_ =	shalt  }
0x6a: {  	_ =	shalt  }
0x6b: {  	_ =	shalt  }
0x6c: {  	_ =	shalt  }
0x6d: {  	_ =	shalt  }
0x6e: {  	_ =	shalt  }
0x6f: {  	_ =	shalt  }
0x70: {  	_ =	shalt  }
0x71: {  	_ =	shalt  }
0x72: {  	_ =	shalt  }
0x73: {  	_ =	shalt  }
0x74: {  	_ =	shalt  }
0x75: {  	_ =	shalt  }
0x76: {  	_ =	shalt  }
0x77: {  	_ =	shalt  }
0x78: {  	_ =	shalt  }
0x79: {  	_ =	shalt  }
0x7a: {  	_ =	shalt  }
0x7b: {  	_ =	shalt  }
0x7c: {  	_ =	shalt  }
0x7d: {  	_ =	shalt  }
0x7e: {  	_ =	shalt  }
0x7f: {  	_ =	shalt  }
0x80: {  	_ =	shalt  }
0x81: {  	_ =	shalt  }
0x82: {  	_ =	shalt  }
0x83: {  	_ =	shalt  }
0x84: {  	_ =	shalt  }
0x85: {  	_ =	shalt  }
0x86: {  	_ =	shalt  }
0x87: {  	_ =	shalt  }
.Lfunc_end0:
.L_simem_size_0:
called_computation.2_lowered:
.L_overlay_start_0:
0x88: {  	s2 =	sld [smem:$0x3FD9]  }
0x89: {  	s3 =	sld [smem:$0x3FFE];
	_ =	sdelay $0x1  }
0x8a: {  	s1 =	srdreg.scid  }
0x8b: {  	s0 =	sand.u32 $0x1, s1  }
0x8c: {  	s14 =	sshll.u32 s0, $0xA;
	s2 =	sadd.s32 s3, s2  }
0x8d: {  	s2 =	sadd.s32 s2, s14  }
0x8e: {  	[smem:$0x3FBC] =	sst s2  }
0x8f: {  	_ = 	snop  }
0x90: {  	s2 =	sld [smem:$0x3FD0];
	_ =	sdelay $0x2  }
0x91: {  	s15 =	simm.s32 $0xA;
	s4 =	simm.s32 $0x10  }
0x92: {  	[smem:s4], [sflag:s15] =	dma.local [hbm:s2], $0x1  }
0x93: {  	_ =	swait.eq [sflag:s15], $0x1  }
0x94: {  	[sflag:s15] =	ssyncset.done $0x0  }
0x95: {  	[sflag:s15] =	ssyncadd.s32 $0xFFFFFFFF  }
0x96: {  	s16 =	sld [smem:$0x11];
	(tm) =	ssettm $0x1  }
0x97: {  	s17 =	sld [smem:$0x3FFB];
	_ =	sdelay $0x3  }
0x98: {  	_ =	strace s17  }
0x99: {  	s3 =	sld [smem:$0x3FFC];
	_ =	sdelay $0x3  }
0x9a: {  	_ =	strace s3  }
0x9b: {  	s3 =	sld [smem:$0x3FFD];
	_ =	sdelay $0x3  }
0x9c: {  	_ =	strace s3  }
0x9d: {  	_ =	strace $0x8FFFFFFF  }
0x9e: {  	s18 =	sld [smem:$0x3FDB];
	_ =	sdelay $0x1  }
0x9f: {  	s19 =	simm.s32 $_scs_section_size  }
0xa0: {  	s5 =	simm.s32 $_size__tile_overlayer_lowered;
	s6 =	simm.s32 $_tile_overlayer_lowered  }
0xa1: {  	s22 =	simm.s32 $0x1BFF;
	s21 =	sshll.u32 s6, $0x1;
	s3 =	sadd.s32 s19, s18  }
0xa2: {  	s7 =	simm.s32 $0x0;
	s20 =	sshll.u32 s5, $0x1;
	s5 =	sadd.s32 s21, s3  }
0xa3: {  	[timem:s7], [sflag:s22] =	dma.local [hbm:s5], s20  }
0xa4: {  	_ =	swait.ge [sflag:s22], s20  }
0xa5: {  	s4 =	ssub.s32 $0x0, s20;
	[sflag:s22] =	ssyncset.done $0x0  }
0xa6: {  	[sflag:s22] =	ssyncadd.s32 s4;
	_ =	sdelay $0x1  }
0xa7: {  	s23 =	simm.s32 $0x1B8B  }
0xa8: {  	_ =	swait.ge [sflag:s23], $0x1  }
0xa9: {  	[sflag:s23] =	ssyncset.done $0x0  }
0xaa: {  	s25 =	simm.s32 $0x1B8E;
	s24 =	sld [smem:$0x3FFE];
	[sflag:s23] =	ssyncadd.s32 $0xFFFFFFFF  }
0xab: {  	s26 =	simm.s32 $execute0_lowered;
	[smem:$0x3FD2] =	sst s25  }
0xac: {  	s5 =	sshll.u32 s26, $0x1;
	_ =	strace $0x80000049;
	[dreg:$0x1] =	wrdreg $0xFFFFFFFF  }
0xad: {  	s28 =	simm.s32 $_size_execute0_lowered;
	s3 =	sadd.s32 s3, s5;
	[dreg:$0x0] =	wrdreg $0x0  }
0xae: {  	s5 =	sshll.u32 s28, $0x1;
	[dreg:$0x2] =	wrdreg s3  }
0xaf: {  	[dreg:$0x3] =	wrdreg s5  }
0xb0: {  	[dreg:$0x4] =	wrdreg $0xC0  }
0xb1: {  	_ =	task [dreg:s7], $0x5FFFF  }
0xb2: {  	[dreg:$0x1] =	wrdreg $0xFFFFFFFF  }
0xb3: {  	[dreg:$0x0] =	wrdreg $0x60  }
0xb4: {  	[dreg:$0x2] =	wrdreg s24  }
0xb5: {  	[dreg:$0x3] =	wrdreg s16  }
0xb6: {  	[dreg:$0x4] =	wrdreg $0x6C000  }
0xb7: {  	[dreg:$0x5] =	wrdreg $0x9  }
0xb8: {  	_ =	task.clear_ibuf [dreg:s7], $0x6FFFF;
	_ =	strace $0x90000049  }
0xb9: {  	s29 =	simm.s32 $0x9;
	_ =	strace $0x8000004B  }
0xba: {  	_ =	swait.ge [sflag:s29], $0x1  }
0xbb: {  	[sflag:s29] =	ssyncadd.s32 $0xFFFFFFFF  }
0xbc: {  	_ =	strace $0x9000004B  }
0xbd: {  	_ =	sfence  }
0xbe: {  	s30 =	sld [smem:$0x0];
	_ =	sdelay $0x2  }
0xbf: {  	s31 =	sshll.u32 s1, $0xD;
	s1 =	sshrl.u32 s1, $0x2  }
0xc0: {  	s3 =	sand.u32 $0x4000, s31;
	s1 =	sadd.s32 s1, s30  }
0xc1: {  	s0 =	sor.u32 s3, s0;
	s1 =	sshll.u32 s1, $0x11  }
0xc2: {  	s0 =	sor.u32 s1, s0  }
0xc3: {  	s0 =	sadd.s32 $0x8F2B, s0  }
0xc4: {  	[sflag:s0] =	ssyncadd.remote.s32 $0x1  }
0xc5: {  	_ =	sfence.sel $0xFFFF  }
0xc6: {  	[dreg:$0x0] =	wrdreg $0xFFFFFFFF;
	(pc) =	sbr.abs _section_cstart, $3  }
0xc7: {  	[dreg:$0x1] =	wrdreg $0xFFFFFFFF  }
0xc8: {  	_ =	task.clear_ibuf [dreg:s7], $0x2FFFF;
	_ =	strace $0x9FFFFFFF  }
0xc9: {  	(tm) =	ssettm $0x7FFFFFFF  }
tec
execute0_lowered:
.L_overlay_start_1:
0x0: {  	(tag) =	ssettag $0x1  }
0x1: {  	s4 =	rddreg [dreg:$0x0]  }
0x2: {  	s12 =	rddreg [dreg:$0x1]  }
0x3: {  	s1 =	rddreg [dreg:$0x2]  }
0x4: {  	s0 =	rddreg [dreg:$0x3];
	s3 =	simm.s32 $0x0;
	s5 =	srdreg.scid  }
0x5: {  	s2 =	stileid.u32;
	s20 =	simm.s32 $0xC00;
	s21 =	simm.s32 $0x600  }
0x6: {  	s22 =	simm.s32 $0x900;
	s23 =	simm.s32 $0x1;
	s24 =	simm.s32 $0x3C00  }
0x7: {  	s25 =	simm.s32 $0x2;
	s26 =	simm.s32 $0x0;
	s29 =	smul.u32 $0x18800, s2  }
0x8: {  	[smem:$0x7FF] =	sst s3;
	s15 =	sadd.s32 $0x65800, s4;
	s7 =	smul.u32 $0x24, s2  }
0x9: {  	s8 =	sand.u32 $0x1, s5;
	s13 =	sadd.s32 $0x3000, s4;
	s10 =	smul.u32 $0x60, s2  }
0xa: {  	s4 =	sadd.s32 $0x34800, s4;
	s11 =	smul.u32 $0x3100, s2;
	s30 =	sshll.u32 s2, $0x6  }
0xb: {  	_ =	strace $0x8000004A;
	s6 =	ssub.s32 $0x2, s8;
	p0 =	seq.s32 s8, $0x0  }
0xc: {  	s17 =	smul.u32 $0x31000, s8;
	s9 =	sshrl.u32 s6, $0x1;
	s16 =	sadd.s32 s29, s1  }
0xd: {  	s5 =	sshrl.u32 s29, $0x3;
	s14 =	ssub.s32 s6, s9;
	s9 =	sadd.s32 $0x600, s7  }
0xe: {  	s5 =	sadd.s32 s4, s5;
	s6 =	sor.u32 $0x1C04, s30;
	s9 =	smov.u32 @p0 s10  }
0xf: {  	s7 =	simm.s32 $0x2F;
	s17 =	sadd.s32 s11, s17;
	s10 =	smul.u32 $0x300, s9  }
0x10: {  	s16 =	sshrl.u32 s16, $0x3;
	s7 =	simm.s32 @!p0 $0x11;
	s19 =	smul.u32 $0x60, s9  }
0x11: {  	s12 =	sadd.s32 s12, s17;
	s17 =	simm.s32 $0x4;
	s10 =	sshrl.u32 s10, $0x3  }
0x12: {  	s31 =	sadd.s32 s19, s13;
	s8 =	sadd.s32 s15, s10;
	s18 =	sor.u32 $0x60, s10  }
0x13: {  	s9 =	sadd.s32 s13, s10;
	s10 =	sadd.s32 s15, s18;
	s11 =	sadd.s32 s13, s18  }
0x14: {  	s13 =	smax.u32 s14, $0x1;
	s14 =	sadd.s32 $0x120, s31;
	s15 =	sadd.s32 s19, s15  }
0x15: {  	s18 =	simm.s32 $0x300;
	s19 =	simm.s32 $0x3;
	s15 =	sadd.s32 $0x120, s15  }
.LBB2_1:
0x16: {  	[spmem:s16], [sflag:s6] =	dma.local [hbm:s5], $0x3100  }
0x17: {  	_ =	swait.ge [sflag:s17], $0x3100  }
0x18: {  	[sflag:s17] =	ssyncset.done $0x0  }
0x19: {  	[sflag:s17] =	ssyncadd.s32 $0xFFFFCF00  }
0x1a: {  	[bflag:$0x0] =	sbarrier.arrive $0xFFFF  }
0x1b: {  	[tilespmem:s3], [sflag:$0x3] =	stream.linear.gather [hbm4b:s8+s3], $0x300, $0x38;
	[tilespmem:$0x1F400] =	vst v63  }
0x1c: {  	_ = 	snop  }
0x1d: {  	[tilespmem:s18], [sflag:$0x3] =	stream.linear.gather [hbm4b:s9+s3], $0x300, $0x38;
	[tilespmem:$0x1F400] =	vst v63  }
0x1e: {  	_ =	swait.ge [sflag:s19], $0x300  }
0x1f: {  	[sflag:s19] =	ssyncset.done $0x0  }
0x20: {  	[sflag:s19] =	ssyncadd.s32 $0xFFFFFD00  }
0x21: {  	_ =	swait.ge [sflag:s19], $0x300  }
0x22: {  	[sflag:s19] =	ssyncset.done $0x0  }
0x23: {  	[sflag:s19] =	ssyncadd.s32 $0xFFFFFD00  }
0x24: {  	[tilespmem:s20], [sflag:$0x1] =	stream.indirect.gather [hbm4b:s4+s18], $0x10, s3, s18, $0xb8;
	[tilespmem:$0x1F400] =	vst v63  }
0x25: {  	_ = 	snop  }
0x26: {  	[tilespmem:s21], [sflag:$0x3] =	stream.linear.gather [hbm4b:s10+s3], $0x300, $0x38;
	[tilespmem:$0x1F400] =	vst v63  }
0x27: {  	_ = 	snop  }
0x28: {  	[tilespmem:s22], [sflag:$0x3] =	stream.linear.gather [hbm4b:s11+s3], $0x300, $0x38;
	[tilespmem:$0x1F400] =	vst v63  }
0x29: {  	_ =	swait.ge [sflag:s23], $0x3000  }
0x2a: {  	[sflag:s23] =	ssyncset.done $0x0  }
0x2b: {  	[sflag:s23] =	ssyncadd.s32 $0xFFFFD000  }
0x2c: {  	[spmem:s1] =	stream.indirect.scatter.add.f32 [tilespmem:s20], [sflag:$0x2], $0x10, s18, s18, $0xb8;
	[tilespmem:$0x1F400] =	vst v63  }
0x2d: {  	_ =	swait.ge [sflag:s19], $0x300  }
0x2e: {  	[sflag:s19] =	ssyncset.done $0x0  }
0x2f: {  	[sflag:s19] =	ssyncadd.s32 $0xFFFFFD00  }
0x30: {  	_ =	swait.ge [sflag:s19], $0x300  }
0x31: {  	[sflag:s19] =	ssyncset.done $0x0  }
0x32: {  	[sflag:s19] =	ssyncadd.s32 $0xFFFFFD00  }
0x33: {  	[tilespmem:s24], [sflag:$0x1] =	stream.indirect.gather [hbm4b:s4+s18], $0x10, s21, s18, $0xb8;
	[tilespmem:$0x1F400] =	vst v63  }
0x34: {  	_ =	swait.ge [sflag:s25], $0x3000  }
0x35: {  	[sflag:s25] =	ssyncset.done $0x0  }
0x36: {  	s28 =	sadd.s32 $0xFFFFFFA0, s15;
	[sflag:s25] =	ssyncadd.s32 $0xFFFFD000  }
0x37: {  	[tilespmem:s3], [sflag:$0x3] =	stream.linear.gather [hbm4b:s28+s3], $0x300, $0x38;
	[tilespmem:$0x1F400] =	vst v63  }
0x38: {  	s28 =	sadd.s32 $0xFFFFFFA0, s14  }
0x39: {  	[tilespmem:s18], [sflag:$0x3] =	stream.linear.gather [hbm4b:s28+s3], $0x300, $0x38;
	[tilespmem:$0x1F400] =	vst v63  }
0x3a: {  	_ =	swait.ge [sflag:s23], $0x3000  }
0x3b: {  	[sflag:s23] =	ssyncset.done $0x0  }
0x3c: {  	[sflag:s23] =	ssyncadd.s32 $0xFFFFD000  }
0x3d: {  	[spmem:s1] =	stream.indirect.scatter.add.f32 [tilespmem:s24], [sflag:$0x2], $0x10, s22, s18, $0xb8;
	[tilespmem:$0x1F400] =	vst v63  }
0x3e: {  	_ =	swait.ge [sflag:s19], $0x300  }
0x3f: {  	[sflag:s19] =	ssyncset.done $0x0  }
0x40: {  	[sflag:s19] =	ssyncadd.s32 $0xFFFFFD00  }
0x41: {  	_ =	swait.ge [sflag:s19], $0x300  }
0x42: {  	[sflag:s19] =	ssyncset.done $0x0  }
0x43: {  	[sflag:s19] =	ssyncadd.s32 $0xFFFFFD00  }
0x44: {  	[tilespmem:s20], [sflag:$0x1] =	stream.indirect.gather [hbm4b:s4+s18], $0x10, s3, s18, $0xb8;
	[tilespmem:$0x1F400] =	vst v63  }
0x45: {  	_ =	swait.ge [sflag:s25], $0x3000  }
0x46: {  	[sflag:s25] =	ssyncset.done $0x0  }
0x47: {  	p0 =	sne.s32 s7, $0x1;
	[sflag:s25] =	ssyncadd.s32 $0xFFFFD000  }
0x48: {  	[tilespmem:s21], [sflag:$0x3] =	stream.linear.gather [hbm4b:s15+s3], $0x300, $0x38;
	[tilespmem:$0x1F400] =	vst v63  }
.Ltmp0:
0x49: {  	_ = 	snop;
	(pc) =	sbr.rel @!p0 .LBB2_3-.Ltmp0, $4  }
0x4a: {  	[tilespmem:s22], [sflag:$0x3] =	stream.linear.gather [hbm4b:s14+s3], $0x300, $0x38;
	[tilespmem:$0x1F400] =	vst v63  }
0x4b: {  	_ =	swait.ge [sflag:s23], $0x3000  }
0x4c: {  	s29 =	sadd.s32 $0xC0, s14;
	[sflag:s23] =	ssyncset.done $0x0  }
0x4d: {  	s30 =	sadd.s32 $0xC0, s15;
	s28 =	sadd.s32 $0xFFFFFFFF, s7;
	[sflag:s23] =	ssyncadd.s32 $0xFFFFD000  }
.LBB2_2:
0x4e: {  	[spmem:s1] =	stream.indirect.scatter.add.f32 [tilespmem:s20], [sflag:$0x2], $0x10, s18, s18, $0xb8;
	[tilespmem:$0x1F400] =	vst v63  }
0x4f: {  	p0 =	sne.s32 s28, $0x1;
	s28 =	sadd.s32 $0xFFFFFFFF, s28;
	_ =	swait.ge [sflag:s19], $0x300  }
0x50: {  	[sflag:s19] =	ssyncset.done $0x0  }
0x51: {  	[sflag:s19] =	ssyncadd.s32 $0xFFFFFD00  }
0x52: {  	_ =	swait.ge [sflag:s19], $0x300  }
0x53: {  	[sflag:s19] =	ssyncset.done $0x0  }
0x54: {  	[sflag:s19] =	ssyncadd.s32 $0xFFFFFD00  }
0x55: {  	[tilespmem:s24], [sflag:$0x1] =	stream.indirect.gather [hbm4b:s4+s18], $0x10, s21, s18, $0xb8;
	[tilespmem:$0x1F400] =	vst v63  }
0x56: {  	_ =	swait.ge [sflag:s25], $0x3000  }
0x57: {  	[sflag:s25] =	ssyncset.done $0x0  }
0x58: {  	s31 =	sadd.s32 $0xFFFFFFA0, s30;
	[sflag:s25] =	ssyncadd.s32 $0xFFFFD000  }
0x59: {  	[tilespmem:s3], [sflag:$0x3] =	stream.linear.gather [hbm4b:s31+s3], $0x300, $0x38;
	[tilespmem:$0x1F400] =	vst v63  }
0x5a: {  	s31 =	sadd.s32 $0xFFFFFFA0, s29  }
0x5b: {  	[tilespmem:s18], [sflag:$0x3] =	stream.linear.gather [hbm4b:s31+s3], $0x300, $0x38;
	[tilespmem:$0x1F400] =	vst v63  }
0x5c: {  	_ =	swait.ge [sflag:s23], $0x3000  }
0x5d: {  	[sflag:s23] =	ssyncset.done $0x0  }
0x5e: {  	[sflag:s23] =	ssyncadd.s32 $0xFFFFD000  }
0x5f: {  	[spmem:s1] =	stream.indirect.scatter.add.f32 [tilespmem:s24], [sflag:$0x2], $0x10, s22, s18, $0xb8;
	[tilespmem:$0x1F400] =	vst v63  }
0x60: {  	_ =	swait.ge [sflag:s19], $0x300  }
0x61: {  	[sflag:s19] =	ssyncset.done $0x0  }
0x62: {  	[sflag:s19] =	ssyncadd.s32 $0xFFFFFD00  }
0x63: {  	_ =	swait.ge [sflag:s19], $0x300  }
0x64: {  	[sflag:s19] =	ssyncset.done $0x0  }
0x65: {  	[sflag:s19] =	ssyncadd.s32 $0xFFFFFD00  }
0x66: {  	[tilespmem:s20], [sflag:$0x1] =	stream.indirect.gather [hbm4b:s4+s18], $0x10, s3, s18, $0xb8;
	[tilespmem:$0x1F400] =	vst v63  }
0x67: {  	_ =	swait.ge [sflag:s25], $0x3000  }
0x68: {  	[sflag:s25] =	ssyncset.done $0x0  }
0x69: {  	[sflag:s25] =	ssyncadd.s32 $0xFFFFD000  }
0x6a: {  	[tilespmem:s21], [sflag:$0x3] =	stream.linear.gather [hbm4b:s30+s3], $0x300, $0x38;
	[tilespmem:$0x1F400] =	vst v63  }
.Ltmp1:
0x6b: {  	(pc) =	sbr.rel @p0 .LBB2_2-.Ltmp1, $4  }
0x6c: {  	[tilespmem:s22], [sflag:$0x3] =	stream.linear.gather [hbm4b:s29+s3], $0x300, $0x38;
	[tilespmem:$0x1F400] =	vst v63  }
0x6d: {  	_ =	swait.ge [sflag:s23], $0x3000  }
0x6e: {  	[sflag:s23] =	ssyncset.done $0x0  }
0x6f: {  	s30 =	sadd.s32 $0xC0, s30;
	s29 =	sadd.s32 $0xC0, s29;
	[sflag:s23] =	ssyncadd.s32 $0xFFFFD000  }
.LBB2_3:
0x70: {  	[spmem:s1] =	stream.indirect.scatter.add.f32 [tilespmem:s20], [sflag:$0x2], $0x10, s18, s18, $0xb8;
	[tilespmem:$0x1F400] =	vst v63  }
0x71: {  	_ =	swait.ge [sflag:s19], $0x300  }
0x72: {  	[sflag:s19] =	ssyncset.done $0x0  }
0x73: {  	[sflag:s19] =	ssyncadd.s32 $0xFFFFFD00  }
0x74: {  	_ =	swait.ge [sflag:s19], $0x300  }
0x75: {  	[sflag:s19] =	ssyncset.done $0x0  }
0x76: {  	[sflag:s19] =	ssyncadd.s32 $0xFFFFFD00  }
0x77: {  	[tilespmem:s24], [sflag:$0x1] =	stream.indirect.gather [hbm4b:s4+s18], $0x10, s21, s18, $0xb8;
	[tilespmem:$0x1F400] =	vst v63  }
0x78: {  	_ =	swait.ge [sflag:s25], $0x3000  }
0x79: {  	[sflag:s25] =	ssyncset.done $0x0  }
0x7a: {  	[sflag:s25] =	ssyncadd.s32 $0xFFFFD000  }
0x7b: {  	_ =	swait.ge [sflag:s23], $0x3000  }
0x7c: {  	[sflag:s23] =	ssyncset.done $0x0  }
0x7d: {  	[sflag:s23] =	ssyncadd.s32 $0xFFFFD000  }
0x7e: {  	[spmem:s1] =	stream.indirect.scatter.add.f32 [tilespmem:s24], [sflag:$0x2], $0x10, s22, s18, $0xb8;
	[tilespmem:$0x1F400] =	vst v63  }
0x7f: {  	_ =	swait.ge [sflag:s25], $0x3000  }
0x80: {  	s26 =	sadd.s32 $0x1, s26;
	[sflag:s25] =	ssyncset.done $0x0  }
0x81: {  	p0 =	sne.s32 s26, s13;
	[sflag:s25] =	ssyncadd.s32 $0xFFFFD000  }
.Ltmp2:
0x82: {  	[bflag:$0x0] =	sbarrier.arrive $0xFFFF;
	(pc) =	sbr.rel @p0 .LBB2_1-.Ltmp2, $4  }
0x83: {  	[hbm:s12], [sflag:s6] =	dma.local [spmem:s16], $0x3100  }
0x84: {  	_ =	swait.ge [sflag:s17], $0x3100  }
0x85: {  	[sflag:s17] =	ssyncset.done $0x0  }
0x86: {  	[sflag:s17] =	ssyncadd.s32 $0xFFFFCF00  }
0x87: {  	_ =	sfence.sel $0x180000  }
0x88: {  	[bflag:$0x0] =	sbarrier.arrive $0xFFFF  }
0x89: {  	p0 =	sne.s32 s2, $0x0;
	_ =	strace $0x9000004A  }
0x8a: {  	s0 =	sadd.s32 @!p0 $0x100000, s0;
	[bflag:$0x2] =	sbarrier.arrive $0xFFFF  }
0x8b: {  	[sflag:s0] =	ssyncadd.tile.s32 @!p0 $0x1;
	_ =	shalt  }
.Lfunc_end2:
_tile_overlayer_lowered:
.L_overlay_start_2:
0x8c: {  	(tag) =	ssettag $0x2  }
0x8d: {  	s0 =	rddreg [dreg:$0x0];
	s2 =	stileid.u32  }
0x8e: {  	s1 =	rddreg [dreg:$0x1];
	p0 =	sne.s32 s2, $0x0  }
0x8f: {  	s3 =	rddreg [dreg:$0x2];
	[bflag:$0x3] =	sbarrier.arrive $0xFFFF;
	s2 =	simm.s32 @!p0 $0x1C04  }
0x90: {  	[timem:s3], [sflag:s2] =	dma.local @!p0 [hbm:s0], s1  }
0x91: {  	s0 =	simm.s32 @!p0 $0x4  }
0x92: {  	_ =	swait.ge @!p0 [sflag:s0], s1  }
0x93: {  	s1 =	ssub.s32 @!p0 $0x0, s1;
	[sflag:s0] =	ssyncset.done @!p0 $0x0  }
0x94: {  	[sflag:s0] =	ssyncadd.s32 @!p0 s1  }
0x95: {  	[bflag:$0x3] =	sbarrier.arrive $0xFFFF  }
0x96: {  	_ =	shalt  }

// kernel: kernel.18.cloned.1.call-start
scs
__scs_entry_jumppad:
0x0: {  	(pc) =	sbr.rel $0x88, $3  }
0x1: {  	(tag) =	ssettag $0x0;
	lr =	simm.s32 $0x1  }
0x2: {  	[smem:$0x3F95] =	sst lr;
	_ =	strace $0xD0000000  }
0x3: {  	_ = 	snop  }
0x4: {  	_ = 	snop  }
0x5: {  	_ = 	snop  }
0x6: {  	_ = 	snop  }
0x7: {  	_ = 	snop  }
__scs_overlays_trampoline_lowered:
0x8: {  	[smem:$0x3FA4] =	sst s0  }
0x9: {  	[smem:$0x3FA5] =	sst s1  }
0xa: {  	[smem:$0x3FA6] =	sst s2  }
0xb: {  	[smem:$0x3FA7] =	sst s3  }
0xc: {  	[smem:$0x3FA8] =	sst s4  }
0xd: {  	[smem:$0x3FA9] =	sst s5  }
0xe: {  	[smem:$0x3FAA] =	sst s6  }
0xf: {  	[smem:$0x3FAB] =	sst s7  }
0x10: {  	[smem:$0x3FAC] =	sst s8  }
0x11: {  	[smem:$0x3FAD] =	sst s9;
	s0 =	simm.s32 @!p0 $0x0  }
0x12: {  	s1 =	sld [smem:$0x3F93];
	s0 =	simm.s32 @p0 $0x1  }
0x13: {  	[smem:$0x3FAE] =	sst s0;
	s0 =	simm.s32 @!p1 $0x0  }
0x14: {  	s2 =	sld [smem:$0x3F92];
	s0 =	simm.s32 @p1 $0x1  }
0x15: {  	[smem:$0x3FAF] =	sst s0;
	s0 =	simm.s32 @!p2 $0x0  }
0x16: {  	s3 =	sld [smem:$0x3FDB];
	s0 =	simm.s32 @p2 $0x1  }
0x17: {  	s4 =	simm.s32 $0x1BF5;
	[smem:$0x3FB1] =	sst s0  }
0x18: {  	s0 =	sld [smem:$0x3F94];
	_ =	swait.ge [sflag:s4], $0x0  }
0x19: {  	s7 =	sld [smem:$0x3F95]  }
0x1a: {  	s8 =	sadd.s32 $0xFFFFE003, lr  }
0x1b: {  	s9 =	sadd.s32 $0xFFFFFEF7, lr;
	s5 =	simm.s32 $0xFFFFFFFF;
	p2 =	slt.u32 s8, $0xFFFFF086  }
0x1c: {  	p1 =	slt.u32 s9, $0xF7A;
	s5 =	simm.s32 @!p2 $0x0  }
0x1d: {  	s5 =	simm.s32 @p1 $0x1;
	p0 =	seq.s32 s7, s2  }
0x1e: {  	s7 =	smul.u32 @!p0 $0xF7A, s2;
	p2 =	seq.s32 @!p0 s5, $0x0  }
0x1f: {  	s9 =	smul.u32 $0xF7A, s1;
	s8 =	simm.s32 @!p0 $0x1BF5;
	p2 =	por !p2, p0  }
0x20: {  	[sflag:s8] =	ssyncset.s32 @!p0 $0xFFFFF086;
	s6 =	sadd.s32 @!p0 s3, s7;
	s7 =	simm.s32 @!p0 $0x108  }
0x21: {  	s3 =	sadd.s32 s3, s9;
	s6 =	sadd.s32 @!p0 $0x88, s6;
	s7 =	simm.s32 @p2 $0x1082  }
0x22: {  	[simem:s7], [sflag:s8] =	dma.local @!p0 [hbm:s6], $0xF7A  }
0x23: {  	s9 =	sor.u32 $0xD0000000, s2;
	s6 =	simm.s32 $0x108;
	_ =	swait.ge @!p0 [sflag:s8], $0x0  }
0x24: {  	s3 =	sadd.s32 $0x88, s3;
	s6 =	simm.s32 @!p1 $0x1082;
	[sflag:s4] =	ssyncset.s32 $0xFFFFF086  }
0x25: {  	[simem:s6], [sflag:s4] =	dma.local [hbm:s3], $0xF7A  }
0x26: {  	[smem:$0x3F95] =	sst s1;
	(tag) =	ssettag s2;
	_ =	strace s9  }
0x27: {  	s1 =	sld [smem:$0x3FA5]  }
0x28: {  	s2 =	sld [smem:$0x3FA6]  }
0x29: {  	s4 =	sld [smem:$0x3FA8]  }
0x2a: {  	p0 =	seq.s32 s5, $0x0;
	s5 =	sld [smem:$0x3FA9]  }
0x2b: {  	s6 =	sld [smem:$0x3FAA]  }
0x2c: {  	s7 =	sld [smem:$0x3FAB]  }
0x2d: {  	s3 =	simm.s32 $0x108;
	s8 =	sld [smem:$0x3FAC]  }
0x2e: {  	s3 =	simm.s32 @!p0 $0x1082;
	s9 =	sld [smem:$0x3FAD]  }
0x2f: {  	lr =	sadd.s32 s0, s3;
	s0 =	sld [smem:$0x3FA4]  }
0x30: {  	s3 =	sld [smem:$0x3FA7]  }
0x31: {  	[smem:$0x3FB0] =	sst s10  }
0x32: {  	s10 =	sld [smem:$0x3FAE];
	_ =	sdelay $0x3  }
0x33: {  	p0 =	seq.s32 s10, $0x1;
	s10 =	sld [smem:$0x3FB0];
	_ =	sdelay $0x3  }
0x34: {  	[smem:$0x3FB0] =	sst s10  }
0x35: {  	s10 =	sld [smem:$0x3FAF];
	_ =	sdelay $0x3  }
0x36: {  	p1 =	seq.s32 s10, $0x1;
	s10 =	sld [smem:$0x3FB0];
	_ =	sdelay $0x3  }
0x37: {  	[smem:$0x3FB0] =	sst s10  }
0x38: {  	s10 =	sld [smem:$0x3FB1]  }
0x39: {  	_ = 	snop;
	(pc) =	sbr.ind lr, $3  }
0x3a: {  	_ = 	snop  }
0x3b: {  	_ = 	snop  }
0x3c: {  	p2 =	seq.s32 s10, $0x1;
	s10 =	sld [smem:$0x3FB0]  }
0x3d: {  	_ =	shalt  }
0x3e: {  	_ =	shalt  }
0x3f: {  	_ =	shalt  }
0x40: {  	_ =	shalt  }
0x41: {  	_ =	shalt  }
0x42: {  	_ =	shalt  }
0x43: {  	_ =	shalt  }
0x44: {  	_ =	shalt  }
0x45: {  	_ =	shalt  }
0x46: {  	_ =	shalt  }
0x47: {  	_ =	shalt  }
0x48: {  	_ =	shalt  }
0x49: {  	_ =	shalt  }
0x4a: {  	_ =	shalt  }
0x4b: {  	_ =	shalt  }
0x4c: {  	_ =	shalt  }
0x4d: {  	_ =	shalt  }
0x4e: {  	_ =	shalt  }
0x4f: {  	_ =	shalt  }
0x50: {  	_ =	shalt  }
0x51: {  	_ =	shalt  }
0x52: {  	_ =	shalt  }
0x53: {  	_ =	shalt  }
0x54: {  	_ =	shalt  }
0x55: {  	_ =	shalt  }
0x56: {  	_ =	shalt  }
0x57: {  	_ =	shalt  }
0x58: {  	_ =	shalt  }
0x59: {  	_ =	shalt  }
0x5a: {  	_ =	shalt  }
0x5b: {  	_ =	shalt  }
0x5c: {  	_ =	shalt  }
0x5d: {  	_ =	shalt  }
0x5e: {  	_ =	shalt  }
0x5f: {  	_ =	shalt  }
0x60: {  	_ =	shalt  }
0x61: {  	_ =	shalt  }
0x62: {  	_ =	shalt  }
0x63: {  	_ =	shalt  }
0x64: {  	_ =	shalt  }
0x65: {  	_ =	shalt  }
0x66: {  	_ =	shalt  }
0x67: {  	_ =	shalt  }
0x68: {  	_ =	shalt  }
0x69: {  	_ =	shalt  }
0x6a: {  	_ =	shalt  }
0x6b: {  	_ =	shalt  }
0x6c: {  	_ =	shalt  }
0x6d: {  	_ =	shalt  }
0x6e: {  	_ =	shalt  }
0x6f: {  	_ =	shalt  }
0x70: {  	_ =	shalt  }
0x71: {  	_ =	shalt  }
0x72: {  	_ =	shalt  }
0x73: {  	_ =	shalt  }
0x74: {  	_ =	shalt  }
0x75: {  	_ =	shalt  }
0x76: {  	_ =	shalt  }
0x77: {  	_ =	shalt  }
0x78: {  	_ =	shalt  }
0x79: {  	_ =	shalt  }
0x7a: {  	_ =	shalt  }
0x7b: {  	_ =	shalt  }
0x7c: {  	_ =	shalt  }
0x7d: {  	_ =	shalt  }
0x7e: {  	_ =	shalt  }
0x7f: {  	_ =	shalt  }
0x80: {  	_ =	shalt  }
0x81: {  	_ =	shalt  }
0x82: {  	_ =	shalt  }
0x83: {  	_ =	shalt  }
0x84: {  	_ =	shalt  }
0x85: {  	_ =	shalt  }
0x86: {  	_ =	shalt  }
0x87: {  	_ =	shalt  }
.Lfunc_end0:
.L_simem_size_0:
called_computation.3_lowered:
.L_overlay_start_0:
0x88: {  	s2 =	sld [smem:$0x3FD9]  }
0x89: {  	s3 =	sld [smem:$0x3FFE];
	_ =	sdelay $0x1  }
0x8a: {  	s1 =	srdreg.scid  }
0x8b: {  	s0 =	sand.u32 $0x1, s1  }
0x8c: {  	s14 =	sshll.u32 s0, $0xA;
	s2 =	sadd.s32 s3, s2  }
0x8d: {  	s2 =	sadd.s32 s2, s14  }
0x8e: {  	[smem:$0x3FBC] =	sst s2  }
0x8f: {  	_ = 	snop  }
0x90: {  	s2 =	sld [smem:$0x3FD0];
	_ =	sdelay $0x2  }
0x91: {  	s15 =	simm.s32 $0xA;
	s4 =	simm.s32 $0x10  }
0x92: {  	[smem:s4], [sflag:s15] =	dma.local [hbm:s2], $0x1  }
0x93: {  	_ =	swait.eq [sflag:s15], $0x1  }
0x94: {  	[sflag:s15] =	ssyncset.done $0x0  }
0x95: {  	[sflag:s15] =	ssyncadd.s32 $0xFFFFFFFF  }
0x96: {  	s16 =	sld [smem:$0x11];
	(tm) =	ssettm $0x1  }
0x97: {  	s17 =	sld [smem:$0x3FFB];
	_ =	sdelay $0x3  }
0x98: {  	_ =	strace s17  }
0x99: {  	s3 =	sld [smem:$0x3FFC];
	_ =	sdelay $0x3  }
0x9a: {  	_ =	strace s3  }
0x9b: {  	s3 =	sld [smem:$0x3FFD];
	_ =	sdelay $0x3  }
0x9c: {  	_ =	strace s3  }
0x9d: {  	_ =	strace $0x8FFFFFFF  }
0x9e: {  	s18 =	sld [smem:$0x3FDB];
	_ =	sdelay $0x1  }
0x9f: {  	s19 =	simm.s32 $_scs_section_size  }
0xa0: {  	s5 =	simm.s32 $_size__tile_overlayer_lowered;
	s6 =	simm.s32 $_tile_overlayer_lowered  }
0xa1: {  	s22 =	simm.s32 $0x1BFF;
	s21 =	sshll.u32 s6, $0x1;
	s3 =	sadd.s32 s19, s18  }
0xa2: {  	s7 =	simm.s32 $0x0;
	s20 =	sshll.u32 s5, $0x1;
	s5 =	sadd.s32 s21, s3  }
0xa3: {  	[timem:s7], [sflag:s22] =	dma.local [hbm:s5], s20  }
0xa4: {  	_ =	swait.ge [sflag:s22], s20  }
0xa5: {  	s4 =	ssub.s32 $0x0, s20;
	[sflag:s22] =	ssyncset.done $0x0  }
0xa6: {  	[sflag:s22] =	ssyncadd.s32 s4;
	_ =	sdelay $0x1  }
0xa7: {  	s23 =	simm.s32 $0x1B8B  }
0xa8: {  	_ =	swait.ge [sflag:s23], $0x1  }
0xa9: {  	[sflag:s23] =	ssyncset.done $0x0  }
0xaa: {  	s25 =	simm.s32 $0x1B8E;
	s24 =	sld [smem:$0x3FFE];
	[sflag:s23] =	ssyncadd.s32 $0xFFFFFFFF  }
0xab: {  	s26 =	simm.s32 $execute0_lowered;
	[smem:$0x3FD2] =	sst s25  }
0xac: {  	s5 =	sshll.u32 s26, $0x1;
	_ =	strace $0x8000004C;
	[dreg:$0x1] =	wrdreg $0xFFFFFFFF  }
0xad: {  	s28 =	simm.s32 $_size_execute0_lowered;
	s3 =	sadd.s32 s3, s5;
	[dreg:$0x0] =	wrdreg $0x0  }
0xae: {  	s5 =	sshll.u32 s28, $0x1;
	[dreg:$0x2] =	wrdreg s3  }
0xaf: {  	[dreg:$0x3] =	wrdreg s5  }
0xb0: {  	[dreg:$0x4] =	wrdreg $0xC0  }
0xb1: {  	_ =	task [dreg:s7], $0x5FFFF  }
0xb2: {  	[dreg:$0x1] =	wrdreg $0xFFFFFFFF  }
0xb3: {  	[dreg:$0x0] =	wrdreg $0x60  }
0xb4: {  	[dreg:$0x2] =	wrdreg s24  }
0xb5: {  	[dreg:$0x3] =	wrdreg s16  }
0xb6: {  	[dreg:$0x4] =	wrdreg $0x6C000  }
0xb7: {  	[dreg:$0x5] =	wrdreg $0x9  }
0xb8: {  	_ =	task.clear_ibuf [dreg:s7], $0x6FFFF;
	_ =	strace $0x9000004C  }
0xb9: {  	s29 =	simm.s32 $0x9;
	_ =	strace $0x8000004E  }
0xba: {  	_ =	swait.ge [sflag:s29], $0x1  }
0xbb: {  	[sflag:s29] =	ssyncadd.s32 $0xFFFFFFFF  }
0xbc: {  	_ =	strace $0x9000004E  }
0xbd: {  	_ =	sfence  }
0xbe: {  	s30 =	sld [smem:$0x0];
	_ =	sdelay $0x2  }
0xbf: {  	s31 =	sshll.u32 s1, $0xD;
	s1 =	sshrl.u32 s1, $0x2  }
0xc0: {  	s3 =	sand.u32 $0x4000, s31;
	s1 =	sadd.s32 s1, s30  }
0xc1: {  	s0 =	sor.u32 s3, s0;
	s1 =	sshll.u32 s1, $0x11  }
0xc2: {  	s0 =	sor.u32 s1, s0  }
0xc3: {  	s0 =	sadd.s32 $0x8F2B, s0  }
0xc4: {  	[sflag:s0] =	ssyncadd.remote.s32 $0x1  }
0xc5: {  	_ =	sfence.sel $0xFFFF  }
0xc6: {  	[dreg:$0x0] =	wrdreg $0xFFFFFFFF;
	(pc) =	sbr.abs _section_cstart, $3  }
0xc7: {  	[dreg:$0x1] =	wrdreg $0xFFFFFFFF  }
0xc8: {  	_ =	task.clear_ibuf [dreg:s7], $0x2FFFF;
	_ =	strace $0x9FFFFFFF  }
0xc9: {  	(tm) =	ssettm $0x7FFFFFFF  }
tec
execute0_lowered:
.L_overlay_start_1:
0x0: {  	(tag) =	ssettag $0x1  }
0x1: {  	s4 =	rddreg [dreg:$0x0]  }
0x2: {  	s12 =	rddreg [dreg:$0x1]  }
0x3: {  	s1 =	rddreg [dreg:$0x2]  }
0x4: {  	s0 =	rddreg [dreg:$0x3];
	s3 =	simm.s32 $0x0;
	s5 =	srdreg.scid  }
0x5: {  	s2 =	stileid.u32;
	s20 =	simm.s32 $0xC00;
	s21 =	simm.s32 $0x600  }
0x6: {  	s22 =	simm.s32 $0x900;
	s23 =	simm.s32 $0x1;
	s24 =	simm.s32 $0x3C00  }
0x7: {  	s25 =	simm.s32 $0x2;
	s26 =	simm.s32 $0x0;
	s29 =	smul.u32 $0x18800, s2  }
0x8: {  	[smem:$0x7FF] =	sst s3;
	s15 =	sadd.s32 $0x65800, s4;
	s7 =	smul.u32 $0x24, s2  }
0x9: {  	s8 =	sand.u32 $0x1, s5;
	s13 =	sadd.s32 $0x3000, s4;
	s10 =	smul.u32 $0x60, s2  }
0xa: {  	s4 =	sadd.s32 $0x34800, s4;
	s11 =	smul.u32 $0x3100, s2;
	s30 =	sshll.u32 s2, $0x6  }
0xb: {  	_ =	strace $0x8000004D;
	s6 =	ssub.s32 $0x2, s8;
	p0 =	seq.s32 s8, $0x0  }
0xc: {  	s17 =	smul.u32 $0x31000, s8;
	s9 =	sshrl.u32 s6, $0x1;
	s16 =	sadd.s32 s29, s1  }
0xd: {  	s5 =	sshrl.u32 s29, $0x3;
	s14 =	ssub.s32 s6, s9;
	s9 =	sadd.s32 $0x600, s7  }
0xe: {  	s5 =	sadd.s32 s4, s5;
	s6 =	sor.u32 $0x1C04, s30;
	s9 =	smov.u32 @p0 s10  }
0xf: {  	s7 =	simm.s32 $0x2F;
	s17 =	sadd.s32 s11, s17;
	s10 =	smul.u32 $0x300, s9  }
0x10: {  	s16 =	sshrl.u32 s16, $0x3;
	s7 =	simm.s32 @!p0 $0x11;
	s19 =	smul.u32 $0x60, s9  }
0x11: {  	s12 =	sadd.s32 s12, s17;
	s17 =	simm.s32 $0x4;
	s10 =	sshrl.u32 s10, $0x3  }
0x12: {  	s31 =	sadd.s32 s19, s13;
	s8 =	sadd.s32 s15, s10;
	s18 =	sor.u32 $0x60, s10  }
0x13: {  	s9 =	sadd.s32 s13, s10;
	s10 =	sadd.s32 s15, s18;
	s11 =	sadd.s32 s13, s18  }
0x14: {  	s13 =	smax.u32 s14, $0x1;
	s14 =	sadd.s32 $0x120, s31;
	s15 =	sadd.s32 s19, s15  }
0x15: {  	s18 =	simm.s32 $0x300;
	s19 =	simm.s32 $0x3;
	s15 =	sadd.s32 $0x120, s15  }
.LBB2_1:
0x16: {  	[spmem:s16], [sflag:s6] =	dma.local [hbm:s5], $0x3100  }
0x17: {  	_ =	swait.ge [sflag:s17], $0x3100  }
0x18: {  	[sflag:s17] =	ssyncset.done $0x0  }
0x19: {  	[sflag:s17] =	ssyncadd.s32 $0xFFFFCF00  }
0x1a: {  	[bflag:$0x0] =	sbarrier.arrive $0xFFFF  }
0x1b: {  	[tilespmem:s3], [sflag:$0x3] =	stream.linear.gather [hbm4b:s8+s3], $0x300, $0x38;
	[tilespmem:$0x1F400] =	vst v63  }
0x1c: {  	_ = 	snop  }
0x1d: {  	[tilespmem:s18], [sflag:$0x3] =	stream.linear.gather [hbm4b:s9+s3], $0x300, $0x38;
	[tilespmem:$0x1F400] =	vst v63  }
0x1e: {  	_ =	swait.ge [sflag:s19], $0x300  }
0x1f: {  	[sflag:s19] =	ssyncset.done $0x0  }
0x20: {  	[sflag:s19] =	ssyncadd.s32 $0xFFFFFD00  }
0x21: {  	_ =	swait.ge [sflag:s19], $0x300  }
0x22: {  	[sflag:s19] =	ssyncset.done $0x0  }
0x23: {  	[sflag:s19] =	ssyncadd.s32 $0xFFFFFD00  }
0x24: {  	[tilespmem:s20], [sflag:$0x1] =	stream.indirect.gather [hbm4b:s4+s18], $0x10, s3, s18, $0xb8;
	[tilespmem:$0x1F400] =	vst v63  }
0x25: {  	_ = 	snop  }
0x26: {  	[tilespmem:s21], [sflag:$0x3] =	stream.linear.gather [hbm4b:s10+s3], $0x300, $0x38;
	[tilespmem:$0x1F400] =	vst v63  }
0x27: {  	_ = 	snop  }
0x28: {  	[tilespmem:s22], [sflag:$0x3] =	stream.linear.gather [hbm4b:s11+s3], $0x300, $0x38;
	[tilespmem:$0x1F400] =	vst v63  }
0x29: {  	_ =	swait.ge [sflag:s23], $0x3000  }
0x2a: {  	[sflag:s23] =	ssyncset.done $0x0  }
0x2b: {  	[sflag:s23] =	ssyncadd.s32 $0xFFFFD000  }
0x2c: {  	[spmem:s1] =	stream.indirect.scatter.add.f32 [tilespmem:s20], [sflag:$0x2], $0x10, s18, s18, $0xb8;
	[tilespmem:$0x1F400] =	vst v63  }
0x2d: {  	_ =	swait.ge [sflag:s19], $0x300  }
0x2e: {  	[sflag:s19] =	ssyncset.done $0x0  }
0x2f: {  	[sflag:s19] =	ssyncadd.s32 $0xFFFFFD00  }
0x30: {  	_ =	swait.ge [sflag:s19], $0x300  }
0x31: {  	[sflag:s19] =	ssyncset.done $0x0  }
0x32: {  	[sflag:s19] =	ssyncadd.s32 $0xFFFFFD00  }
0x33: {  	[tilespmem:s24], [sflag:$0x1] =	stream.indirect.gather [hbm4b:s4+s18], $0x10, s21, s18, $0xb8;
	[tilespmem:$0x1F400] =	vst v63  }
0x34: {  	_ =	swait.ge [sflag:s25], $0x3000  }
0x35: {  	[sflag:s25] =	ssyncset.done $0x0  }
0x36: {  	s28 =	sadd.s32 $0xFFFFFFA0, s15;
	[sflag:s25] =	ssyncadd.s32 $0xFFFFD000  }
0x37: {  	[tilespmem:s3], [sflag:$0x3] =	stream.linear.gather [hbm4b:s28+s3], $0x300, $0x38;
	[tilespmem:$0x1F400] =	vst v63  }
0x38: {  	s28 =	sadd.s32 $0xFFFFFFA0, s14  }
0x39: {  	[tilespmem:s18], [sflag:$0x3] =	stream.linear.gather [hbm4b:s28+s3], $0x300, $0x38;
	[tilespmem:$0x1F400] =	vst v63  }
0x3a: {  	_ =	swait.ge [sflag:s23], $0x3000  }
0x3b: {  	[sflag:s23] =	ssyncset.done $0x0  }
0x3c: {  	[sflag:s23] =	ssyncadd.s32 $0xFFFFD000  }
0x3d: {  	[spmem:s1] =	stream.indirect.scatter.add.f32 [tilespmem:s24], [sflag:$0x2], $0x10, s22, s18, $0xb8;
	[tilespmem:$0x1F400] =	vst v63  }
0x3e: {  	_ =	swait.ge [sflag:s19], $0x300  }
0x3f: {  	[sflag:s19] =	ssyncset.done $0x0  }
0x40: {  	[sflag:s19] =	ssyncadd.s32 $0xFFFFFD00  }
0x41: {  	_ =	swait.ge [sflag:s19], $0x300  }
0x42: {  	[sflag:s19] =	ssyncset.done $0x0  }
0x43: {  	[sflag:s19] =	ssyncadd.s32 $0xFFFFFD00  }
0x44: {  	[tilespmem:s20], [sflag:$0x1] =	stream.indirect.gather [hbm4b:s4+s18], $0x10, s3, s18, $0xb8;
	[tilespmem:$0x1F400] =	vst v63  }
0x45: {  	_ =	swait.ge [sflag:s25], $0x3000  }
0x46: {  	[sflag:s25] =	ssyncset.done $0x0  }
0x47: {  	p0 =	sne.s32 s7, $0x1;
	[sflag:s25] =	ssyncadd.s32 $0xFFFFD000  }
0x48: {  	[tilespmem:s21], [sflag:$0x3] =	stream.linear.gather [hbm4b:s15+s3], $0x300, $0x38;
	[tilespmem:$0x1F400] =	vst v63  }
.Ltmp0:
0x49: {  	_ = 	snop;
	(pc) =	sbr.rel @!p0 .LBB2_3-.Ltmp0, $4  }
0x4a: {  	[tilespmem:s22], [sflag:$0x3] =	stream.linear.gather [hbm4b:s14+s3], $0x300, $0x38;
	[tilespmem:$0x1F400] =	vst v63  }
0x4b: {  	_ =	swait.ge [sflag:s23], $0x3000  }
0x4c: {  	s29 =	sadd.s32 $0xC0, s14;
	[sflag:s23] =	ssyncset.done $0x0  }
0x4d: {  	s30 =	sadd.s32 $0xC0, s15;
	s28 =	sadd.s32 $0xFFFFFFFF, s7;
	[sflag:s23] =	ssyncadd.s32 $0xFFFFD000  }
.LBB2_2:
0x4e: {  	[spmem:s1] =	stream.indirect.scatter.add.f32 [tilespmem:s20], [sflag:$0x2], $0x10, s18, s18, $0xb8;
	[tilespmem:$0x1F400] =	vst v63  }
0x4f: {  	p0 =	sne.s32 s28, $0x1;
	s28 =	sadd.s32 $0xFFFFFFFF, s28;
	_ =	swait.ge [sflag:s19], $0x300  }
0x50: {  	[sflag:s19] =	ssyncset.done $0x0  }
0x51: {  	[sflag:s19] =	ssyncadd.s32 $0xFFFFFD00  }
0x52: {  	_ =	swait.ge [sflag:s19], $0x300  }
0x53: {  	[sflag:s19] =	ssyncset.done $0x0  }
0x54: {  	[sflag:s19] =	ssyncadd.s32 $0xFFFFFD00  }
0x55: {  	[tilespmem:s24], [sflag:$0x1] =	stream.indirect.gather [hbm4b:s4+s18], $0x10, s21, s18, $0xb8;
	[tilespmem:$0x1F400] =	vst v63  }
0x56: {  	_ =	swait.ge [sflag:s25], $0x3000  }
0x57: {  	[sflag:s25] =	ssyncset.done $0x0  }
0x58: {  	s31 =	sadd.s32 $0xFFFFFFA0, s30;
	[sflag:s25] =	ssyncadd.s32 $0xFFFFD000  }
0x59: {  	[tilespmem:s3], [sflag:$0x3] =	stream.linear.gather [hbm4b:s31+s3], $0x300, $0x38;
	[tilespmem:$0x1F400] =	vst v63  }
0x5a: {  	s31 =	sadd.s32 $0xFFFFFFA0, s29  }
0x5b: {  	[tilespmem:s18], [sflag:$0x3] =	stream.linear.gather [hbm4b:s31+s3], $0x300, $0x38;
	[tilespmem:$0x1F400] =	vst v63  }
0x5c: {  	_ =	swait.ge [sflag:s23], $0x3000  }
0x5d: {  	[sflag:s23] =	ssyncset.done $0x0  }
0x5e: {  	[sflag:s23] =	ssyncadd.s32 $0xFFFFD000  }
0x5f: {  	[spmem:s1] =	stream.indirect.scatter.add.f32 [tilespmem:s24], [sflag:$0x2], $0x10, s22, s18, $0xb8;
	[tilespmem:$0x1F400] =	vst v63  }
0x60: {  	_ =	swait.ge [sflag:s19], $0x300  }
0x61: {  	[sflag:s19] =	ssyncset.done $0x0  }
0x62: {  	[sflag:s19] =	ssyncadd.s32 $0xFFFFFD00  }
0x63: {  	_ =	swait.ge [sflag:s19], $0x300  }
0x64: {  	[sflag:s19] =	ssyncset.done $0x0  }
0x65: {  	[sflag:s19] =	ssyncadd.s32 $0xFFFFFD00  }
0x66: {  	[tilespmem:s20], [sflag:$0x1] =	stream.indirect.gather [hbm4b:s4+s18], $0x10, s3, s18, $0xb8;
	[tilespmem:$0x1F400] =	vst v63  }
0x67: {  	_ =	swait.ge [sflag:s25], $0x3000  }
0x68: {  	[sflag:s25] =	ssyncset.done $0x0  }
0x69: {  	[sflag:s25] =	ssyncadd.s32 $0xFFFFD000  }
0x6a: {  	[tilespmem:s21], [sflag:$0x3] =	stream.linear.gather [hbm4b:s30+s3], $0x300, $0x38;
	[tilespmem:$0x1F400] =	vst v63  }
.Ltmp1:
0x6b: {  	(pc) =	sbr.rel @p0 .LBB2_2-.Ltmp1, $4  }
0x6c: {  	[tilespmem:s22], [sflag:$0x3] =	stream.linear.gather [hbm4b:s29+s3], $0x300, $0x38;
	[tilespmem:$0x1F400] =	vst v63  }
0x6d: {  	_ =	swait.ge [sflag:s23], $0x3000  }
0x6e: {  	[sflag:s23] =	ssyncset.done $0x0  }
0x6f: {  	s30 =	sadd.s32 $0xC0, s30;
	s29 =	sadd.s32 $0xC0, s29;
	[sflag:s23] =	ssyncadd.s32 $0xFFFFD000  }
.LBB2_3:
0x70: {  	[spmem:s1] =	stream.indirect.scatter.add.f32 [tilespmem:s20], [sflag:$0x2], $0x10, s18, s18, $0xb8;
	[tilespmem:$0x1F400] =	vst v63  }
0x71: {  	_ =	swait.ge [sflag:s19], $0x300  }
0x72: {  	[sflag:s19] =	ssyncset.done $0x0  }
0x73: {  	[sflag:s19] =	ssyncadd.s32 $0xFFFFFD00  }
0x74: {  	_ =	swait.ge [sflag:s19], $0x300  }
0x75: {  	[sflag:s19] =	ssyncset.done $0x0  }
0x76: {  	[sflag:s19] =	ssyncadd.s32 $0xFFFFFD00  }
0x77: {  	[tilespmem:s24], [sflag:$0x1] =	stream.indirect.gather [hbm4b:s4+s18], $0x10, s21, s18, $0xb8;
	[tilespmem:$0x1F400] =	vst v63  }
0x78: {  	_ =	swait.ge [sflag:s25], $0x3000  }
0x79: {  	[sflag:s25] =	ssyncset.done $0x0  }
0x7a: {  	[sflag:s25] =	ssyncadd.s32 $0xFFFFD000  }
0x7b: {  	_ =	swait.ge [sflag:s23], $0x3000  }
0x7c: {  	[sflag:s23] =	ssyncset.done $0x0  }
0x7d: {  	[sflag:s23] =	ssyncadd.s32 $0xFFFFD000  }
0x7e: {  	[spmem:s1] =	stream.indirect.scatter.add.f32 [tilespmem:s24], [sflag:$0x2], $0x10, s22, s18, $0xb8;
	[tilespmem:$0x1F400] =	vst v63  }
0x7f: {  	_ =	swait.ge [sflag:s25], $0x3000  }
0x80: {  	s26 =	sadd.s32 $0x1, s26;
	[sflag:s25] =	ssyncset.done $0x0  }
0x81: {  	p0 =	sne.s32 s26, s13;
	[sflag:s25] =	ssyncadd.s32 $0xFFFFD000  }
.Ltmp2:
0x82: {  	[bflag:$0x0] =	sbarrier.arrive $0xFFFF;
	(pc) =	sbr.rel @p0 .LBB2_1-.Ltmp2, $4  }
0x83: {  	[hbm:s12], [sflag:s6] =	dma.local [spmem:s16], $0x3100  }
0x84: {  	_ =	swait.ge [sflag:s17], $0x3100  }
0x85: {  	[sflag:s17] =	ssyncset.done $0x0  }
0x86: {  	[sflag:s17] =	ssyncadd.s32 $0xFFFFCF00  }
0x87: {  	_ =	sfence.sel $0x180000  }
0x88: {  	[bflag:$0x0] =	sbarrier.arrive $0xFFFF  }
0x89: {  	p0 =	sne.s32 s2, $0x0;
	_ =	strace $0x9000004D  }
0x8a: {  	s0 =	sadd.s32 @!p0 $0x100000, s0;
	[bflag:$0x2] =	sbarrier.arrive $0xFFFF  }
0x8b: {  	[sflag:s0] =	ssyncadd.tile.s32 @!p0 $0x1;
	_ =	shalt  }
.Lfunc_end2:
_tile_overlayer_lowered:
.L_overlay_start_2:
0x8c: {  	(tag) =	ssettag $0x2  }
0x8d: {  	s0 =	rddreg [dreg:$0x0];
	s2 =	stileid.u32  }
0x8e: {  	s1 =	rddreg [dreg:$0x1];
	p0 =	sne.s32 s2, $0x0  }
0x8f: {  	s3 =	rddreg [dreg:$0x2];
	[bflag:$0x3] =	sbarrier.arrive $0xFFFF;
	s2 =	simm.s32 @!p0 $0x1C04  }
0x90: {  	[timem:s3], [sflag:s2] =	dma.local @!p0 [hbm:s0], s1  }
0x91: {  	s0 =	simm.s32 @!p0 $0x4  }
0x92: {  	_ =	swait.ge @!p0 [sflag:s0], s1  }
0x93: {  	s1 =	ssub.s32 @!p0 $0x0, s1;
	[sflag:s0] =	ssyncset.done @!p0 $0x0  }
0x94: {  	[sflag:s0] =	ssyncadd.s32 @!p0 s1  }
0x95: {  	[bflag:$0x3] =	sbarrier.arrive $0xFFFF  }
0x96: {  	_ =	shalt  }

// kernel: kernel.21.cloned.1.call-start
scs
__scs_entry_jumppad:
0x0: {  	(pc) =	sbr.rel $0x88, $3  }
0x1: {  	(tag) =	ssettag $0x0;
	lr =	simm.s32 $0x1  }
0x2: {  	[smem:$0x3F95] =	sst lr;
	_ =	strace $0xD0000000  }
0x3: {  	_ = 	snop  }
0x4: {  	_ = 	snop  }
0x5: {  	_ = 	snop  }
0x6: {  	_ = 	snop  }
0x7: {  	_ = 	snop  }
__scs_overlays_trampoline_lowered:
0x8: {  	[smem:$0x3FA4] =	sst s0  }
0x9: {  	[smem:$0x3FA5] =	sst s1  }
0xa: {  	[smem:$0x3FA6] =	sst s2  }
0xb: {  	[smem:$0x3FA7] =	sst s3  }
0xc: {  	[smem:$0x3FA8] =	sst s4  }
0xd: {  	[smem:$0x3FA9] =	sst s5  }
0xe: {  	[smem:$0x3FAA] =	sst s6  }
0xf: {  	[smem:$0x3FAB] =	sst s7  }
0x10: {  	[smem:$0x3FAC] =	sst s8  }
0x11: {  	[smem:$0x3FAD] =	sst s9;
	s0 =	simm.s32 @!p0 $0x0  }
0x12: {  	s1 =	sld [smem:$0x3F93];
	s0 =	simm.s32 @p0 $0x1  }
0x13: {  	[smem:$0x3FAE] =	sst s0;
	s0 =	simm.s32 @!p1 $0x0  }
0x14: {  	s2 =	sld [smem:$0x3F92];
	s0 =	simm.s32 @p1 $0x1  }
0x15: {  	[smem:$0x3FAF] =	sst s0;
	s0 =	simm.s32 @!p2 $0x0  }
0x16: {  	s3 =	sld [smem:$0x3FDB];
	s0 =	simm.s32 @p2 $0x1  }
0x17: {  	s4 =	simm.s32 $0x1BF5;
	[smem:$0x3FB1] =	sst s0  }
0x18: {  	s0 =	sld [smem:$0x3F94];
	_ =	swait.ge [sflag:s4], $0x0  }
0x19: {  	s7 =	sld [smem:$0x3F95]  }
0x1a: {  	s8 =	sadd.s32 $0xFFFFE003, lr  }
0x1b: {  	s9 =	sadd.s32 $0xFFFFFEF7, lr;
	s5 =	simm.s32 $0xFFFFFFFF;
	p2 =	slt.u32 s8, $0xFFFFF086  }
0x1c: {  	p1 =	slt.u32 s9, $0xF7A;
	s5 =	simm.s32 @!p2 $0x0  }
0x1d: {  	s5 =	simm.s32 @p1 $0x1;
	p0 =	seq.s32 s7, s2  }
0x1e: {  	s7 =	smul.u32 @!p0 $0xF7A, s2;
	p2 =	seq.s32 @!p0 s5, $0x0  }
0x1f: {  	s9 =	smul.u32 $0xF7A, s1;
	s8 =	simm.s32 @!p0 $0x1BF5;
	p2 =	por !p2, p0  }
0x20: {  	[sflag:s8] =	ssyncset.s32 @!p0 $0xFFFFF086;
	s6 =	sadd.s32 @!p0 s3, s7;
	s7 =	simm.s32 @!p0 $0x108  }
0x21: {  	s3 =	sadd.s32 s3, s9;
	s6 =	sadd.s32 @!p0 $0x88, s6;
	s7 =	simm.s32 @p2 $0x1082  }
0x22: {  	[simem:s7], [sflag:s8] =	dma.local @!p0 [hbm:s6], $0xF7A  }
0x23: {  	s9 =	sor.u32 $0xD0000000, s2;
	s6 =	simm.s32 $0x108;
	_ =	swait.ge @!p0 [sflag:s8], $0x0  }
0x24: {  	s3 =	sadd.s32 $0x88, s3;
	s6 =	simm.s32 @!p1 $0x1082;
	[sflag:s4] =	ssyncset.s32 $0xFFFFF086  }
0x25: {  	[simem:s6], [sflag:s4] =	dma.local [hbm:s3], $0xF7A  }
0x26: {  	[smem:$0x3F95] =	sst s1;
	(tag) =	ssettag s2;
	_ =	strace s9  }
0x27: {  	s1 =	sld [smem:$0x3FA5]  }
0x28: {  	s2 =	sld [smem:$0x3FA6]  }
0x29: {  	s4 =	sld [smem:$0x3FA8]  }
0x2a: {  	p0 =	seq.s32 s5, $0x0;
	s5 =	sld [smem:$0x3FA9]  }
0x2b: {  	s6 =	sld [smem:$0x3FAA]  }
0x2c: {  	s7 =	sld [smem:$0x3FAB]  }
0x2d: {  	s3 =	simm.s32 $0x108;
	s8 =	sld [smem:$0x3FAC]  }
0x2e: {  	s3 =	simm.s32 @!p0 $0x1082;
	s9 =	sld [smem:$0x3FAD]  }
0x2f: {  	lr =	sadd.s32 s0, s3;
	s0 =	sld [smem:$0x3FA4]  }
0x30: {  	s3 =	sld [smem:$0x3FA7]  }
0x31: {  	[smem:$0x3FB0] =	sst s10  }
0x32: {  	s10 =	sld [smem:$0x3FAE];
	_ =	sdelay $0x3  }
0x33: {  	p0 =	seq.s32 s10, $0x1;
	s10 =	sld [smem:$0x3FB0];
	_ =	sdelay $0x3  }
0x34: {  	[smem:$0x3FB0] =	sst s10  }
0x35: {  	s10 =	sld [smem:$0x3FAF];
	_ =	sdelay $0x3  }
0x36: {  	p1 =	seq.s32 s10, $0x1;
	s10 =	sld [smem:$0x3FB0];
	_ =	sdelay $0x3  }
0x37: {  	[smem:$0x3FB0] =	sst s10  }
0x38: {  	s10 =	sld [smem:$0x3FB1]  }
0x39: {  	_ = 	snop;
	(pc) =	sbr.ind lr, $3  }
0x3a: {  	_ = 	snop  }
0x3b: {  	_ = 	snop  }
0x3c: {  	p2 =	seq.s32 s10, $0x1;
	s10 =	sld [smem:$0x3FB0]  }
0x3d: {  	_ =	shalt  }
0x3e: {  	_ =	shalt  }
0x3f: {  	_ =	shalt  }
0x40: {  	_ =	shalt  }
0x41: {  	_ =	shalt  }
0x42: {  	_ =	shalt  }
0x43: {  	_ =	shalt  }
0x44: {  	_ =	shalt  }
0x45: {  	_ =	shalt  }
0x46: {  	_ =	shalt  }
0x47: {  	_ =	shalt  }
0x48: {  	_ =	shalt  }
0x49: {  	_ =	shalt  }
0x4a: {  	_ =	shalt  }
0x4b: {  	_ =	shalt  }
0x4c: {  	_ =	shalt  }
0x4d: {  	_ =	shalt  }
0x4e: {  	_ =	shalt  }
0x4f: {  	_ =	shalt  }
0x50: {  	_ =	shalt  }
0x51: {  	_ =	shalt  }
0x52: {  	_ =	shalt  }
0x53: {  	_ =	shalt  }
0x54: {  	_ =	shalt  }
0x55: {  	_ =	shalt  }
0x56: {  	_ =	shalt  }
0x57: {  	_ =	shalt  }
0x58: {  	_ =	shalt  }
0x59: {  	_ =	shalt  }
0x5a: {  	_ =	shalt  }
0x5b: {  	_ =	shalt  }
0x5c: {  	_ =	shalt  }
0x5d: {  	_ =	shalt  }
0x5e: {  	_ =	shalt  }
0x5f: {  	_ =	shalt  }
0x60: {  	_ =	shalt  }
0x61: {  	_ =	shalt  }
0x62: {  	_ =	shalt  }
0x63: {  	_ =	shalt  }
0x64: {  	_ =	shalt  }
0x65: {  	_ =	shalt  }
0x66: {  	_ =	shalt  }
0x67: {  	_ =	shalt  }
0x68: {  	_ =	shalt  }
0x69: {  	_ =	shalt  }
0x6a: {  	_ =	shalt  }
0x6b: {  	_ =	shalt  }
0x6c: {  	_ =	shalt  }
0x6d: {  	_ =	shalt  }
0x6e: {  	_ =	shalt  }
0x6f: {  	_ =	shalt  }
0x70: {  	_ =	shalt  }
0x71: {  	_ =	shalt  }
0x72: {  	_ =	shalt  }
0x73: {  	_ =	shalt  }
0x74: {  	_ =	shalt  }
0x75: {  	_ =	shalt  }
0x76: {  	_ =	shalt  }
0x77: {  	_ =	shalt  }
0x78: {  	_ =	shalt  }
0x79: {  	_ =	shalt  }
0x7a: {  	_ =	shalt  }
0x7b: {  	_ =	shalt  }
0x7c: {  	_ =	shalt  }
0x7d: {  	_ =	shalt  }
0x7e: {  	_ =	shalt  }
0x7f: {  	_ =	shalt  }
0x80: {  	_ =	shalt  }
0x81: {  	_ =	shalt  }
0x82: {  	_ =	shalt  }
0x83: {  	_ =	shalt  }
0x84: {  	_ =	shalt  }
0x85: {  	_ =	shalt  }
0x86: {  	_ =	shalt  }
0x87: {  	_ =	shalt  }
.Lfunc_end0:
.L_simem_size_0:
called_computation.4_lowered:
.L_overlay_start_0:
0x88: {  	s2 =	sld [smem:$0x3FD9]  }
0x89: {  	s3 =	sld [smem:$0x3FFE];
	_ =	sdelay $0x1  }
0x8a: {  	s1 =	srdreg.scid  }
0x8b: {  	s0 =	sand.u32 $0x1, s1  }
0x8c: {  	s14 =	sshll.u32 s0, $0xA;
	s2 =	sadd.s32 s3, s2  }
0x8d: {  	s2 =	sadd.s32 s2, s14  }
0x8e: {  	[smem:$0x3FBC] =	sst s2  }
0x8f: {  	_ = 	snop  }
0x90: {  	s2 =	sld [smem:$0x3FD0];
	_ =	sdelay $0x2  }
0x91: {  	s15 =	simm.s32 $0xA;
	s4 =	simm.s32 $0x10  }
0x92: {  	[smem:s4], [sflag:s15] =	dma.local [hbm:s2], $0x1  }
0x93: {  	_ =	swait.eq [sflag:s15], $0x1  }
0x94: {  	[sflag:s15] =	ssyncset.done $0x0  }
0x95: {  	[sflag:s15] =	ssyncadd.s32 $0xFFFFFFFF  }
0x96: {  	s16 =	sld [smem:$0x11];
	(tm) =	ssettm $0x1  }
0x97: {  	s17 =	sld [smem:$0x3FFB];
	_ =	sdelay $0x3  }
0x98: {  	_ =	strace s17  }
0x99: {  	s3 =	sld [smem:$0x3FFC];
	_ =	sdelay $0x3  }
0x9a: {  	_ =	strace s3  }
0x9b: {  	s3 =	sld [smem:$0x3FFD];
	_ =	sdelay $0x3  }
0x9c: {  	_ =	strace s3  }
0x9d: {  	_ =	strace $0x8FFFFFFF  }
0x9e: {  	s18 =	sld [smem:$0x3FDB];
	_ =	sdelay $0x1  }
0x9f: {  	s19 =	simm.s32 $_scs_section_size  }
0xa0: {  	s5 =	simm.s32 $_size__tile_overlayer_lowered;
	s6 =	simm.s32 $_tile_overlayer_lowered  }
0xa1: {  	s22 =	simm.s32 $0x1BFF;
	s21 =	sshll.u32 s6, $0x1;
	s3 =	sadd.s32 s19, s18  }
0xa2: {  	s7 =	simm.s32 $0x0;
	s20 =	sshll.u32 s5, $0x1;
	s5 =	sadd.s32 s21, s3  }
0xa3: {  	[timem:s7], [sflag:s22] =	dma.local [hbm:s5], s20  }
0xa4: {  	_ =	swait.ge [sflag:s22], s20  }
0xa5: {  	s4 =	ssub.s32 $0x0, s20;
	[sflag:s22] =	ssyncset.done $0x0  }
0xa6: {  	[sflag:s22] =	ssyncadd.s32 s4;
	_ =	sdelay $0x1  }
0xa7: {  	s23 =	simm.s32 $0x1B8B  }
0xa8: {  	_ =	swait.ge [sflag:s23], $0x1  }
0xa9: {  	[sflag:s23] =	ssyncset.done $0x0  }
0xaa: {  	s25 =	simm.s32 $0x1B8E;
	s24 =	sld [smem:$0x3FFE];
	[sflag:s23] =	ssyncadd.s32 $0xFFFFFFFF  }
0xab: {  	s26 =	simm.s32 $execute0_lowered;
	[smem:$0x3FD2] =	sst s25  }
0xac: {  	s5 =	sshll.u32 s26, $0x1;
	_ =	strace $0x8000004F;
	[dreg:$0x1] =	wrdreg $0xFFFFFFFF  }
0xad: {  	s28 =	simm.s32 $_size_execute0_lowered;
	s3 =	sadd.s32 s3, s5;
	[dreg:$0x0] =	wrdreg $0x0  }
0xae: {  	s5 =	sshll.u32 s28, $0x1;
	[dreg:$0x2] =	wrdreg s3  }
0xaf: {  	[dreg:$0x3] =	wrdreg s5  }
0xb0: {  	[dreg:$0x4] =	wrdreg $0xC0  }
0xb1: {  	_ =	task [dreg:s7], $0x5FFFF  }
0xb2: {  	[dreg:$0x1] =	wrdreg $0xFFFFFFFF  }
0xb3: {  	[dreg:$0x0] =	wrdreg $0x60  }
0xb4: {  	[dreg:$0x2] =	wrdreg s24  }
0xb5: {  	[dreg:$0x3] =	wrdreg s16  }
0xb6: {  	[dreg:$0x4] =	wrdreg $0x6C000  }
0xb7: {  	[dreg:$0x5] =	wrdreg $0x9  }
0xb8: {  	_ =	task.clear_ibuf [dreg:s7], $0x6FFFF;
	_ =	strace $0x9000004F  }
0xb9: {  	s29 =	simm.s32 $0x9;
	_ =	strace $0x80000051  }
0xba: {  	_ =	swait.ge [sflag:s29], $0x1  }
0xbb: {  	[sflag:s29] =	ssyncadd.s32 $0xFFFFFFFF  }
0xbc: {  	_ =	strace $0x90000051  }
0xbd: {  	_ =	sfence  }
0xbe: {  	s30 =	sld [smem:$0x0];
	_ =	sdelay $0x2  }
0xbf: {  	s31 =	sshll.u32 s1, $0xD;
	s1 =	sshrl.u32 s1, $0x2  }
0xc0: {  	s3 =	sand.u32 $0x4000, s31;
	s1 =	sadd.s32 s1, s30  }
0xc1: {  	s0 =	sor.u32 s3, s0;
	s1 =	sshll.u32 s1, $0x11  }
0xc2: {  	s0 =	sor.u32 s1, s0  }
0xc3: {  	s0 =	sadd.s32 $0x8F2B, s0  }
0xc4: {  	[sflag:s0] =	ssyncadd.remote.s32 $0x1  }
0xc5: {  	_ =	sfence.sel $0xFFFF  }
0xc6: {  	[dreg:$0x0] =	wrdreg $0xFFFFFFFF;
	(pc) =	sbr.abs _section_cstart, $3  }
0xc7: {  	[dreg:$0x1] =	wrdreg $0xFFFFFFFF  }
0xc8: {  	_ =	task.clear_ibuf [dreg:s7], $0x2FFFF;
	_ =	strace $0x9FFFFFFF  }
0xc9: {  	(tm) =	ssettm $0x7FFFFFFF  }
tec
execute0_lowered:
.L_overlay_start_1:
0x0: {  	(tag) =	ssettag $0x1  }
0x1: {  	s4 =	rddreg [dreg:$0x0]  }
0x2: {  	s12 =	rddreg [dreg:$0x1]  }
0x3: {  	s1 =	rddreg [dreg:$0x2]  }
0x4: {  	s0 =	rddreg [dreg:$0x3];
	s3 =	simm.s32 $0x0;
	s5 =	srdreg.scid  }
0x5: {  	s2 =	stileid.u32;
	s20 =	simm.s32 $0xC00;
	s21 =	simm.s32 $0x600  }
0x6: {  	s22 =	simm.s32 $0x900;
	s23 =	simm.s32 $0x1;
	s24 =	simm.s32 $0x3C00  }
0x7: {  	s25 =	simm.s32 $0x2;
	s26 =	simm.s32 $0x0;
	s29 =	smul.u32 $0x18800, s2  }
0x8: {  	[smem:$0x7FF] =	sst s3;
	s15 =	sadd.s32 $0x65800, s4;
	s7 =	smul.u32 $0x24, s2  }
0x9: {  	s8 =	sand.u32 $0x1, s5;
	s13 =	sadd.s32 $0x3000, s4;
	s10 =	smul.u32 $0x60, s2  }
0xa: {  	s4 =	sadd.s32 $0x34800, s4;
	s11 =	smul.u32 $0x3100, s2;
	s30 =	sshll.u32 s2, $0x6  }
0xb: {  	_ =	strace $0x80000050;
	s6 =	ssub.s32 $0x2, s8;
	p0 =	seq.s32 s8, $0x0  }
0xc: {  	s17 =	smul.u32 $0x31000, s8;
	s9 =	sshrl.u32 s6, $0x1;
	s16 =	sadd.s32 s29, s1  }
0xd: {  	s5 =	sshrl.u32 s29, $0x3;
	s14 =	ssub.s32 s6, s9;
	s9 =	sadd.s32 $0x600, s7  }
0xe: {  	s5 =	sadd.s32 s4, s5;
	s6 =	sor.u32 $0x1C04, s30;
	s9 =	smov.u32 @p0 s10  }
0xf: {  	s7 =	simm.s32 $0x2F;
	s17 =	sadd.s32 s11, s17;
	s10 =	smul.u32 $0x300, s9  }
0x10: {  	s16 =	sshrl.u32 s16, $0x3;
	s7 =	simm.s32 @!p0 $0x11;
	s19 =	smul.u32 $0x60, s9  }
0x11: {  	s12 =	sadd.s32 s12, s17;
	s17 =	simm.s32 $0x4;
	s10 =	sshrl.u32 s10, $0x3  }
0x12: {  	s31 =	sadd.s32 s19, s13;
	s8 =	sadd.s32 s15, s10;
	s18 =	sor.u32 $0x60, s10  }
0x13: {  	s9 =	sadd.s32 s13, s10;
	s10 =	sadd.s32 s15, s18;
	s11 =	sadd.s32 s13, s18  }
0x14: {  	s13 =	smax.u32 s14, $0x1;
	s14 =	sadd.s32 $0x120, s31;
	s15 =	sadd.s32 s19, s15  }
0x15: {  	s18 =	simm.s32 $0x300;
	s19 =	simm.s32 $0x3;
	s15 =	sadd.s32 $0x120, s15  }
.LBB2_1:
0x16: {  	[spmem:s16], [sflag:s6] =	dma.local [hbm:s5], $0x3100  }
0x17: {  	_ =	swait.ge [sflag:s17], $0x3100  }
0x18: {  	[sflag:s17] =	ssyncset.done $0x0  }
0x19: {  	[sflag:s17] =	ssyncadd.s32 $0xFFFFCF00  }
0x1a: {  	[bflag:$0x0] =	sbarrier.arrive $0xFFFF  }
0x1b: {  	[tilespmem:s3], [sflag:$0x3] =	stream.linear.gather [hbm4b:s8+s3], $0x300, $0x38;
	[tilespmem:$0x1F400] =	vst v63  }
0x1c: {  	_ = 	snop  }
0x1d: {  	[tilespmem:s18], [sflag:$0x3] =	stream.linear.gather [hbm4b:s9+s3], $0x300, $0x38;
	[tilespmem:$0x1F400] =	vst v63  }
0x1e: {  	_ =	swait.ge [sflag:s19], $0x300  }
0x1f: {  	[sflag:s19] =	ssyncset.done $0x0  }
0x20: {  	[sflag:s19] =	ssyncadd.s32 $0xFFFFFD00  }
0x21: {  	_ =	swait.ge [sflag:s19], $0x300  }
0x22: {  	[sflag:s19] =	ssyncset.done $0x0  }
0x23: {  	[sflag:s19] =	ssyncadd.s32 $0xFFFFFD00  }
0x24: {  	[tilespmem:s20], [sflag:$0x1] =	stream.indirect.gather [hbm4b:s4+s18], $0x10, s3, s18, $0xb8;
	[tilespmem:$0x1F400] =	vst v63  }
0x25: {  	_ = 	snop  }
0x26: {  	[tilespmem:s21], [sflag:$0x3] =	stream.linear.gather [hbm4b:s10+s3], $0x300, $0x38;
	[tilespmem:$0x1F400] =	vst v63  }
0x27: {  	_ = 	snop  }
0x28: {  	[tilespmem:s22], [sflag:$0x3] =	stream.linear.gather [hbm4b:s11+s3], $0x300, $0x38;
	[tilespmem:$0x1F400] =	vst v63  }
0x29: {  	_ =	swait.ge [sflag:s23], $0x3000  }
0x2a: {  	[sflag:s23] =	ssyncset.done $0x0  }
0x2b: {  	[sflag:s23] =	ssyncadd.s32 $0xFFFFD000  }
0x2c: {  	[spmem:s1] =	stream.indirect.scatter.add.f32 [tilespmem:s20], [sflag:$0x2], $0x10, s18, s18, $0xb8;
	[tilespmem:$0x1F400] =	vst v63  }
0x2d: {  	_ =	swait.ge [sflag:s19], $0x300  }
0x2e: {  	[sflag:s19] =	ssyncset.done $0x0  }
0x2f: {  	[sflag:s19] =	ssyncadd.s32 $0xFFFFFD00  }
0x30: {  	_ =	swait.ge [sflag:s19], $0x300  }
0x31: {  	[sflag:s19] =	ssyncset.done $0x0  }
0x32: {  	[sflag:s19] =	ssyncadd.s32 $0xFFFFFD00  }
0x33: {  	[tilespmem:s24], [sflag:$0x1] =	stream.indirect.gather [hbm4b:s4+s18], $0x10, s21, s18, $0xb8;
	[tilespmem:$0x1F400] =	vst v63  }
0x34: {  	_ =	swait.ge [sflag:s25], $0x3000  }
0x35: {  	[sflag:s25] =	ssyncset.done $0x0  }
0x36: {  	s28 =	sadd.s32 $0xFFFFFFA0, s15;
	[sflag:s25] =	ssyncadd.s32 $0xFFFFD000  }
0x37: {  	[tilespmem:s3], [sflag:$0x3] =	stream.linear.gather [hbm4b:s28+s3], $0x300, $0x38;
	[tilespmem:$0x1F400] =	vst v63  }
0x38: {  	s28 =	sadd.s32 $0xFFFFFFA0, s14  }
0x39: {  	[tilespmem:s18], [sflag:$0x3] =	stream.linear.gather [hbm4b:s28+s3], $0x300, $0x38;
	[tilespmem:$0x1F400] =	vst v63  }
0x3a: {  	_ =	swait.ge [sflag:s23], $0x3000  }
0x3b: {  	[sflag:s23] =	ssyncset.done $0x0  }
0x3c: {  	[sflag:s23] =	ssyncadd.s32 $0xFFFFD000  }
0x3d: {  	[spmem:s1] =	stream.indirect.scatter.add.f32 [tilespmem:s24], [sflag:$0x2], $0x10, s22, s18, $0xb8;
	[tilespmem:$0x1F400] =	vst v63  }
0x3e: {  	_ =	swait.ge [sflag:s19], $0x300  }
0x3f: {  	[sflag:s19] =	ssyncset.done $0x0  }
0x40: {  	[sflag:s19] =	ssyncadd.s32 $0xFFFFFD00  }
0x41: {  	_ =	swait.ge [sflag:s19], $0x300  }
0x42: {  	[sflag:s19] =	ssyncset.done $0x0  }
0x43: {  	[sflag:s19] =	ssyncadd.s32 $0xFFFFFD00  }
0x44: {  	[tilespmem:s20], [sflag:$0x1] =	stream.indirect.gather [hbm4b:s4+s18], $0x10, s3, s18, $0xb8;
	[tilespmem:$0x1F400] =	vst v63  }
0x45: {  	_ =	swait.ge [sflag:s25], $0x3000  }
0x46: {  	[sflag:s25] =	ssyncset.done $0x0  }
0x47: {  	p0 =	sne.s32 s7, $0x1;
	[sflag:s25] =	ssyncadd.s32 $0xFFFFD000  }
0x48: {  	[tilespmem:s21], [sflag:$0x3] =	stream.linear.gather [hbm4b:s15+s3], $0x300, $0x38;
	[tilespmem:$0x1F400] =	vst v63  }
.Ltmp0:
0x49: {  	_ = 	snop;
	(pc) =	sbr.rel @!p0 .LBB2_3-.Ltmp0, $4  }
0x4a: {  	[tilespmem:s22], [sflag:$0x3] =	stream.linear.gather [hbm4b:s14+s3], $0x300, $0x38;
	[tilespmem:$0x1F400] =	vst v63  }
0x4b: {  	_ =	swait.ge [sflag:s23], $0x3000  }
0x4c: {  	s29 =	sadd.s32 $0xC0, s14;
	[sflag:s23] =	ssyncset.done $0x0  }
0x4d: {  	s30 =	sadd.s32 $0xC0, s15;
	s28 =	sadd.s32 $0xFFFFFFFF, s7;
	[sflag:s23] =	ssyncadd.s32 $0xFFFFD000  }
.LBB2_2:
0x4e: {  	[spmem:s1] =	stream.indirect.scatter.add.f32 [tilespmem:s20], [sflag:$0x2], $0x10, s18, s18, $0xb8;
	[tilespmem:$0x1F400] =	vst v63  }
0x4f: {  	p0 =	sne.s32 s28, $0x1;
	s28 =	sadd.s32 $0xFFFFFFFF, s28;
	_ =	swait.ge [sflag:s19], $0x300  }
0x50: {  	[sflag:s19] =	ssyncset.done $0x0  }
0x51: {  	[sflag:s19] =	ssyncadd.s32 $0xFFFFFD00  }
0x52: {  	_ =	swait.ge [sflag:s19], $0x300  }
0x53: {  	[sflag:s19] =	ssyncset.done $0x0  }
0x54: {  	[sflag:s19] =	ssyncadd.s32 $0xFFFFFD00  }
0x55: {  	[tilespmem:s24], [sflag:$0x1] =	stream.indirect.gather [hbm4b:s4+s18], $0x10, s21, s18, $0xb8;
	[tilespmem:$0x1F400] =	vst v63  }
0x56: {  	_ =	swait.ge [sflag:s25], $0x3000  }
0x57: {  	[sflag:s25] =	ssyncset.done $0x0  }
0x58: {  	s31 =	sadd.s32 $0xFFFFFFA0, s30;
	[sflag:s25] =	ssyncadd.s32 $0xFFFFD000  }
0x59: {  	[tilespmem:s3], [sflag:$0x3] =	stream.linear.gather [hbm4b:s31+s3], $0x300, $0x38;
	[tilespmem:$0x1F400] =	vst v63  }
0x5a: {  	s31 =	sadd.s32 $0xFFFFFFA0, s29  }
0x5b: {  	[tilespmem:s18], [sflag:$0x3] =	stream.linear.gather [hbm4b:s31+s3], $0x300, $0x38;
	[tilespmem:$0x1F400] =	vst v63  }
0x5c: {  	_ =	swait.ge [sflag:s23], $0x3000  }
0x5d: {  	[sflag:s23] =	ssyncset.done $0x0  }
0x5e: {  	[sflag:s23] =	ssyncadd.s32 $0xFFFFD000  }
0x5f: {  	[spmem:s1] =	stream.indirect.scatter.add.f32 [tilespmem:s24], [sflag:$0x2], $0x10, s22, s18, $0xb8;
	[tilespmem:$0x1F400] =	vst v63  }
0x60: {  	_ =	swait.ge [sflag:s19], $0x300  }
0x61: {  	[sflag:s19] =	ssyncset.done $0x0  }
0x62: {  	[sflag:s19] =	ssyncadd.s32 $0xFFFFFD00  }
0x63: {  	_ =	swait.ge [sflag:s19], $0x300  }
0x64: {  	[sflag:s19] =	ssyncset.done $0x0  }
0x65: {  	[sflag:s19] =	ssyncadd.s32 $0xFFFFFD00  }
0x66: {  	[tilespmem:s20], [sflag:$0x1] =	stream.indirect.gather [hbm4b:s4+s18], $0x10, s3, s18, $0xb8;
	[tilespmem:$0x1F400] =	vst v63  }
0x67: {  	_ =	swait.ge [sflag:s25], $0x3000  }
0x68: {  	[sflag:s25] =	ssyncset.done $0x0  }
0x69: {  	[sflag:s25] =	ssyncadd.s32 $0xFFFFD000  }
0x6a: {  	[tilespmem:s21], [sflag:$0x3] =	stream.linear.gather [hbm4b:s30+s3], $0x300, $0x38;
	[tilespmem:$0x1F400] =	vst v63  }
.Ltmp1:
0x6b: {  	(pc) =	sbr.rel @p0 .LBB2_2-.Ltmp1, $4  }
0x6c: {  	[tilespmem:s22], [sflag:$0x3] =	stream.linear.gather [hbm4b:s29+s3], $0x300, $0x38;
	[tilespmem:$0x1F400] =	vst v63  }
0x6d: {  	_ =	swait.ge [sflag:s23], $0x3000  }
0x6e: {  	[sflag:s23] =	ssyncset.done $0x0  }
0x6f: {  	s30 =	sadd.s32 $0xC0, s30;
	s29 =	sadd.s32 $0xC0, s29;
	[sflag:s23] =	ssyncadd.s32 $0xFFFFD000  }
.LBB2_3:
0x70: {  	[spmem:s1] =	stream.indirect.scatter.add.f32 [tilespmem:s20], [sflag:$0x2], $0x10, s18, s18, $0xb8;
	[tilespmem:$0x1F400] =	vst v63  }
0x71: {  	_ =	swait.ge [sflag:s19], $0x300  }
0x72: {  	[sflag:s19] =	ssyncset.done $0x0  }
0x73: {  	[sflag:s19] =	ssyncadd.s32 $0xFFFFFD00  }
0x74: {  	_ =	swait.ge [sflag:s19], $0x300  }
0x75: {  	[sflag:s19] =	ssyncset.done $0x0  }
0x76: {  	[sflag:s19] =	ssyncadd.s32 $0xFFFFFD00  }
0x77: {  	[tilespmem:s24], [sflag:$0x1] =	stream.indirect.gather [hbm4b:s4+s18], $0x10, s21, s18, $0xb8;
	[tilespmem:$0x1F400] =	vst v63  }
0x78: {  	_ =	swait.ge [sflag:s25], $0x3000  }
0x79: {  	[sflag:s25] =	ssyncset.done $0x0  }
0x7a: {  	[sflag:s25] =	ssyncadd.s32 $0xFFFFD000  }
0x7b: {  	_ =	swait.ge [sflag:s23], $0x3000  }
0x7c: {  	[sflag:s23] =	ssyncset.done $0x0  }
0x7d: {  	[sflag:s23] =	ssyncadd.s32 $0xFFFFD000  }
0x7e: {  	[spmem:s1] =	stream.indirect.scatter.add.f32 [tilespmem:s24], [sflag:$0x2], $0x10, s22, s18, $0xb8;
	[tilespmem:$0x1F400] =	vst v63  }
0x7f: {  	_ =	swait.ge [sflag:s25], $0x3000  }
0x80: {  	s26 =	sadd.s32 $0x1, s26;
	[sflag:s25] =	ssyncset.done $0x0  }
0x81: {  	p0 =	sne.s32 s26, s13;
	[sflag:s25] =	ssyncadd.s32 $0xFFFFD000  }
.Ltmp2:
0x82: {  	[bflag:$0x0] =	sbarrier.arrive $0xFFFF;
	(pc) =	sbr.rel @p0 .LBB2_1-.Ltmp2, $4  }
0x83: {  	[hbm:s12], [sflag:s6] =	dma.local [spmem:s16], $0x3100  }
0x84: {  	_ =	swait.ge [sflag:s17], $0x3100  }
0x85: {  	[sflag:s17] =	ssyncset.done $0x0  }
0x86: {  	[sflag:s17] =	ssyncadd.s32 $0xFFFFCF00  }
0x87: {  	_ =	sfence.sel $0x180000  }
0x88: {  	[bflag:$0x0] =	sbarrier.arrive $0xFFFF  }
0x89: {  	p0 =	sne.s32 s2, $0x0;
	_ =	strace $0x90000050  }
0x8a: {  	s0 =	sadd.s32 @!p0 $0x100000, s0;
	[bflag:$0x2] =	sbarrier.arrive $0xFFFF  }
0x8b: {  	[sflag:s0] =	ssyncadd.tile.s32 @!p0 $0x1;
	_ =	shalt  }
.Lfunc_end2:
_tile_overlayer_lowered:
.L_overlay_start_2:
0x8c: {  	(tag) =	ssettag $0x2  }
0x8d: {  	s0 =	rddreg [dreg:$0x0];
	s2 =	stileid.u32  }
0x8e: {  	s1 =	rddreg [dreg:$0x1];
	p0 =	sne.s32 s2, $0x0  }
0x8f: {  	s3 =	rddreg [dreg:$0x2];
	[bflag:$0x3] =	sbarrier.arrive $0xFFFF;
	s2 =	simm.s32 @!p0 $0x1C04  }
0x90: {  	[timem:s3], [sflag:s2] =	dma.local @!p0 [hbm:s0], s1  }
0x91: {  	s0 =	simm.s32 @!p0 $0x4  }
0x92: {  	_ =	swait.ge @!p0 [sflag:s0], s1  }
0x93: {  	s1 =	ssub.s32 @!p0 $0x0, s1;
	[sflag:s0] =	ssyncset.done @!p0 $0x0  }
0x94: {  	[sflag:s0] =	ssyncadd.s32 @!p0 s1  }
0x95: {  	[bflag:$0x3] =	sbarrier.arrive $0xFFFF  }
0x96: {  	_ =	shalt  }

// kernel: kernel.24.cloned.1.call-start
scs
__scs_entry_jumppad:
0x0: {  	(pc) =	sbr.rel $0x88, $3  }
0x1: {  	(tag) =	ssettag $0x0;
	lr =	simm.s32 $0x1  }
0x2: {  	[smem:$0x3F95] =	sst lr;
	_ =	strace $0xD0000000  }
0x3: {  	_ = 	snop  }
0x4: {  	_ = 	snop  }
0x5: {  	_ = 	snop  }
0x6: {  	_ = 	snop  }
0x7: {  	_ = 	snop  }
__scs_overlays_trampoline_lowered:
0x8: {  	[smem:$0x3FA4] =	sst s0  }
0x9: {  	[smem:$0x3FA5] =	sst s1  }
0xa: {  	[smem:$0x3FA6] =	sst s2  }
0xb: {  	[smem:$0x3FA7] =	sst s3  }
0xc: {  	[smem:$0x3FA8] =	sst s4  }
0xd: {  	[smem:$0x3FA9] =	sst s5  }
0xe: {  	[smem:$0x3FAA] =	sst s6  }
0xf: {  	[smem:$0x3FAB] =	sst s7  }
0x10: {  	[smem:$0x3FAC] =	sst s8  }
0x11: {  	[smem:$0x3FAD] =	sst s9;
	s0 =	simm.s32 @!p0 $0x0  }
0x12: {  	s1 =	sld [smem:$0x3F93];
	s0 =	simm.s32 @p0 $0x1  }
0x13: {  	[smem:$0x3FAE] =	sst s0;
	s0 =	simm.s32 @!p1 $0x0  }
0x14: {  	s2 =	sld [smem:$0x3F92];
	s0 =	simm.s32 @p1 $0x1  }
0x15: {  	[smem:$0x3FAF] =	sst s0;
	s0 =	simm.s32 @!p2 $0x0  }
0x16: {  	s3 =	sld [smem:$0x3FDB];
	s0 =	simm.s32 @p2 $0x1  }
0x17: {  	s4 =	simm.s32 $0x1BF5;
	[smem:$0x3FB1] =	sst s0  }
0x18: {  	s0 =	sld [smem:$0x3F94];
	_ =	swait.ge [sflag:s4], $0x0  }
0x19: {  	s7 =	sld [smem:$0x3F95]  }
0x1a: {  	s8 =	sadd.s32 $0xFFFFE003, lr  }
0x1b: {  	s9 =	sadd.s32 $0xFFFFFEF7, lr;
	s5 =	simm.s32 $0xFFFFFFFF;
	p2 =	slt.u32 s8, $0xFFFFF086  }
0x1c: {  	p1 =	slt.u32 s9, $0xF7A;
	s5 =	simm.s32 @!p2 $0x0  }
0x1d: {  	s5 =	simm.s32 @p1 $0x1;
	p0 =	seq.s32 s7, s2  }
0x1e: {  	s7 =	smul.u32 @!p0 $0xF7A, s2;
	p2 =	seq.s32 @!p0 s5, $0x0  }
0x1f: {  	s9 =	smul.u32 $0xF7A, s1;
	s8 =	simm.s32 @!p0 $0x1BF5;
	p2 =	por !p2, p0  }
0x20: {  	[sflag:s8] =	ssyncset.s32 @!p0 $0xFFFFF086;
	s6 =	sadd.s32 @!p0 s3, s7;
	s7 =	simm.s32 @!p0 $0x108  }
0x21: {  	s3 =	sadd.s32 s3, s9;
	s6 =	sadd.s32 @!p0 $0x88, s6;
	s7 =	simm.s32 @p2 $0x1082  }
0x22: {  	[simem:s7], [sflag:s8] =	dma.local @!p0 [hbm:s6], $0xF7A  }
0x23: {  	s9 =	sor.u32 $0xD0000000, s2;
	s6 =	simm.s32 $0x108;
	_ =	swait.ge @!p0 [sflag:s8], $0x0  }
0x24: {  	s3 =	sadd.s32 $0x88, s3;
	s6 =	simm.s32 @!p1 $0x1082;
	[sflag:s4] =	ssyncset.s32 $0xFFFFF086  }
0x25: {  	[simem:s6], [sflag:s4] =	dma.local [hbm:s3], $0xF7A  }
0x26: {  	[smem:$0x3F95] =	sst s1;
	(tag) =	ssettag s2;
	_ =	strace s9  }
0x27: {  	s1 =	sld [smem:$0x3FA5]  }
0x28: {  	s2 =	sld [smem:$0x3FA6]  }
0x29: {  	s4 =	sld [smem:$0x3FA8]  }
0x2a: {  	p0 =	seq.s32 s5, $0x0;
	s5 =	sld [smem:$0x3FA9]  }
0x2b: {  	s6 =	sld [smem:$0x3FAA]  }
0x2c: {  	s7 =	sld [smem:$0x3FAB]  }
0x2d: {  	s3 =	simm.s32 $0x108;
	s8 =	sld [smem:$0x3FAC]  }
0x2e: {  	s3 =	simm.s32 @!p0 $0x1082;
	s9 =	sld [smem:$0x3FAD]  }
0x2f: {  	lr =	sadd.s32 s0, s3;
	s0 =	sld [smem:$0x3FA4]  }
0x30: {  	s3 =	sld [smem:$0x3FA7]  }
0x31: {  	[smem:$0x3FB0] =	sst s10  }
0x32: {  	s10 =	sld [smem:$0x3FAE];
	_ =	sdelay $0x3  }
0x33: {  	p0 =	seq.s32 s10, $0x1;
	s10 =	sld [smem:$0x3FB0];
	_ =	sdelay $0x3  }
0x34: {  	[smem:$0x3FB0] =	sst s10  }
0x35: {  	s10 =	sld [smem:$0x3FAF];
	_ =	sdelay $0x3  }
0x36: {  	p1 =	seq.s32 s10, $0x1;
	s10 =	sld [smem:$0x3FB0];
	_ =	sdelay $0x3  }
0x37: {  	[smem:$0x3FB0] =	sst s10  }
0x38: {  	s10 =	sld [smem:$0x3FB1]  }
0x39: {  	_ = 	snop;
	(pc) =	sbr.ind lr, $3  }
0x3a: {  	_ = 	snop  }
0x3b: {  	_ = 	snop  }
0x3c: {  	p2 =	seq.s32 s10, $0x1;
	s10 =	sld [smem:$0x3FB0]  }
0x3d: {  	_ =	shalt  }
0x3e: {  	_ =	shalt  }
0x3f: {  	_ =	shalt  }
0x40: {  	_ =	shalt  }
0x41: {  	_ =	shalt  }
0x42: {  	_ =	shalt  }
0x43: {  	_ =	shalt  }
0x44: {  	_ =	shalt  }
0x45: {  	_ =	shalt  }
0x46: {  	_ =	shalt  }
0x47: {  	_ =	shalt  }
0x48: {  	_ =	shalt  }
0x49: {  	_ =	shalt  }
0x4a: {  	_ =	shalt  }
0x4b: {  	_ =	shalt  }
0x4c: {  	_ =	shalt  }
0x4d: {  	_ =	shalt  }
0x4e: {  	_ =	shalt  }
0x4f: {  	_ =	shalt  }
0x50: {  	_ =	shalt  }
0x51: {  	_ =	shalt  }
0x52: {  	_ =	shalt  }
0x53: {  	_ =	shalt  }
0x54: {  	_ =	shalt  }
0x55: {  	_ =	shalt  }
0x56: {  	_ =	shalt  }
0x57: {  	_ =	shalt  }
0x58: {  	_ =	shalt  }
0x59: {  	_ =	shalt  }
0x5a: {  	_ =	shalt  }
0x5b: {  	_ =	shalt  }
0x5c: {  	_ =	shalt  }
0x5d: {  	_ =	shalt  }
0x5e: {  	_ =	shalt  }
0x5f: {  	_ =	shalt  }
0x60: {  	_ =	shalt  }
0x61: {  	_ =	shalt  }
0x62: {  	_ =	shalt  }
0x63: {  	_ =	shalt  }
0x64: {  	_ =	shalt  }
0x65: {  	_ =	shalt  }
0x66: {  	_ =	shalt  }
0x67: {  	_ =	shalt  }
0x68: {  	_ =	shalt  }
0x69: {  	_ =	shalt  }
0x6a: {  	_ =	shalt  }
0x6b: {  	_ =	shalt  }
0x6c: {  	_ =	shalt  }
0x6d: {  	_ =	shalt  }
0x6e: {  	_ =	shalt  }
0x6f: {  	_ =	shalt  }
0x70: {  	_ =	shalt  }
0x71: {  	_ =	shalt  }
0x72: {  	_ =	shalt  }
0x73: {  	_ =	shalt  }
0x74: {  	_ =	shalt  }
0x75: {  	_ =	shalt  }
0x76: {  	_ =	shalt  }
0x77: {  	_ =	shalt  }
0x78: {  	_ =	shalt  }
0x79: {  	_ =	shalt  }
0x7a: {  	_ =	shalt  }
0x7b: {  	_ =	shalt  }
0x7c: {  	_ =	shalt  }
0x7d: {  	_ =	shalt  }
0x7e: {  	_ =	shalt  }
0x7f: {  	_ =	shalt  }
0x80: {  	_ =	shalt  }
0x81: {  	_ =	shalt  }
0x82: {  	_ =	shalt  }
0x83: {  	_ =	shalt  }
0x84: {  	_ =	shalt  }
0x85: {  	_ =	shalt  }
0x86: {  	_ =	shalt  }
0x87: {  	_ =	shalt  }
.Lfunc_end0:
.L_simem_size_0:
called_computation.5_lowered:
.L_overlay_start_0:
0x88: {  	s2 =	sld [smem:$0x3FD9]  }
0x89: {  	s3 =	sld [smem:$0x3FFE];
	_ =	sdelay $0x1  }
0x8a: {  	s1 =	srdreg.scid  }
0x8b: {  	s0 =	sand.u32 $0x1, s1  }
0x8c: {  	s14 =	sshll.u32 s0, $0xA;
	s2 =	sadd.s32 s3, s2  }
0x8d: {  	s2 =	sadd.s32 s2, s14  }
0x8e: {  	[smem:$0x3FBC] =	sst s2  }
0x8f: {  	_ = 	snop  }
0x90: {  	s2 =	sld [smem:$0x3FD0];
	_ =	sdelay $0x2  }
0x91: {  	s15 =	simm.s32 $0xA;
	s4 =	simm.s32 $0x10  }
0x92: {  	[smem:s4], [sflag:s15] =	dma.local [hbm:s2], $0x1  }
0x93: {  	_ =	swait.eq [sflag:s15], $0x1  }
0x94: {  	[sflag:s15] =	ssyncset.done $0x0  }
0x95: {  	[sflag:s15] =	ssyncadd.s32 $0xFFFFFFFF  }
0x96: {  	s16 =	sld [smem:$0x11];
	(tm) =	ssettm $0x1  }
0x97: {  	s17 =	sld [smem:$0x3FFB];
	_ =	sdelay $0x3  }
0x98: {  	_ =	strace s17  }
0x99: {  	s3 =	sld [smem:$0x3FFC];
	_ =	sdelay $0x3  }
0x9a: {  	_ =	strace s3  }
0x9b: {  	s3 =	sld [smem:$0x3FFD];
	_ =	sdelay $0x3  }
0x9c: {  	_ =	strace s3  }
0x9d: {  	_ =	strace $0x8FFFFFFF  }
0x9e: {  	s18 =	sld [smem:$0x3FDB];
	_ =	sdelay $0x1  }
0x9f: {  	s19 =	simm.s32 $_scs_section_size  }
0xa0: {  	s5 =	simm.s32 $_size__tile_overlayer_lowered;
	s6 =	simm.s32 $_tile_overlayer_lowered  }
0xa1: {  	s22 =	simm.s32 $0x1BFF;
	s21 =	sshll.u32 s6, $0x1;
	s3 =	sadd.s32 s19, s18  }
0xa2: {  	s7 =	simm.s32 $0x0;
	s20 =	sshll.u32 s5, $0x1;
	s5 =	sadd.s32 s21, s3  }
0xa3: {  	[timem:s7], [sflag:s22] =	dma.local [hbm:s5], s20  }
0xa4: {  	_ =	swait.ge [sflag:s22], s20  }
0xa5: {  	s4 =	ssub.s32 $0x0, s20;
	[sflag:s22] =	ssyncset.done $0x0  }
0xa6: {  	[sflag:s22] =	ssyncadd.s32 s4;
	_ =	sdelay $0x1  }
0xa7: {  	s23 =	simm.s32 $0x1B8B  }
0xa8: {  	_ =	swait.ge [sflag:s23], $0x1  }
0xa9: {  	[sflag:s23] =	ssyncset.done $0x0  }
0xaa: {  	s25 =	simm.s32 $0x1B8E;
	s24 =	sld [smem:$0x3FFE];
	[sflag:s23] =	ssyncadd.s32 $0xFFFFFFFF  }
0xab: {  	s26 =	simm.s32 $execute0_lowered;
	[smem:$0x3FD2] =	sst s25  }
0xac: {  	s5 =	sshll.u32 s26, $0x1;
	_ =	strace $0x80000052;
	[dreg:$0x1] =	wrdreg $0xFFFFFFFF  }
0xad: {  	s28 =	simm.s32 $_size_execute0_lowered;
	s3 =	sadd.s32 s3, s5;
	[dreg:$0x0] =	wrdreg $0x0  }
0xae: {  	s5 =	sshll.u32 s28, $0x1;
	[dreg:$0x2] =	wrdreg s3  }
0xaf: {  	[dreg:$0x3] =	wrdreg s5  }
0xb0: {  	[dreg:$0x4] =	wrdreg $0xC0  }
0xb1: {  	_ =	task [dreg:s7], $0x5FFFF  }
0xb2: {  	[dreg:$0x1] =	wrdreg $0xFFFFFFFF  }
0xb3: {  	[dreg:$0x0] =	wrdreg $0x60  }
0xb4: {  	[dreg:$0x2] =	wrdreg s24  }
0xb5: {  	[dreg:$0x3] =	wrdreg s16  }
0xb6: {  	[dreg:$0x4] =	wrdreg $0x6C000  }
0xb7: {  	[dreg:$0x5] =	wrdreg $0x9  }
0xb8: {  	_ =	task.clear_ibuf [dreg:s7], $0x6FFFF;
	_ =	strace $0x90000052  }
0xb9: {  	s29 =	simm.s32 $0x9;
	_ =	strace $0x80000054  }
0xba: {  	_ =	swait.ge [sflag:s29], $0x1  }
0xbb: {  	[sflag:s29] =	ssyncadd.s32 $0xFFFFFFFF  }
0xbc: {  	_ =	strace $0x90000054  }
0xbd: {  	_ =	sfence  }
0xbe: {  	s30 =	sld [smem:$0x0];
	_ =	sdelay $0x2  }
0xbf: {  	s31 =	sshll.u32 s1, $0xD;
	s1 =	sshrl.u32 s1, $0x2  }
0xc0: {  	s3 =	sand.u32 $0x4000, s31;
	s1 =	sadd.s32 s1, s30  }
0xc1: {  	s0 =	sor.u32 s3, s0;
	s1 =	sshll.u32 s1, $0x11  }
0xc2: {  	s0 =	sor.u32 s1, s0  }
0xc3: {  	s0 =	sadd.s32 $0x8F2B, s0  }
0xc4: {  	[sflag:s0] =	ssyncadd.remote.s32 $0x1  }
0xc5: {  	_ =	sfence.sel $0xFFFF  }
0xc6: {  	[dreg:$0x0] =	wrdreg $0xFFFFFFFF;
	(pc) =	sbr.abs _section_cstart, $3  }
0xc7: {  	[dreg:$0x1] =	wrdreg $0xFFFFFFFF  }
0xc8: {  	_ =	task.clear_ibuf [dreg:s7], $0x2FFFF;
	_ =	strace $0x9FFFFFFF  }
0xc9: {  	(tm) =	ssettm $0x7FFFFFFF  }
tec
execute0_lowered:
.L_overlay_start_1:
0x0: {  	(tag) =	ssettag $0x1  }
0x1: {  	s4 =	rddreg [dreg:$0x0]  }
0x2: {  	s12 =	rddreg [dreg:$0x1]  }
0x3: {  	s1 =	rddreg [dreg:$0x2]  }
0x4: {  	s0 =	rddreg [dreg:$0x3];
	s3 =	simm.s32 $0x0;
	s5 =	srdreg.scid  }
0x5: {  	s2 =	stileid.u32;
	s20 =	simm.s32 $0xC00;
	s21 =	simm.s32 $0x600  }
0x6: {  	s22 =	simm.s32 $0x900;
	s23 =	simm.s32 $0x1;
	s24 =	simm.s32 $0x3C00  }
0x7: {  	s25 =	simm.s32 $0x2;
	s26 =	simm.s32 $0x0;
	s29 =	smul.u32 $0x18800, s2  }
0x8: {  	[smem:$0x7FF] =	sst s3;
	s15 =	sadd.s32 $0x65800, s4;
	s7 =	smul.u32 $0x24, s2  }
0x9: {  	s8 =	sand.u32 $0x1, s5;
	s13 =	sadd.s32 $0x3000, s4;
	s10 =	smul.u32 $0x60, s2  }
0xa: {  	s4 =	sadd.s32 $0x34800, s4;
	s11 =	smul.u32 $0x3100, s2;
	s30 =	sshll.u32 s2, $0x6  }
0xb: {  	_ =	strace $0x80000053;
	s6 =	ssub.s32 $0x2, s8;
	p0 =	seq.s32 s8, $0x0  }
0xc: {  	s17 =	smul.u32 $0x31000, s8;
	s9 =	sshrl.u32 s6, $0x1;
	s16 =	sadd.s32 s29, s1  }
0xd: {  	s5 =	sshrl.u32 s29, $0x3;
	s14 =	ssub.s32 s6, s9;
	s9 =	sadd.s32 $0x600, s7  }
0xe: {  	s5 =	sadd.s32 s4, s5;
	s6 =	sor.u32 $0x1C04, s30;
	s9 =	smov.u32 @p0 s10  }
0xf: {  	s7 =	simm.s32 $0x2F;
	s17 =	sadd.s32 s11, s17;
	s10 =	smul.u32 $0x300, s9  }
0x10: {  	s16 =	sshrl.u32 s16, $0x3;
	s7 =	simm.s32 @!p0 $0x11;
	s19 =	smul.u32 $0x60, s9  }
0x11: {  	s12 =	sadd.s32 s12, s17;
	s17 =	simm.s32 $0x4;
	s10 =	sshrl.u32 s10, $0x3  }
0x12: {  	s31 =	sadd.s32 s19, s13;
	s8 =	sadd.s32 s15, s10;
	s18 =	sor.u32 $0x60, s10  }
0x13: {  	s9 =	sadd.s32 s13, s10;
	s10 =	sadd.s32 s15, s18;
	s11 =	sadd.s32 s13, s18  }
0x14: {  	s13 =	smax.u32 s14, $0x1;
	s14 =	sadd.s32 $0x120, s31;
	s15 =	sadd.s32 s19, s15  }
0x15: {  	s18 =	simm.s32 $0x300;
	s19 =	simm.s32 $0x3;
	s15 =	sadd.s32 $0x120, s15  }
.LBB2_1:
0x16: {  	[spmem:s16], [sflag:s6] =	dma.local [hbm:s5], $0x3100  }
0x17: {  	_ =	swait.ge [sflag:s17], $0x3100  }
0x18: {  	[sflag:s17] =	ssyncset.done $0x0  }
0x19: {  	[sflag:s17] =	ssyncadd.s32 $0xFFFFCF00  }
0x1a: {  	[bflag:$0x0] =	sbarrier.arrive $0xFFFF  }
0x1b: {  	[tilespmem:s3], [sflag:$0x3] =	stream.linear.gather [hbm4b:s8+s3], $0x300, $0x38;
	[tilespmem:$0x1F400] =	vst v63  }
0x1c: {  	_ = 	snop  }
0x1d: {  	[tilespmem:s18], [sflag:$0x3] =	stream.linear.gather [hbm4b:s9+s3], $0x300, $0x38;
	[tilespmem:$0x1F400] =	vst v63  }
0x1e: {  	_ =	swait.ge [sflag:s19], $0x300  }
0x1f: {  	[sflag:s19] =	ssyncset.done $0x0  }
0x20: {  	[sflag:s19] =	ssyncadd.s32 $0xFFFFFD00  }
0x21: {  	_ =	swait.ge [sflag:s19], $0x300  }
0x22: {  	[sflag:s19] =	ssyncset.done $0x0  }
0x23: {  	[sflag:s19] =	ssyncadd.s32 $0xFFFFFD00  }
0x24: {  	[tilespmem:s20], [sflag:$0x1] =	stream.indirect.gather [hbm4b:s4+s18], $0x10, s3, s18, $0xb8;
	[tilespmem:$0x1F400] =	vst v63  }
0x25: {  	_ = 	snop  }
0x26: {  	[tilespmem:s21], [sflag:$0x3] =	stream.linear.gather [hbm4b:s10+s3], $0x300, $0x38;
	[tilespmem:$0x1F400] =	vst v63  }
0x27: {  	_ = 	snop  }
0x28: {  	[tilespmem:s22], [sflag:$0x3] =	stream.linear.gather [hbm4b:s11+s3], $0x300, $0x38;
	[tilespmem:$0x1F400] =	vst v63  }
0x29: {  	_ =	swait.ge [sflag:s23], $0x3000  }
0x2a: {  	[sflag:s23] =	ssyncset.done $0x0  }
0x2b: {  	[sflag:s23] =	ssyncadd.s32 $0xFFFFD000  }
0x2c: {  	[spmem:s1] =	stream.indirect.scatter.add.f32 [tilespmem:s20], [sflag:$0x2], $0x10, s18, s18, $0xb8;
	[tilespmem:$0x1F400] =	vst v63  }
0x2d: {  	_ =	swait.ge [sflag:s19], $0x300  }
0x2e: {  	[sflag:s19] =	ssyncset.done $0x0  }
0x2f: {  	[sflag:s19] =	ssyncadd.s32 $0xFFFFFD00  }
0x30: {  	_ =	swait.ge [sflag:s19], $0x300  }
0x31: {  	[sflag:s19] =	ssyncset.done $0x0  }
0x32: {  	[sflag:s19] =	ssyncadd.s32 $0xFFFFFD00  }
0x33: {  	[tilespmem:s24], [sflag:$0x1] =	stream.indirect.gather [hbm4b:s4+s18], $0x10, s21, s18, $0xb8;
	[tilespmem:$0x1F400] =	vst v63  }
0x34: {  	_ =	swait.ge [sflag:s25], $0x3000  }
0x35: {  	[sflag:s25] =	ssyncset.done $0x0  }
0x36: {  	s28 =	sadd.s32 $0xFFFFFFA0, s15;
	[sflag:s25] =	ssyncadd.s32 $0xFFFFD000  }
0x37: {  	[tilespmem:s3], [sflag:$0x3] =	stream.linear.gather [hbm4b:s28+s3], $0x300, $0x38;
	[tilespmem:$0x1F400] =	vst v63  }
0x38: {  	s28 =	sadd.s32 $0xFFFFFFA0, s14  }
0x39: {  	[tilespmem:s18], [sflag:$0x3] =	stream.linear.gather [hbm4b:s28+s3], $0x300, $0x38;
	[tilespmem:$0x1F400] =	vst v63  }
0x3a: {  	_ =	swait.ge [sflag:s23], $0x3000  }
0x3b: {  	[sflag:s23] =	ssyncset.done $0x0  }
0x3c: {  	[sflag:s23] =	ssyncadd.s32 $0xFFFFD000  }
0x3d: {  	[spmem:s1] =	stream.indirect.scatter.add.f32 [tilespmem:s24], [sflag:$0x2], $0x10, s22, s18, $0xb8;
	[tilespmem:$0x1F400] =	vst v63  }
0x3e: {  	_ =	swait.ge [sflag:s19], $0x300  }
0x3f: {  	[sflag:s19] =	ssyncset.done $0x0  }
0x40: {  	[sflag:s19] =	ssyncadd.s32 $0xFFFFFD00  }
0x41: {  	_ =	swait.ge [sflag:s19], $0x300  }
0x42: {  	[sflag:s19] =	ssyncset.done $0x0  }
0x43: {  	[sflag:s19] =	ssyncadd.s32 $0xFFFFFD00  }
0x44: {  	[tilespmem:s20], [sflag:$0x1] =	stream.indirect.gather [hbm4b:s4+s18], $0x10, s3, s18, $0xb8;
	[tilespmem:$0x1F400] =	vst v63  }
0x45: {  	_ =	swait.ge [sflag:s25], $0x3000  }
0x46: {  	[sflag:s25] =	ssyncset.done $0x0  }
0x47: {  	p0 =	sne.s32 s7, $0x1;
	[sflag:s25] =	ssyncadd.s32 $0xFFFFD000  }
0x48: {  	[tilespmem:s21], [sflag:$0x3] =	stream.linear.gather [hbm4b:s15+s3], $0x300, $0x38;
	[tilespmem:$0x1F400] =	vst v63  }
.Ltmp0:
0x49: {  	_ = 	snop;
	(pc) =	sbr.rel @!p0 .LBB2_3-.Ltmp0, $4  }
0x4a: {  	[tilespmem:s22], [sflag:$0x3] =	stream.linear.gather [hbm4b:s14+s3], $0x300, $0x38;
	[tilespmem:$0x1F400] =	vst v63  }
0x4b: {  	_ =	swait.ge [sflag:s23], $0x3000  }
0x4c: {  	s29 =	sadd.s32 $0xC0, s14;
	[sflag:s23] =	ssyncset.done $0x0  }
0x4d: {  	s30 =	sadd.s32 $0xC0, s15;
	s28 =	sadd.s32 $0xFFFFFFFF, s7;
	[sflag:s23] =	ssyncadd.s32 $0xFFFFD000  }
.LBB2_2:
0x4e: {  	[spmem:s1] =	stream.indirect.scatter.add.f32 [tilespmem:s20], [sflag:$0x2], $0x10, s18, s18, $0xb8;
	[tilespmem:$0x1F400] =	vst v63  }
0x4f: {  	p0 =	sne.s32 s28, $0x1;
	s28 =	sadd.s32 $0xFFFFFFFF, s28;
	_ =	swait.ge [sflag:s19], $0x300  }
0x50: {  	[sflag:s19] =	ssyncset.done $0x0  }
0x51: {  	[sflag:s19] =	ssyncadd.s32 $0xFFFFFD00  }
0x52: {  	_ =	swait.ge [sflag:s19], $0x300  }
0x53: {  	[sflag:s19] =	ssyncset.done $0x0  }
0x54: {  	[sflag:s19] =	ssyncadd.s32 $0xFFFFFD00  }
0x55: {  	[tilespmem:s24], [sflag:$0x1] =	stream.indirect.gather [hbm4b:s4+s18], $0x10, s21, s18, $0xb8;
	[tilespmem:$0x1F400] =	vst v63  }
0x56: {  	_ =	swait.ge [sflag:s25], $0x3000  }
0x57: {  	[sflag:s25] =	ssyncset.done $0x0  }
0x58: {  	s31 =	sadd.s32 $0xFFFFFFA0, s30;
	[sflag:s25] =	ssyncadd.s32 $0xFFFFD000  }
0x59: {  	[tilespmem:s3], [sflag:$0x3] =	stream.linear.gather [hbm4b:s31+s3], $0x300, $0x38;
	[tilespmem:$0x1F400] =	vst v63  }
0x5a: {  	s31 =	sadd.s32 $0xFFFFFFA0, s29  }
0x5b: {  	[tilespmem:s18], [sflag:$0x3] =	stream.linear.gather [hbm4b:s31+s3], $0x300, $0x38;
	[tilespmem:$0x1F400] =	vst v63  }
0x5c: {  	_ =	swait.ge [sflag:s23], $0x3000  }
0x5d: {  	[sflag:s23] =	ssyncset.done $0x0  }
0x5e: {  	[sflag:s23] =	ssyncadd.s32 $0xFFFFD000  }
0x5f: {  	[spmem:s1] =	stream.indirect.scatter.add.f32 [tilespmem:s24], [sflag:$0x2], $0x10, s22, s18, $0xb8;
	[tilespmem:$0x1F400] =	vst v63  }
0x60: {  	_ =	swait.ge [sflag:s19], $0x300  }
0x61: {  	[sflag:s19] =	ssyncset.done $0x0  }
0x62: {  	[sflag:s19] =	ssyncadd.s32 $0xFFFFFD00  }
0x63: {  	_ =	swait.ge [sflag:s19], $0x300  }
0x64: {  	[sflag:s19] =	ssyncset.done $0x0  }
0x65: {  	[sflag:s19] =	ssyncadd.s32 $0xFFFFFD00  }
0x66: {  	[tilespmem:s20], [sflag:$0x1] =	stream.indirect.gather [hbm4b:s4+s18], $0x10, s3, s18, $0xb8;
	[tilespmem:$0x1F400] =	vst v63  }
0x67: {  	_ =	swait.ge [sflag:s25], $0x3000  }
0x68: {  	[sflag:s25] =	ssyncset.done $0x0  }
0x69: {  	[sflag:s25] =	ssyncadd.s32 $0xFFFFD000  }
0x6a: {  	[tilespmem:s21], [sflag:$0x3] =	stream.linear.gather [hbm4b:s30+s3], $0x300, $0x38;
	[tilespmem:$0x1F400] =	vst v63  }
.Ltmp1:
0x6b: {  	(pc) =	sbr.rel @p0 .LBB2_2-.Ltmp1, $4  }
0x6c: {  	[tilespmem:s22], [sflag:$0x3] =	stream.linear.gather [hbm4b:s29+s3], $0x300, $0x38;
	[tilespmem:$0x1F400] =	vst v63  }
0x6d: {  	_ =	swait.ge [sflag:s23], $0x3000  }
0x6e: {  	[sflag:s23] =	ssyncset.done $0x0  }
0x6f: {  	s30 =	sadd.s32 $0xC0, s30;
	s29 =	sadd.s32 $0xC0, s29;
	[sflag:s23] =	ssyncadd.s32 $0xFFFFD000  }
.LBB2_3:
0x70: {  	[spmem:s1] =	stream.indirect.scatter.add.f32 [tilespmem:s20], [sflag:$0x2], $0x10, s18, s18, $0xb8;
	[tilespmem:$0x1F400] =	vst v63  }
0x71: {  	_ =	swait.ge [sflag:s19], $0x300  }
0x72: {  	[sflag:s19] =	ssyncset.done $0x0  }
0x73: {  	[sflag:s19] =	ssyncadd.s32 $0xFFFFFD00  }
0x74: {  	_ =	swait.ge [sflag:s19], $0x300  }
0x75: {  	[sflag:s19] =	ssyncset.done $0x0  }
0x76: {  	[sflag:s19] =	ssyncadd.s32 $0xFFFFFD00  }
0x77: {  	[tilespmem:s24], [sflag:$0x1] =	stream.indirect.gather [hbm4b:s4+s18], $0x10, s21, s18, $0xb8;
	[tilespmem:$0x1F400] =	vst v63  }
0x78: {  	_ =	swait.ge [sflag:s25], $0x3000  }
0x79: {  	[sflag:s25] =	ssyncset.done $0x0  }
0x7a: {  	[sflag:s25] =	ssyncadd.s32 $0xFFFFD000  }
0x7b: {  	_ =	swait.ge [sflag:s23], $0x3000  }
0x7c: {  	[sflag:s23] =	ssyncset.done $0x0  }
0x7d: {  	[sflag:s23] =	ssyncadd.s32 $0xFFFFD000  }
0x7e: {  	[spmem:s1] =	stream.indirect.scatter.add.f32 [tilespmem:s24], [sflag:$0x2], $0x10, s22, s18, $0xb8;
	[tilespmem:$0x1F400] =	vst v63  }
0x7f: {  	_ =	swait.ge [sflag:s25], $0x3000  }
0x80: {  	s26 =	sadd.s32 $0x1, s26;
	[sflag:s25] =	ssyncset.done $0x0  }
0x81: {  	p0 =	sne.s32 s26, s13;
	[sflag:s25] =	ssyncadd.s32 $0xFFFFD000  }
.Ltmp2:
0x82: {  	[bflag:$0x0] =	sbarrier.arrive $0xFFFF;
	(pc) =	sbr.rel @p0 .LBB2_1-.Ltmp2, $4  }
0x83: {  	[hbm:s12], [sflag:s6] =	dma.local [spmem:s16], $0x3100  }
0x84: {  	_ =	swait.ge [sflag:s17], $0x3100  }
0x85: {  	[sflag:s17] =	ssyncset.done $0x0  }
0x86: {  	[sflag:s17] =	ssyncadd.s32 $0xFFFFCF00  }
0x87: {  	_ =	sfence.sel $0x180000  }
0x88: {  	[bflag:$0x0] =	sbarrier.arrive $0xFFFF  }
0x89: {  	p0 =	sne.s32 s2, $0x0;
	_ =	strace $0x90000053  }
0x8a: {  	s0 =	sadd.s32 @!p0 $0x100000, s0;
	[bflag:$0x2] =	sbarrier.arrive $0xFFFF  }
0x8b: {  	[sflag:s0] =	ssyncadd.tile.s32 @!p0 $0x1;
	_ =	shalt  }
.Lfunc_end2:
_tile_overlayer_lowered:
.L_overlay_start_2:
0x8c: {  	(tag) =	ssettag $0x2  }
0x8d: {  	s0 =	rddreg [dreg:$0x0];
	s2 =	stileid.u32  }
0x8e: {  	s1 =	rddreg [dreg:$0x1];
	p0 =	sne.s32 s2, $0x0  }
0x8f: {  	s3 =	rddreg [dreg:$0x2];
	[bflag:$0x3] =	sbarrier.arrive $0xFFFF;
	s2 =	simm.s32 @!p0 $0x1C04  }
0x90: {  	[timem:s3], [sflag:s2] =	dma.local @!p0 [hbm:s0], s1  }
0x91: {  	s0 =	simm.s32 @!p0 $0x4  }
0x92: {  	_ =	swait.ge @!p0 [sflag:s0], s1  }
0x93: {  	s1 =	ssub.s32 @!p0 $0x0, s1;
	[sflag:s0] =	ssyncset.done @!p0 $0x0  }
0x94: {  	[sflag:s0] =	ssyncadd.s32 @!p0 s1  }
0x95: {  	[bflag:$0x3] =	sbarrier.arrive $0xFFFF  }
0x96: {  	_ =	shalt  }

// kernel: sparse-core-data-format-call.cloned.1.call-start
scs
called_computation_lowered:
.L_overlay_start_0:
0x0: {  	s2 =	sld [smem:$0x3FD9]  }
0x1: {  	s3 =	sld [smem:$0x3FFE];
	_ =	sdelay $0x1  }
0x2: {  	s1 =	srdreg.scid  }
0x3: {  	s0 =	sand.u32 $0x1, s1  }
0x4: {  	s15 =	sshll.u32 s0, $0xA;
	s2 =	sadd.s32 s3, s2  }
0x5: {  	s2 =	sadd.s32 s2, s15  }
0x6: {  	[smem:$0x3FBC] =	sst s2  }
0x7: {  	_ = 	snop  }
0x8: {  	s2 =	sld [smem:$0x3FD0];
	_ =	sdelay $0x2  }
0x9: {  	s16 =	simm.s32 $0xA;
	s4 =	simm.s32 $0x10  }
0xa: {  	[smem:s4], [sflag:s16] =	dma.local [hbm:s2], $0x1  }
0xb: {  	_ =	swait.eq [sflag:s16], $0x1  }
0xc: {  	[sflag:s16] =	ssyncset.done $0x0  }
0xd: {  	[sflag:s16] =	ssyncadd.s32 $0xFFFFFFFF  }
0xe: {  	s17 =	sld [smem:$0x11];
	(tm) =	ssettm $0x1  }
0xf: {  	s18 =	sld [smem:$0x3FFB];
	_ =	sdelay $0x3  }
0x10: {  	_ =	strace s18  }
0x11: {  	s3 =	sld [smem:$0x3FFC];
	_ =	sdelay $0x3  }
0x12: {  	_ =	strace s3  }
0x13: {  	s3 =	sld [smem:$0x3FFD];
	_ =	sdelay $0x3  }
0x14: {  	_ =	strace s3  }
0x15: {  	_ =	strace $0x8FFFFFFF  }
0x16: {  	s19 =	sld [smem:$0x3FDB];
	_ =	sdelay $0x1  }
0x17: {  	s20 =	simm.s32 $_scs_section_size  }
0x18: {  	s5 =	simm.s32 $_size__tile_overlayer_lowered;
	s6 =	simm.s32 $_tile_overlayer_lowered  }
0x19: {  	s23 =	simm.s32 $0x1BFF;
	s22 =	sshll.u32 s6, $0x1;
	s3 =	sadd.s32 s20, s19  }
0x1a: {  	s7 =	simm.s32 $0x0;
	s21 =	sshll.u32 s5, $0x1;
	s5 =	sadd.s32 s22, s3  }
0x1b: {  	[timem:s7], [sflag:s23] =	dma.local [hbm:s5], s21  }
0x1c: {  	_ =	swait.ge [sflag:s23], s21  }
0x1d: {  	s4 =	ssub.s32 $0x0, s21;
	[sflag:s23] =	ssyncset.done $0x0  }
0x1e: {  	[sflag:s23] =	ssyncadd.s32 s4;
	_ =	sdelay $0x1  }
0x1f: {  	s24 =	simm.s32 $0x1B8B  }
0x20: {  	_ =	swait.ge [sflag:s24], $0x1  }
0x21: {  	[sflag:s24] =	ssyncset.done $0x0  }
0x22: {  	s26 =	simm.s32 $0x1B8E;
	s25 =	sld [smem:$0x3FFE];
	[sflag:s24] =	ssyncadd.s32 $0xFFFFFFFF  }
0x23: {  	s27 =	simm.s32 $execute0_lowered;
	[smem:$0x3FD2] =	sst s26  }
0x24: {  	s5 =	sshll.u32 s27, $0x1;
	_ =	strace $0x80000055;
	[dreg:$0x1] =	wrdreg $0xFFFFFFFF  }
0x25: {  	s28 =	simm.s32 $_size_execute0_lowered;
	s3 =	sadd.s32 s3, s5;
	[dreg:$0x0] =	wrdreg $0x0  }
0x26: {  	s5 =	sshll.u32 s28, $0x1;
	[dreg:$0x2] =	wrdreg s3  }
0x27: {  	[dreg:$0x3] =	wrdreg s5  }
0x28: {  	[dreg:$0x4] =	wrdreg $0xC0  }
0x29: {  	_ =	task [dreg:s7], $0x5FFFF  }
0x2a: {  	[dreg:$0x1] =	wrdreg $0xFFFFFFFF  }
0x2b: {  	[dreg:$0x0] =	wrdreg $0x60  }
0x2c: {  	[dreg:$0x2] =	wrdreg s25  }
0x2d: {  	[dreg:$0x3] =	wrdreg s17  }
0x2e: {  	[dreg:$0x4] =	wrdreg $0x9  }
0x2f: {  	_ =	task.clear_ibuf [dreg:s7], $0x5FFFF;
	_ =	strace $0x90000055  }
0x30: {  	s29 =	simm.s32 $0x9;
	_ =	strace $0x80000057  }
0x31: {  	_ =	swait.ge [sflag:s29], $0x1  }
0x32: {  	[sflag:s29] =	ssyncadd.s32 $0xFFFFFFFF  }
0x33: {  	_ =	strace $0x90000057  }
0x34: {  	_ =	sfence  }
0x35: {  	s30 =	sld [smem:$0x0];
	_ =	sdelay $0x2  }
0x36: {  	s31 =	sshll.u32 s1, $0xD;
	s1 =	sshrl.u32 s1, $0x2  }
0x37: {  	s3 =	sand.u32 $0x4000, s31;
	s1 =	sadd.s32 s1, s30  }
0x38: {  	s0 =	sor.u32 s3, s0;
	s1 =	sshll.u32 s1, $0x11  }
0x39: {  	s0 =	sor.u32 s1, s0  }
0x3a: {  	s0 =	sadd.s32 $0x8F2B, s0  }
0x3b: {  	[sflag:s0] =	ssyncadd.remote.s32 $0x1  }
0x3c: {  	_ =	sfence.sel $0xFFFF  }
0x3d: {  	[dreg:$0x0] =	wrdreg $0xFFFFFFFF;
	(pc) =	sbr.abs _section_cstart, $3  }
0x3e: {  	[dreg:$0x1] =	wrdreg $0xFFFFFFFF  }
0x3f: {  	_ =	task.clear_ibuf [dreg:s7], $0x2FFFF;
	_ =	strace $0x9FFFFFFF  }
0x40: {  	(tm) =	ssettm $0x7FFFFFFF  }
0x41: {  	_ =	shalt  }
tec
execute0_lowered:
.L_overlay_start_1:
0x0: {  	(tag) =	ssettag $0x1  }
0x1: {  	s0 =	srdreg.scid;
	s4 =	rddreg [dreg:$0x0]  }
0x2: {  	s2 =	rddreg [dreg:$0x1];
	s1 =	stileid.u32;
	s0 =	sshll.u32 s0, $0x4  }
0x3: {  	_ =	strace $0x80000056;
	s5 =	simm.s32 $0x1;
	s3 =	sand.u32 $0x10, s0  }
.Ltmp0:
0x4: {  	s7 =	simm.s32 $0x2;
	s3 =	sor.u32 s1, s3;
	(pc) =	sbr.rel .LBB1_1-.Ltmp0, $4  }
0x5: {  	s12 =	simm.s32 $0x0;
	s8 =	simm.s32 $0xC3800;
	s3 =	sshll.u32 s3, $0x7  }
0x6: {  	s10 =	simm.s32 $0x0;
	s11 =	simm.s32 $0x0;
	s6 =	ssub.s32 $0x18680, s3  }
0x7: {  	s4 =	sadd.s32 $0x3000, s4;
	[sflag:s5] =	ssyncpa.u1 $0x0;
	s6 =	sshrl.u32 s6, $0xC  }
0x8: {  	[sflag:s7] =	ssyncpa.u1 $0x0;
	s9 =	smov.u32 s3;
	s7 =	sadd.s32 $0x2, s6  }
.LBB1_5:
0x9: {  	[tilespmem:s24+$0x0 ss:$0x81] =	vst.msk $0xffff, v5;
	s0 =	sadd.s32 s18, s20  }
0xa: {  	s1 =	sadd.s32 s18, s21;
	[tilespmem:s0+$0x0 ss:$0x81] =	vst.msk $0xffff, v1  }
0xb: {  	s30 =	sadd.s32 s18, s22;
	[tilespmem:s1+$0x0 ss:$0x81] =	vst.msk $0xffff, v2  }
0xc: {  	s31 =	sadd.s32 s18, s23;
	[tilespmem:s30+$0x0 ss:$0x81] =	vst.msk $0xffff, v4  }
0xd: {  	[tilespmem:s31+$0x0 ss:$0x81] =	vst.msk $0xffff, v3  }
.LBB1_6:
0xe: {  	s0 =	sshll.u32 s10, $0x3  }
0xf: {  	s0 =	sand.u32 $0xFFFFFC00, s0  }
0x10: {  	s1 =	sand.u32 $0x7F, s10;
	s15 =	smulhi.u32 $0xA79C7B17, s0  }
0x11: {  	s0 =	sor.u32 s1, s0  }
0x12: {  	s1 =	smulhi.u32 $0xA79C7B17, s0;
	s15 =	sshrl.u32 s15, $0x10  }
0x13: {  	s16 =	smul.u32 $0x8889, s15  }
0x14: {  	p0 =	sgt.s32 s10, $0x18680;
	s17 =	smov.u32 s10;
	s1 =	sshrl.u32 s1, $0x10  }
0x15: {  	s17 =	simm.s32 @!p0 $0x18680;
	s1 =	smul.u32 $0x18700, s1;
	s16 =	sshrl.u32 s16, $0x16  }
0x16: {  	s28 =	sadd.s32 s13, s17;
	s16 =	smul.u32 $0x78, s16  }
0x17: {  	s30 =	sadd.s32 $0xFFFE7980, s28  }
0x18: {  	s0 =	ssub.s32 s0, s1;
	s1 =	ssub.s32 $0x18700, s28;
	s29 =	ssub.s32 s15, s16  }
0x19: {  	p0 =	sgt.s32 s30, $0x7F;
	s1 =	smul.u32 $0x1E0, s1;
	s13 =	sand.u32 $0xFFFF, s29  }
0x1a: {  	s31 =	sshrl.u32 s0, $0x3;
	s0 =	sand.u32 $0x7, s0;
	s13 =	smul.u32 $0x30E0, s13  }
0x1b: {  	s15 =	sadd.s32 s2, s31;
	s0 =	sshll.u32 s0, $0x12;
	s1 =	sshrl.u32 s1, $0x2  }
0x1c: {  	s0 =	sor.u32 $0x400, s0;
	s1 =	simm.s32 @p0 $0x0;
	s13 =	sadd.s32 s13, s15  }
0x1d: {  	[hbm4b:s13+s0] =	stream.strided.scatter [tilespmem:s14], [sflag:$0x2], s1, s8, s0, $0x20;
	[tilespmem:$0x10100] =	vst v63  }
.LBB1_7:
0x1e: {  	p0 =	slt.u32 s11, $0x2  }
0x1f: {  	p1 =	sgt.s32 @!p0 s12, $0x18680  }
0x20: {  	s0 =	smov.u32 s12;
	s1 =	sshra.s32 @!p0 s12, $0x1F;
	p1 =	por !p1, p0  }
0x21: {  	s1 =	sand.u32 @!p0 s1, s12;
	s0 =	simm.s32 @p1 $0x18680  }
0x22: {  	s0 =	ssub.s32 @!p0 s0, s1  }
0x23: {  	s1 =	ssub.s32 @!p0 $0x18700, s0  }
0x24: {  	s0 =	sadd.s32 @!p0 $0xFFFE7980, s0;
	s1 =	smul.u32 @!p0 $0x1E0, s1  }
0x25: {  	p1 =	sgt.s32 @!p0 s0, $0x7F  }
0x26: {  	s13 =	sadd.s32 $0x1000, s9;
	p1 =	por !p1, p0;
	s0 =	sshrl.u32 @!p0 s1, $0x2  }
0x27: {  	s0 =	simm.s32 @!p1 $0x0;
	p1 =	sgt.s32 s13, $0x1869F  }
0x28: {  	s13 =	smov.u32 @p1 s3;
	p1 =	sne.s32 s11, s7  }
.Ltmp1:
0x29: {  	_ = 	snop;
	(pc) =	sbr.rel @!p1 .LBB1_8-.Ltmp1, $4  }
0x2a: {  	s1 =	simm.s32 @!p0 $0x2  }
0x2b: {  	s12 =	smov.u32 s10;
	_ =	swait.ge @!p0 [sflag:s1], s0  }
0x2c: {  	s10 =	smov.u32 s9;
	s0 =	ssub.s32 @!p0 $0x0, s0;
	[sflag:s1] =	ssyncset.done @!p0 $0x0  }
0x2d: {  	s11 =	sadd.s32 $0x1, s11;
	s9 =	smov.u32 s13;
	[sflag:s1] =	ssyncadd.s32 @!p0 s0  }
.LBB1_1:
0x2e: {  	p0 =	sgt.u32 s11, s6  }
0x2f: {  	s13 =	sand.u32 @!p0 $0x1FFFFFF, s9  }
0x30: {  	p1 =	sgt.s32 @!p0 s9, $0x18620;
	s14 =	smulhi.u32 @!p0 $0x14F8B59, s13  }
0x31: {  	s15 =	smov.u32 s9;
	s16 =	sshra.s32 @!p0 s9, $0x1F;
	p1 =	por !p1, p0  }
0x32: {  	s16 =	sand.u32 @!p0 s16, s9;
	s15 =	simm.s32 @p1 $0x18620;
	s14 =	sshrl.u32 @!p0 s14, $0x9  }
0x33: {  	s15 =	ssub.s32 @!p0 s15, s16;
	s14 =	smul.u32 @!p0 $0x186A0, s14  }
0x34: {  	s16 =	sxor.u32 @!p0 $0xFFFFFFFF, s11;
	s15 =	sadd.s32 @!p0 $0xFFFE79E0, s15  }
0x35: {  	s16 =	sshll.u32 @!p0 s16, $0xE;
	s13 =	ssub.s32 @!p0 s13, s14;
	s14 =	sshll.u32 @!p0 s15, $0x9  }
0x36: {  	s16 =	sand.u32 @!p0 $0x4000, s16;
	p1 =	sgt.s32 @!p0 s15, $0x7F;
	s14 =	ssub.s32 @!p0 $0x10000, s14  }
0x37: {  	p1 =	por !p1, p0;
	s13 =	sshll.u32 @!p0 s13, $0x4;
	s14 =	sshrl.u32 @!p0 s14, $0x2  }
0x38: {  	s15 =	simm.s32 @!p0 $0x0;
	s13 =	sadd.s32 @!p0 s4, s13;
	s14 =	simm.s32 @!p1 $0x0  }
0x39: {  	[tilespmem:s16], [sflag:$0x1] =	stream.linear.gather @!p0 [hbm4b:s13+s15], s14, $0x38;
	[tilespmem:$0x10100] =	vst v63  }
0x3a: {  	p0 =	seq.s32 s11, $0x0  }
0x3b: {  	p1 =	sge.u32 @!p0 s11, s7  }
0x3c: {  	p0 =	por p0, p1  }
.Ltmp2:
0x3d: {  	_ = 	snop;
	(pc) =	sbr.rel @p0 .LBB1_7-.Ltmp2, $1  }
0x3e: {  	_ =	sdelay $0x3  }
0x3f: {  	s13 =	ssub.s32 $0x0, s10  }
0x40: {  	s14 =	sshra.s32 s10, $0x1F;
	p0 =	sgt.s32 s10, $0x18620;
	s15 =	smov.u32 s10  }
0x41: {  	s13 =	sand.u32 s13, s14;
	s15 =	simm.s32 @!p0 $0x18620  }
0x42: {  	s14 =	sadd.s32 s13, s15  }
0x43: {  	s17 =	sadd.s32 $0x80, s10;
	s14 =	sadd.s32 $0xFFFE79E0, s14  }
0x44: {  	p1 =	slt.s32 s17, $0x186A0;
	s31 =	sshll.u32 s14, $0x9  }
0x45: {  	s17 =	simm.s32 @!p1 $0x186A0;
	s15 =	ssub.s32 $0x10000, s31  }
0x46: {  	p0 =	sgt.s32 s14, $0x7F;
	s14 =	sshrl.u32 s15, $0x2;
	s15 =	ssub.s32 s17, s10  }
0x47: {  	s14 =	simm.s32 @p0 $0x0;
	p0 =	slt.s32 s15, $0x1  }
.Ltmp3:
0x48: {  	_ = 	snop;
	(pc) =	sbr.rel @p0 .LBB1_6-.Ltmp3, $4  }
0x49: {  	s16 =	sand.u32 $0x1, s11  }
0x4a: {  	s18 =	smul.u32 $0x4080, s16;
	_ =	swait.ge [sflag:s5], s14  }
0x4b: {  	s14 =	ssub.s32 $0x0, s14;
	[sflag:s5] =	ssyncset.done $0x0  }
0x4c: {  	[sflag:s5] =	ssyncadd.s32 s14;
	s14 =	sor.u32 $0x8000, s18  }
0x4d: {  	s17 =	simm.s32 $0x0;
	s18 =	sshll.u32 s16, $0xE;
	s16 =	simm.s32 $0x0  }
0x4e: {  	s21 =	simm.s32 $0x10;
	s22 =	simm.s32 $0x20;
	s19 =	sand.u32 $0x78, s17  }
0x4f: {  	s21 =	sand.u32 $0x78, s21;
	s20 =	sxor.u32 $0x40, s19;
	s19 =	smul.u32 $0x204, s19  }
0x50: {  	s24 =	simm.s32 $0x30;
	s22 =	sand.u32 $0x78, s22;
	s21 =	smul.u32 $0x204, s21  }
0x51: {  	s25 =	simm.s32 $0x50;
	v0 =	vmov s18;
	s24 =	sand.u32 $0x78, s24;
	s22 =	smul.u32 $0x204, s22  }
0x52: {  	s26 =	simm.s32 $0x60;
	s0 =	sand.u32 $0x78, s25;
	s24 =	smul.u32 $0x204, s24  }
0x53: {  	s27 =	simm.s32 $0x70;
	s1 =	sand.u32 $0x78, s26;
	s31 =	smul.u32 $0x204, s0  }
0x54: {  	p0 =	sne.s32 s15, $0x1;
	s26 =	sand.u32 $0x78, s27;
	s1 =	smul.u32 $0x204, s1  }
0x55: {  	s17 =	simm.s32 $0x1;
	s23 =	sand.u32 $0x3F80, s16;
	s26 =	smul.u32 $0x204, s26  }
0x56: {  	s18 =	sand.u32 $0x7F, s16;
	s20 =	smul.u32 $0x204, s20;
	s19 =	sshrl.u32 s19, $0x2;
	v3 =	vld.idx.msk [tilespmem:v0+s23+$0x40 ss:$0x1], $0xffff  }
0x57: {  	s21 =	sshrl.u32 s21, $0x2;
	s30 =	sshrl.u32 s22, $0x2;
	s0 =	sshrl.u32 s24, $0x2;
	v6 =	vld.idx.msk [tilespmem:v0+s23+$0x0 ss:$0x1], $0xffff  }
0x58: {  	s25 =	sshrl.u32 s31, $0x2;
	s20 =	sshrl.u32 s20, $0x2;
	s19 =	sadd.s32 s19, s14;
	v7 =	vld.idx.msk [tilespmem:v0+s23+$0x10 ss:$0x1], $0xffff  }
.Ltmp4:
0x59: {  	s27 =	sadd.s32 s21, s14;
	s20 =	sadd.s32 s20, s14;
	v5 =	vld.idx.msk [tilespmem:v0+s23+$0x20 ss:$0x1], $0xffff;
	(pc) =	sbr.rel @!p0 .LBB1_5-.Ltmp4, $4  }
0x5a: {  	s29 =	sadd.s32 s30, s14;
	s21 =	sadd.s32 s25, s14;
	v1 =	vld.idx.msk [tilespmem:v0+s23+$0x30 ss:$0x1], $0xffff;
	s28 =	sadd.s32 s18, s20  }
0x5b: {  	s30 =	sshrl.u32 s1, $0x2;
	s25 =	sshrl.u32 s26, $0x2;
	v2 =	vld.idx.msk [tilespmem:v0+s23+$0x50 ss:$0x1], $0xffff;
	s19 =	sadd.s32 s18, s19;
	[tilespmem:s28+$0x0 ss:$0x81] =	vst.msk $0xffff, v3  }
0x5c: {  	v4 =	vld.idx.msk [tilespmem:v0+s23+$0x60 ss:$0x1], $0xffff;
	s31 =	sadd.s32 s18, s27;
	s22 =	sadd.s32 s30, s14;
	s24 =	sadd.s32 s18, s29;
	[tilespmem:s19+$0x0 ss:$0x81] =	vst.msk $0xffff, v6  }
0x5d: {  	s20 =	sadd.s32 s0, s14;
	v3 =	vld.idx.msk [tilespmem:v0+s23+$0x70 ss:$0x1], $0xffff;
	[tilespmem:s31+$0x0 ss:$0x81] =	vst.msk $0xffff, v7;
	s23 =	sadd.s32 s25, s14;
	s19 =	simm.s32 $0x3808  }
.LBB1_4:
0x5e: {  	s25 =	sadd.s32 $0xFFFFC800, s19;
	s26 =	sadd.s32 $0xFFFFD000, s19  }
0x5f: {  	[tilespmem:s24+$0x0 ss:$0x81] =	vst.msk $0xffff, v5;
	s24 =	smov.u32 s17;
	s17 =	sadd.s32 $0x1, s17;
	s16 =	sadd.s32 $0x80, s16  }
0x60: {  	s28 =	sadd.s32 $0xFFFFD800, s19;
	s25 =	sshrl.u32 s25, $0x7;
	p0 =	sne.s32 s15, s17  }
0x61: {  	s29 =	sadd.s32 $0xFFFFE000, s19;
	s27 =	sand.u32 $0x3F80, s16;
	s25 =	sand.u32 $0x78, s25  }
0x62: {  	s31 =	sadd.s32 $0xFFFFF000, s19;
	s0 =	sadd.s32 $0xFFFFF800, s19;
	v6 =	vld.idx.msk [tilespmem:v0+s27+$0x40 ss:$0x1], $0xffff;
	s30 =	sxor.u32 $0x40, s25  }
0x63: {  	s1 =	sshrl.u32 s19, $0x7;
	s26 =	sshrl.u32 s26, $0x7;
	v7 =	vld.idx.msk [tilespmem:v0+s27+$0x0 ss:$0x1], $0xffff;
	s30 =	smul.u32 $0x204, s30  }
0x64: {  	s28 =	sshrl.u32 s28, $0x7;
	s29 =	sshrl.u32 s29, $0x7;
	s31 =	sshrl.u32 s31, $0x7;
	v8 =	vld.idx.msk [tilespmem:v0+s27+$0x10 ss:$0x1], $0xffff  }
0x65: {  	s0 =	sshrl.u32 s0, $0x7;
	s24 =	sand.u32 $0x7F, s24;
	v5 =	vld.idx.msk [tilespmem:v0+s27+$0x20 ss:$0x1], $0xffff;
	s30 =	sshrl.u32 s30, $0x2  }
0x66: {  	s1 =	sand.u32 $0x78, s1;
	s26 =	sand.u32 $0x78, s26;
	v9 =	vld.idx.msk [tilespmem:v0+s27+$0x30 ss:$0x1], $0xffff;
	s30 =	sadd.s32 s30, s14  }
0x67: {  	s28 =	sand.u32 $0x78, s28;
	s29 =	sand.u32 $0x78, s29;
	s30 =	sadd.s32 s24, s30;
	v10 =	vld.idx.msk [tilespmem:v0+s27+$0x50 ss:$0x1], $0xffff  }
0x68: {  	s0 =	sand.u32 $0x78, s0;
	s25 =	smul.u32 $0x204, s25;
	[tilespmem:s30+$0x0 ss:$0x81] =	vst.msk $0xffff, v6;
	s30 =	sand.u32 $0x78, s31;
	v6 =	vld.idx.msk [tilespmem:v0+s27+$0x60 ss:$0x1], $0xffff  }
0x69: {  	s20 =	sadd.s32 s18, s20;
	s21 =	sadd.s32 s18, s21;
	s26 =	smul.u32 $0x204, s26;
	v11 =	vld.idx.msk [tilespmem:v0+s27+$0x70 ss:$0x1], $0xffff  }
0x6a: {  	s0 =	smul.u32 $0x204, s0;
	[tilespmem:s20+$0x0 ss:$0x81] =	vst.msk $0xffff, v1;
	s20 =	sadd.s32 s18, s22;
	s22 =	sadd.s32 s18, s23  }
0x6b: {  	s23 =	sshrl.u32 s25, $0x2;
	s25 =	smul.u32 $0x204, s28;
	s18 =	smov.u32 s24;
	[tilespmem:s21+$0x0 ss:$0x81] =	vst.msk $0xffff, v2  }
0x6c: {  	s24 =	smul.u32 $0x204, s29;
	s21 =	sadd.s32 s23, s14;
	s23 =	sshrl.u32 s26, $0x2;
	v1 =	vmov v9;
	[tilespmem:s20+$0x0 ss:$0x81] =	vst.msk $0xffff, v4  }
0x6d: {  	s23 =	sadd.s32 s23, s14;
	s20 =	sshrl.u32 s25, $0x2;
	s25 =	smul.u32 $0x204, s30;
	v2 =	vmov v10;
	[tilespmem:s22+$0x0 ss:$0x81] =	vst.msk $0xffff, v3  }
.Ltmp5:
0x6e: {  	s26 =	sadd.s32 s20, s14;
	s20 =	sshrl.u32 s24, $0x2;
	(pc) =	sbr.rel @p0 .LBB1_4-.Ltmp5, $4  }
0x6f: {  	s1 =	smul.u32 $0x204, s1;
	v4 =	vmov v6;
	s20 =	sadd.s32 s20, s14;
	s22 =	sshrl.u32 s25, $0x2;
	v3 =	vmov v11  }
0x70: {  	s0 =	sshrl.u32 s0, $0x2;
	s24 =	sadd.s32 s18, s21;
	s21 =	sadd.s32 s22, s14  }
0x71: {  	s23 =	sadd.s32 s18, s23;
	s22 =	sadd.s32 s0, s14;
	s0 =	sshrl.u32 s1, $0x2;
	[tilespmem:s24+$0x0 ss:$0x81] =	vst.msk $0xffff, v7  }
0x72: {  	s19 =	sadd.s32 $0x8, s19;
	s24 =	sadd.s32 s18, s26;
	[tilespmem:s23+$0x0 ss:$0x81] =	vst.msk $0xffff, v8;
	s23 =	sadd.s32 s0, s14  }
.Ltmp6:
0x73: {  	_ = 	snop;
	(pc) =	sbr.rel .LBB1_5-.Ltmp6, $1  }
0x74: {  	_ =	sdelay $0x3  }
.LBB1_8:
0x75: {  	_ =	sfence.sel $0x180000  }
0x76: {  	s0 =	simm.s32 $0x1;
	[bflag:$0x0] =	sbarrier.arrive $0xFFFF  }
0x77: {  	s30 =	simm.s32 $0x2;
	[sflag:s0] =	ssyncpa.u1 $0x1  }
0x78: {  	[sflag:s30] =	ssyncpa.u1 $0x1  }
0x79: {  	_ =	strace $0x90000056  }
0x7a: {  	s31 =	stileid.u32;
	[bflag:$0x2] =	sbarrier.arrive $0xFFFF  }
0x7b: {  	p0 =	sne.s32 s31, $0x0;
	s0 =	rddreg [dreg:$0x2]  }
0x7c: {  	s0 =	sadd.s32 @!p0 $0x100000, s0  }
0x7d: {  	[sflag:s0] =	ssyncadd.tile.s32 @!p0 $0x1;
	_ =	shalt  }
.Lfunc_end1:
_tile_overlayer_lowered:
.L_overlay_start_2:
0x7e: {  	(tag) =	ssettag $0x2  }
0x7f: {  	s0 =	rddreg [dreg:$0x0];
	s2 =	stileid.u32  }
0x80: {  	s1 =	rddreg [dreg:$0x1];
	p0 =	sne.s32 s2, $0x0  }
0x81: {  	s3 =	rddreg [dreg:$0x2];
	[bflag:$0x3] =	sbarrier.arrive $0xFFFF;
	s2 =	simm.s32 @!p0 $0x1C01  }
0x82: {  	[timem:s3], [sflag:s2] =	dma.local @!p0 [hbm:s0], s1  }
0x83: {  	s0 =	simm.s32 @!p0 $0x1  }
0x84: {  	_ =	swait.ge @!p0 [sflag:s0], s1  }
0x85: {  	s1 =	ssub.s32 @!p0 $0x0, s1;
	[sflag:s0] =	ssyncset.done @!p0 $0x0  }
0x86: {  	[sflag:s0] =	ssyncadd.s32 @!p0 s1  }
0x87: {  	[bflag:$0x3] =	sbarrier.arrive $0xFFFF  }
0x88: {  	_ =	shalt  }

</sc_bundles>
